<compile_context>
chip_gen: v7x
topology: tpu7x:2x2x1
jax: 0.10.2.dev20260603
libtpu: 0.0.44.dev20260713+nightly
codegen_flags: <defaults>
</compile_context>

<pallas_src>
import functools

import jax
import jax.numpy as jnp
from jax import lax
from jax.experimental import pallas as pl
from jax.experimental.pallas import tpu as pltpu
from jax.experimental.pallas import tpu_sc as plsc

N = 10000
E = 160000
NPAD = 10240
EPAD = 163840
DIN = 256
DHID = 256
DOUT = 64
NC = 2
NS = 16
CHUNK = 128
RPT = NPAD // NS
BLK = 2048

_MESH = dict(core_axis_name="c", subcore_axis_name="s")


_DEG_CPT = EPAD // (NC * NS) // CHUNK


def _deg_body(dst_hbm, deg_out, didx, ones_v, zrow_v, acc, sem):
    c = lax.axis_index("c")
    s = lax.axis_index("s")

    def fill_ones(i, _):
        ones_v[pl.ds(i * 16, 16)] = jnp.full((16,), 1.0, jnp.float32)
        return 0

    lax.fori_loop(0, CHUNK // 16, fill_ones, 0)

    def fill_zero(i, _):
        zrow_v[pl.ds(i * 16, 16)] = jnp.zeros((16,), jnp.float32)
        return 0

    lax.fori_loop(0, RPT // 16, fill_zero, 0)
    pltpu.sync_copy(
        dst_hbm.at[pl.ds(c * (NC * _DEG_CPT * NS // 2) + s * _DEG_CPT, _DEG_CPT)],
        didx)
    pltpu.sync_copy(zrow_v, acc.at[pl.ds(s * RPT, RPT)])
    plsc.subcore_barrier()

    def issue(g, _):
        pltpu.async_copy(ones_v, acc.at[didx.at[g]], sem, add=True)
        return 0

    lax.fori_loop(0, _DEG_CPT, issue, 0)

    def drain(g, _):
        pltpu.make_async_copy(ones_v, acc.at[didx.at[0]], sem).wait()
        return 0

    lax.fori_loop(0, _DEG_CPT, drain, 0)
    plsc.subcore_barrier()
    pltpu.sync_copy(acc.at[pl.ds(s * RPT, RPT)],
                    deg_out.at[pl.ds(c * NPAD + s * RPT, RPT)])


_deg_kernel = pl.kernel(
    _deg_body,
    out_type=jax.ShapeDtypeStruct((NC * NPAD,), jnp.float32),
    mesh=plsc.VectorSubcoreMesh(**_MESH),
    scratch_types=[
        pltpu.MemorySpace.VMEM((_DEG_CPT, CHUNK), jnp.int32),
        pltpu.MemorySpace.VMEM((CHUNK,), jnp.float32),
        pltpu.MemorySpace.VMEM((RPT,), jnp.float32),
        pltpu.MemorySpace.VMEM_SHARED((NPAD,), jnp.float32),
        pltpu.SemaphoreType.DMA,
    ],
)


def _agg_body(src_cstride, dst_cstride, cpt, n_passes, nbuf,
              g_hbm, src_hbm, dst_hbm, z_hbm, out_hbm,
              sidx, didx, acc, *bufs):
    c = lax.axis_index("c")
    s = lax.axis_index("s")
    ppt = cpt // n_passes
    rows = bufs[:nbuf]
    sems = bufs[nbuf:]
    pltpu.sync_copy(z_hbm, acc.at[pl.ds(s * RPT, RPT)])
    plsc.subcore_barrier()

    for p in range(n_passes):
        sbase = c * src_cstride + s * cpt + p * ppt
        dbase = c * dst_cstride + s * cpt + p * ppt
        pltpu.sync_copy(src_hbm.at[pl.ds(sbase, ppt)], sidx)
        pltpu.sync_copy(dst_hbm.at[pl.ds(dbase, ppt)], didx)
        for b in range(nbuf):
            pltpu.async_copy(g_hbm.at[sidx.at[b]], rows[b], sems[b])

        def macro(m, _):
            for b in range(nbuf):
                ch = m * nbuf + b
                pltpu.make_async_copy(
                    g_hbm.at[sidx.at[ch]], rows[b], sems[b]).wait()
                pltpu.sync_copy(rows[b], acc.at[didx.at[ch]], add=True)
                pltpu.async_copy(g_hbm.at[sidx.at[ch + nbuf]], rows[b], sems[b])
            return 0

        lax.fori_loop(0, ppt // nbuf - 1, macro, 0)
        for b in range(nbuf):
            ch = ppt - nbuf + b
            pltpu.make_async_copy(g_hbm.at[sidx.at[ch]], rows[b], sems[b]).wait()
            pltpu.sync_copy(rows[b], acc.at[didx.at[ch]], add=True)

    plsc.subcore_barrier()
    pltpu.sync_copy(acc.at[pl.ds(s * RPT, RPT)],
                    out_hbm.at[pl.ds(c * NPAD + s * RPT, RPT)])


def _make_agg(width, src_cstride, dst_cstride, cpt, n_passes, nbuf):
    params = pltpu.CompilerParams(use_tc_tiling_on_sc=(width % 128 == 0))
    return pl.kernel(
        functools.partial(_agg_body, src_cstride, dst_cstride, cpt, n_passes,
                          nbuf),
        out_type=jax.ShapeDtypeStruct((NC * NPAD, width), jnp.float32),
        mesh=plsc.VectorSubcoreMesh(**_MESH),
        compiler_params=params,
        scratch_types=(
            [pltpu.MemorySpace.VMEM((cpt // n_passes, CHUNK), jnp.int32),
             pltpu.MemorySpace.VMEM((cpt // n_passes, CHUNK), jnp.int32),
             pltpu.MemorySpace.VMEM_SHARED((NPAD, width), jnp.float32)]
            + [pltpu.MemorySpace.VMEM((CHUNK, width), jnp.float32)
               for _ in range(nbuf)]
            + [pltpu.SemaphoreType.DMA for _ in range(nbuf)]
        ),
    )


_agg_l1 = _make_agg(128, src_cstride=EPAD // CHUNK, dst_cstride=0,
                    cpt=EPAD // NS // CHUNK, n_passes=2, nbuf=2)
_agg_l2 = _make_agg(DOUT, src_cstride=EPAD // NC // CHUNK,
                    dst_cstride=EPAD // NC // CHUNK,
                    cpt=EPAD // (NC * NS) // CHUNK, n_passes=1, nbuf=8)


def _dinv_block(deg_ref, i):
    d = deg_ref[0, pl.ds(i * BLK, BLK)] + deg_ref[1, pl.ds(i * BLK, BLK)] + 1.0
    return lax.rsqrt(d)


K2BLK = 2048


def _k2_body(x_ref, w_ref, deg_ref, out_ref):
    i = pl.program_id(0)
    d = (deg_ref[0, pl.ds(i * K2BLK, K2BLK)]
         + deg_ref[1, pl.ds(i * K2BLK, K2BLK)] + 1.0)
    dinv = lax.rsqrt(d)
    h = jnp.dot(x_ref[...], w_ref[...], preferred_element_type=jnp.float32)
    out_ref[...] = h * dinv[:, None]


def _k2_call(x, W1, deg):
    return pl.pallas_call(
        _k2_body,
        grid=(NPAD // K2BLK, 2),
        in_specs=[
            pl.BlockSpec((K2BLK, DIN), lambda i, j: (i, 0)),
            pl.BlockSpec((DIN, 128), lambda i, j: (0, j)),
            pl.BlockSpec((2, NPAD), lambda i, j: (0, 0)),
        ],
        out_specs=pl.BlockSpec((K2BLK, 128),
                               lambda i, j: (j * (NPAD // K2BLK) + i, 0)),
        out_shape=jax.ShapeDtypeStruct((NC * NPAD, 128), jnp.float32),
    )(x, W1, deg)


def _k4_body(alo, ahi, glo, ghi, mlo, mhi, deg_ref, b1_ref, w2_ref, out_ref):
    i = pl.program_id(0)
    dinv = _dinv_block(deg_ref, i)[:, None]
    zlo = jnp.where(mlo[0] != 0, 2.0 * jnp.maximum(
        dinv * (alo[0] + glo[0]) + b1_ref[0, pl.ds(0, 128)][None, :], 0.0), 0.0)
    zhi = jnp.where(mhi[0] != 0, 2.0 * jnp.maximum(
        dinv * (ahi[0] + ghi[0]) + b1_ref[0, pl.ds(128, 128)][None, :], 0.0), 0.0)
    h2 = (jnp.dot(zlo, w2_ref[pl.ds(0, 128), :], preferred_element_type=jnp.float32)
          + jnp.dot(zhi, w2_ref[pl.ds(128, 128), :], preferred_element_type=jnp.float32))
    out_ref[...] = h2 * dinv


def _k4_call(agg1, g1, mask3, deg, b1, W2):
    half = lambda h: pl.BlockSpec((1, BLK, 128), lambda i, h=h: (h, i, 0))
    return pl.pallas_call(
        _k4_body,
        grid=(NPAD // BLK,),
        in_specs=[
            half(0), half(1),
            half(0), half(1),
            half(0), half(1),
            pl.BlockSpec((2, NPAD), lambda i: (0, 0)),
            pl.BlockSpec((1, DHID), lambda i: (0, 0)),
            pl.BlockSpec((DHID, DOUT), lambda i: (0, 0)),
        ],
        out_specs=pl.BlockSpec((BLK, DOUT), lambda i: (i, 0)),
        out_shape=jax.ShapeDtypeStruct((NPAD, DOUT), jnp.float32),
    )(agg1, agg1, g1, g1, mask3, mask3, deg, b1, W2)


_K6_RPT = NPAD // (NC * NS)


def _k6sc_body(deg_hbm, p_hbm, g2_hbm, b2_hbm, out_hbm,
               d0, d1, dinv_v, p0, p1, g2v, b2v):
    c = lax.axis_index("c")
    s = lax.axis_index("s")
    w = s * NC + c
    r0 = w * _K6_RPT
    pltpu.sync_copy(deg_hbm.at[pl.ds(r0, _K6_RPT)], d0)
    pltpu.sync_copy(deg_hbm.at[pl.ds(NPAD + r0, _K6_RPT)], d1)
    pltpu.sync_copy(p_hbm.at[pl.ds(r0, _K6_RPT)], p0)
    pltpu.sync_copy(p_hbm.at[pl.ds(NPAD + r0, _K6_RPT)], p1)
    pltpu.sync_copy(g2_hbm.at[pl.ds(r0, _K6_RPT)], g2v)
    pltpu.sync_copy(b2_hbm, b2v)

    def mk_dinv(v, _):
        d = d0[pl.ds(v * 16, 16)] + d1[pl.ds(v * 16, 16)] + 1.0
        i = jax.lax.bitcast_convert_type(d, jnp.int32)
        i = jnp.int32(0x5F3759DF) - jax.lax.shift_right_logical(i, 1)
        y = jax.lax.bitcast_convert_type(i, jnp.float32)
        h = 0.5 * d
        for _ in range(3):
            y = y * (1.5 - h * y * y)
        dinv_v[pl.ds(v * 16, 16)] = y
        return 0

    lax.fori_loop(0, _K6_RPT // 16, mk_dinv, 0)

    b2vs = [b2v[pl.ds(k * 16, 16)] for k in range(DOUT // 16)]

    def row16(v, _):
        dv = dinv_v[pl.ds(v * 16, 16)]
        for j in range(16):
            r = v * 16 + j
            dr = dv[j]
            for k in range(DOUT // 16):
                sl = pl.ds(k * 16, 16)
                p0[r, sl] = (p0[r, sl] + p1[r, sl] + g2v[r, sl]) * dr + b2vs[k]
        return 0

    lax.fori_loop(0, _K6_RPT // 16, row16, 0)
    pltpu.sync_copy(p0, out_hbm.at[pl.ds(r0, _K6_RPT)])


_k6sc = pl.kernel(
    _k6sc_body,
    out_type=jax.ShapeDtypeStruct((NPAD, DOUT), jnp.float32),
    mesh=plsc.VectorSubcoreMesh(**_MESH),
    compiler_params=pltpu.CompilerParams(use_tc_tiling_on_sc=False),
    scratch_types=[
        pltpu.MemorySpace.VMEM((_K6_RPT,), jnp.float32),
        pltpu.MemorySpace.VMEM((_K6_RPT,), jnp.float32),
        pltpu.MemorySpace.VMEM((_K6_RPT,), jnp.float32),
        pltpu.MemorySpace.VMEM((_K6_RPT, DOUT), jnp.float32),
        pltpu.MemorySpace.VMEM((_K6_RPT, DOUT), jnp.float32),
        pltpu.MemorySpace.VMEM((_K6_RPT, DOUT), jnp.float32),
        pltpu.MemorySpace.VMEM((DOUT,), jnp.float32),
    ],
)


def kernel(x, edge_index, W1, b1, W2, b2):
    src = edge_index[0].astype(jnp.int32)
    dst = edge_index[1].astype(jnp.int32)
    pad_idx = (jnp.arange(EPAD - E, dtype=jnp.int32) % 192) + (NPAD - 192)
    srcp = jnp.concatenate([src, pad_idx])
    dstp = jnp.concatenate([dst, pad_idx])
    src2 = jnp.concatenate([srcp, srcp + NPAD])

    mask = jax.random.bernoulli(jax.random.key(42), 0.5, (N, DHID))
    mask_pad = jnp.pad(mask.astype(jnp.int8), ((0, NPAD - N), (0, 0)))
    mask3 = jnp.stack([mask_pad[:, :128], mask_pad[:, 128:]])
    z128 = jnp.zeros((RPT, 128), jnp.float32)
    z64 = jnp.zeros((RPT, DOUT), jnp.float32)

    dstp2 = dstp.reshape(-1, CHUNK)
    src22 = src2.reshape(-1, CHUNK)

    deg_flat = _deg_kernel(dstp2)
    deg = deg_flat.reshape(2, NPAD)
    g1 = _k2_call(x, W1, deg)
    agg1 = _agg_l1(g1, src22, dstp2, z128)
    g2 = _k4_call(agg1.reshape(2, NPAD, 128), g1.reshape(2, NPAD, 128),
                  mask3, deg, b1.reshape(1, DHID), W2)
    agg2 = _agg_l2(g2, src22, dstp2, z64)
    out = _k6sc(deg_flat, agg2, g2, b2)
    return out[:N]

# --- scband reference (transcript-rebuilt; emitter-appended) ---
"""Pipeline reference for scband-gcn-6347961663556 (READ-ONLY COPY).

The authoritative reference and input builder live on the scoring server;
editing this copy changes nothing except your own understanding.
"""

import jax, jax.numpy as jnp
import numpy as np

NUM_NODES = 10000
NUM_EDGES = 160000
D_IN = 256
D_HID = 256
D_OUT = 64
DROP_P = 0.5


def _glorot(key, shape):
    fan_in, fan_out = shape
    limit = (6.0 / (fan_in + fan_out)) ** 0.5
    return jax.random.uniform(key, shape, jnp.float32, -limit, limit)


def setup_inputs(seed: int = 0) -> dict:
    key = jax.random.key(seed)
    k_x, k_e, k_w1, k_w2 = jax.random.split(key, 4)
    x = jax.random.normal(k_x, (NUM_NODES, D_IN), dtype=jnp.float32)
    edge_index = jax.random.randint(k_e, (2, NUM_EDGES), 0, NUM_NODES, dtype=jnp.int64)
    W1 = _glorot(k_w1, (D_IN, D_HID))
    b1 = jnp.zeros((D_HID,), dtype=jnp.float32)
    W2 = _glorot(k_w2, (D_HID, D_OUT))
    b2 = jnp.zeros((D_OUT,), dtype=jnp.float32)
    return {"x": x, "edge_index": edge_index, "W1": W1, "b1": b1, "W2": W2, "b2": b2}


def _gcn_conv(x, edge_index, W, b):
    n = x.shape[0]
    loop = jnp.arange(n, dtype=edge_index.dtype)
    src = jnp.concatenate([edge_index[0], loop])
    dst = jnp.concatenate([edge_index[1], loop])
    deg = jnp.zeros((n,), dtype=jnp.float32).at[dst].add(1.0)
    dinv = jnp.where(deg > 0, deg ** -0.5, 0.0)
    norm = dinv[src] * dinv[dst]
    h = x @ W
    msg = h[src] * norm[:, None]
    out = jnp.zeros((n, W.shape[1]), dtype=jnp.float32).at[dst].add(msg)
    return out + b


def reference(x, edge_index, W1, b1, W2, b2):
    h = _gcn_conv(x, edge_index, W1, b1)
    h = jax.nn.relu(h)
    # training-mode dropout with a fixed, deterministic mask (p=0.5)
    mask = jax.random.bernoulli(jax.random.key(42), 1.0 - DROP_P, h.shape)
    h = jnp.where(mask, h / (1.0 - DROP_P), 0.0)
    out = _gcn_conv(h, edge_index, W2, b2)
    return out

if __name__ == "__main__":
    import jax
    _d = setup_inputs()
    print(jax.jit(kernel)(*tuple(_d.values())))

</pallas_src>

<mosaic_0001>
#map = affine_map<(d0, d1) -> (0, 0)>
#map1 = affine_map<(d0, d1) -> (0)>
module attributes {stable_mosaic.version = 14 : i64} {
  func.func @_deg_body(%arg0: i32, %arg1: i32, %arg2: memref<1280x128xi32, #tpu.memory_space<hbm>>, %arg3: memref<20480xf32, #tpu.memory_space<hbm>>, %arg4: memref<40x128xi32, #tpu.memory_space<vmem>>, %arg5: memref<128xf32, #tpu.memory_space<vmem>>, %arg6: memref<640xf32, #tpu.memory_space<vmem>>, %arg7: memref<10240xf32, #tpu.memory_space<vmem_shared>>, %arg8: memref<!tpu.dma_semaphore, #tpu.memory_space<semaphore_mem>>) attributes {dimension_semantics = [#tpu.dimension_semantics<core_parallel>, #tpu.dimension_semantics<subcore_parallel>], iteration_bounds = array<i64: 2, 16>, scalar_prefetch = 0 : i64, scratch_operands = 5 : i64, tpu.core_type = #tpu.core_type<sc_vector_subcore>, window_params = [{transform_indices = #map}, {transform_indices = #map1}]} {
    %scan3A = arith.constant 0 : i32
    %scan3A_0 = arith.constant 0 : i32
    %scan3A_1 = arith.constant 8 : i32
    %scan3A_2 = arith.addi %scan3A_0, %scan3A_1 : i32
    %scan3A_3 = arith.constant 1 : i32
    %scan3A_4 = scf.for %scan3A_40 = %scan3A_0 to %scan3A_2 step %scan3A_3 iter_args(%scan3A_41 = %scan3A) -> (i32)  : i32 {
      %broadcast_in_dim3A = arith.constant 1.000000e+00 : f32
      %broadcast_in_dim3A_42 = vector.broadcast %broadcast_in_dim3A : f32 to vector<16xf32>
      %mul3A_43 = arith.constant 16 : i32
      %mul3A_44 = arith.muli %scan3A_40, %mul3A_43 : i32
      %swap3A = arith.index_cast %mul3A_44 : i32 to index
      %swap3A_45 = tpu.vector_load %arg5[%swap3A] {strides = array<i32>} : memref<128xf32, #tpu.memory_space<vmem>>, vector<16xf32>,
      %swap3A_46 = vector.shape_cast %swap3A_45 : vector<16xf32> to vector<16xf32>
      %swap3A_47 = vector.shape_cast %broadcast_in_dim3A_42 : vector<16xf32> to vector<16xf32>
      tpu.vector_store %arg5[%swap3A], %swap3A_47 {strides = array<i32>} : memref<128xf32, #tpu.memory_space<vmem>>, vector<16xf32>,
      %scan3A_48 = arith.constant 0 : i32
      scf.yield %scan3A_48 : i32
    }
    %scan3A_5 = arith.constant 8 : i32
    %scan3A_6 = arith.constant 0 : i32
    %scan3A_7 = arith.constant 0 : i32
    %scan3A_8 = arith.constant 40 : i32
    %scan3A_9 = arith.addi %scan3A_7, %scan3A_8 : i32
    %scan3A_10 = arith.constant 1 : i32
    %scan3A_11 = scf.for %scan3A_40 = %scan3A_7 to %scan3A_9 step %scan3A_10 iter_args(%scan3A_41 = %scan3A_6) -> (i32)  : i32 {
      %broadcast_in_dim3A = arith.constant 0.000000e+00 : f32
      %broadcast_in_dim3A_42 = vector.broadcast %broadcast_in_dim3A : f32 to vector<16xf32>
      %mul3A_43 = arith.constant 16 : i32
      %mul3A_44 = arith.muli %scan3A_40, %mul3A_43 : i32
      %swap3A = arith.index_cast %mul3A_44 : i32 to index
      %swap3A_45 = tpu.vector_load %arg6[%swap3A] {strides = array<i32>} : memref<640xf32, #tpu.memory_space<vmem>>, vector<16xf32>,
      %swap3A_46 = vector.shape_cast %swap3A_45 : vector<16xf32> to vector<16xf32>
      %swap3A_47 = vector.shape_cast %broadcast_in_dim3A_42 : vector<16xf32> to vector<16xf32>
      tpu.vector_store %arg6[%swap3A], %swap3A_47 {strides = array<i32>} : memref<640xf32, #tpu.memory_space<vmem>>, vector<16xf32>,
      %scan3A_48 = arith.constant 0 : i32
      scf.yield %scan3A_48 : i32
    }
    %scan3A_12 = arith.constant 40 : i32
    %mul3A = arith.constant 640 : i32
    %mul3A_13 = arith.muli %arg0, %mul3A : i32
    %mul3A_14 = arith.constant 40 : i32
    %mul3A_15 = arith.muli %arg1, %mul3A_14 : i32
    %add3A = arith.addi %mul3A_13, %mul3A_15 : i32
    "tpu.region"() ({
      %run_scoped3A = tpu.sem_alloc : memref<!tpu.dma_semaphore, #tpu.memory_space<semaphore_mem>>
      %dma_start3A = arith.constant 0 : i32
      %dma_start3A_40 = tpu.memref_slice %arg2[%add3A, %dma_start3A] : memref<1280x128xi32, #tpu.memory_space<hbm>> -> memref<40x128xi32, #tpu.memory_space<hbm>>
      %dma_start3A_41 = arith.constant 0 : i32
      %dma_start3A_42 = tpu.memref_slice %arg2[%add3A, %dma_start3A_41] : memref<1280x128xi32, #tpu.memory_space<hbm>> -> memref<40x128xi32, #tpu.memory_space<hbm>>
      tpu.enqueue_dma source(%dma_start3A_42 : memref<40x128xi32, #tpu.memory_space<hbm>>) target(%arg4 : memref<40x128xi32, #tpu.memory_space<vmem>>) target_semaphore(%run_scoped3A : memref<!tpu.dma_semaphore, #tpu.memory_space<semaphore_mem>>)
      %dma_wait3A = arith.constant 0 : i32
      %dma_wait3A_43 = tpu.memref_slice %arg2[%add3A, %dma_wait3A] : memref<1280x128xi32, #tpu.memory_space<hbm>> -> memref<40x128xi32, #tpu.memory_space<hbm>>
      %dma_wait3A_44 = arith.constant 0 : i32
      %dma_wait3A_45 = tpu.memref_slice %arg2[%add3A, %dma_wait3A_44] : memref<1280x128xi32, #tpu.memory_space<hbm>> -> memref<40x128xi32, #tpu.memory_space<hbm>>
      tpu.wait_dma2 semaphore(%run_scoped3A : memref<!tpu.dma_semaphore, #tpu.memory_space<semaphore_mem>>) src(%dma_wait3A_45 : memref<40x128xi32, #tpu.memory_space<hbm>>) dst(%arg4 : memref<40x128xi32, #tpu.memory_space<vmem>>)
      tpu.yield
    }) : () -> ()
    %mul3A_16 = arith.constant 640 : i32
    %mul3A_17 = arith.muli %arg1, %mul3A_16 : i32
    "tpu.region"() ({
      %run_scoped3A = tpu.sem_alloc : memref<!tpu.dma_semaphore, #tpu.memory_space<semaphore_mem>>
      %dma_start3A = tpu.memref_slice %arg7[%mul3A_17] : memref<10240xf32, #tpu.memory_space<vmem_shared>> -> memref<640xf32, #tpu.memory_space<vmem_shared>>
      %dma_start3A_40 = tpu.memref_slice %arg7[%mul3A_17] : memref<10240xf32, #tpu.memory_space<vmem_shared>> -> memref<640xf32, #tpu.memory_space<vmem_shared>>
      tpu.enqueue_dma source(%arg6 : memref<640xf32, #tpu.memory_space<vmem>>) target(%dma_start3A_40 : memref<640xf32, #tpu.memory_space<vmem_shared>>) target_semaphore(%run_scoped3A : memref<!tpu.dma_semaphore, #tpu.memory_space<semaphore_mem>>)
      %dma_wait3A = tpu.memref_slice %arg7[%mul3A_17] : memref<10240xf32, #tpu.memory_space<vmem_shared>> -> memref<640xf32, #tpu.memory_space<vmem_shared>>
      %dma_wait3A_41 = tpu.memref_slice %arg7[%mul3A_17] : memref<10240xf32, #tpu.memory_space<vmem_shared>> -> memref<640xf32, #tpu.memory_space<vmem_shared>>
      tpu.wait_dma2 semaphore(%run_scoped3A : memref<!tpu.dma_semaphore, #tpu.memory_space<semaphore_mem>>) src(%arg6 : memref<640xf32, #tpu.memory_space<vmem>>) dst(%dma_wait3A_41 : memref<640xf32, #tpu.memory_space<vmem_shared>>)
      tpu.yield
    }) : () -> ()
    %barrier3A = arith.constant 0 : index
    tpu.barrier barrier_id(%barrier3A)
    %scan3A_18 = arith.constant 0 : i32
    %scan3A_19 = arith.constant 0 : i32
    %scan3A_20 = arith.constant 40 : i32
    %scan3A_21 = arith.addi %scan3A_19, %scan3A_20 : i32
    %scan3A_22 = arith.constant 1 : i32
    %scan3A_23 = scf.for %scan3A_40 = %scan3A_19 to %scan3A_21 step %scan3A_22 iter_args(%scan3A_41 = %scan3A_18) -> (i32)  : i32 {
      %dma_start3A = arith.constant 0 : i32
      %dma_start3A_42 = tpu.memref_slice %arg4[%scan3A_40, %dma_start3A] : memref<40x128xi32, #tpu.memory_space<vmem>> -> memref<1x128xi32, #tpu.memory_space<vmem>>
      %dma_start3A_43 = tpu.memref_squeeze %dma_start3A_42 : memref<1x128xi32, #tpu.memory_space<vmem>> -> memref<128xi32, #tpu.memory_space<vmem>>
      %dma_start3A_44 = arith.constant 0 : i32
      %dma_start3A_45 = tpu.memref_slice %arg7[%dma_start3A_44] : memref<10240xf32, #tpu.memory_space<vmem_shared>> -> memref<10240xf32, #tpu.memory_space<vmem_shared>>
      tpu.enqueue_indirect_dma source(%arg5 : memref<128xf32, #tpu.memory_space<vmem>>) target(%dma_start3A_45 : memref<10240xf32, #tpu.memory_space<vmem_shared>>) offsets(%dma_start3A_43 : memref<128xi32, #tpu.memory_space<vmem>>) semaphore(%arg8 : memref<!tpu.dma_semaphore, #tpu.memory_space<semaphore_mem>>) {add = true}
      %scan3A_46 = arith.constant 0 : i32
      scf.yield %scan3A_46 : i32
    }
    %scan3A_24 = arith.constant 40 : i32
    %scan3A_25 = arith.constant 0 : i32
    %scan3A_26 = arith.constant 0 : i32
    %scan3A_27 = arith.constant 40 : i32
    %scan3A_28 = arith.addi %scan3A_26, %scan3A_27 : i32
    %scan3A_29 = arith.constant 1 : i32
    %scan3A_30 = scf.for %scan3A_40 = %scan3A_26 to %scan3A_28 step %scan3A_29 iter_args(%scan3A_41 = %scan3A_25) -> (i32)  : i32 {
      %dma_wait3A = arith.constant 0 : i32
      %dma_wait3A_42 = arith.constant 0 : i32
      %dma_wait3A_43 = tpu.memref_slice %arg4[%dma_wait3A, %dma_wait3A_42] : memref<40x128xi32, #tpu.memory_space<vmem>> -> memref<1x128xi32, #tpu.memory_space<vmem>>
      %dma_wait3A_44 = tpu.memref_squeeze %dma_wait3A_43 : memref<1x128xi32, #tpu.memory_space<vmem>> -> memref<128xi32, #tpu.memory_space<vmem>>
      %dma_wait3A_45 = arith.constant 0 : i32
      %dma_wait3A_46 = tpu.memref_slice %arg7[%dma_wait3A_45] : memref<10240xf32, #tpu.memory_space<vmem_shared>> -> memref<10240xf32, #tpu.memory_space<vmem_shared>>
      tpu.wait_indirect_dma semaphore(%arg8 : memref<!tpu.dma_semaphore, #tpu.memory_space<semaphore_mem>>) src(%arg5 : memref<128xf32, #tpu.memory_space<vmem>>) dst(%dma_wait3A_46 : memref<10240xf32, #tpu.memory_space<vmem_shared>>)
      %scan3A_47 = arith.constant 0 : i32
      scf.yield %scan3A_47 : i32
    }
    %scan3A_31 = arith.constant 40 : i32
    %barrier3A_32 = arith.constant 0 : index
    tpu.barrier barrier_id(%barrier3A_32)
    %mul3A_33 = arith.constant 640 : i32
    %mul3A_34 = arith.muli %arg1, %mul3A_33 : i32
    %mul3A_35 = arith.constant 10240 : i32
    %mul3A_36 = arith.muli %arg0, %mul3A_35 : i32
    %mul3A_37 = arith.constant 640 : i32
    %mul3A_38 = arith.muli %arg1, %mul3A_37 : i32
    %add3A_39 = arith.addi %mul3A_36, %mul3A_38 : i32
    "tpu.region"() ({
      %run_scoped3A = tpu.sem_alloc : memref<!tpu.dma_semaphore, #tpu.memory_space<semaphore_mem>>
      %dma_start3A = tpu.memref_slice %arg3[%add3A_39] : memref<20480xf32, #tpu.memory_space<hbm>> -> memref<640xf32, #tpu.memory_space<hbm>>
      %dma_start3A_40 = tpu.memref_slice %arg7[%mul3A_34] : memref<10240xf32, #tpu.memory_space<vmem_shared>> -> memref<640xf32, #tpu.memory_space<vmem_shared>>
      tpu.enqueue_dma source(%dma_start3A_40 : memref<640xf32, #tpu.memory_space<vmem_shared>>) target(%dma_start3A : memref<640xf32, #tpu.memory_space<hbm>>) target_semaphore(%run_scoped3A : memref<!tpu.dma_semaphore, #tpu.memory_space<semaphore_mem>>)
      %dma_wait3A = tpu.memref_slice %arg3[%add3A_39] : memref<20480xf32, #tpu.memory_space<hbm>> -> memref<640xf32, #tpu.memory_space<hbm>>
      %dma_wait3A_41 = tpu.memref_slice %arg7[%mul3A_34] : memref<10240xf32, #tpu.memory_space<vmem_shared>> -> memref<640xf32, #tpu.memory_space<vmem_shared>>
      tpu.wait_dma2 semaphore(%run_scoped3A : memref<!tpu.dma_semaphore, #tpu.memory_space<semaphore_mem>>) src(%dma_wait3A_41 : memref<640xf32, #tpu.memory_space<vmem_shared>>) dst(%dma_wait3A : memref<640xf32, #tpu.memory_space<hbm>>)
      tpu.yield
    }) : () -> ()
    return
  }
}

#map = affine_map<(d0, d1) -> (0)>
#map1 = affine_map<(d0, d1) -> (0, 0)>
module attributes {stable_mosaic.version = 14 : i64} {
  func.func @_k6sc_body(%arg0: i32, %arg1: i32, %arg2: memref<20480xf32, #tpu.memory_space<hbm>>, %arg3: memref<20480x64xf32, #tpu.memory_space<hbm>>, %arg4: memref<10240x64xf32, #tpu.memory_space<hbm>>, %arg5: memref<64xf32, #tpu.memory_space<hbm>>, %arg6: memref<10240x64xf32, #tpu.memory_space<hbm>>, %arg7: memref<320xf32, #tpu.memory_space<vmem>>, %arg8: memref<320xf32, #tpu.memory_space<vmem>>, %arg9: memref<320xf32, #tpu.memory_space<vmem>>, %arg10: memref<320x64xf32, #tpu.memory_space<vmem>>, %arg11: memref<320x64xf32, #tpu.memory_space<vmem>>, %arg12: memref<320x64xf32, #tpu.memory_space<vmem>>, %arg13: memref<64xf32, #tpu.memory_space<vmem>>) attributes {dimension_semantics = [#tpu.dimension_semantics<core_parallel>, #tpu.dimension_semantics<subcore_parallel>], iteration_bounds = array<i64: 2, 16>, scalar_prefetch = 0 : i64, scratch_operands = 7 : i64, tpu.core_type = #tpu.core_type<sc_vector_subcore>, window_params = [{transform_indices = #map}, {transform_indices = #map1}, {transform_indices = #map1}, {transform_indices = #map}, {transform_indices = #map1}]} {
    %mul3A = arith.constant 2 : i32
    %mul3A_0 = arith.muli %arg1, %mul3A : i32
    %add3A = arith.addi %mul3A_0, %arg0 : i32
    %mul3A_1 = arith.constant 320 : i32
    %mul3A_2 = arith.muli %add3A, %mul3A_1 : i32
    "tpu.region"() ({
      %run_scoped3A = tpu.sem_alloc : memref<!tpu.dma_semaphore, #tpu.memory_space<semaphore_mem>>
      %dma_start3A = tpu.memref_slice %arg2[%mul3A_2] : memref<20480xf32, #tpu.memory_space<hbm>> -> memref<320xf32, #tpu.memory_space<hbm>>
      %dma_start3A_31 = tpu.memref_slice %arg2[%mul3A_2] : memref<20480xf32, #tpu.memory_space<hbm>> -> memref<320xf32, #tpu.memory_space<hbm>>
      tpu.enqueue_dma source(%dma_start3A_31 : memref<320xf32, #tpu.memory_space<hbm>>) target(%arg7 : memref<320xf32, #tpu.memory_space<vmem>>) target_semaphore(%run_scoped3A : memref<!tpu.dma_semaphore, #tpu.memory_space<semaphore_mem>>)
      %dma_wait3A = tpu.memref_slice %arg2[%mul3A_2] : memref<20480xf32, #tpu.memory_space<hbm>> -> memref<320xf32, #tpu.memory_space<hbm>>
      %dma_wait3A_32 = tpu.memref_slice %arg2[%mul3A_2] : memref<20480xf32, #tpu.memory_space<hbm>> -> memref<320xf32, #tpu.memory_space<hbm>>
      tpu.wait_dma2 semaphore(%run_scoped3A : memref<!tpu.dma_semaphore, #tpu.memory_space<semaphore_mem>>) src(%dma_wait3A_32 : memref<320xf32, #tpu.memory_space<hbm>>) dst(%arg7 : memref<320xf32, #tpu.memory_space<vmem>>)
      tpu.yield
    }) : () -> ()
    %add3A_3 = arith.constant 10240 : i32
    %add3A_4 = arith.addi %add3A_3, %mul3A_2 : i32
    "tpu.region"() ({
      %run_scoped3A = tpu.sem_alloc : memref<!tpu.dma_semaphore, #tpu.memory_space<semaphore_mem>>
      %dma_start3A = tpu.memref_slice %arg2[%add3A_4] : memref<20480xf32, #tpu.memory_space<hbm>> -> memref<320xf32, #tpu.memory_space<hbm>>
      %dma_start3A_31 = tpu.memref_slice %arg2[%add3A_4] : memref<20480xf32, #tpu.memory_space<hbm>> -> memref<320xf32, #tpu.memory_space<hbm>>
      tpu.enqueue_dma source(%dma_start3A_31 : memref<320xf32, #tpu.memory_space<hbm>>) target(%arg8 : memref<320xf32, #tpu.memory_space<vmem>>) target_semaphore(%run_scoped3A : memref<!tpu.dma_semaphore, #tpu.memory_space<semaphore_mem>>)
      %dma_wait3A = tpu.memref_slice %arg2[%add3A_4] : memref<20480xf32, #tpu.memory_space<hbm>> -> memref<320xf32, #tpu.memory_space<hbm>>
      %dma_wait3A_32 = tpu.memref_slice %arg2[%add3A_4] : memref<20480xf32, #tpu.memory_space<hbm>> -> memref<320xf32, #tpu.memory_space<hbm>>
      tpu.wait_dma2 semaphore(%run_scoped3A : memref<!tpu.dma_semaphore, #tpu.memory_space<semaphore_mem>>) src(%dma_wait3A_32 : memref<320xf32, #tpu.memory_space<hbm>>) dst(%arg8 : memref<320xf32, #tpu.memory_space<vmem>>)
      tpu.yield
    }) : () -> ()
    "tpu.region"() ({
      %run_scoped3A = tpu.sem_alloc : memref<!tpu.dma_semaphore, #tpu.memory_space<semaphore_mem>>
      %dma_start3A = arith.constant 0 : i32
      %dma_start3A_31 = tpu.memref_slice %arg3[%mul3A_2, %dma_start3A] : memref<20480x64xf32, #tpu.memory_space<hbm>> -> memref<320x64xf32, #tpu.memory_space<hbm>>
      %dma_start3A_32 = arith.constant 0 : i32
      %dma_start3A_33 = tpu.memref_slice %arg3[%mul3A_2, %dma_start3A_32] : memref<20480x64xf32, #tpu.memory_space<hbm>> -> memref<320x64xf32, #tpu.memory_space<hbm>>
      tpu.enqueue_dma source(%dma_start3A_33 : memref<320x64xf32, #tpu.memory_space<hbm>>) target(%arg10 : memref<320x64xf32, #tpu.memory_space<vmem>>) target_semaphore(%run_scoped3A : memref<!tpu.dma_semaphore, #tpu.memory_space<semaphore_mem>>)
      %dma_wait3A = arith.constant 0 : i32
      %dma_wait3A_34 = tpu.memref_slice %arg3[%mul3A_2, %dma_wait3A] : memref<20480x64xf32, #tpu.memory_space<hbm>> -> memref<320x64xf32, #tpu.memory_space<hbm>>
      %dma_wait3A_35 = arith.constant 0 : i32
      %dma_wait3A_36 = tpu.memref_slice %arg3[%mul3A_2, %dma_wait3A_35] : memref<20480x64xf32, #tpu.memory_space<hbm>> -> memref<320x64xf32, #tpu.memory_space<hbm>>
      tpu.wait_dma2 semaphore(%run_scoped3A : memref<!tpu.dma_semaphore, #tpu.memory_space<semaphore_mem>>) src(%dma_wait3A_36 : memref<320x64xf32, #tpu.memory_space<hbm>>) dst(%arg10 : memref<320x64xf32, #tpu.memory_space<vmem>>)
      tpu.yield
    }) : () -> ()
    %add3A_5 = arith.constant 10240 : i32
    %add3A_6 = arith.addi %add3A_5, %mul3A_2 : i32
    "tpu.region"() ({
      %run_scoped3A = tpu.sem_alloc : memref<!tpu.dma_semaphore, #tpu.memory_space<semaphore_mem>>
      %dma_start3A = arith.constant 0 : i32
      %dma_start3A_31 = tpu.memref_slice %arg3[%add3A_6, %dma_start3A] : memref<20480x64xf32, #tpu.memory_space<hbm>> -> memref<320x64xf32, #tpu.memory_space<hbm>>
      %dma_start3A_32 = arith.constant 0 : i32
      %dma_start3A_33 = tpu.memref_slice %arg3[%add3A_6, %dma_start3A_32] : memref<20480x64xf32, #tpu.memory_space<hbm>> -> memref<320x64xf32, #tpu.memory_space<hbm>>
      tpu.enqueue_dma source(%dma_start3A_33 : memref<320x64xf32, #tpu.memory_space<hbm>>) target(%arg11 : memref<320x64xf32, #tpu.memory_space<vmem>>) target_semaphore(%run_scoped3A : memref<!tpu.dma_semaphore, #tpu.memory_space<semaphore_mem>>)
      %dma_wait3A = arith.constant 0 : i32
      %dma_wait3A_34 = tpu.memref_slice %arg3[%add3A_6, %dma_wait3A] : memref<20480x64xf32, #tpu.memory_space<hbm>> -> memref<320x64xf32, #tpu.memory_space<hbm>>
      %dma_wait3A_35 = arith.constant 0 : i32
      %dma_wait3A_36 = tpu.memref_slice %arg3[%add3A_6, %dma_wait3A_35] : memref<20480x64xf32, #tpu.memory_space<hbm>> -> memref<320x64xf32, #tpu.memory_space<hbm>>
      tpu.wait_dma2 semaphore(%run_scoped3A : memref<!tpu.dma_semaphore, #tpu.memory_space<semaphore_mem>>) src(%dma_wait3A_36 : memref<320x64xf32, #tpu.memory_space<hbm>>) dst(%arg11 : memref<320x64xf32, #tpu.memory_space<vmem>>)
      tpu.yield
    }) : () -> ()
    "tpu.region"() ({
      %run_scoped3A = tpu.sem_alloc : memref<!tpu.dma_semaphore, #tpu.memory_space<semaphore_mem>>
      %dma_start3A = arith.constant 0 : i32
      %dma_start3A_31 = tpu.memref_slice %arg4[%mul3A_2, %dma_start3A] : memref<10240x64xf32, #tpu.memory_space<hbm>> -> memref<320x64xf32, #tpu.memory_space<hbm>>
      %dma_start3A_32 = arith.constant 0 : i32
      %dma_start3A_33 = tpu.memref_slice %arg4[%mul3A_2, %dma_start3A_32] : memref<10240x64xf32, #tpu.memory_space<hbm>> -> memref<320x64xf32, #tpu.memory_space<hbm>>
      tpu.enqueue_dma source(%dma_start3A_33 : memref<320x64xf32, #tpu.memory_space<hbm>>) target(%arg12 : memref<320x64xf32, #tpu.memory_space<vmem>>) target_semaphore(%run_scoped3A : memref<!tpu.dma_semaphore, #tpu.memory_space<semaphore_mem>>)
      %dma_wait3A = arith.constant 0 : i32
      %dma_wait3A_34 = tpu.memref_slice %arg4[%mul3A_2, %dma_wait3A] : memref<10240x64xf32, #tpu.memory_space<hbm>> -> memref<320x64xf32, #tpu.memory_space<hbm>>
      %dma_wait3A_35 = arith.constant 0 : i32
      %dma_wait3A_36 = tpu.memref_slice %arg4[%mul3A_2, %dma_wait3A_35] : memref<10240x64xf32, #tpu.memory_space<hbm>> -> memref<320x64xf32, #tpu.memory_space<hbm>>
      tpu.wait_dma2 semaphore(%run_scoped3A : memref<!tpu.dma_semaphore, #tpu.memory_space<semaphore_mem>>) src(%dma_wait3A_36 : memref<320x64xf32, #tpu.memory_space<hbm>>) dst(%arg12 : memref<320x64xf32, #tpu.memory_space<vmem>>)
      tpu.yield
    }) : () -> ()
    "tpu.region"() ({
      %run_scoped3A = tpu.sem_alloc : memref<!tpu.dma_semaphore, #tpu.memory_space<semaphore_mem>>
      tpu.enqueue_dma source(%arg5 : memref<64xf32, #tpu.memory_space<hbm>>) target(%arg13 : memref<64xf32, #tpu.memory_space<vmem>>) target_semaphore(%run_scoped3A : memref<!tpu.dma_semaphore, #tpu.memory_space<semaphore_mem>>)
      tpu.wait_dma2 semaphore(%run_scoped3A : memref<!tpu.dma_semaphore, #tpu.memory_space<semaphore_mem>>) src(%arg5 : memref<64xf32, #tpu.memory_space<hbm>>) dst(%arg13 : memref<64xf32, #tpu.memory_space<vmem>>)
      tpu.yield
    }) : () -> ()
    %scan3A = arith.constant 0 : i32
    %scan3A_7 = arith.constant 0 : i32
    %scan3A_8 = arith.constant 20 : i32
    %scan3A_9 = arith.addi %scan3A_7, %scan3A_8 : i32
    %scan3A_10 = arith.constant 1 : i32
    %scan3A_11 = scf.for %scan3A_31 = %scan3A_7 to %scan3A_9 step %scan3A_10 iter_args(%scan3A_32 = %scan3A) -> (i32)  : i32 {
      %mul3A_33 = arith.constant 16 : i32
      %mul3A_34 = arith.muli %scan3A_31, %mul3A_33 : i32
      %get3A_35 = arith.index_cast %mul3A_34 : i32 to index
      %get3A_36 = tpu.vector_load %arg7[%get3A_35] {strides = array<i32>} : memref<320xf32, #tpu.memory_space<vmem>>, vector<16xf32>,
      %get3A_37 = vector.shape_cast %get3A_36 : vector<16xf32> to vector<16xf32>
      %mul3A_38 = arith.constant 16 : i32
      %mul3A_39 = arith.muli %scan3A_31, %mul3A_38 : i32
      %get3A_40 = arith.index_cast %mul3A_39 : i32 to index
      %get3A_41 = tpu.vector_load %arg8[%get3A_40] {strides = array<i32>} : memref<320xf32, #tpu.memory_space<vmem>>, vector<16xf32>,
      %get3A_42 = vector.shape_cast %get3A_41 : vector<16xf32> to vector<16xf32>
      %add3A_43 = arith.addf %get3A_37, %get3A_42 : vector<16xf32>
      %add3A_44 = arith.constant 1.000000e+00 : f32
      %add3A_45 = vector.broadcast %add3A_44 : f32 to vector<16xf32>
      %add3A_46 = arith.addf %add3A_43, %add3A_45 : vector<16xf32>
      %bitcast_convert_type3A = tpu.bitcast %add3A_46 : vector<16xf32> -> vector<16xi32>
      %shift_right_logical3A = arith.constant 1 : i32
      %shift_right_logical3A_47 = vector.broadcast %shift_right_logical3A : i32 to vector<16xi32>
      %shift_right_logical3A_48 = arith.shrui %bitcast_convert_type3A, %shift_right_logical3A_47 : vector<16xi32>
      %sub3A = arith.constant 1597463007 : i32
      %sub3A_49 = vector.broadcast %sub3A : i32 to vector<16xi32>
      %sub3A_50 = arith.subi %sub3A_49, %shift_right_logical3A_48 : vector<16xi32>
      %bitcast_convert_type3A_51 = tpu.bitcast %sub3A_50 : vector<16xi32> -> vector<16xf32>
      %mul3A_52 = arith.constant 5.000000e-01 : f32
      %mul3A_53 = vector.broadcast %mul3A_52 : f32 to vector<16xf32>
      %mul3A_54 = arith.mulf %mul3A_53, %add3A_46 : vector<16xf32>
      %mul3A_55 = arith.mulf %mul3A_54, %bitcast_convert_type3A_51 : vector<16xf32>
      %mul3A_56 = arith.mulf %mul3A_55, %bitcast_convert_type3A_51 : vector<16xf32>
      %sub3A_57 = arith.constant 1.500000e+00 : f32
      %sub3A_58 = vector.broadcast %sub3A_57 : f32 to vector<16xf32>
      %sub3A_59 = arith.subf %sub3A_58, %mul3A_56 : vector<16xf32>
      %mul3A_60 = arith.mulf %bitcast_convert_type3A_51, %sub3A_59 : vector<16xf32>
      %mul3A_61 = arith.mulf %mul3A_54, %mul3A_60 : vector<16xf32>
      %mul3A_62 = arith.mulf %mul3A_61, %mul3A_60 : vector<16xf32>
      %sub3A_63 = arith.constant 1.500000e+00 : f32
      %sub3A_64 = vector.broadcast %sub3A_63 : f32 to vector<16xf32>
      %sub3A_65 = arith.subf %sub3A_64, %mul3A_62 : vector<16xf32>
      %mul3A_66 = arith.mulf %mul3A_60, %sub3A_65 : vector<16xf32>
      %mul3A_67 = arith.mulf %mul3A_54, %mul3A_66 : vector<16xf32>
      %mul3A_68 = arith.mulf %mul3A_67, %mul3A_66 : vector<16xf32>
      %sub3A_69 = arith.constant 1.500000e+00 : f32
      %sub3A_70 = vector.broadcast %sub3A_69 : f32 to vector<16xf32>
      %sub3A_71 = arith.subf %sub3A_70, %mul3A_68 : vector<16xf32>
      %mul3A_72 = arith.mulf %mul3A_66, %sub3A_71 : vector<16xf32>
      %mul3A_73 = arith.constant 16 : i32
      %mul3A_74 = arith.muli %scan3A_31, %mul3A_73 : i32
      %swap3A = arith.index_cast %mul3A_74 : i32 to index
      %swap3A_75 = tpu.vector_load %arg9[%swap3A] {strides = array<i32>} : memref<320xf32, #tpu.memory_space<vmem>>, vector<16xf32>,
      %swap3A_76 = vector.shape_cast %swap3A_75 : vector<16xf32> to vector<16xf32>
      %swap3A_77 = vector.shape_cast %mul3A_72 : vector<16xf32> to vector<16xf32>
      tpu.vector_store %arg9[%swap3A], %swap3A_77 {strides = array<i32>} : memref<320xf32, #tpu.memory_space<vmem>>, vector<16xf32>,
      %scan3A_78 = arith.constant 0 : i32
      scf.yield %scan3A_78 : i32
    }
    %scan3A_12 = arith.constant 20 : i32
    %get3A = arith.constant 0 : index
    %get3A_13 = tpu.vector_load %arg13[%get3A] {strides = array<i32>} : memref<64xf32, #tpu.memory_space<vmem>>, vector<16xf32>,
    %get3A_14 = vector.shape_cast %get3A_13 : vector<16xf32> to vector<16xf32>
    %get3A_15 = arith.constant 16 : index
    %get3A_16 = tpu.vector_load %arg13[%get3A_15] {strides = array<i32>} : memref<64xf32, #tpu.memory_space<vmem>>, vector<16xf32>,
    %get3A_17 = vector.shape_cast %get3A_16 : vector<16xf32> to vector<16xf32>
    %get3A_18 = arith.constant 32 : index
    %get3A_19 = tpu.vector_load %arg13[%get3A_18] {strides = array<i32>} : memref<64xf32, #tpu.memory_space<vmem>>, vector<16xf32>,
    %get3A_20 = vector.shape_cast %get3A_19 : vector<16xf32> to vector<16xf32>
    %get3A_21 = arith.constant 48 : index
    %get3A_22 = tpu.vector_load %arg13[%get3A_21] {strides = array<i32>} : memref<64xf32, #tpu.memory_space<vmem>>, vector<16xf32>,
    %get3A_23 = vector.shape_cast %get3A_22 : vector<16xf32> to vector<16xf32>
    %scan3A_24 = arith.constant 0 : i32
    %scan3A_25 = arith.constant 0 : i32
    %scan3A_26 = arith.constant 20 : i32
    %scan3A_27 = arith.addi %scan3A_25, %scan3A_26 : i32
    %scan3A_28 = arith.constant 1 : i32
    %scan3A_29 = scf.for %scan3A_31 = %scan3A_25 to %scan3A_27 step %scan3A_28 iter_args(%scan3A_32 = %scan3A_24) -> (i32)  : i32 {
      %mul3A_33 = arith.constant 16 : i32
      %mul3A_34 = arith.muli %scan3A_31, %mul3A_33 : i32
      %get3A_35 = arith.index_cast %mul3A_34 : i32 to index
      %get3A_36 = tpu.vector_load %arg9[%get3A_35] {strides = array<i32>} : memref<320xf32, #tpu.memory_space<vmem>>, vector<16xf32>,
      %get3A_37 = vector.shape_cast %get3A_36 : vector<16xf32> to vector<16xf32>
      %mul3A_38 = arith.constant 16 : i32
      %mul3A_39 = arith.muli %scan3A_31, %mul3A_38 : i32
      %add3A_40 = arith.constant 0 : i32
      %add3A_41 = arith.addi %mul3A_39, %add3A_40 : i32
      %slice3A = vector.extract_strided_slice %get3A_37 {offsets = [0], sizes = [1], strides = [1]} : vector<16xf32> to vector<1xf32>
      %squeeze3A = vector.extract %slice3A[0] : f32 from vector<1xf32>
      %get3A_42 = arith.index_cast %add3A_41 : i32 to index
      %get3A_43 = arith.constant 0 : index
      %get3A_44 = tpu.vector_load %arg10[%get3A_42, %get3A_43] {strides = array<i32>} : memref<320x64xf32, #tpu.memory_space<vmem>>, vector<1x16xf32>,
      %get3A_45 = vector.shape_cast %get3A_44 : vector<1x16xf32> to vector<16xf32>
      %get3A_46 = arith.index_cast %add3A_41 : i32 to index
      %get3A_47 = arith.constant 0 : index
      %get3A_48 = tpu.vector_load %arg11[%get3A_46, %get3A_47] {strides = array<i32>} : memref<320x64xf32, #tpu.memory_space<vmem>>, vector<1x16xf32>,
      %get3A_49 = vector.shape_cast %get3A_48 : vector<1x16xf32> to vector<16xf32>
      %add3A_50 = arith.addf %get3A_45, %get3A_49 : vector<16xf32>
      %get3A_51 = arith.index_cast %add3A_41 : i32 to index
      %get3A_52 = arith.constant 0 : index
      %get3A_53 = tpu.vector_load %arg12[%get3A_51, %get3A_52] {strides = array<i32>} : memref<320x64xf32, #tpu.memory_space<vmem>>, vector<1x16xf32>,
      %get3A_54 = vector.shape_cast %get3A_53 : vector<1x16xf32> to vector<16xf32>
      %add3A_55 = arith.addf %add3A_50, %get3A_54 : vector<16xf32>
      %mul3A_56 = vector.broadcast %squeeze3A : f32 to vector<16xf32>
      %mul3A_57 = arith.mulf %add3A_55, %mul3A_56 : vector<16xf32>
      %add3A_58 = arith.addf %mul3A_57, %get3A_14 : vector<16xf32>
      %swap3A = arith.index_cast %add3A_41 : i32 to index
      %swap3A_59 = arith.constant 0 : index
      %swap3A_60 = tpu.vector_load %arg10[%swap3A, %swap3A_59] {strides = array<i32>} : memref<320x64xf32, #tpu.memory_space<vmem>>, vector<1x16xf32>,
      %swap3A_61 = vector.shape_cast %swap3A_60 : vector<1x16xf32> to vector<16xf32>
      %swap3A_62 = vector.shape_cast %add3A_58 : vector<16xf32> to vector<1x16xf32>
      tpu.vector_store %arg10[%swap3A, %swap3A_59], %swap3A_62 {strides = array<i32>} : memref<320x64xf32, #tpu.memory_space<vmem>>, vector<1x16xf32>,
      %get3A_63 = arith.index_cast %add3A_41 : i32 to index
      %get3A_64 = arith.constant 16 : index
      %get3A_65 = tpu.vector_load %arg10[%get3A_63, %get3A_64] {strides = array<i32>} : memref<320x64xf32, #tpu.memory_space<vmem>>, vector<1x16xf32>,
      %get3A_66 = vector.shape_cast %get3A_65 : vector<1x16xf32> to vector<16xf32>
      %get3A_67 = arith.index_cast %add3A_41 : i32 to index
      %get3A_68 = arith.constant 16 : index
      %get3A_69 = tpu.vector_load %arg11[%get3A_67, %get3A_68] {strides = array<i32>} : memref<320x64xf32, #tpu.memory_space<vmem>>, vector<1x16xf32>,
      %get3A_70 = vector.shape_cast %get3A_69 : vector<1x16xf32> to vector<16xf32>
      %add3A_71 = arith.addf %get3A_66, %get3A_70 : vector<16xf32>
      %get3A_72 = arith.index_cast %add3A_41 : i32 to index
      %get3A_73 = arith.constant 16 : index
      %get3A_74 = tpu.vector_load %arg12[%get3A_72, %get3A_73] {strides = array<i32>} : memref<320x64xf32, #tpu.memory_space<vmem>>, vector<1x16xf32>,
      %get3A_75 = vector.shape_cast %get3A_74 : vector<1x16xf32> to vector<16xf32>
      %add3A_76 = arith.addf %add3A_71, %get3A_75 : vector<16xf32>
      %mul3A_77 = vector.broadcast %squeeze3A : f32 to vector<16xf32>
      %mul3A_78 = arith.mulf %add3A_76, %mul3A_77 : vector<16xf32>
      %add3A_79 = arith.addf %mul3A_78, %get3A_17 : vector<16xf32>
      %swap3A_80 = arith.index_cast %add3A_41 : i32 to index
      %swap3A_81 = arith.constant 16 : index
      %swap3A_82 = tpu.vector_load %arg10[%swap3A_80, %swap3A_81] {strides = array<i32>} : memref<320x64xf32, #tpu.memory_space<vmem>>, vector<1x16xf32>,
      %swap3A_83 = vector.shape_cast %swap3A_82 : vector<1x16xf32> to vector<16xf32>
      %swap3A_84 = vector.shape_cast %add3A_79 : vector<16xf32> to vector<1x16xf32>
      tpu.vector_store %arg10[%swap3A_80, %swap3A_81], %swap3A_84 {strides = array<i32>} : memref<320x64xf32, #tpu.memory_space<vmem>>, vector<1x16xf32>,
      %get3A_85 = arith.index_cast %add3A_41 : i32 to index
      %get3A_86 = arith.constant 32 : index
      %get3A_87 = tpu.vector_load %arg10[%get3A_85, %get3A_86] {strides = array<i32>} : memref<320x64xf32, #tpu.memory_space<vmem>>, vector<1x16xf32>,
      %get3A_88 = vector.shape_cast %get3A_87 : vector<1x16xf32> to vector<16xf32>
      %get3A_89 = arith.index_cast %add3A_41 : i32 to index
      %get3A_90 = arith.constant 32 : index
      %get3A_91 = tpu.vector_load %arg11[%get3A_89, %get3A_90] {strides = array<i32>} : memref<320x64xf32, #tpu.memory_space<vmem>>, vector<1x16xf32>,
      %get3A_92 = vector.shape_cast %get3A_91 : vector<1x16xf32> to vector<16xf32>
      %add3A_93 = arith.addf %get3A_88, %get3A_92 : vector<16xf32>
      %get3A_94 = arith.index_cast %add3A_41 : i32 to index
      %get3A_95 = arith.constant 32 : index
      %get3A_96 = tpu.vector_load %arg12[%get3A_94, %get3A_95] {strides = array<i32>} : memref<320x64xf32, #tpu.memory_space<vmem>>, vector<1x16xf32>,
      %get3A_97 = vector.shape_cast %get3A_96 : vector<1x16xf32> to vector<16xf32>
      %add3A_98 = arith.addf %add3A_93, %get3A_97 : vector<16xf32>
      %mul3A_99 = vector.broadcast %squeeze3A : f32 to vector<16xf32>
      %mul3A_100 = arith.mulf %add3A_98, %mul3A_99 : vector<16xf32>
      %add3A_101 = arith.addf %mul3A_100, %get3A_20 : vector<16xf32>
      %swap3A_102 = arith.index_cast %add3A_41 : i32 to index
      %swap3A_103 = arith.constant 32 : index
      %swap3A_104 = tpu.vector_load %arg10[%swap3A_102, %swap3A_103] {strides = array<i32>} : memref<320x64xf32, #tpu.memory_space<vmem>>, vector<1x16xf32>,
      %swap3A_105 = vector.shape_cast %swap3A_104 : vector<1x16xf32> to vector<16xf32>
      %swap3A_106 = vector.shape_cast %add3A_101 : vector<16xf32> to vector<1x16xf32>
      tpu.vector_store %arg10[%swap3A_102, %swap3A_103], %swap3A_106 {strides = array<i32>} : memref<320x64xf32, #tpu.memory_space<vmem>>, vector<1x16xf32>,
      %get3A_107 = arith.index_cast %add3A_41 : i32 to index
      %get3A_108 = arith.constant 48 : index
      %get3A_109 = tpu.vector_load %arg10[%get3A_107, %get3A_108] {strides = array<i32>} : memref<320x64xf32, #tpu.memory_space<vmem>>, vector<1x16xf32>,
      %get3A_110 = vector.shape_cast %get3A_109 : vector<1x16xf32> to vector<16xf32>
      %get3A_111 = arith.index_cast %add3A_41 : i32 to index
      %get3A_112 = arith.constant 48 : index
      %get3A_113 = tpu.vector_load %arg11[%get3A_111, %get3A_112] {strides = array<i32>} : memref<320x64xf32, #tpu.memory_space<vmem>>, vector<1x16xf32>,
      %get3A_114 = vector.shape_cast %get3A_113 : vector<1x16xf32> to vector<16xf32>
      %add3A_115 = arith.addf %get3A_110, %get3A_114 : vector<16xf32>
      %get3A_116 = arith.index_cast %add3A_41 : i32 to index
      %get3A_117 = arith.constant 48 : index
      %get3A_118 = tpu.vector_load %arg12[%get3A_116, %get3A_117] {strides = array<i32>} : memref<320x64xf32, #tpu.memory_space<vmem>>, vector<1x16xf32>,
      %get3A_119 = vector.shape_cast %get3A_118 : vector<1x16xf32> to vector<16xf32>
      %add3A_120 = arith.addf %add3A_115, %get3A_119 : vector<16xf32>
      %mul3A_121 = vector.broadcast %squeeze3A : f32 to vector<16xf32>
      %mul3A_122 = arith.mulf %add3A_120, %mul3A_121 : vector<16xf32>
      %add3A_123 = arith.addf %mul3A_122, %get3A_23 : vector<16xf32>
      %swap3A_124 = arith.index_cast %add3A_41 : i32 to index
      %swap3A_125 = arith.constant 48 : index
      %swap3A_126 = tpu.vector_load %arg10[%swap3A_124, %swap3A_125] {strides = array<i32>} : memref<320x64xf32, #tpu.memory_space<vmem>>, vector<1x16xf32>,
      %swap3A_127 = vector.shape_cast %swap3A_126 : vector<1x16xf32> to vector<16xf32>
      %swap3A_128 = vector.shape_cast %add3A_123 : vector<16xf32> to vector<1x16xf32>
      tpu.vector_store %arg10[%swap3A_124, %swap3A_125], %swap3A_128 {strides = array<i32>} : memref<320x64xf32, #tpu.memory_space<vmem>>, vector<1x16xf32>,
      %mul3A_129 = arith.constant 16 : i32
      %mul3A_130 = arith.muli %scan3A_31, %mul3A_129 : i32
      %add3A_131 = arith.constant 1 : i32
      %add3A_132 = arith.addi %mul3A_130, %add3A_131 : i32
      %slice3A_133 = vector.extract_strided_slice %get3A_37 {offsets = [1], sizes = [1], strides = [1]} : vector<16xf32> to vector<1xf32>
      %squeeze3A_134 = vector.extract %slice3A_133[0] : f32 from vector<1xf32>
      %get3A_135 = arith.index_cast %add3A_132 : i32 to index
      %get3A_136 = arith.constant 0 : index
      %get3A_137 = tpu.vector_load %arg10[%get3A_135, %get3A_136] {strides = array<i32>} : memref<320x64xf32, #tpu.memory_space<vmem>>, vector<1x16xf32>,
      %get3A_138 = vector.shape_cast %get3A_137 : vector<1x16xf32> to vector<16xf32>
      %get3A_139 = arith.index_cast %add3A_132 : i32 to index
      %get3A_140 = arith.constant 0 : index
      %get3A_141 = tpu.vector_load %arg11[%get3A_139, %get3A_140] {strides = array<i32>} : memref<320x64xf32, #tpu.memory_space<vmem>>, vector<1x16xf32>,
      %get3A_142 = vector.shape_cast %get3A_141 : vector<1x16xf32> to vector<16xf32>
      %add3A_143 = arith.addf %get3A_138, %get3A_142 : vector<16xf32>
      %get3A_144 = arith.index_cast %add3A_132 : i32 to index
      %get3A_145 = arith.constant 0 : index
      %get3A_146 = tpu.vector_load %arg12[%get3A_144, %get3A_145] {strides = array<i32>} : memref<320x64xf32, #tpu.memory_space<vmem>>, vector<1x16xf32>,
      %get3A_147 = vector.shape_cast %get3A_146 : vector<1x16xf32> to vector<16xf32>
      %add3A_148 = arith.addf %add3A_143, %get3A_147 : vector<16xf32>
      %mul3A_149 = vector.broadcast %squeeze3A_134 : f32 to vector<16xf32>
      %mul3A_150 = arith.mulf %add3A_148, %mul3A_149 : vector<16xf32>
      %add3A_151 = arith.addf %mul3A_150, %get3A_14 : vector<16xf32>
      %swap3A_152 = arith.index_cast %add3A_132 : i32 to index
      %swap3A_153 = arith.constant 0 : index
      %swap3A_154 = tpu.vector_load %arg10[%swap3A_152, %swap3A_153] {strides = array<i32>} : memref<320x64xf32, #tpu.memory_space<vmem>>, vector<1x16xf32>,
      %swap3A_155 = vector.shape_cast %swap3A_154 : vector<1x16xf32> to vector<16xf32>
      %swap3A_156 = vector.shape_cast %add3A_151 : vector<16xf32> to vector<1x16xf32>
      tpu.vector_store %arg10[%swap3A_152, %swap3A_153], %swap3A_156 {strides = array<i32>} : memref<320x64xf32, #tpu.memory_space<vmem>>, vector<1x16xf32>,
      %get3A_157 = arith.index_cast %add3A_132 : i32 to index
      %get3A_158 = arith.constant 16 : index
      %get3A_159 = tpu.vector_load %arg10[%get3A_157, %get3A_158] {strides = array<i32>} : memref<320x64xf32, #tpu.memory_space<vmem>>, vector<1x16xf32>,
      %get3A_160 = vector.shape_cast %get3A_159 : vector<1x16xf32> to vector<16xf32>
      %get3A_161 = arith.index_cast %add3A_132 : i32 to index
      %get3A_162 = arith.constant 16 : index
      %get3A_163 = tpu.vector_load %arg11[%get3A_161, %get3A_162] {strides = array<i32>} : memref<320x64xf32, #tpu.memory_space<vmem>>, vector<1x16xf32>,
      %get3A_164 = vector.shape_cast %get3A_163 : vector<1x16xf32> to vector<16xf32>
      %add3A_165 = arith.addf %get3A_160, %get3A_164 : vector<16xf32>
      %get3A_166 = arith.index_cast %add3A_132 : i32 to index
      %get3A_167 = arith.constant 16 : index
      %get3A_168 = tpu.vector_load %arg12[%get3A_166, %get3A_167] {strides = array<i32>} : memref<320x64xf32, #tpu.memory_space<vmem>>, vector<1x16xf32>,
      %get3A_169 = vector.shape_cast %get3A_168 : vector<1x16xf32> to vector<16xf32>
      %add3A_170 = arith.addf %add3A_165, %get3A_169 : vector<16xf32>
      %mul3A_171 = vector.broadcast %squeeze3A_134 : f32 to vector<16xf32>
      %mul3A_172 = arith.mulf %add3A_170, %mul3A_171 : vector<16xf32>
      %add3A_173 = arith.addf %mul3A_172, %get3A_17 : vector<16xf32>
      %swap3A_174 = arith.index_cast %add3A_132 : i32 to index
      %swap3A_175 = arith.constant 16 : index
      %swap3A_176 = tpu.vector_load %arg10[%swap3A_174, %swap3A_175] {strides = array<i32>} : memref<320x64xf32, #tpu.memory_space<vmem>>, vector<1x16xf32>,
      %swap3A_177 = vector.shape_cast %swap3A_176 : vector<1x16xf32> to vector<16xf32>
      %swap3A_178 = vector.shape_cast %add3A_173 : vector<16xf32> to vector<1x16xf32>
      tpu.vector_store %arg10[%swap3A_174, %swap3A_175], %swap3A_178 {strides = array<i32>} : memref<320x64xf32, #tpu.memory_space<vmem>>, vector<1x16xf32>,
      %get3A_179 = arith.index_cast %add3A_132 : i32 to index
      %get3A_180 = arith.constant 32 : index
      %get3A_181 = tpu.vector_load %arg10[%get3A_179, %get3A_180] {strides = array<i32>} : memref<320x64xf32, #tpu.memory_space<vmem>>, vector<1x16xf32>,
      %get3A_182 = vector.shape_cast %get3A_181 : vector<1x16xf32> to vector<16xf32>
      %get3A_183 = arith.index_cast %add3A_132 : i32 to index
      %get3A_184 = arith.constant 32 : index
      %get3A_185 = tpu.vector_load %arg11[%get3A_183, %get3A_184] {strides = array<i32>} : memref<320x64xf32, #tpu.memory_space<vmem>>, vector<1x16xf32>,
      %get3A_186 = vector.shape_cast %get3A_185 : vector<1x16xf32> to vector<16xf32>
      %add3A_187 = arith.addf %get3A_182, %get3A_186 : vector<16xf32>
      %get3A_188 = arith.index_cast %add3A_132 : i32 to index
      %get3A_189 = arith.constant 32 : index
      %get3A_190 = tpu.vector_load %arg12[%get3A_188, %get3A_189] {strides = array<i32>} : memref<320x64xf32, #tpu.memory_space<vmem>>, vector<1x16xf32>,
      %get3A_191 = vector.shape_cast %get3A_190 : vector<1x16xf32> to vector<16xf32>
      %add3A_192 = arith.addf %add3A_187, %get3A_191 : vector<16xf32>
      %mul3A_193 = vector.broadcast %squeeze3A_134 : f32 to vector<16xf32>
      %mul3A_194 = arith.mulf %add3A_192, %mul3A_193 : vector<16xf32>
      %add3A_195 = arith.addf %mul3A_194, %get3A_20 : vector<16xf32>
      %swap3A_196 = arith.index_cast %add3A_132 : i32 to index
      %swap3A_197 = arith.constant 32 : index
      %swap3A_198 = tpu.vector_load %arg10[%swap3A_196, %swap3A_197] {strides = array<i32>} : memref<320x64xf32, #tpu.memory_space<vmem>>, vector<1x16xf32>,
      %swap3A_199 = vector.shape_cast %swap3A_198 : vector<1x16xf32> to vector<16xf32>
      %swap3A_200 = vector.shape_cast %add3A_195 : vector<16xf32> to vector<1x16xf32>
      tpu.vector_store %arg10[%swap3A_196, %swap3A_197], %swap3A_200 {strides = array<i32>} : memref<320x64xf32, #tpu.memory_space<vmem>>, vector<1x16xf32>,
      %get3A_201 = arith.index_cast %add3A_132 : i32 to index
      %get3A_202 = arith.constant 48 : index
      %get3A_203 = tpu.vector_load %arg10[%get3A_201, %get3A_202] {strides = array<i32>} : memref<320x64xf32, #tpu.memory_space<vmem>>, vector<1x16xf32>,
      %get3A_204 = vector.shape_cast %get3A_203 : vector<1x16xf32> to vector<16xf32>
      %get3A_205 = arith.index_cast %add3A_132 : i32 to index
      %get3A_206 = arith.constant 48 : index
      %get3A_207 = tpu.vector_load %arg11[%get3A_205, %get3A_206] {strides = array<i32>} : memref<320x64xf32, #tpu.memory_space<vmem>>, vector<1x16xf32>,
      %get3A_208 = vector.shape_cast %get3A_207 : vector<1x16xf32> to vector<16xf32>
      %add3A_209 = arith.addf %get3A_204, %get3A_208 : vector<16xf32>
      %get3A_210 = arith.index_cast %add3A_132 : i32 to index
      %get3A_211 = arith.constant 48 : index
      %get3A_212 = tpu.vector_load %arg12[%get3A_210, %get3A_211] {strides = array<i32>} : memref<320x64xf32, #tpu.memory_space<vmem>>, vector<1x16xf32>,
      %get3A_213 = vector.shape_cast %get3A_212 : vector<1x16xf32> to vector<16xf32>
      %add3A_214 = arith.addf %add3A_209, %get3A_213 : vector<16xf32>
      %mul3A_215 = vector.broadcast %squeeze3A_134 : f32 to vector<16xf32>
      %mul3A_216 = arith.mulf %add3A_214, %mul3A_215 : vector<16xf32>
      %add3A_217 = arith.addf %mul3A_216, %get3A_23 : vector<16xf32>
      %swap3A_218 = arith.index_cast %add3A_132 : i32 to index
      %swap3A_219 = arith.constant 48 : index
      %swap3A_220 = tpu.vector_load %arg10[%swap3A_218, %swap3A_219] {strides = array<i32>} : memref<320x64xf32, #tpu.memory_space<vmem>>, vector<1x16xf32>,
      %swap3A_221 = vector.shape_cast %swap3A_220 : vector<1x16xf32> to vector<16xf32>
      %swap3A_222 = vector.shape_cast %add3A_217 : vector<16xf32> to vector<1x16xf32>
      tpu.vector_store %arg10[%swap3A_218, %swap3A_219], %swap3A_222 {strides = array<i32>} : memref<320x64xf32, #tpu.memory_space<vmem>>, vector<1x16xf32>,
      %mul3A_223 = arith.constant 16 : i32
      %mul3A_224 = arith.muli %scan3A_31, %mul3A_223 : i32
      %add3A_225 = arith.constant 2 : i32
      %add3A_226 = arith.addi %mul3A_224, %add3A_225 : i32
      %slice3A_227 = vector.extract_strided_slice %get3A_37 {offsets = [2], sizes = [1], strides = [1]} : vector<16xf32> to vector<1xf32>
      %squeeze3A_228 = vector.extract %slice3A_227[0] : f32 from vector<1xf32>
      %get3A_229 = arith.index_cast %add3A_226 : i32 to index
      %get3A_230 = arith.constant 0 : index
      %get3A_231 = tpu.vector_load %arg10[%get3A_229, %get3A_230] {strides = array<i32>} : memref<320x64xf32, #tpu.memory_space<vmem>>, vector<1x16xf32>,
      %get3A_232 = vector.shape_cast %get3A_231 : vector<1x16xf32> to vector<16xf32>
      %get3A_233 = arith.index_cast %add3A_226 : i32 to index
      %get3A_234 = arith.constant 0 : index
      %get3A_235 = tpu.vector_load %arg11[%get3A_233, %get3A_234] {strides = array<i32>} : memref<320x64xf32, #tpu.memory_space<vmem>>, vector<1x16xf32>,
      %get3A_236 = vector.shape_cast %get3A_235 : vector<1x16xf32> to vector<16xf32>
      %add3A_237 = arith.addf %get3A_232, %get3A_236 : vector<16xf32>
      %get3A_238 = arith.index_cast %add3A_226 : i32 to index
      %get3A_239 = arith.constant 0 : index
      %get3A_240 = tpu.vector_load %arg12[%get3A_238, %get3A_239] {strides = array<i32>} : memref<320x64xf32, #tpu.memory_space<vmem>>, vector<1x16xf32>,
      %get3A_241 = vector.shape_cast %get3A_240 : vector<1x16xf32> to vector<16xf32>
      %add3A_242 = arith.addf %add3A_237, %get3A_241 : vector<16xf32>
      %mul3A_243 = vector.broadcast %squeeze3A_228 : f32 to vector<16xf32>
      %mul3A_244 = arith.mulf %add3A_242, %mul3A_243 : vector<16xf32>
      %add3A_245 = arith.addf %mul3A_244, %get3A_14 : vector<16xf32>
      %swap3A_246 = arith.index_cast %add3A_226 : i32 to index
      %swap3A_247 = arith.constant 0 : index
      %swap3A_248 = tpu.vector_load %arg10[%swap3A_246, %swap3A_247] {strides = array<i32>} : memref<320x64xf32, #tpu.memory_space<vmem>>, vector<1x16xf32>,
      %swap3A_249 = vector.shape_cast %swap3A_248 : vector<1x16xf32> to vector<16xf32>
      %swap3A_250 = vector.shape_cast %add3A_245 : vector<16xf32> to vector<1x16xf32>
      tpu.vector_store %arg10[%swap3A_246, %swap3A_247], %swap3A_250 {strides = array<i32>} : memref<320x64xf32, #tpu.memory_space<vmem>>, vector<1x16xf32>,
      %get3A_251 = arith.index_cast %add3A_226 : i32 to index
      %get3A_252 = arith.constant 16 : index
      %get3A_253 = tpu.vector_load %arg10[%get3A_251, %get3A_252] {strides = array<i32>} : memref<320x64xf32, #tpu.memory_space<vmem>>, vector<1x16xf32>,
      %get3A_254 = vector.shape_cast %get3A_253 : vector<1x16xf32> to vector<16xf32>
      %get3A_255 = arith.index_cast %add3A_226 : i32 to index
      %get3A_256 = arith.constant 16 : index
      %get3A_257 = tpu.vector_load %arg11[%get3A_255, %get3A_256] {strides = array<i32>} : memref<320x64xf32, #tpu.memory_space<vmem>>, vector<1x16xf32>,
      %get3A_258 = vector.shape_cast %get3A_257 : vector<1x16xf32> to vector<16xf32>
      %add3A_259 = arith.addf %get3A_254, %get3A_258 : vector<16xf32>
      %get3A_260 = arith.index_cast %add3A_226 : i32 to index
      %get3A_261 = arith.constant 16 : index
      %get3A_262 = tpu.vector_load %arg12[%get3A_260, %get3A_261] {strides = array<i32>} : memref<320x64xf32, #tpu.memory_space<vmem>>, vector<1x16xf32>,
      %get3A_263 = vector.shape_cast %get3A_262 : vector<1x16xf32> to vector<16xf32>
      %add3A_264 = arith.addf %add3A_259, %get3A_263 : vector<16xf32>
      %mul3A_265 = vector.broadcast %squeeze3A_228 : f32 to vector<16xf32>
      %mul3A_266 = arith.mulf %add3A_264, %mul3A_265 : vector<16xf32>
      %add3A_267 = arith.addf %mul3A_266, %get3A_17 : vector<16xf32>
      %swap3A_268 = arith.index_cast %add3A_226 : i32 to index
      %swap3A_269 = arith.constant 16 : index
      %swap3A_270 = tpu.vector_load %arg10[%swap3A_268, %swap3A_269] {strides = array<i32>} : memref<320x64xf32, #tpu.memory_space<vmem>>, vector<1x16xf32>,
      %swap3A_271 = vector.shape_cast %swap3A_270 : vector<1x16xf32> to vector<16xf32>
      %swap3A_272 = vector.shape_cast %add3A_267 : vector<16xf32> to vector<1x16xf32>
      tpu.vector_store %arg10[%swap3A_268, %swap3A_269], %swap3A_272 {strides = array<i32>} : memref<320x64xf32, #tpu.memory_space<vmem>>, vector<1x16xf32>,
      %get3A_273 = arith.index_cast %add3A_226 : i32 to index
      %get3A_274 = arith.constant 32 : index
      %get3A_275 = tpu.vector_load %arg10[%get3A_273, %get3A_274] {strides = array<i32>} : memref<320x64xf32, #tpu.memory_space<vmem>>, vector<1x16xf32>,
      %get3A_276 = vector.shape_cast %get3A_275 : vector<1x16xf32> to vector<16xf32>
      %get3A_277 = arith.index_cast %add3A_226 : i32 to index
      %get3A_278 = arith.constant 32 : index
      %get3A_279 = tpu.vector_load %arg11[%get3A_277, %get3A_278] {strides = array<i32>} : memref<320x64xf32, #tpu.memory_space<vmem>>, vector<1x16xf32>,
      %get3A_280 = vector.shape_cast %get3A_279 : vector<1x16xf32> to vector<16xf32>
      %add3A_281 = arith.addf %get3A_276, %get3A_280 : vector<16xf32>
      %get3A_282 = arith.index_cast %add3A_226 : i32 to index
      %get3A_283 = arith.constant 32 : index
      %get3A_284 = tpu.vector_load %arg12[%get3A_282, %get3A_283] {strides = array<i32>} : memref<320x64xf32, #tpu.memory_space<vmem>>, vector<1x16xf32>,
      %get3A_285 = vector.shape_cast %get3A_284 : vector<1x16xf32> to vector<16xf32>
      %add3A_286 = arith.addf %add3A_281, %get3A_285 : vector<16xf32>
      %mul3A_287 = vector.broadcast %squeeze3A_228 : f32 to vector<16xf32>
      %mul3A_288 = arith.mulf %add3A_286, %mul3A_287 : vector<16xf32>
      %add3A_289 = arith.addf %mul3A_288, %get3A_20 : vector<16xf32>
      %swap3A_290 = arith.index_cast %add3A_226 : i32 to index
      %swap3A_291 = arith.constant 32 : index
      %swap3A_292 = tpu.vector_load %arg10[%swap3A_290, %swap3A_291] {strides = array<i32>} : memref<320x64xf32, #tpu.memory_space<vmem>>, vector<1x16xf32>,
      %swap3A_293 = vector.shape_cast %swap3A_292 : vector<1x16xf32> to vector<16xf32>
      %swap3A_294 = vector.shape_cast %add3A_289 : vector<16xf32> to vector<1x16xf32>
      tpu.vector_store %arg10[%swap3A_290, %swap3A_291], %swap3A_294 {strides = array<i32>} : memref<320x64xf32, #tpu.memory_space<vmem>>, vector<1x16xf32>,
      %get3A_295 = arith.index_cast %add3A_226 : i32 to index
      %get3A_296 = arith.constant 48 : index
      %get3A_297 = tpu.vector_load %arg10[%get3A_295, %get3A_296] {strides = array<i32>} : memref<320x64xf32, #tpu.memory_space<vmem>>, vector<1x16xf32>,
      %get3A_298 = vector.shape_cast %get3A_297 : vector<1x16xf32> to vector<16xf32>
      %get3A_299 = arith.index_cast %add3A_226 : i32 to index
      %get3A_300 = arith.constant 48 : index
      %get3A_301 = tpu.vector_load %arg11[%get3A_299, %get3A_300] {strides = array<i32>} : memref<320x64xf32, #tpu.memory_space<vmem>>, vector<1x16xf32>,
      %get3A_302 = vector.shape_cast %get3A_301 : vector<1x16xf32> to vector<16xf32>
      %add3A_303 = arith.addf %get3A_298, %get3A_302 : vector<16xf32>
      %get3A_304 = arith.index_cast %add3A_226 : i32 to index
      %get3A_305 = arith.constant 48 : index
      %get3A_306 = tpu.vector_load %arg12[%get3A_304, %get3A_305] {strides = array<i32>} : memref<320x64xf32, #tpu.memory_space<vmem>>, vector<1x16xf32>,
      %get3A_307 = vector.shape_cast %get3A_306 : vector<1x16xf32> to vector<16xf32>
      %add3A_308 = arith.addf %add3A_303, %get3A_307 : vector<16xf32>
      %mul3A_309 = vector.broadcast %squeeze3A_228 : f32 to vector<16xf32>
      %mul3A_310 = arith.mulf %add3A_308, %mul3A_309 : vector<16xf32>
      %add3A_311 = arith.addf %mul3A_310, %get3A_23 : vector<16xf32>
      %swap3A_312 = arith.index_cast %add3A_226 : i32 to index
      %swap3A_313 = arith.constant 48 : index
      %swap3A_314 = tpu.vector_load %arg10[%swap3A_312, %swap3A_313] {strides = array<i32>} : memref<320x64xf32, #tpu.memory_space<vmem>>, vector<1x16xf32>,
      %swap3A_315 = vector.shape_cast %swap3A_314 : vector<1x16xf32> to vector<16xf32>
      %swap3A_316 = vector.shape_cast %add3A_311 : vector<16xf32> to vector<1x16xf32>
      tpu.vector_store %arg10[%swap3A_312, %swap3A_313], %swap3A_316 {strides = array<i32>} : memref<320x64xf32, #tpu.memory_space<vmem>>, vector<1x16xf32>,
      %mul3A_317 = arith.constant 16 : i32
      %mul3A_318 = arith.muli %scan3A_31, %mul3A_317 : i32
      %add3A_319 = arith.constant 3 : i32
      %add3A_320 = arith.addi %mul3A_318, %add3A_319 : i32
      %slice3A_321 = vector.extract_strided_slice %get3A_37 {offsets = [3], sizes = [1], strides = [1]} : vector<16xf32> to vector<1xf32>
      %squeeze3A_322 = vector.extract %slice3A_321[0] : f32 from vector<1xf32>
      %get3A_323 = arith.index_cast %add3A_320 : i32 to index
      %get3A_324 = arith.constant 0 : index
      %get3A_325 = tpu.vector_load %arg10[%get3A_323, %get3A_324] {strides = array<i32>} : memref<320x64xf32, #tpu.memory_space<vmem>>, vector<1x16xf32>,
      %get3A_326 = vector.shape_cast %get3A_325 : vector<1x16xf32> to vector<16xf32>
      %get3A_327 = arith.index_cast %add3A_320 : i32 to index
      %get3A_328 = arith.constant 0 : index
      %get3A_329 = tpu.vector_load %arg11[%get3A_327, %get3A_328] {strides = array<i32>} : memref<320x64xf32, #tpu.memory_space<vmem>>, vector<1x16xf32>,
      %get3A_330 = vector.shape_cast %get3A_329 : vector<1x16xf32> to vector<16xf32>
      %add3A_331 = arith.addf %get3A_326, %get3A_330 : vector<16xf32>
      %get3A_332 = arith.index_cast %add3A_320 : i32 to index
      %get3A_333 = arith.constant 0 : index
      %get3A_334 = tpu.vector_load %arg12[%get3A_332, %get3A_333] {strides = array<i32>} : memref<320x64xf32, #tpu.memory_space<vmem>>, vector<1x16xf32>,
      %get3A_335 = vector.shape_cast %get3A_334 : vector<1x16xf32> to vector<16xf32>
      %add3A_336 = arith.addf %add3A_331, %get3A_335 : vector<16xf32>
      %mul3A_337 = vector.broadcast %squeeze3A_322 : f32 to vector<16xf32>
      %mul3A_338 = arith.mulf %add3A_336, %mul3A_337 : vector<16xf32>
      %add3A_339 = arith.addf %mul3A_338, %get3A_14 : vector<16xf32>
      %swap3A_340 = arith.index_cast %add3A_320 : i32 to index
      %swap3A_341 = arith.constant 0 : index
      %swap3A_342 = tpu.vector_load %arg10[%swap3A_340, %swap3A_341] {strides = array<i32>} : memref<320x64xf32, #tpu.memory_space<vmem>>, vector<1x16xf32>,
      %swap3A_343 = vector.shape_cast %swap3A_342 : vector<1x16xf32> to vector<16xf32>
      %swap3A_344 = vector.shape_cast %add3A_339 : vector<16xf32> to vector<1x16xf32>
      tpu.vector_store %arg10[%swap3A_340, %swap3A_341], %swap3A_344 {strides = array<i32>} : memref<320x64xf32, #tpu.memory_space<vmem>>, vector<1x16xf32>,
      %get3A_345 = arith.index_cast %add3A_320 : i32 to index
      %get3A_346 = arith.constant 16 : index
      %get3A_347 = tpu.vector_load %arg10[%get3A_345, %get3A_346] {strides = array<i32>} : memref<320x64xf32, #tpu.memory_space<vmem>>, vector<1x16xf32>,
      %get3A_348 = vector.shape_cast %get3A_347 : vector<1x16xf32> to vector<16xf32>
      %get3A_349 = arith.index_cast %add3A_320 : i32 to index
      %get3A_350 = arith.constant 16 : index
      %get3A_351 = tpu.vector_load %arg11[%get3A_349, %get3A_350] {strides = array<i32>} : memref<320x64xf32, #tpu.memory_space<vmem>>, vector<1x16xf32>,
      %get3A_352 = vector.shape_cast %get3A_351 : vector<1x16xf32> to vector<16xf32>
      %add3A_353 = arith.addf %get3A_348, %get3A_352 : vector<16xf32>
      %get3A_354 = arith.index_cast %add3A_320 : i32 to index
      %get3A_355 = arith.constant 16 : index
      %get3A_356 = tpu.vector_load %arg12[%get3A_354, %get3A_355] {strides = array<i32>} : memref<320x64xf32, #tpu.memory_space<vmem>>, vector<1x16xf32>,
      %get3A_357 = vector.shape_cast %get3A_356 : vector<1x16xf32> to vector<16xf32>
      %add3A_358 = arith.addf %add3A_353, %get3A_357 : vector<16xf32>
      %mul3A_359 = vector.broadcast %squeeze3A_322 : f32 to vector<16xf32>
      %mul3A_360 = arith.mulf %add3A_358, %mul3A_359 : vector<16xf32>
      %add3A_361 = arith.addf %mul3A_360, %get3A_17 : vector<16xf32>
      %swap3A_362 = arith.index_cast %add3A_320 : i32 to index
      %swap3A_363 = arith.constant 16 : index
      %swap3A_364 = tpu.vector_load %arg10[%swap3A_362, %swap3A_363] {strides = array<i32>} : memref<320x64xf32, #tpu.memory_space<vmem>>, vector<1x16xf32>,
      %swap3A_365 = vector.shape_cast %swap3A_364 : vector<1x16xf32> to vector<16xf32>
      %swap3A_366 = vector.shape_cast %add3A_361 : vector<16xf32> to vector<1x16xf32>
      tpu.vector_store %arg10[%swap3A_362, %swap3A_363], %swap3A_366 {strides = array<i32>} : memref<320x64xf32, #tpu.memory_space<vmem>>, vector<1x16xf32>,
      %get3A_367 = arith.index_cast %add3A_320 : i32 to index
      %get3A_368 = arith.constant 32 : index
      %get3A_369 = tpu.vector_load %arg10[%get3A_367, %get3A_368] {strides = array<i32>} : memref<320x64xf32, #tpu.memory_space<vmem>>, vector<1x16xf32>,
      %get3A_370 = vector.shape_cast %get3A_369 : vector<1x16xf32> to vector<16xf32>
      %get3A_371 = arith.index_cast %add3A_320 : i32 to index
      %get3A_372 = arith.constant 32 : index
      %get3A_373 = tpu.vector_load %arg11[%get3A_371, %get3A_372] {strides = array<i32>} : memref<320x64xf32, #tpu.memory_space<vmem>>, vector<1x16xf32>,
      %get3A_374 = vector.shape_cast %get3A_373 : vector<1x16xf32> to vector<16xf32>
      %add3A_375 = arith.addf %get3A_370, %get3A_374 : vector<16xf32>
      %get3A_376 = arith.index_cast %add3A_320 : i32 to index
      %get3A_377 = arith.constant 32 : index
      %get3A_378 = tpu.vector_load %arg12[%get3A_376, %get3A_377] {strides = array<i32>} : memref<320x64xf32, #tpu.memory_space<vmem>>, vector<1x16xf32>,
      %get3A_379 = vector.shape_cast %get3A_378 : vector<1x16xf32> to vector<16xf32>
      %add3A_380 = arith.addf %add3A_375, %get3A_379 : vector<16xf32>
      %mul3A_381 = vector.broadcast %squeeze3A_322 : f32 to vector<16xf32>
      %mul3A_382 = arith.mulf %add3A_380, %mul3A_381 : vector<16xf32>
      %add3A_383 = arith.addf %mul3A_382, %get3A_20 : vector<16xf32>
      %swap3A_384 = arith.index_cast %add3A_320 : i32 to index
      %swap3A_385 = arith.constant 32 : index
      %swap3A_386 = tpu.vector_load %arg10[%swap3A_384, %swap3A_385] {strides = array<i32>} : memref<320x64xf32, #tpu.memory_space<vmem>>, vector<1x16xf32>,
      %swap3A_387 = vector.shape_cast %swap3A_386 : vector<1x16xf32> to vector<16xf32>
      %swap3A_388 = vector.shape_cast %add3A_383 : vector<16xf32> to vector<1x16xf32>
      tpu.vector_store %arg10[%swap3A_384, %swap3A_385], %swap3A_388 {strides = array<i32>} : memref<320x64xf32, #tpu.memory_space<vmem>>, vector<1x16xf32>,
      %get3A_389 = arith.index_cast %add3A_320 : i32 to index
      %get3A_390 = arith.constant 48 : index
      %get3A_391 = tpu.vector_load %arg10[%get3A_389, %get3A_390] {strides = array<i32>} : memref<320x64xf32, #tpu.memory_space<vmem>>, vector<1x16xf32>,
      %get3A_392 = vector.shape_cast %get3A_391 : vector<1x16xf32> to vector<16xf32>
      %get3A_393 = arith.index_cast %add3A_320 : i32 to index
      %get3A_394 = arith.constant 48 : index
      %get3A_395 = tpu.vector_load %arg11[%get3A_393, %get3A_394] {strides = array<i32>} : memref<320x64xf32, #tpu.memory_space<vmem>>, vector<1x16xf32>,
      %get3A_396 = vector.shape_cast %get3A_395 : vector<1x16xf32> to vector<16xf32>
      %add3A_397 = arith.addf %get3A_392, %get3A_396 : vector<16xf32>
      %get3A_398 = arith.index_cast %add3A_320 : i32 to index
      %get3A_399 = arith.constant 48 : index
      %get3A_400 = tpu.vector_load %arg12[%get3A_398, %get3A_399] {strides = array<i32>} : memref<320x64xf32, #tpu.memory_space<vmem>>, vector<1x16xf32>,
      %get3A_401 = vector.shape_cast %get3A_400 : vector<1x16xf32> to vector<16xf32>
      %add3A_402 = arith.addf %add3A_397, %get3A_401 : vector<16xf32>
      %mul3A_403 = vector.broadcast %squeeze3A_322 : f32 to vector<16xf32>
      %mul3A_404 = arith.mulf %add3A_402, %mul3A_403 : vector<16xf32>
      %add3A_405 = arith.addf %mul3A_404, %get3A_23 : vector<16xf32>
      %swap3A_406 = arith.index_cast %add3A_320 : i32 to index
      %swap3A_407 = arith.constant 48 : index
      %swap3A_408 = tpu.vector_load %arg10[%swap3A_406, %swap3A_407] {strides = array<i32>} : memref<320x64xf32, #tpu.memory_space<vmem>>, vector<1x16xf32>,
      %swap3A_409 = vector.shape_cast %swap3A_408 : vector<1x16xf32> to vector<16xf32>
      %swap3A_410 = vector.shape_cast %add3A_405 : vector<16xf32> to vector<1x16xf32>
      tpu.vector_store %arg10[%swap3A_406, %swap3A_407], %swap3A_410 {strides = array<i32>} : memref<320x64xf32, #tpu.memory_space<vmem>>, vector<1x16xf32>,
      %mul3A_411 = arith.constant 16 : i32
      %mul3A_412 = arith.muli %scan3A_31, %mul3A_411 : i32
      %add3A_413 = arith.constant 4 : i32
      %add3A_414 = arith.addi %mul3A_412, %add3A_413 : i32
      %slice3A_415 = vector.extract_strided_slice %get3A_37 {offsets = [4], sizes = [1], strides = [1]} : vector<16xf32> to vector<1xf32>
      %squeeze3A_416 = vector.extract %slice3A_415[0] : f32 from vector<1xf32>
      %get3A_417 = arith.index_cast %add3A_414 : i32 to index
      %get3A_418 = arith.constant 0 : index
      %get3A_419 = tpu.vector_load %arg10[%get3A_417, %get3A_418] {strides = array<i32>} : memref<320x64xf32, #tpu.memory_space<vmem>>, vector<1x16xf32>,
      %get3A_420 = vector.shape_cast %get3A_419 : vector<1x16xf32> to vector<16xf32>
      %get3A_421 = arith.index_cast %add3A_414 : i32 to index
      %get3A_422 = arith.constant 0 : index
      %get3A_423 = tpu.vector_load %arg11[%get3A_421, %get3A_422] {strides = array<i32>} : memref<320x64xf32, #tpu.memory_space<vmem>>, vector<1x16xf32>,
      %get3A_424 = vector.shape_cast %get3A_423 : vector<1x16xf32> to vector<16xf32>
      %add3A_425 = arith.addf %get3A_420, %get3A_424 : vector<16xf32>
      %get3A_426 = arith.index_cast %add3A_414 : i32 to index
      %get3A_427 = arith.constant 0 : index
      %get3A_428 = tpu.vector_load %arg12[%get3A_426, %get3A_427] {strides = array<i32>} : memref<320x64xf32, #tpu.memory_space<vmem>>, vector<1x16xf32>,
      %get3A_429 = vector.shape_cast %get3A_428 : vector<1x16xf32> to vector<16xf32>
      %add3A_430 = arith.addf %add3A_425, %get3A_429 : vector<16xf32>
      %mul3A_431 = vector.broadcast %squeeze3A_416 : f32 to vector<16xf32>
      %mul3A_432 = arith.mulf %add3A_430, %mul3A_431 : vector<16xf32>
      %add3A_433 = arith.addf %mul3A_432, %get3A_14 : vector<16xf32>
      %swap3A_434 = arith.index_cast %add3A_414 : i32 to index
      %swap3A_435 = arith.constant 0 : index
      %swap3A_436 = tpu.vector_load %arg10[%swap3A_434, %swap3A_435] {strides = array<i32>} : memref<320x64xf32, #tpu.memory_space<vmem>>, vector<1x16xf32>,
      %swap3A_437 = vector.shape_cast %swap3A_436 : vector<1x16xf32> to vector<16xf32>
      %swap3A_438 = vector.shape_cast %add3A_433 : vector<16xf32> to vector<1x16xf32>
      tpu.vector_store %arg10[%swap3A_434, %swap3A_435], %swap3A_438 {strides = array<i32>} : memref<320x64xf32, #tpu.memory_space<vmem>>, vector<1x16xf32>,
      %get3A_439 = arith.index_cast %add3A_414 : i32 to index
      %get3A_440 = arith.constant 16 : index
      %get3A_441 = tpu.vector_load %arg10[%get3A_439, %get3A_440] {strides = array<i32>} : memref<320x64xf32, #tpu.memory_space<vmem>>, vector<1x16xf32>,
      %get3A_442 = vector.shape_cast %get3A_441 : vector<1x16xf32> to vector<16xf32>
      %get3A_443 = arith.index_cast %add3A_414 : i32 to index
      %get3A_444 = arith.constant 16 : index
      %get3A_445 = tpu.vector_load %arg11[%get3A_443, %get3A_444] {strides = array<i32>} : memref<320x64xf32, #tpu.memory_space<vmem>>, vector<1x16xf32>,
      %get3A_446 = vector.shape_cast %get3A_445 : vector<1x16xf32> to vector<16xf32>
      %add3A_447 = arith.addf %get3A_442, %get3A_446 : vector<16xf32>
      %get3A_448 = arith.index_cast %add3A_414 : i32 to index
      %get3A_449 = arith.constant 16 : index
      %get3A_450 = tpu.vector_load %arg12[%get3A_448, %get3A_449] {strides = array<i32>} : memref<320x64xf32, #tpu.memory_space<vmem>>, vector<1x16xf32>,
      %get3A_451 = vector.shape_cast %get3A_450 : vector<1x16xf32> to vector<16xf32>
      %add3A_452 = arith.addf %add3A_447, %get3A_451 : vector<16xf32>
      %mul3A_453 = vector.broadcast %squeeze3A_416 : f32 to vector<16xf32>
      %mul3A_454 = arith.mulf %add3A_452, %mul3A_453 : vector<16xf32>
      %add3A_455 = arith.addf %mul3A_454, %get3A_17 : vector<16xf32>
      %swap3A_456 = arith.index_cast %add3A_414 : i32 to index
      %swap3A_457 = arith.constant 16 : index
      %swap3A_458 = tpu.vector_load %arg10[%swap3A_456, %swap3A_457] {strides = array<i32>} : memref<320x64xf32, #tpu.memory_space<vmem>>, vector<1x16xf32>,
      %swap3A_459 = vector.shape_cast %swap3A_458 : vector<1x16xf32> to vector<16xf32>
      %swap3A_460 = vector.shape_cast %add3A_455 : vector<16xf32> to vector<1x16xf32>
      tpu.vector_store %arg10[%swap3A_456, %swap3A_457], %swap3A_460 {strides = array<i32>} : memref<320x64xf32, #tpu.memory_space<vmem>>, vector<1x16xf32>,
      %get3A_461 = arith.index_cast %add3A_414 : i32 to index
      %get3A_462 = arith.constant 32 : index
      %get3A_463 = tpu.vector_load %arg10[%get3A_461, %get3A_462] {strides = array<i32>} : memref<320x64xf32, #tpu.memory_space<vmem>>, vector<1x16xf32>,
      %get3A_464 = vector.shape_cast %get3A_463 : vector<1x16xf32> to vector<16xf32>
      %get3A_465 = arith.index_cast %add3A_414 : i32 to index
      %get3A_466 = arith.constant 32 : index
      %get3A_467 = tpu.vector_load %arg11[%get3A_465, %get3A_466] {strides = array<i32>} : memref<320x64xf32, #tpu.memory_space<vmem>>, vector<1x16xf32>,
      %get3A_468 = vector.shape_cast %get3A_467 : vector<1x16xf32> to vector<16xf32>
      %add3A_469 = arith.addf %get3A_464, %get3A_468 : vector<16xf32>
      %get3A_470 = arith.index_cast %add3A_414 : i32 to index
      %get3A_471 = arith.constant 32 : index
      %get3A_472 = tpu.vector_load %arg12[%get3A_470, %get3A_471] {strides = array<i32>} : memref<320x64xf32, #tpu.memory_space<vmem>>, vector<1x16xf32>,
      %get3A_473 = vector.shape_cast %get3A_472 : vector<1x16xf32> to vector<16xf32>
      %add3A_474 = arith.addf %add3A_469, %get3A_473 : vector<16xf32>
      %mul3A_475 = vector.broadcast %squeeze3A_416 : f32 to vector<16xf32>
      %mul3A_476 = arith.mulf %add3A_474, %mul3A_475 : vector<16xf32>
      %add3A_477 = arith.addf %mul3A_476, %get3A_20 : vector<16xf32>
      %swap3A_478 = arith.index_cast %add3A_414 : i32 to index
      %swap3A_479 = arith.constant 32 : index
      %swap3A_480 = tpu.vector_load %arg10[%swap3A_478, %swap3A_479] {strides = array<i32>} : memref<320x64xf32, #tpu.memory_space<vmem>>, vector<1x16xf32>,
      %swap3A_481 = vector.shape_cast %swap3A_480 : vector<1x16xf32> to vector<16xf32>
      %swap3A_482 = vector.shape_cast %add3A_477 : vector<16xf32> to vector<1x16xf32>
      tpu.vector_store %arg10[%swap3A_478, %swap3A_479], %swap3A_482 {strides = array<i32>} : memref<320x64xf32, #tpu.memory_space<vmem>>, vector<1x16xf32>,
      %get3A_483 = arith.index_cast %add3A_414 : i32 to index
      %get3A_484 = arith.constant 48 : index
      %get3A_485 = tpu.vector_load %arg10[%get3A_483, %get3A_484] {strides = array<i32>} : memref<320x64xf32, #tpu.memory_space<vmem>>, vector<1x16xf32>,
      %get3A_486 = vector.shape_cast %get3A_485 : vector<1x16xf32> to vector<16xf32>
      %get3A_487 = arith.index_cast %add3A_414 : i32 to index
      %get3A_488 = arith.constant 48 : index
      %get3A_489 = tpu.vector_load %arg11[%get3A_487, %get3A_488] {strides = array<i32>} : memref<320x64xf32, #tpu.memory_space<vmem>>, vector<1x16xf32>,
      %get3A_490 = vector.shape_cast %get3A_489 : vector<1x16xf32> to vector<16xf32>
      %add3A_491 = arith.addf %get3A_486, %get3A_490 : vector<16xf32>
      %get3A_492 = arith.index_cast %add3A_414 : i32 to index
      %get3A_493 = arith.constant 48 : index
      %get3A_494 = tpu.vector_load %arg12[%get3A_492, %get3A_493] {strides = array<i32>} : memref<320x64xf32, #tpu.memory_space<vmem>>, vector<1x16xf32>,
      %get3A_495 = vector.shape_cast %get3A_494 : vector<1x16xf32> to vector<16xf32>
      %add3A_496 = arith.addf %add3A_491, %get3A_495 : vector<16xf32>
      %mul3A_497 = vector.broadcast %squeeze3A_416 : f32 to vector<16xf32>
      %mul3A_498 = arith.mulf %add3A_496, %mul3A_497 : vector<16xf32>
      %add3A_499 = arith.addf %mul3A_498, %get3A_23 : vector<16xf32>
      %swap3A_500 = arith.index_cast %add3A_414 : i32 to index
      %swap3A_501 = arith.constant 48 : index
      %swap3A_502 = tpu.vector_load %arg10[%swap3A_500, %swap3A_501] {strides = array<i32>} : memref<320x64xf32, #tpu.memory_space<vmem>>, vector<1x16xf32>,
      %swap3A_503 = vector.shape_cast %swap3A_502 : vector<1x16xf32> to vector<16xf32>
      %swap3A_504 = vector.shape_cast %add3A_499 : vector<16xf32> to vector<1x16xf32>
      tpu.vector_store %arg10[%swap3A_500, %swap3A_501], %swap3A_504 {strides = array<i32>} : memref<320x64xf32, #tpu.memory_space<vmem>>, vector<1x16xf32>,
      %mul3A_505 = arith.constant 16 : i32
      %mul3A_506 = arith.muli %scan3A_31, %mul3A_505 : i32
      %add3A_507 = arith.constant 5 : i32
      %add3A_508 = arith.addi %mul3A_506, %add3A_507 : i32
      %slice3A_509 = vector.extract_strided_slice %get3A_37 {offsets = [5], sizes = [1], strides = [1]} : vector<16xf32> to vector<1xf32>
      %squeeze3A_510 = vector.extract %slice3A_509[0] : f32 from vector<1xf32>
      %get3A_511 = arith.index_cast %add3A_508 : i32 to index
      %get3A_512 = arith.constant 0 : index
      %get3A_513 = tpu.vector_load %arg10[%get3A_511, %get3A_512] {strides = array<i32>} : memref<320x64xf32, #tpu.memory_space<vmem>>, vector<1x16xf32>,
      %get3A_514 = vector.shape_cast %get3A_513 : vector<1x16xf32> to vector<16xf32>
      %get3A_515 = arith.index_cast %add3A_508 : i32 to index
      %get3A_516 = arith.constant 0 : index
      %get3A_517 = tpu.vector_load %arg11[%get3A_515, %get3A_516] {strides = array<i32>} : memref<320x64xf32, #tpu.memory_space<vmem>>, vector<1x16xf32>,
      %get3A_518 = vector.shape_cast %get3A_517 : vector<1x16xf32> to vector<16xf32>
      %add3A_519 = arith.addf %get3A_514, %get3A_518 : vector<16xf32>
      %get3A_520 = arith.index_cast %add3A_508 : i32 to index
      %get3A_521 = arith.constant 0 : index
      %get3A_522 = tpu.vector_load %arg12[%get3A_520, %get3A_521] {strides = array<i32>} : memref<320x64xf32, #tpu.memory_space<vmem>>, vector<1x16xf32>,
      %get3A_523 = vector.shape_cast %get3A_522 : vector<1x16xf32> to vector<16xf32>
      %add3A_524 = arith.addf %add3A_519, %get3A_523 : vector<16xf32>
      %mul3A_525 = vector.broadcast %squeeze3A_510 : f32 to vector<16xf32>
      %mul3A_526 = arith.mulf %add3A_524, %mul3A_525 : vector<16xf32>
      %add3A_527 = arith.addf %mul3A_526, %get3A_14 : vector<16xf32>
      %swap3A_528 = arith.index_cast %add3A_508 : i32 to index
      %swap3A_529 = arith.constant 0 : index
      %swap3A_530 = tpu.vector_load %arg10[%swap3A_528, %swap3A_529] {strides = array<i32>} : memref<320x64xf32, #tpu.memory_space<vmem>>, vector<1x16xf32>,
      %swap3A_531 = vector.shape_cast %swap3A_530 : vector<1x16xf32> to vector<16xf32>
      %swap3A_532 = vector.shape_cast %add3A_527 : vector<16xf32> to vector<1x16xf32>
      tpu.vector_store %arg10[%swap3A_528, %swap3A_529], %swap3A_532 {strides = array<i32>} : memref<320x64xf32, #tpu.memory_space<vmem>>, vector<1x16xf32>,
      %get3A_533 = arith.index_cast %add3A_508 : i32 to index
      %get3A_534 = arith.constant 16 : index
      %get3A_535 = tpu.vector_load %arg10[%get3A_533, %get3A_534] {strides = array<i32>} : memref<320x64xf32, #tpu.memory_space<vmem>>, vector<1x16xf32>,
      %get3A_536 = vector.shape_cast %get3A_535 : vector<1x16xf32> to vector<16xf32>
      %get3A_537 = arith.index_cast %add3A_508 : i32 to index
      %get3A_538 = arith.constant 16 : index
      %get3A_539 = tpu.vector_load %arg11[%get3A_537, %get3A_538] {strides = array<i32>} : memref<320x64xf32, #tpu.memory_space<vmem>>, vector<1x16xf32>,
      %get3A_540 = vector.shape_cast %get3A_539 : vector<1x16xf32> to vector<16xf32>
      %add3A_541 = arith.addf %get3A_536, %get3A_540 : vector<16xf32>
      %get3A_542 = arith.index_cast %add3A_508 : i32 to index
      %get3A_543 = arith.constant 16 : index
      %get3A_544 = tpu.vector_load %arg12[%get3A_542, %get3A_543] {strides = array<i32>} : memref<320x64xf32, #tpu.memory_space<vmem>>, vector<1x16xf32>,
      %get3A_545 = vector.shape_cast %get3A_544 : vector<1x16xf32> to vector<16xf32>
      %add3A_546 = arith.addf %add3A_541, %get3A_545 : vector<16xf32>
      %mul3A_547 = vector.broadcast %squeeze3A_510 : f32 to vector<16xf32>
      %mul3A_548 = arith.mulf %add3A_546, %mul3A_547 : vector<16xf32>
      %add3A_549 = arith.addf %mul3A_548, %get3A_17 : vector<16xf32>
      %swap3A_550 = arith.index_cast %add3A_508 : i32 to index
      %swap3A_551 = arith.constant 16 : index
      %swap3A_552 = tpu.vector_load %arg10[%swap3A_550, %swap3A_551] {strides = array<i32>} : memref<320x64xf32, #tpu.memory_space<vmem>>, vector<1x16xf32>,
      %swap3A_553 = vector.shape_cast %swap3A_552 : vector<1x16xf32> to vector<16xf32>
      %swap3A_554 = vector.shape_cast %add3A_549 : vector<16xf32> to vector<1x16xf32>
      tpu.vector_store %arg10[%swap3A_550, %swap3A_551], %swap3A_554 {strides = array<i32>} : memref<320x64xf32, #tpu.memory_space<vmem>>, vector<1x16xf32>,
      %get3A_555 = arith.index_cast %add3A_508 : i32 to index
      %get3A_556 = arith.constant 32 : index
      %get3A_557 = tpu.vector_load %arg10[%get3A_555, %get3A_556] {strides = array<i32>} : memref<320x64xf32, #tpu.memory_space<vmem>>, vector<1x16xf32>,
      %get3A_558 = vector.shape_cast %get3A_557 : vector<1x16xf32> to vector<16xf32>
      %get3A_559 = arith.index_cast %add3A_508 : i32 to index
      %get3A_560 = arith.constant 32 : index
      %get3A_561 = tpu.vector_load %arg11[%get3A_559, %get3A_560] {strides = array<i32>} : memref<320x64xf32, #tpu.memory_space<vmem>>, vector<1x16xf32>,
      %get3A_562 = vector.shape_cast %get3A_561 : vector<1x16xf32> to vector<16xf32>
      %add3A_563 = arith.addf %get3A_558, %get3A_562 : vector<16xf32>
      %get3A_564 = arith.index_cast %add3A_508 : i32 to index
      %get3A_565 = arith.constant 32 : index
      %get3A_566 = tpu.vector_load %arg12[%get3A_564, %get3A_565] {strides = array<i32>} : memref<320x64xf32, #tpu.memory_space<vmem>>, vector<1x16xf32>,
      %get3A_567 = vector.shape_cast %get3A_566 : vector<1x16xf32> to vector<16xf32>
      %add3A_568 = arith.addf %add3A_563, %get3A_567 : vector<16xf32>
      %mul3A_569 = vector.broadcast %squeeze3A_510 : f32 to vector<16xf32>
      %mul3A_570 = arith.mulf %add3A_568, %mul3A_569 : vector<16xf32>
      %add3A_571 = arith.addf %mul3A_570, %get3A_20 : vector<16xf32>
      %swap3A_572 = arith.index_cast %add3A_508 : i32 to index
      %swap3A_573 = arith.constant 32 : index
      %swap3A_574 = tpu.vector_load %arg10[%swap3A_572, %swap3A_573] {strides = array<i32>} : memref<320x64xf32, #tpu.memory_space<vmem>>, vector<1x16xf32>,
      %swap3A_575 = vector.shape_cast %swap3A_574 : vector<1x16xf32> to vector<16xf32>
      %swap3A_576 = vector.shape_cast %add3A_571 : vector<16xf32> to vector<1x16xf32>
      tpu.vector_store %arg10[%swap3A_572, %swap3A_573], %swap3A_576 {strides = array<i32>} : memref<320x64xf32, #tpu.memory_space<vmem>>, vector<1x16xf32>,
      %get3A_577 = arith.index_cast %add3A_508 : i32 to index
      %get3A_578 = arith.constant 48 : index
      %get3A_579 = tpu.vector_load %arg10[%get3A_577, %get3A_578] {strides = array<i32>} : memref<320x64xf32, #tpu.memory_space<vmem>>, vector<1x16xf32>,
      %get3A_580 = vector.shape_cast %get3A_579 : vector<1x16xf32> to vector<16xf32>
      %get3A_581 = arith.index_cast %add3A_508 : i32 to index
      %get3A_582 = arith.constant 48 : index
      %get3A_583 = tpu.vector_load %arg11[%get3A_581, %get3A_582] {strides = array<i32>} : memref<320x64xf32, #tpu.memory_space<vmem>>, vector<1x16xf32>,
      %get3A_584 = vector.shape_cast %get3A_583 : vector<1x16xf32> to vector<16xf32>
      %add3A_585 = arith.addf %get3A_580, %get3A_584 : vector<16xf32>
      %get3A_586 = arith.index_cast %add3A_508 : i32 to index
      %get3A_587 = arith.constant 48 : index
      %get3A_588 = tpu.vector_load %arg12[%get3A_586, %get3A_587] {strides = array<i32>} : memref<320x64xf32, #tpu.memory_space<vmem>>, vector<1x16xf32>,
      %get3A_589 = vector.shape_cast %get3A_588 : vector<1x16xf32> to vector<16xf32>
      %add3A_590 = arith.addf %add3A_585, %get3A_589 : vector<16xf32>
      %mul3A_591 = vector.broadcast %squeeze3A_510 : f32 to vector<16xf32>
      %mul3A_592 = arith.mulf %add3A_590, %mul3A_591 : vector<16xf32>
      %add3A_593 = arith.addf %mul3A_592, %get3A_23 : vector<16xf32>
      %swap3A_594 = arith.index_cast %add3A_508 : i32 to index
      %swap3A_595 = arith.constant 48 : index
      %swap3A_596 = tpu.vector_load %arg10[%swap3A_594, %swap3A_595] {strides = array<i32>} : memref<320x64xf32, #tpu.memory_space<vmem>>, vector<1x16xf32>,
      %swap3A_597 = vector.shape_cast %swap3A_596 : vector<1x16xf32> to vector<16xf32>
      %swap3A_598 = vector.shape_cast %add3A_593 : vector<16xf32> to vector<1x16xf32>
      tpu.vector_store %arg10[%swap3A_594, %swap3A_595], %swap3A_598 {strides = array<i32>} : memref<320x64xf32, #tpu.memory_space<vmem>>, vector<1x16xf32>,
      %mul3A_599 = arith.constant 16 : i32
      %mul3A_600 = arith.muli %scan3A_31, %mul3A_599 : i32
      %add3A_601 = arith.constant 6 : i32
      %add3A_602 = arith.addi %mul3A_600, %add3A_601 : i32
      %slice3A_603 = vector.extract_strided_slice %get3A_37 {offsets = [6], sizes = [1], strides = [1]} : vector<16xf32> to vector<1xf32>
      %squeeze3A_604 = vector.extract %slice3A_603[0] : f32 from vector<1xf32>
      %get3A_605 = arith.index_cast %add3A_602 : i32 to index
      %get3A_606 = arith.constant 0 : index
      %get3A_607 = tpu.vector_load %arg10[%get3A_605, %get3A_606] {strides = array<i32>} : memref<320x64xf32, #tpu.memory_space<vmem>>, vector<1x16xf32>,
      %get3A_608 = vector.shape_cast %get3A_607 : vector<1x16xf32> to vector<16xf32>
      %get3A_609 = arith.index_cast %add3A_602 : i32 to index
      %get3A_610 = arith.constant 0 : index
      %get3A_611 = tpu.vector_load %arg11[%get3A_609, %get3A_610] {strides = array<i32>} : memref<320x64xf32, #tpu.memory_space<vmem>>, vector<1x16xf32>,
      %get3A_612 = vector.shape_cast %get3A_611 : vector<1x16xf32> to vector<16xf32>
      %add3A_613 = arith.addf %get3A_608, %get3A_612 : vector<16xf32>
      %get3A_614 = arith.index_cast %add3A_602 : i32 to index
      %get3A_615 = arith.constant 0 : index
      %get3A_616 = tpu.vector_load %arg12[%get3A_614, %get3A_615] {strides = array<i32>} : memref<320x64xf32, #tpu.memory_space<vmem>>, vector<1x16xf32>,
      %get3A_617 = vector.shape_cast %get3A_616 : vector<1x16xf32> to vector<16xf32>
      %add3A_618 = arith.addf %add3A_613, %get3A_617 : vector<16xf32>
      %mul3A_619 = vector.broadcast %squeeze3A_604 : f32 to vector<16xf32>
      %mul3A_620 = arith.mulf %add3A_618, %mul3A_619 : vector<16xf32>
      %add3A_621 = arith.addf %mul3A_620, %get3A_14 : vector<16xf32>
      %swap3A_622 = arith.index_cast %add3A_602 : i32 to index
      %swap3A_623 = arith.constant 0 : index
      %swap3A_624 = tpu.vector_load %arg10[%swap3A_622, %swap3A_623] {strides = array<i32>} : memref<320x64xf32, #tpu.memory_space<vmem>>, vector<1x16xf32>,
      %swap3A_625 = vector.shape_cast %swap3A_624 : vector<1x16xf32> to vector<16xf32>
      %swap3A_626 = vector.shape_cast %add3A_621 : vector<16xf32> to vector<1x16xf32>
      tpu.vector_store %arg10[%swap3A_622, %swap3A_623], %swap3A_626 {strides = array<i32>} : memref<320x64xf32, #tpu.memory_space<vmem>>, vector<1x16xf32>,
      %get3A_627 = arith.index_cast %add3A_602 : i32 to index
      %get3A_628 = arith.constant 16 : index
      %get3A_629 = tpu.vector_load %arg10[%get3A_627, %get3A_628] {strides = array<i32>} : memref<320x64xf32, #tpu.memory_space<vmem>>, vector<1x16xf32>,
      %get3A_630 = vector.shape_cast %get3A_629 : vector<1x16xf32> to vector<16xf32>
      %get3A_631 = arith.index_cast %add3A_602 : i32 to index
      %get3A_632 = arith.constant 16 : index
      %get3A_633 = tpu.vector_load %arg11[%get3A_631, %get3A_632] {strides = array<i32>} : memref<320x64xf32, #tpu.memory_space<vmem>>, vector<1x16xf32>,
      %get3A_634 = vector.shape_cast %get3A_633 : vector<1x16xf32> to vector<16xf32>
      %add3A_635 = arith.addf %get3A_630, %get3A_634 : vector<16xf32>
      %get3A_636 = arith.index_cast %add3A_602 : i32 to index
      %get3A_637 = arith.constant 16 : index
      %get3A_638 = tpu.vector_load %arg12[%get3A_636, %get3A_637] {strides = array<i32>} : memref<320x64xf32, #tpu.memory_space<vmem>>, vector<1x16xf32>,
      %get3A_639 = vector.shape_cast %get3A_638 : vector<1x16xf32> to vector<16xf32>
      %add3A_640 = arith.addf %add3A_635, %get3A_639 : vector<16xf32>
      %mul3A_641 = vector.broadcast %squeeze3A_604 : f32 to vector<16xf32>
      %mul3A_642 = arith.mulf %add3A_640, %mul3A_641 : vector<16xf32>
      %add3A_643 = arith.addf %mul3A_642, %get3A_17 : vector<16xf32>
      %swap3A_644 = arith.index_cast %add3A_602 : i32 to index
      %swap3A_645 = arith.constant 16 : index
      %swap3A_646 = tpu.vector_load %arg10[%swap3A_644, %swap3A_645] {strides = array<i32>} : memref<320x64xf32, #tpu.memory_space<vmem>>, vector<1x16xf32>,
      %swap3A_647 = vector.shape_cast %swap3A_646 : vector<1x16xf32> to vector<16xf32>
      %swap3A_648 = vector.shape_cast %add3A_643 : vector<16xf32> to vector<1x16xf32>
      tpu.vector_store %arg10[%swap3A_644, %swap3A_645], %swap3A_648 {strides = array<i32>} : memref<320x64xf32, #tpu.memory_space<vmem>>, vector<1x16xf32>,
      %get3A_649 = arith.index_cast %add3A_602 : i32 to index
      %get3A_650 = arith.constant 32 : index
      %get3A_651 = tpu.vector_load %arg10[%get3A_649, %get3A_650] {strides = array<i32>} : memref<320x64xf32, #tpu.memory_space<vmem>>, vector<1x16xf32>,
      %get3A_652 = vector.shape_cast %get3A_651 : vector<1x16xf32> to vector<16xf32>
      %get3A_653 = arith.index_cast %add3A_602 : i32 to index
      %get3A_654 = arith.constant 32 : index
      %get3A_655 = tpu.vector_load %arg11[%get3A_653, %get3A_654] {strides = array<i32>} : memref<320x64xf32, #tpu.memory_space<vmem>>, vector<1x16xf32>,
      %get3A_656 = vector.shape_cast %get3A_655 : vector<1x16xf32> to vector<16xf32>
      %add3A_657 = arith.addf %get3A_652, %get3A_656 : vector<16xf32>
      %get3A_658 = arith.index_cast %add3A_602 : i32 to index
      %get3A_659 = arith.constant 32 : index
      %get3A_660 = tpu.vector_load %arg12[%get3A_658, %get3A_659] {strides = array<i32>} : memref<320x64xf32, #tpu.memory_space<vmem>>, vector<1x16xf32>,
      %get3A_661 = vector.shape_cast %get3A_660 : vector<1x16xf32> to vector<16xf32>
      %add3A_662 = arith.addf %add3A_657, %get3A_661 : vector<16xf32>
      %mul3A_663 = vector.broadcast %squeeze3A_604 : f32 to vector<16xf32>
      %mul3A_664 = arith.mulf %add3A_662, %mul3A_663 : vector<16xf32>
      %add3A_665 = arith.addf %mul3A_664, %get3A_20 : vector<16xf32>
      %swap3A_666 = arith.index_cast %add3A_602 : i32 to index
      %swap3A_667 = arith.constant 32 : index
      %swap3A_668 = tpu.vector_load %arg10[%swap3A_666, %swap3A_667] {strides = array<i32>} : memref<320x64xf32, #tpu.memory_space<vmem>>, vector<1x16xf32>,
      %swap3A_669 = vector.shape_cast %swap3A_668 : vector<1x16xf32> to vector<16xf32>
      %swap3A_670 = vector.shape_cast %add3A_665 : vector<16xf32> to vector<1x16xf32>
      tpu.vector_store %arg10[%swap3A_666, %swap3A_667], %swap3A_670 {strides = array<i32>} : memref<320x64xf32, #tpu.memory_space<vmem>>, vector<1x16xf32>,
      %get3A_671 = arith.index_cast %add3A_602 : i32 to index
      %get3A_672 = arith.constant 48 : index
      %get3A_673 = tpu.vector_load %arg10[%get3A_671, %get3A_672] {strides = array<i32>} : memref<320x64xf32, #tpu.memory_space<vmem>>, vector<1x16xf32>,
      %get3A_674 = vector.shape_cast %get3A_673 : vector<1x16xf32> to vector<16xf32>
      %get3A_675 = arith.index_cast %add3A_602 : i32 to index
      %get3A_676 = arith.constant 48 : index
      %get3A_677 = tpu.vector_load %arg11[%get3A_675, %get3A_676] {strides = array<i32>} : memref<320x64xf32, #tpu.memory_space<vmem>>, vector<1x16xf32>,
      %get3A_678 = vector.shape_cast %get3A_677 : vector<1x16xf32> to vector<16xf32>
      %add3A_679 = arith.addf %get3A_674, %get3A_678 : vector<16xf32>
      %get3A_680 = arith.index_cast %add3A_602 : i32 to index
      %get3A_681 = arith.constant 48 : index
      %get3A_682 = tpu.vector_load %arg12[%get3A_680, %get3A_681] {strides = array<i32>} : memref<320x64xf32, #tpu.memory_space<vmem>>, vector<1x16xf32>,
      %get3A_683 = vector.shape_cast %get3A_682 : vector<1x16xf32> to vector<16xf32>
      %add3A_684 = arith.addf %add3A_679, %get3A_683 : vector<16xf32>
      %mul3A_685 = vector.broadcast %squeeze3A_604 : f32 to vector<16xf32>
      %mul3A_686 = arith.mulf %add3A_684, %mul3A_685 : vector<16xf32>
      %add3A_687 = arith.addf %mul3A_686, %get3A_23 : vector<16xf32>
      %swap3A_688 = arith.index_cast %add3A_602 : i32 to index
      %swap3A_689 = arith.constant 48 : index
      %swap3A_690 = tpu.vector_load %arg10[%swap3A_688, %swap3A_689] {strides = array<i32>} : memref<320x64xf32, #tpu.memory_space<vmem>>, vector<1x16xf32>,
      %swap3A_691 = vector.shape_cast %swap3A_690 : vector<1x16xf32> to vector<16xf32>
      %swap3A_692 = vector.shape_cast %add3A_687 : vector<16xf32> to vector<1x16xf32>
      tpu.vector_store %arg10[%swap3A_688, %swap3A_689], %swap3A_692 {strides = array<i32>} : memref<320x64xf32, #tpu.memory_space<vmem>>, vector<1x16xf32>,
      %mul3A_693 = arith.constant 16 : i32
      %mul3A_694 = arith.muli %scan3A_31, %mul3A_693 : i32
      %add3A_695 = arith.constant 7 : i32
      %add3A_696 = arith.addi %mul3A_694, %add3A_695 : i32
      %slice3A_697 = vector.extract_strided_slice %get3A_37 {offsets = [7], sizes = [1], strides = [1]} : vector<16xf32> to vector<1xf32>
      %squeeze3A_698 = vector.extract %slice3A_697[0] : f32 from vector<1xf32>
      %get3A_699 = arith.index_cast %add3A_696 : i32 to index
      %get3A_700 = arith.constant 0 : index
      %get3A_701 = tpu.vector_load %arg10[%get3A_699, %get3A_700] {strides = array<i32>} : memref<320x64xf32, #tpu.memory_space<vmem>>, vector<1x16xf32>,
      %get3A_702 = vector.shape_cast %get3A_701 : vector<1x16xf32> to vector<16xf32>
      %get3A_703 = arith.index_cast %add3A_696 : i32 to index
      %get3A_704 = arith.constant 0 : index
      %get3A_705 = tpu.vector_load %arg11[%get3A_703, %get3A_704] {strides = array<i32>} : memref<320x64xf32, #tpu.memory_space<vmem>>, vector<1x16xf32>,
      %get3A_706 = vector.shape_cast %get3A_705 : vector<1x16xf32> to vector<16xf32>
      %add3A_707 = arith.addf %get3A_702, %get3A_706 : vector<16xf32>
      %get3A_708 = arith.index_cast %add3A_696 : i32 to index
      %get3A_709 = arith.constant 0 : index
      %get3A_710 = tpu.vector_load %arg12[%get3A_708, %get3A_709] {strides = array<i32>} : memref<320x64xf32, #tpu.memory_space<vmem>>, vector<1x16xf32>,
      %get3A_711 = vector.shape_cast %get3A_710 : vector<1x16xf32> to vector<16xf32>
      %add3A_712 = arith.addf %add3A_707, %get3A_711 : vector<16xf32>
      %mul3A_713 = vector.broadcast %squeeze3A_698 : f32 to vector<16xf32>
      %mul3A_714 = arith.mulf %add3A_712, %mul3A_713 : vector<16xf32>
      %add3A_715 = arith.addf %mul3A_714, %get3A_14 : vector<16xf32>
      %swap3A_716 = arith.index_cast %add3A_696 : i32 to index
      %swap3A_717 = arith.constant 0 : index
      %swap3A_718 = tpu.vector_load %arg10[%swap3A_716, %swap3A_717] {strides = array<i32>} : memref<320x64xf32, #tpu.memory_space<vmem>>, vector<1x16xf32>,
      %swap3A_719 = vector.shape_cast %swap3A_718 : vector<1x16xf32> to vector<16xf32>
      %swap3A_720 = vector.shape_cast %add3A_715 : vector<16xf32> to vector<1x16xf32>
      tpu.vector_store %arg10[%swap3A_716, %swap3A_717], %swap3A_720 {strides = array<i32>} : memref<320x64xf32, #tpu.memory_space<vmem>>, vector<1x16xf32>,
      %get3A_721 = arith.index_cast %add3A_696 : i32 to index
      %get3A_722 = arith.constant 16 : index
      %get3A_723 = tpu.vector_load %arg10[%get3A_721, %get3A_722] {strides = array<i32>} : memref<320x64xf32, #tpu.memory_space<vmem>>, vector<1x16xf32>,
      %get3A_724 = vector.shape_cast %get3A_723 : vector<1x16xf32> to vector<16xf32>
      %get3A_725 = arith.index_cast %add3A_696 : i32 to index
      %get3A_726 = arith.constant 16 : index
      %get3A_727 = tpu.vector_load %arg11[%get3A_725, %get3A_726] {strides = array<i32>} : memref<320x64xf32, #tpu.memory_space<vmem>>, vector<1x16xf32>,
      %get3A_728 = vector.shape_cast %get3A_727 : vector<1x16xf32> to vector<16xf32>
      %add3A_729 = arith.addf %get3A_724, %get3A_728 : vector<16xf32>
      %get3A_730 = arith.index_cast %add3A_696 : i32 to index
      %get3A_731 = arith.constant 16 : index
      %get3A_732 = tpu.vector_load %arg12[%get3A_730, %get3A_731] {strides = array<i32>} : memref<320x64xf32, #tpu.memory_space<vmem>>, vector<1x16xf32>,
      %get3A_733 = vector.shape_cast %get3A_732 : vector<1x16xf32> to vector<16xf32>
      %add3A_734 = arith.addf %add3A_729, %get3A_733 : vector<16xf32>
      %mul3A_735 = vector.broadcast %squeeze3A_698 : f32 to vector<16xf32>
      %mul3A_736 = arith.mulf %add3A_734, %mul3A_735 : vector<16xf32>
      %add3A_737 = arith.addf %mul3A_736, %get3A_17 : vector<16xf32>
      %swap3A_738 = arith.index_cast %add3A_696 : i32 to index
      %swap3A_739 = arith.constant 16 : index
      %swap3A_740 = tpu.vector_load %arg10[%swap3A_738, %swap3A_739] {strides = array<i32>} : memref<320x64xf32, #tpu.memory_space<vmem>>, vector<1x16xf32>,
      %swap3A_741 = vector.shape_cast %swap3A_740 : vector<1x16xf32> to vector<16xf32>
      %swap3A_742 = vector.shape_cast %add3A_737 : vector<16xf32> to vector<1x16xf32>
      tpu.vector_store %arg10[%swap3A_738, %swap3A_739], %swap3A_742 {strides = array<i32>} : memref<320x64xf32, #tpu.memory_space<vmem>>, vector<1x16xf32>,
      %get3A_743 = arith.index_cast %add3A_696 : i32 to index
      %get3A_744 = arith.constant 32 : index
      %get3A_745 = tpu.vector_load %arg10[%get3A_743, %get3A_744] {strides = array<i32>} : memref<320x64xf32, #tpu.memory_space<vmem>>, vector<1x16xf32>,
      %get3A_746 = vector.shape_cast %get3A_745 : vector<1x16xf32> to vector<16xf32>
      %get3A_747 = arith.index_cast %add3A_696 : i32 to index
      %get3A_748 = arith.constant 32 : index
      %get3A_749 = tpu.vector_load %arg11[%get3A_747, %get3A_748] {strides = array<i32>} : memref<320x64xf32, #tpu.memory_space<vmem>>, vector<1x16xf32>,
      %get3A_750 = vector.shape_cast %get3A_749 : vector<1x16xf32> to vector<16xf32>
      %add3A_751 = arith.addf %get3A_746, %get3A_750 : vector<16xf32>
      %get3A_752 = arith.index_cast %add3A_696 : i32 to index
      %get3A_753 = arith.constant 32 : index
      %get3A_754 = tpu.vector_load %arg12[%get3A_752, %get3A_753] {strides = array<i32>} : memref<320x64xf32, #tpu.memory_space<vmem>>, vector<1x16xf32>,
      %get3A_755 = vector.shape_cast %get3A_754 : vector<1x16xf32> to vector<16xf32>
      %add3A_756 = arith.addf %add3A_751, %get3A_755 : vector<16xf32>
      %mul3A_757 = vector.broadcast %squeeze3A_698 : f32 to vector<16xf32>
      %mul3A_758 = arith.mulf %add3A_756, %mul3A_757 : vector<16xf32>
      %add3A_759 = arith.addf %mul3A_758, %get3A_20 : vector<16xf32>
      %swap3A_760 = arith.index_cast %add3A_696 : i32 to index
      %swap3A_761 = arith.constant 32 : index
      %swap3A_762 = tpu.vector_load %arg10[%swap3A_760, %swap3A_761] {strides = array<i32>} : memref<320x64xf32, #tpu.memory_space<vmem>>, vector<1x16xf32>,
      %swap3A_763 = vector.shape_cast %swap3A_762 : vector<1x16xf32> to vector<16xf32>
      %swap3A_764 = vector.shape_cast %add3A_759 : vector<16xf32> to vector<1x16xf32>
      tpu.vector_store %arg10[%swap3A_760, %swap3A_761], %swap3A_764 {strides = array<i32>} : memref<320x64xf32, #tpu.memory_space<vmem>>, vector<1x16xf32>,
      %get3A_765 = arith.index_cast %add3A_696 : i32 to index
      %get3A_766 = arith.constant 48 : index
      %get3A_767 = tpu.vector_load %arg10[%get3A_765, %get3A_766] {strides = array<i32>} : memref<320x64xf32, #tpu.memory_space<vmem>>, vector<1x16xf32>,
      %get3A_768 = vector.shape_cast %get3A_767 : vector<1x16xf32> to vector<16xf32>
      %get3A_769 = arith.index_cast %add3A_696 : i32 to index
      %get3A_770 = arith.constant 48 : index
      %get3A_771 = tpu.vector_load %arg11[%get3A_769, %get3A_770] {strides = array<i32>} : memref<320x64xf32, #tpu.memory_space<vmem>>, vector<1x16xf32>,
      %get3A_772 = vector.shape_cast %get3A_771 : vector<1x16xf32> to vector<16xf32>
      %add3A_773 = arith.addf %get3A_768, %get3A_772 : vector<16xf32>
      %get3A_774 = arith.index_cast %add3A_696 : i32 to index
      %get3A_775 = arith.constant 48 : index
      %get3A_776 = tpu.vector_load %arg12[%get3A_774, %get3A_775] {strides = array<i32>} : memref<320x64xf32, #tpu.memory_space<vmem>>, vector<1x16xf32>,
      %get3A_777 = vector.shape_cast %get3A_776 : vector<1x16xf32> to vector<16xf32>
      %add3A_778 = arith.addf %add3A_773, %get3A_777 : vector<16xf32>
      %mul3A_779 = vector.broadcast %squeeze3A_698 : f32 to vector<16xf32>
      %mul3A_780 = arith.mulf %add3A_778, %mul3A_779 : vector<16xf32>
      %add3A_781 = arith.addf %mul3A_780, %get3A_23 : vector<16xf32>
      %swap3A_782 = arith.index_cast %add3A_696 : i32 to index
      %swap3A_783 = arith.constant 48 : index
      %swap3A_784 = tpu.vector_load %arg10[%swap3A_782, %swap3A_783] {strides = array<i32>} : memref<320x64xf32, #tpu.memory_space<vmem>>, vector<1x16xf32>,
      %swap3A_785 = vector.shape_cast %swap3A_784 : vector<1x16xf32> to vector<16xf32>
      %swap3A_786 = vector.shape_cast %add3A_781 : vector<16xf32> to vector<1x16xf32>
      tpu.vector_store %arg10[%swap3A_782, %swap3A_783], %swap3A_786 {strides = array<i32>} : memref<320x64xf32, #tpu.memory_space<vmem>>, vector<1x16xf32>,
      %mul3A_787 = arith.constant 16 : i32
      %mul3A_788 = arith.muli %scan3A_31, %mul3A_787 : i32
      %add3A_789 = arith.constant 8 : i32
      %add3A_790 = arith.addi %mul3A_788, %add3A_789 : i32
      %slice3A_791 = vector.extract_strided_slice %get3A_37 {offsets = [8], sizes = [1], strides = [1]} : vector<16xf32> to vector<1xf32>
      %squeeze3A_792 = vector.extract %slice3A_791[0] : f32 from vector<1xf32>
      %get3A_793 = arith.index_cast %add3A_790 : i32 to index
      %get3A_794 = arith.constant 0 : index
      %get3A_795 = tpu.vector_load %arg10[%get3A_793, %get3A_794] {strides = array<i32>} : memref<320x64xf32, #tpu.memory_space<vmem>>, vector<1x16xf32>,
      %get3A_796 = vector.shape_cast %get3A_795 : vector<1x16xf32> to vector<16xf32>
      %get3A_797 = arith.index_cast %add3A_790 : i32 to index
      %get3A_798 = arith.constant 0 : index
      %get3A_799 = tpu.vector_load %arg11[%get3A_797, %get3A_798] {strides = array<i32>} : memref<320x64xf32, #tpu.memory_space<vmem>>, vector<1x16xf32>,
      %get3A_800 = vector.shape_cast %get3A_799 : vector<1x16xf32> to vector<16xf32>
      %add3A_801 = arith.addf %get3A_796, %get3A_800 : vector<16xf32>
      %get3A_802 = arith.index_cast %add3A_790 : i32 to index
      %get3A_803 = arith.constant 0 : index
      %get3A_804 = tpu.vector_load %arg12[%get3A_802, %get3A_803] {strides = array<i32>} : memref<320x64xf32, #tpu.memory_space<vmem>>, vector<1x16xf32>,
      %get3A_805 = vector.shape_cast %get3A_804 : vector<1x16xf32> to vector<16xf32>
      %add3A_806 = arith.addf %add3A_801, %get3A_805 : vector<16xf32>
      %mul3A_807 = vector.broadcast %squeeze3A_792 : f32 to vector<16xf32>
      %mul3A_808 = arith.mulf %add3A_806, %mul3A_807 : vector<16xf32>
      %add3A_809 = arith.addf %mul3A_808, %get3A_14 : vector<16xf32>
      %swap3A_810 = arith.index_cast %add3A_790 : i32 to index
      %swap3A_811 = arith.constant 0 : index
      %swap3A_812 = tpu.vector_load %arg10[%swap3A_810, %swap3A_811] {strides = array<i32>} : memref<320x64xf32, #tpu.memory_space<vmem>>, vector<1x16xf32>,
      %swap3A_813 = vector.shape_cast %swap3A_812 : vector<1x16xf32> to vector<16xf32>
      %swap3A_814 = vector.shape_cast %add3A_809 : vector<16xf32> to vector<1x16xf32>
      tpu.vector_store %arg10[%swap3A_810, %swap3A_811], %swap3A_814 {strides = array<i32>} : memref<320x64xf32, #tpu.memory_space<vmem>>, vector<1x16xf32>,
      %get3A_815 = arith.index_cast %add3A_790 : i32 to index
      %get3A_816 = arith.constant 16 : index
      %get3A_817 = tpu.vector_load %arg10[%get3A_815, %get3A_816] {strides = array<i32>} : memref<320x64xf32, #tpu.memory_space<vmem>>, vector<1x16xf32>,
      %get3A_818 = vector.shape_cast %get3A_817 : vector<1x16xf32> to vector<16xf32>
      %get3A_819 = arith.index_cast %add3A_790 : i32 to index
      %get3A_820 = arith.constant 16 : index
      %get3A_821 = tpu.vector_load %arg11[%get3A_819, %get3A_820] {strides = array<i32>} : memref<320x64xf32, #tpu.memory_space<vmem>>, vector<1x16xf32>,
      %get3A_822 = vector.shape_cast %get3A_821 : vector<1x16xf32> to vector<16xf32>
      %add3A_823 = arith.addf %get3A_818, %get3A_822 : vector<16xf32>
      %get3A_824 = arith.index_cast %add3A_790 : i32 to index
      %get3A_825 = arith.constant 16 : index
      %get3A_826 = tpu.vector_load %arg12[%get3A_824, %get3A_825] {strides = array<i32>} : memref<320x64xf32, #tpu.memory_space<vmem>>, vector<1x16xf32>,
      %get3A_827 = vector.shape_cast %get3A_826 : vector<1x16xf32> to vector<16xf32>
      %add3A_828 = arith.addf %add3A_823, %get3A_827 : vector<16xf32>
      %mul3A_829 = vector.broadcast %squeeze3A_792 : f32 to vector<16xf32>
      %mul3A_830 = arith.mulf %add3A_828, %mul3A_829 : vector<16xf32>
      %add3A_831 = arith.addf %mul3A_830, %get3A_17 : vector<16xf32>
      %swap3A_832 = arith.index_cast %add3A_790 : i32 to index
      %swap3A_833 = arith.constant 16 : index
      %swap3A_834 = tpu.vector_load %arg10[%swap3A_832, %swap3A_833] {strides = array<i32>} : memref<320x64xf32, #tpu.memory_space<vmem>>, vector<1x16xf32>,
      %swap3A_835 = vector.shape_cast %swap3A_834 : vector<1x16xf32> to vector<16xf32>
      %swap3A_836 = vector.shape_cast %add3A_831 : vector<16xf32> to vector<1x16xf32>
      tpu.vector_store %arg10[%swap3A_832, %swap3A_833], %swap3A_836 {strides = array<i32>} : memref<320x64xf32, #tpu.memory_space<vmem>>, vector<1x16xf32>,
      %get3A_837 = arith.index_cast %add3A_790 : i32 to index
      %get3A_838 = arith.constant 32 : index
      %get3A_839 = tpu.vector_load %arg10[%get3A_837, %get3A_838] {strides = array<i32>} : memref<320x64xf32, #tpu.memory_space<vmem>>, vector<1x16xf32>,
      %get3A_840 = vector.shape_cast %get3A_839 : vector<1x16xf32> to vector<16xf32>
      %get3A_841 = arith.index_cast %add3A_790 : i32 to index
      %get3A_842 = arith.constant 32 : index
      %get3A_843 = tpu.vector_load %arg11[%get3A_841, %get3A_842] {strides = array<i32>} : memref<320x64xf32, #tpu.memory_space<vmem>>, vector<1x16xf32>,
      %get3A_844 = vector.shape_cast %get3A_843 : vector<1x16xf32> to vector<16xf32>
      %add3A_845 = arith.addf %get3A_840, %get3A_844 : vector<16xf32>
      %get3A_846 = arith.index_cast %add3A_790 : i32 to index
      %get3A_847 = arith.constant 32 : index
      %get3A_848 = tpu.vector_load %arg12[%get3A_846, %get3A_847] {strides = array<i32>} : memref<320x64xf32, #tpu.memory_space<vmem>>, vector<1x16xf32>,
      %get3A_849 = vector.shape_cast %get3A_848 : vector<1x16xf32> to vector<16xf32>
      %add3A_850 = arith.addf %add3A_845, %get3A_849 : vector<16xf32>
      %mul3A_851 = vector.broadcast %squeeze3A_792 : f32 to vector<16xf32>
      %mul3A_852 = arith.mulf %add3A_850, %mul3A_851 : vector<16xf32>
      %add3A_853 = arith.addf %mul3A_852, %get3A_20 : vector<16xf32>
      %swap3A_854 = arith.index_cast %add3A_790 : i32 to index
      %swap3A_855 = arith.constant 32 : index
      %swap3A_856 = tpu.vector_load %arg10[%swap3A_854, %swap3A_855] {strides = array<i32>} : memref<320x64xf32, #tpu.memory_space<vmem>>, vector<1x16xf32>,
      %swap3A_857 = vector.shape_cast %swap3A_856 : vector<1x16xf32> to vector<16xf32>
      %swap3A_858 = vector.shape_cast %add3A_853 : vector<16xf32> to vector<1x16xf32>
      tpu.vector_store %arg10[%swap3A_854, %swap3A_855], %swap3A_858 {strides = array<i32>} : memref<320x64xf32, #tpu.memory_space<vmem>>, vector<1x16xf32>,
      %get3A_859 = arith.index_cast %add3A_790 : i32 to index
      %get3A_860 = arith.constant 48 : index
      %get3A_861 = tpu.vector_load %arg10[%get3A_859, %get3A_860] {strides = array<i32>} : memref<320x64xf32, #tpu.memory_space<vmem>>, vector<1x16xf32>,
      %get3A_862 = vector.shape_cast %get3A_861 : vector<1x16xf32> to vector<16xf32>
      %get3A_863 = arith.index_cast %add3A_790 : i32 to index
      %get3A_864 = arith.constant 48 : index
      %get3A_865 = tpu.vector_load %arg11[%get3A_863, %get3A_864] {strides = array<i32>} : memref<320x64xf32, #tpu.memory_space<vmem>>, vector<1x16xf32>,
      %get3A_866 = vector.shape_cast %get3A_865 : vector<1x16xf32> to vector<16xf32>
      %add3A_867 = arith.addf %get3A_862, %get3A_866 : vector<16xf32>
      %get3A_868 = arith.index_cast %add3A_790 : i32 to index
      %get3A_869 = arith.constant 48 : index
      %get3A_870 = tpu.vector_load %arg12[%get3A_868, %get3A_869] {strides = array<i32>} : memref<320x64xf32, #tpu.memory_space<vmem>>, vector<1x16xf32>,
      %get3A_871 = vector.shape_cast %get3A_870 : vector<1x16xf32> to vector<16xf32>
      %add3A_872 = arith.addf %add3A_867, %get3A_871 : vector<16xf32>
      %mul3A_873 = vector.broadcast %squeeze3A_792 : f32 to vector<16xf32>
      %mul3A_874 = arith.mulf %add3A_872, %mul3A_873 : vector<16xf32>
      %add3A_875 = arith.addf %mul3A_874, %get3A_23 : vector<16xf32>
      %swap3A_876 = arith.index_cast %add3A_790 : i32 to index
      %swap3A_877 = arith.constant 48 : index
      %swap3A_878 = tpu.vector_load %arg10[%swap3A_876, %swap3A_877] {strides = array<i32>} : memref<320x64xf32, #tpu.memory_space<vmem>>, vector<1x16xf32>,
      %swap3A_879 = vector.shape_cast %swap3A_878 : vector<1x16xf32> to vector<16xf32>
      %swap3A_880 = vector.shape_cast %add3A_875 : vector<16xf32> to vector<1x16xf32>
      tpu.vector_store %arg10[%swap3A_876, %swap3A_877], %swap3A_880 {strides = array<i32>} : memref<320x64xf32, #tpu.memory_space<vmem>>, vector<1x16xf32>,
      %mul3A_881 = arith.constant 16 : i32
      %mul3A_882 = arith.muli %scan3A_31, %mul3A_881 : i32
      %add3A_883 = arith.constant 9 : i32
      %add3A_884 = arith.addi %mul3A_882, %add3A_883 : i32
      %slice3A_885 = vector.extract_strided_slice %get3A_37 {offsets = [9], sizes = [1], strides = [1]} : vector<16xf32> to vector<1xf32>
      %squeeze3A_886 = vector.extract %slice3A_885[0] : f32 from vector<1xf32>
      %get3A_887 = arith.index_cast %add3A_884 : i32 to index
      %get3A_888 = arith.constant 0 : index
      %get3A_889 = tpu.vector_load %arg10[%get3A_887, %get3A_888] {strides = array<i32>} : memref<320x64xf32, #tpu.memory_space<vmem>>, vector<1x16xf32>,
      %get3A_890 = vector.shape_cast %get3A_889 : vector<1x16xf32> to vector<16xf32>
      %get3A_891 = arith.index_cast %add3A_884 : i32 to index
      %get3A_892 = arith.constant 0 : index
      %get3A_893 = tpu.vector_load %arg11[%get3A_891, %get3A_892] {strides = array<i32>} : memref<320x64xf32, #tpu.memory_space<vmem>>, vector<1x16xf32>,
      %get3A_894 = vector.shape_cast %get3A_893 : vector<1x16xf32> to vector<16xf32>
      %add3A_895 = arith.addf %get3A_890, %get3A_894 : vector<16xf32>
      %get3A_896 = arith.index_cast %add3A_884 : i32 to index
      %get3A_897 = arith.constant 0 : index
      %get3A_898 = tpu.vector_load %arg12[%get3A_896, %get3A_897] {strides = array<i32>} : memref<320x64xf32, #tpu.memory_space<vmem>>, vector<1x16xf32>,
      %get3A_899 = vector.shape_cast %get3A_898 : vector<1x16xf32> to vector<16xf32>
      %add3A_900 = arith.addf %add3A_895, %get3A_899 : vector<16xf32>
      %mul3A_901 = vector.broadcast %squeeze3A_886 : f32 to vector<16xf32>
      %mul3A_902 = arith.mulf %add3A_900, %mul3A_901 : vector<16xf32>
      %add3A_903 = arith.addf %mul3A_902, %get3A_14 : vector<16xf32>
      %swap3A_904 = arith.index_cast %add3A_884 : i32 to index
      %swap3A_905 = arith.constant 0 : index
      %swap3A_906 = tpu.vector_load %arg10[%swap3A_904, %swap3A_905] {strides = array<i32>} : memref<320x64xf32, #tpu.memory_space<vmem>>, vector<1x16xf32>,
      %swap3A_907 = vector.shape_cast %swap3A_906 : vector<1x16xf32> to vector<16xf32>
      %swap3A_908 = vector.shape_cast %add3A_903 : vector<16xf32> to vector<1x16xf32>
      tpu.vector_store %arg10[%swap3A_904, %swap3A_905], %swap3A_908 {strides = array<i32>} : memref<320x64xf32, #tpu.memory_space<vmem>>, vector<1x16xf32>,
      %get3A_909 = arith.index_cast %add3A_884 : i32 to index
      %get3A_910 = arith.constant 16 : index
      %get3A_911 = tpu.vector_load %arg10[%get3A_909, %get3A_910] {strides = array<i32>} : memref<320x64xf32, #tpu.memory_space<vmem>>, vector<1x16xf32>,
      %get3A_912 = vector.shape_cast %get3A_911 : vector<1x16xf32> to vector<16xf32>
      %get3A_913 = arith.index_cast %add3A_884 : i32 to index
      %get3A_914 = arith.constant 16 : index
      %get3A_915 = tpu.vector_load %arg11[%get3A_913, %get3A_914] {strides = array<i32>} : memref<320x64xf32, #tpu.memory_space<vmem>>, vector<1x16xf32>,
      %get3A_916 = vector.shape_cast %get3A_915 : vector<1x16xf32> to vector<16xf32>
      %add3A_917 = arith.addf %get3A_912, %get3A_916 : vector<16xf32>
      %get3A_918 = arith.index_cast %add3A_884 : i32 to index
      %get3A_919 = arith.constant 16 : index
      %get3A_920 = tpu.vector_load %arg12[%get3A_918, %get3A_919] {strides = array<i32>} : memref<320x64xf32, #tpu.memory_space<vmem>>, vector<1x16xf32>,
      %get3A_921 = vector.shape_cast %get3A_920 : vector<1x16xf32> to vector<16xf32>
      %add3A_922 = arith.addf %add3A_917, %get3A_921 : vector<16xf32>
      %mul3A_923 = vector.broadcast %squeeze3A_886 : f32 to vector<16xf32>
      %mul3A_924 = arith.mulf %add3A_922, %mul3A_923 : vector<16xf32>
      %add3A_925 = arith.addf %mul3A_924, %get3A_17 : vector<16xf32>
      %swap3A_926 = arith.index_cast %add3A_884 : i32 to index
      %swap3A_927 = arith.constant 16 : index
      %swap3A_928 = tpu.vector_load %arg10[%swap3A_926, %swap3A_927] {strides = array<i32>} : memref<320x64xf32, #tpu.memory_space<vmem>>, vector<1x16xf32>,
      %swap3A_929 = vector.shape_cast %swap3A_928 : vector<1x16xf32> to vector<16xf32>
      %swap3A_930 = vector.shape_cast %add3A_925 : vector<16xf32> to vector<1x16xf32>
      tpu.vector_store %arg10[%swap3A_926, %swap3A_927], %swap3A_930 {strides = array<i32>} : memref<320x64xf32, #tpu.memory_space<vmem>>, vector<1x16xf32>,
      %get3A_931 = arith.index_cast %add3A_884 : i32 to index
      %get3A_932 = arith.constant 32 : index
      %get3A_933 = tpu.vector_load %arg10[%get3A_931, %get3A_932] {strides = array<i32>} : memref<320x64xf32, #tpu.memory_space<vmem>>, vector<1x16xf32>,
      %get3A_934 = vector.shape_cast %get3A_933 : vector<1x16xf32> to vector<16xf32>
      %get3A_935 = arith.index_cast %add3A_884 : i32 to index
      %get3A_936 = arith.constant 32 : index
      %get3A_937 = tpu.vector_load %arg11[%get3A_935, %get3A_936] {strides = array<i32>} : memref<320x64xf32, #tpu.memory_space<vmem>>, vector<1x16xf32>,
      %get3A_938 = vector.shape_cast %get3A_937 : vector<1x16xf32> to vector<16xf32>
      %add3A_939 = arith.addf %get3A_934, %get3A_938 : vector<16xf32>
      %get3A_940 = arith.index_cast %add3A_884 : i32 to index
      %get3A_941 = arith.constant 32 : index
      %get3A_942 = tpu.vector_load %arg12[%get3A_940, %get3A_941] {strides = array<i32>} : memref<320x64xf32, #tpu.memory_space<vmem>>, vector<1x16xf32>,
      %get3A_943 = vector.shape_cast %get3A_942 : vector<1x16xf32> to vector<16xf32>
      %add3A_944 = arith.addf %add3A_939, %get3A_943 : vector<16xf32>
      %mul3A_945 = vector.broadcast %squeeze3A_886 : f32 to vector<16xf32>
      %mul3A_946 = arith.mulf %add3A_944, %mul3A_945 : vector<16xf32>
      %add3A_947 = arith.addf %mul3A_946, %get3A_20 : vector<16xf32>
      %swap3A_948 = arith.index_cast %add3A_884 : i32 to index
      %swap3A_949 = arith.constant 32 : index
      %swap3A_950 = tpu.vector_load %arg10[%swap3A_948, %swap3A_949] {strides = array<i32>} : memref<320x64xf32, #tpu.memory_space<vmem>>, vector<1x16xf32>,
      %swap3A_951 = vector.shape_cast %swap3A_950 : vector<1x16xf32> to vector<16xf32>
      %swap3A_952 = vector.shape_cast %add3A_947 : vector<16xf32> to vector<1x16xf32>
      tpu.vector_store %arg10[%swap3A_948, %swap3A_949], %swap3A_952 {strides = array<i32>} : memref<320x64xf32, #tpu.memory_space<vmem>>, vector<1x16xf32>,
      %get3A_953 = arith.index_cast %add3A_884 : i32 to index
      %get3A_954 = arith.constant 48 : index
      %get3A_955 = tpu.vector_load %arg10[%get3A_953, %get3A_954] {strides = array<i32>} : memref<320x64xf32, #tpu.memory_space<vmem>>, vector<1x16xf32>,
      %get3A_956 = vector.shape_cast %get3A_955 : vector<1x16xf32> to vector<16xf32>
      %get3A_957 = arith.index_cast %add3A_884 : i32 to index
      %get3A_958 = arith.constant 48 : index
      %get3A_959 = tpu.vector_load %arg11[%get3A_957, %get3A_958] {strides = array<i32>} : memref<320x64xf32, #tpu.memory_space<vmem>>, vector<1x16xf32>,
      %get3A_960 = vector.shape_cast %get3A_959 : vector<1x16xf32> to vector<16xf32>
      %add3A_961 = arith.addf %get3A_956, %get3A_960 : vector<16xf32>
      %get3A_962 = arith.index_cast %add3A_884 : i32 to index
      %get3A_963 = arith.constant 48 : index
      %get3A_964 = tpu.vector_load %arg12[%get3A_962, %get3A_963] {strides = array<i32>} : memref<320x64xf32, #tpu.memory_space<vmem>>, vector<1x16xf32>,
      %get3A_965 = vector.shape_cast %get3A_964 : vector<1x16xf32> to vector<16xf32>
      %add3A_966 = arith.addf %add3A_961, %get3A_965 : vector<16xf32>
      %mul3A_967 = vector.broadcast %squeeze3A_886 : f32 to vector<16xf32>
      %mul3A_968 = arith.mulf %add3A_966, %mul3A_967 : vector<16xf32>
      %add3A_969 = arith.addf %mul3A_968, %get3A_23 : vector<16xf32>
      %swap3A_970 = arith.index_cast %add3A_884 : i32 to index
      %swap3A_971 = arith.constant 48 : index
      %swap3A_972 = tpu.vector_load %arg10[%swap3A_970, %swap3A_971] {strides = array<i32>} : memref<320x64xf32, #tpu.memory_space<vmem>>, vector<1x16xf32>,
      %swap3A_973 = vector.shape_cast %swap3A_972 : vector<1x16xf32> to vector<16xf32>
      %swap3A_974 = vector.shape_cast %add3A_969 : vector<16xf32> to vector<1x16xf32>
      tpu.vector_store %arg10[%swap3A_970, %swap3A_971], %swap3A_974 {strides = array<i32>} : memref<320x64xf32, #tpu.memory_space<vmem>>, vector<1x16xf32>,
      %mul3A_975 = arith.constant 16 : i32
      %mul3A_976 = arith.muli %scan3A_31, %mul3A_975 : i32
      %add3A_977 = arith.constant 10 : i32
      %add3A_978 = arith.addi %mul3A_976, %add3A_977 : i32
      %slice3A_979 = vector.extract_strided_slice %get3A_37 {offsets = [10], sizes = [1], strides = [1]} : vector<16xf32> to vector<1xf32>
      %squeeze3A_980 = vector.extract %slice3A_979[0] : f32 from vector<1xf32>
      %get3A_981 = arith.index_cast %add3A_978 : i32 to index
      %get3A_982 = arith.constant 0 : index
      %get3A_983 = tpu.vector_load %arg10[%get3A_981, %get3A_982] {strides = array<i32>} : memref<320x64xf32, #tpu.memory_space<vmem>>, vector<1x16xf32>,
      %get3A_984 = vector.shape_cast %get3A_983 : vector<1x16xf32> to vector<16xf32>
      %get3A_985 = arith.index_cast %add3A_978 : i32 to index
      %get3A_986 = arith.constant 0 : index
      %get3A_987 = tpu.vector_load %arg11[%get3A_985, %get3A_986] {strides = array<i32>} : memref<320x64xf32, #tpu.memory_space<vmem>>, vector<1x16xf32>,
      %get3A_988 = vector.shape_cast %get3A_987 : vector<1x16xf32> to vector<16xf32>
      %add3A_989 = arith.addf %get3A_984, %get3A_988 : vector<16xf32>
      %get3A_990 = arith.index_cast %add3A_978 : i32 to index
      %get3A_991 = arith.constant 0 : index
      %get3A_992 = tpu.vector_load %arg12[%get3A_990, %get3A_991] {strides = array<i32>} : memref<320x64xf32, #tpu.memory_space<vmem>>, vector<1x16xf32>,
      %get3A_993 = vector.shape_cast %get3A_992 : vector<1x16xf32> to vector<16xf32>
      %add3A_994 = arith.addf %add3A_989, %get3A_993 : vector<16xf32>
      %mul3A_995 = vector.broadcast %squeeze3A_980 : f32 to vector<16xf32>
      %mul3A_996 = arith.mulf %add3A_994, %mul3A_995 : vector<16xf32>
      %add3A_997 = arith.addf %mul3A_996, %get3A_14 : vector<16xf32>
      %swap3A_998 = arith.index_cast %add3A_978 : i32 to index
      %swap3A_999 = arith.constant 0 : index
      %swap3A_1000 = tpu.vector_load %arg10[%swap3A_998, %swap3A_999] {strides = array<i32>} : memref<320x64xf32, #tpu.memory_space<vmem>>, vector<1x16xf32>,
      %swap3A_1001 = vector.shape_cast %swap3A_1000 : vector<1x16xf32> to vector<16xf32>
      %swap3A_1002 = vector.shape_cast %add3A_997 : vector<16xf32> to vector<1x16xf32>
      tpu.vector_store %arg10[%swap3A_998, %swap3A_999], %swap3A_1002 {strides = array<i32>} : memref<320x64xf32, #tpu.memory_space<vmem>>, vector<1x16xf32>,
      %get3A_1003 = arith.index_cast %add3A_978 : i32 to index
      %get3A_1004 = arith.constant 16 : index
      %get3A_1005 = tpu.vector_load %arg10[%get3A_1003, %get3A_1004] {strides = array<i32>} : memref<320x64xf32, #tpu.memory_space<vmem>>, vector<1x16xf32>,
      %get3A_1006 = vector.shape_cast %get3A_1005 : vector<1x16xf32> to vector<16xf32>
      %get3A_1007 = arith.index_cast %add3A_978 : i32 to index
      %get3A_1008 = arith.constant 16 : index
      %get3A_1009 = tpu.vector_load %arg11[%get3A_1007, %get3A_1008] {strides = array<i32>} : memref<320x64xf32, #tpu.memory_space<vmem>>, vector<1x16xf32>,
      %get3A_1010 = vector.shape_cast %get3A_1009 : vector<1x16xf32> to vector<16xf32>
      %add3A_1011 = arith.addf %get3A_1006, %get3A_1010 : vector<16xf32>
      %get3A_1012 = arith.index_cast %add3A_978 : i32 to index
      %get3A_1013 = arith.constant 16 : index
      %get3A_1014 = tpu.vector_load %arg12[%get3A_1012, %get3A_1013] {strides = array<i32>} : memref<320x64xf32, #tpu.memory_space<vmem>>, vector<1x16xf32>,
      %get3A_1015 = vector.shape_cast %get3A_1014 : vector<1x16xf32> to vector<16xf32>
      %add3A_1016 = arith.addf %add3A_1011, %get3A_1015 : vector<16xf32>
      %mul3A_1017 = vector.broadcast %squeeze3A_980 : f32 to vector<16xf32>
      %mul3A_1018 = arith.mulf %add3A_1016, %mul3A_1017 : vector<16xf32>
      %add3A_1019 = arith.addf %mul3A_1018, %get3A_17 : vector<16xf32>
      %swap3A_1020 = arith.index_cast %add3A_978 : i32 to index
      %swap3A_1021 = arith.constant 16 : index
      %swap3A_1022 = tpu.vector_load %arg10[%swap3A_1020, %swap3A_1021] {strides = array<i32>} : memref<320x64xf32, #tpu.memory_space<vmem>>, vector<1x16xf32>,
      %swap3A_1023 = vector.shape_cast %swap3A_1022 : vector<1x16xf32> to vector<16xf32>
      %swap3A_1024 = vector.shape_cast %add3A_1019 : vector<16xf32> to vector<1x16xf32>
      tpu.vector_store %arg10[%swap3A_1020, %swap3A_1021], %swap3A_1024 {strides = array<i32>} : memref<320x64xf32, #tpu.memory_space<vmem>>, vector<1x16xf32>,
      %get3A_1025 = arith.index_cast %add3A_978 : i32 to index
      %get3A_1026 = arith.constant 32 : index
      %get3A_1027 = tpu.vector_load %arg10[%get3A_1025, %get3A_1026] {strides = array<i32>} : memref<320x64xf32, #tpu.memory_space<vmem>>, vector<1x16xf32>,
      %get3A_1028 = vector.shape_cast %get3A_1027 : vector<1x16xf32> to vector<16xf32>
      %get3A_1029 = arith.index_cast %add3A_978 : i32 to index
      %get3A_1030 = arith.constant 32 : index
      %get3A_1031 = tpu.vector_load %arg11[%get3A_1029, %get3A_1030] {strides = array<i32>} : memref<320x64xf32, #tpu.memory_space<vmem>>, vector<1x16xf32>,
      %get3A_1032 = vector.shape_cast %get3A_1031 : vector<1x16xf32> to vector<16xf32>
      %add3A_1033 = arith.addf %get3A_1028, %get3A_1032 : vector<16xf32>
      %get3A_1034 = arith.index_cast %add3A_978 : i32 to index
      %get3A_1035 = arith.constant 32 : index
      %get3A_1036 = tpu.vector_load %arg12[%get3A_1034, %get3A_1035] {strides = array<i32>} : memref<320x64xf32, #tpu.memory_space<vmem>>, vector<1x16xf32>,
      %get3A_1037 = vector.shape_cast %get3A_1036 : vector<1x16xf32> to vector<16xf32>
      %add3A_1038 = arith.addf %add3A_1033, %get3A_1037 : vector<16xf32>
      %mul3A_1039 = vector.broadcast %squeeze3A_980 : f32 to vector<16xf32>
      %mul3A_1040 = arith.mulf %add3A_1038, %mul3A_1039 : vector<16xf32>
      %add3A_1041 = arith.addf %mul3A_1040, %get3A_20 : vector<16xf32>
      %swap3A_1042 = arith.index_cast %add3A_978 : i32 to index
      %swap3A_1043 = arith.constant 32 : index
      %swap3A_1044 = tpu.vector_load %arg10[%swap3A_1042, %swap3A_1043] {strides = array<i32>} : memref<320x64xf32, #tpu.memory_space<vmem>>, vector<1x16xf32>,
      %swap3A_1045 = vector.shape_cast %swap3A_1044 : vector<1x16xf32> to vector<16xf32>
      %swap3A_1046 = vector.shape_cast %add3A_1041 : vector<16xf32> to vector<1x16xf32>
      tpu.vector_store %arg10[%swap3A_1042, %swap3A_1043], %swap3A_1046 {strides = array<i32>} : memref<320x64xf32, #tpu.memory_space<vmem>>, vector<1x16xf32>,
      %get3A_1047 = arith.index_cast %add3A_978 : i32 to index
      %get3A_1048 = arith.constant 48 : index
      %get3A_1049 = tpu.vector_load %arg10[%get3A_1047, %get3A_1048] {strides = array<i32>} : memref<320x64xf32, #tpu.memory_space<vmem>>, vector<1x16xf32>,
      %get3A_1050 = vector.shape_cast %get3A_1049 : vector<1x16xf32> to vector<16xf32>
      %get3A_1051 = arith.index_cast %add3A_978 : i32 to index
      %get3A_1052 = arith.constant 48 : index
      %get3A_1053 = tpu.vector_load %arg11[%get3A_1051, %get3A_1052] {strides = array<i32>} : memref<320x64xf32, #tpu.memory_space<vmem>>, vector<1x16xf32>,
      %get3A_1054 = vector.shape_cast %get3A_1053 : vector<1x16xf32> to vector<16xf32>
      %add3A_1055 = arith.addf %get3A_1050, %get3A_1054 : vector<16xf32>
      %get3A_1056 = arith.index_cast %add3A_978 : i32 to index
      %get3A_1057 = arith.constant 48 : index
      %get3A_1058 = tpu.vector_load %arg12[%get3A_1056, %get3A_1057] {strides = array<i32>} : memref<320x64xf32, #tpu.memory_space<vmem>>, vector<1x16xf32>,
      %get3A_1059 = vector.shape_cast %get3A_1058 : vector<1x16xf32> to vector<16xf32>
      %add3A_1060 = arith.addf %add3A_1055, %get3A_1059 : vector<16xf32>
      %mul3A_1061 = vector.broadcast %squeeze3A_980 : f32 to vector<16xf32>
      %mul3A_1062 = arith.mulf %add3A_1060, %mul3A_1061 : vector<16xf32>
      %add3A_1063 = arith.addf %mul3A_1062, %get3A_23 : vector<16xf32>
      %swap3A_1064 = arith.index_cast %add3A_978 : i32 to index
      %swap3A_1065 = arith.constant 48 : index
      %swap3A_1066 = tpu.vector_load %arg10[%swap3A_1064, %swap3A_1065] {strides = array<i32>} : memref<320x64xf32, #tpu.memory_space<vmem>>, vector<1x16xf32>,
      %swap3A_1067 = vector.shape_cast %swap3A_1066 : vector<1x16xf32> to vector<16xf32>
      %swap3A_1068 = vector.shape_cast %add3A_1063 : vector<16xf32> to vector<1x16xf32>
      tpu.vector_store %arg10[%swap3A_1064, %swap3A_1065], %swap3A_1068 {strides = array<i32>} : memref<320x64xf32, #tpu.memory_space<vmem>>, vector<1x16xf32>,
      %mul3A_1069 = arith.constant 16 : i32
      %mul3A_1070 = arith.muli %scan3A_31, %mul3A_1069 : i32
      %add3A_1071 = arith.constant 11 : i32
      %add3A_1072 = arith.addi %mul3A_1070, %add3A_1071 : i32
      %slice3A_1073 = vector.extract_strided_slice %get3A_37 {offsets = [11], sizes = [1], strides = [1]} : vector<16xf32> to vector<1xf32>
      %squeeze3A_1074 = vector.extract %slice3A_1073[0] : f32 from vector<1xf32>
      %get3A_1075 = arith.index_cast %add3A_1072 : i32 to index
      %get3A_1076 = arith.constant 0 : index
      %get3A_1077 = tpu.vector_load %arg10[%get3A_1075, %get3A_1076] {strides = array<i32>} : memref<320x64xf32, #tpu.memory_space<vmem>>, vector<1x16xf32>,
      %get3A_1078 = vector.shape_cast %get3A_1077 : vector<1x16xf32> to vector<16xf32>
      %get3A_1079 = arith.index_cast %add3A_1072 : i32 to index
      %get3A_1080 = arith.constant 0 : index
      %get3A_1081 = tpu.vector_load %arg11[%get3A_1079, %get3A_1080] {strides = array<i32>} : memref<320x64xf32, #tpu.memory_space<vmem>>, vector<1x16xf32>,
      %get3A_1082 = vector.shape_cast %get3A_1081 : vector<1x16xf32> to vector<16xf32>
      %add3A_1083 = arith.addf %get3A_1078, %get3A_1082 : vector<16xf32>
      %get3A_1084 = arith.index_cast %add3A_1072 : i32 to index
      %get3A_1085 = arith.constant 0 : index
      %get3A_1086 = tpu.vector_load %arg12[%get3A_1084, %get3A_1085] {strides = array<i32>} : memref<320x64xf32, #tpu.memory_space<vmem>>, vector<1x16xf32>,
      %get3A_1087 = vector.shape_cast %get3A_1086 : vector<1x16xf32> to vector<16xf32>
      %add3A_1088 = arith.addf %add3A_1083, %get3A_1087 : vector<16xf32>
      %mul3A_1089 = vector.broadcast %squeeze3A_1074 : f32 to vector<16xf32>
      %mul3A_1090 = arith.mulf %add3A_1088, %mul3A_1089 : vector<16xf32>
      %add3A_1091 = arith.addf %mul3A_1090, %get3A_14 : vector<16xf32>
      %swap3A_1092 = arith.index_cast %add3A_1072 : i32 to index
      %swap3A_1093 = arith.constant 0 : index
      %swap3A_1094 = tpu.vector_load %arg10[%swap3A_1092, %swap3A_1093] {strides = array<i32>} : memref<320x64xf32, #tpu.memory_space<vmem>>, vector<1x16xf32>,
      %swap3A_1095 = vector.shape_cast %swap3A_1094 : vector<1x16xf32> to vector<16xf32>
      %swap3A_1096 = vector.shape_cast %add3A_1091 : vector<16xf32> to vector<1x16xf32>
      tpu.vector_store %arg10[%swap3A_1092, %swap3A_1093], %swap3A_1096 {strides = array<i32>} : memref<320x64xf32, #tpu.memory_space<vmem>>, vector<1x16xf32>,
      %get3A_1097 = arith.index_cast %add3A_1072 : i32 to index
      %get3A_1098 = arith.constant 16 : index
      %get3A_1099 = tpu.vector_load %arg10[%get3A_1097, %get3A_1098] {strides = array<i32>} : memref<320x64xf32, #tpu.memory_space<vmem>>, vector<1x16xf32>,
      %get3A_1100 = vector.shape_cast %get3A_1099 : vector<1x16xf32> to vector<16xf32>
      %get3A_1101 = arith.index_cast %add3A_1072 : i32 to index
      %get3A_1102 = arith.constant 16 : index
      %get3A_1103 = tpu.vector_load %arg11[%get3A_1101, %get3A_1102] {strides = array<i32>} : memref<320x64xf32, #tpu.memory_space<vmem>>, vector<1x16xf32>,
      %get3A_1104 = vector.shape_cast %get3A_1103 : vector<1x16xf32> to vector<16xf32>
      %add3A_1105 = arith.addf %get3A_1100, %get3A_1104 : vector<16xf32>
      %get3A_1106 = arith.index_cast %add3A_1072 : i32 to index
      %get3A_1107 = arith.constant 16 : index
      %get3A_1108 = tpu.vector_load %arg12[%get3A_1106, %get3A_1107] {strides = array<i32>} : memref<320x64xf32, #tpu.memory_space<vmem>>, vector<1x16xf32>,
      %get3A_1109 = vector.shape_cast %get3A_1108 : vector<1x16xf32> to vector<16xf32>
      %add3A_1110 = arith.addf %add3A_1105, %get3A_1109 : vector<16xf32>
      %mul3A_1111 = vector.broadcast %squeeze3A_1074 : f32 to vector<16xf32>
      %mul3A_1112 = arith.mulf %add3A_1110, %mul3A_1111 : vector<16xf32>
      %add3A_1113 = arith.addf %mul3A_1112, %get3A_17 : vector<16xf32>
      %swap3A_1114 = arith.index_cast %add3A_1072 : i32 to index
      %swap3A_1115 = arith.constant 16 : index
      %swap3A_1116 = tpu.vector_load %arg10[%swap3A_1114, %swap3A_1115] {strides = array<i32>} : memref<320x64xf32, #tpu.memory_space<vmem>>, vector<1x16xf32>,
      %swap3A_1117 = vector.shape_cast %swap3A_1116 : vector<1x16xf32> to vector<16xf32>
      %swap3A_1118 = vector.shape_cast %add3A_1113 : vector<16xf32> to vector<1x16xf32>
      tpu.vector_store %arg10[%swap3A_1114, %swap3A_1115], %swap3A_1118 {strides = array<i32>} : memref<320x64xf32, #tpu.memory_space<vmem>>, vector<1x16xf32>,
      %get3A_1119 = arith.index_cast %add3A_1072 : i32 to index
      %get3A_1120 = arith.constant 32 : index
      %get3A_1121 = tpu.vector_load %arg10[%get3A_1119, %get3A_1120] {strides = array<i32>} : memref<320x64xf32, #tpu.memory_space<vmem>>, vector<1x16xf32>,
      %get3A_1122 = vector.shape_cast %get3A_1121 : vector<1x16xf32> to vector<16xf32>
      %get3A_1123 = arith.index_cast %add3A_1072 : i32 to index
      %get3A_1124 = arith.constant 32 : index
      %get3A_1125 = tpu.vector_load %arg11[%get3A_1123, %get3A_1124] {strides = array<i32>} : memref<320x64xf32, #tpu.memory_space<vmem>>, vector<1x16xf32>,
      %get3A_1126 = vector.shape_cast %get3A_1125 : vector<1x16xf32> to vector<16xf32>
      %add3A_1127 = arith.addf %get3A_1122, %get3A_1126 : vector<16xf32>
      %get3A_1128 = arith.index_cast %add3A_1072 : i32 to index
      %get3A_1129 = arith.constant 32 : index
      %get3A_1130 = tpu.vector_load %arg12[%get3A_1128, %get3A_1129] {strides = array<i32>} : memref<320x64xf32, #tpu.memory_space<vmem>>, vector<1x16xf32>,
      %get3A_1131 = vector.shape_cast %get3A_1130 : vector<1x16xf32> to vector<16xf32>
      %add3A_1132 = arith.addf %add3A_1127, %get3A_1131 : vector<16xf32>
      %mul3A_1133 = vector.broadcast %squeeze3A_1074 : f32 to vector<16xf32>
      %mul3A_1134 = arith.mulf %add3A_1132, %mul3A_1133 : vector<16xf32>
      %add3A_1135 = arith.addf %mul3A_1134, %get3A_20 : vector<16xf32>
      %swap3A_1136 = arith.index_cast %add3A_1072 : i32 to index
      %swap3A_1137 = arith.constant 32 : index
      %swap3A_1138 = tpu.vector_load %arg10[%swap3A_1136, %swap3A_1137] {strides = array<i32>} : memref<320x64xf32, #tpu.memory_space<vmem>>, vector<1x16xf32>,
      %swap3A_1139 = vector.shape_cast %swap3A_1138 : vector<1x16xf32> to vector<16xf32>
      %swap3A_1140 = vector.shape_cast %add3A_1135 : vector<16xf32> to vector<1x16xf32>
      tpu.vector_store %arg10[%swap3A_1136, %swap3A_1137], %swap3A_1140 {strides = array<i32>} : memref<320x64xf32, #tpu.memory_space<vmem>>, vector<1x16xf32>,
      %get3A_1141 = arith.index_cast %add3A_1072 : i32 to index
      %get3A_1142 = arith.constant 48 : index
      %get3A_1143 = tpu.vector_load %arg10[%get3A_1141, %get3A_1142] {strides = array<i32>} : memref<320x64xf32, #tpu.memory_space<vmem>>, vector<1x16xf32>,
      %get3A_1144 = vector.shape_cast %get3A_1143 : vector<1x16xf32> to vector<16xf32>
      %get3A_1145 = arith.index_cast %add3A_1072 : i32 to index
      %get3A_1146 = arith.constant 48 : index
      %get3A_1147 = tpu.vector_load %arg11[%get3A_1145, %get3A_1146] {strides = array<i32>} : memref<320x64xf32, #tpu.memory_space<vmem>>, vector<1x16xf32>,
      %get3A_1148 = vector.shape_cast %get3A_1147 : vector<1x16xf32> to vector<16xf32>
      %add3A_1149 = arith.addf %get3A_1144, %get3A_1148 : vector<16xf32>
      %get3A_1150 = arith.index_cast %add3A_1072 : i32 to index
      %get3A_1151 = arith.constant 48 : index
      %get3A_1152 = tpu.vector_load %arg12[%get3A_1150, %get3A_1151] {strides = array<i32>} : memref<320x64xf32, #tpu.memory_space<vmem>>, vector<1x16xf32>,
      %get3A_1153 = vector.shape_cast %get3A_1152 : vector<1x16xf32> to vector<16xf32>
      %add3A_1154 = arith.addf %add3A_1149, %get3A_1153 : vector<16xf32>
      %mul3A_1155 = vector.broadcast %squeeze3A_1074 : f32 to vector<16xf32>
      %mul3A_1156 = arith.mulf %add3A_1154, %mul3A_1155 : vector<16xf32>
      %add3A_1157 = arith.addf %mul3A_1156, %get3A_23 : vector<16xf32>
      %swap3A_1158 = arith.index_cast %add3A_1072 : i32 to index
      %swap3A_1159 = arith.constant 48 : index
      %swap3A_1160 = tpu.vector_load %arg10[%swap3A_1158, %swap3A_1159] {strides = array<i32>} : memref<320x64xf32, #tpu.memory_space<vmem>>, vector<1x16xf32>,
      %swap3A_1161 = vector.shape_cast %swap3A_1160 : vector<1x16xf32> to vector<16xf32>
      %swap3A_1162 = vector.shape_cast %add3A_1157 : vector<16xf32> to vector<1x16xf32>
      tpu.vector_store %arg10[%swap3A_1158, %swap3A_1159], %swap3A_1162 {strides = array<i32>} : memref<320x64xf32, #tpu.memory_space<vmem>>, vector<1x16xf32>,
      %mul3A_1163 = arith.constant 16 : i32
      %mul3A_1164 = arith.muli %scan3A_31, %mul3A_1163 : i32
      %add3A_1165 = arith.constant 12 : i32
      %add3A_1166 = arith.addi %mul3A_1164, %add3A_1165 : i32
      %slice3A_1167 = vector.extract_strided_slice %get3A_37 {offsets = [12], sizes = [1], strides = [1]} : vector<16xf32> to vector<1xf32>
      %squeeze3A_1168 = vector.extract %slice3A_1167[0] : f32 from vector<1xf32>
      %get3A_1169 = arith.index_cast %add3A_1166 : i32 to index
      %get3A_1170 = arith.constant 0 : index
      %get3A_1171 = tpu.vector_load %arg10[%get3A_1169, %get3A_1170] {strides = array<i32>} : memref<320x64xf32, #tpu.memory_space<vmem>>, vector<1x16xf32>,
      %get3A_1172 = vector.shape_cast %get3A_1171 : vector<1x16xf32> to vector<16xf32>
      %get3A_1173 = arith.index_cast %add3A_1166 : i32 to index
      %get3A_1174 = arith.constant 0 : index
      %get3A_1175 = tpu.vector_load %arg11[%get3A_1173, %get3A_1174] {strides = array<i32>} : memref<320x64xf32, #tpu.memory_space<vmem>>, vector<1x16xf32>,
      %get3A_1176 = vector.shape_cast %get3A_1175 : vector<1x16xf32> to vector<16xf32>
      %add3A_1177 = arith.addf %get3A_1172, %get3A_1176 : vector<16xf32>
      %get3A_1178 = arith.index_cast %add3A_1166 : i32 to index
      %get3A_1179 = arith.constant 0 : index
      %get3A_1180 = tpu.vector_load %arg12[%get3A_1178, %get3A_1179] {strides = array<i32>} : memref<320x64xf32, #tpu.memory_space<vmem>>, vector<1x16xf32>,
      %get3A_1181 = vector.shape_cast %get3A_1180 : vector<1x16xf32> to vector<16xf32>
      %add3A_1182 = arith.addf %add3A_1177, %get3A_1181 : vector<16xf32>
      %mul3A_1183 = vector.broadcast %squeeze3A_1168 : f32 to vector<16xf32>
      %mul3A_1184 = arith.mulf %add3A_1182, %mul3A_1183 : vector<16xf32>
      %add3A_1185 = arith.addf %mul3A_1184, %get3A_14 : vector<16xf32>
      %swap3A_1186 = arith.index_cast %add3A_1166 : i32 to index
      %swap3A_1187 = arith.constant 0 : index
      %swap3A_1188 = tpu.vector_load %arg10[%swap3A_1186, %swap3A_1187] {strides = array<i32>} : memref<320x64xf32, #tpu.memory_space<vmem>>, vector<1x16xf32>,
      %swap3A_1189 = vector.shape_cast %swap3A_1188 : vector<1x16xf32> to vector<16xf32>
      %swap3A_1190 = vector.shape_cast %add3A_1185 : vector<16xf32> to vector<1x16xf32>
      tpu.vector_store %arg10[%swap3A_1186, %swap3A_1187], %swap3A_1190 {strides = array<i32>} : memref<320x64xf32, #tpu.memory_space<vmem>>, vector<1x16xf32>,
      %get3A_1191 = arith.index_cast %add3A_1166 : i32 to index
      %get3A_1192 = arith.constant 16 : index
      %get3A_1193 = tpu.vector_load %arg10[%get3A_1191, %get3A_1192] {strides = array<i32>} : memref<320x64xf32, #tpu.memory_space<vmem>>, vector<1x16xf32>,
      %get3A_1194 = vector.shape_cast %get3A_1193 : vector<1x16xf32> to vector<16xf32>
      %get3A_1195 = arith.index_cast %add3A_1166 : i32 to index
      %get3A_1196 = arith.constant 16 : index
      %get3A_1197 = tpu.vector_load %arg11[%get3A_1195, %get3A_1196] {strides = array<i32>} : memref<320x64xf32, #tpu.memory_space<vmem>>, vector<1x16xf32>,
      %get3A_1198 = vector.shape_cast %get3A_1197 : vector<1x16xf32> to vector<16xf32>
      %add3A_1199 = arith.addf %get3A_1194, %get3A_1198 : vector<16xf32>
      %get3A_1200 = arith.index_cast %add3A_1166 : i32 to index
      %get3A_1201 = arith.constant 16 : index
      %get3A_1202 = tpu.vector_load %arg12[%get3A_1200, %get3A_1201] {strides = array<i32>} : memref<320x64xf32, #tpu.memory_space<vmem>>, vector<1x16xf32>,
      %get3A_1203 = vector.shape_cast %get3A_1202 : vector<1x16xf32> to vector<16xf32>
      %add3A_1204 = arith.addf %add3A_1199, %get3A_1203 : vector<16xf32>
      %mul3A_1205 = vector.broadcast %squeeze3A_1168 : f32 to vector<16xf32>
      %mul3A_1206 = arith.mulf %add3A_1204, %mul3A_1205 : vector<16xf32>
      %add3A_1207 = arith.addf %mul3A_1206, %get3A_17 : vector<16xf32>
      %swap3A_1208 = arith.index_cast %add3A_1166 : i32 to index
      %swap3A_1209 = arith.constant 16 : index
      %swap3A_1210 = tpu.vector_load %arg10[%swap3A_1208, %swap3A_1209] {strides = array<i32>} : memref<320x64xf32, #tpu.memory_space<vmem>>, vector<1x16xf32>,
      %swap3A_1211 = vector.shape_cast %swap3A_1210 : vector<1x16xf32> to vector<16xf32>
      %swap3A_1212 = vector.shape_cast %add3A_1207 : vector<16xf32> to vector<1x16xf32>
      tpu.vector_store %arg10[%swap3A_1208, %swap3A_1209], %swap3A_1212 {strides = array<i32>} : memref<320x64xf32, #tpu.memory_space<vmem>>, vector<1x16xf32>,
      %get3A_1213 = arith.index_cast %add3A_1166 : i32 to index
      %get3A_1214 = arith.constant 32 : index
      %get3A_1215 = tpu.vector_load %arg10[%get3A_1213, %get3A_1214] {strides = array<i32>} : memref<320x64xf32, #tpu.memory_space<vmem>>, vector<1x16xf32>,
      %get3A_1216 = vector.shape_cast %get3A_1215 : vector<1x16xf32> to vector<16xf32>
      %get3A_1217 = arith.index_cast %add3A_1166 : i32 to index
      %get3A_1218 = arith.constant 32 : index
      %get3A_1219 = tpu.vector_load %arg11[%get3A_1217, %get3A_1218] {strides = array<i32>} : memref<320x64xf32, #tpu.memory_space<vmem>>, vector<1x16xf32>,
      %get3A_1220 = vector.shape_cast %get3A_1219 : vector<1x16xf32> to vector<16xf32>
      %add3A_1221 = arith.addf %get3A_1216, %get3A_1220 : vector<16xf32>
      %get3A_1222 = arith.index_cast %add3A_1166 : i32 to index
      %get3A_1223 = arith.constant 32 : index
      %get3A_1224 = tpu.vector_load %arg12[%get3A_1222, %get3A_1223] {strides = array<i32>} : memref<320x64xf32, #tpu.memory_space<vmem>>, vector<1x16xf32>,
      %get3A_1225 = vector.shape_cast %get3A_1224 : vector<1x16xf32> to vector<16xf32>
      %add3A_1226 = arith.addf %add3A_1221, %get3A_1225 : vector<16xf32>
      %mul3A_1227 = vector.broadcast %squeeze3A_1168 : f32 to vector<16xf32>
      %mul3A_1228 = arith.mulf %add3A_1226, %mul3A_1227 : vector<16xf32>
      %add3A_1229 = arith.addf %mul3A_1228, %get3A_20 : vector<16xf32>
      %swap3A_1230 = arith.index_cast %add3A_1166 : i32 to index
      %swap3A_1231 = arith.constant 32 : index
      %swap3A_1232 = tpu.vector_load %arg10[%swap3A_1230, %swap3A_1231] {strides = array<i32>} : memref<320x64xf32, #tpu.memory_space<vmem>>, vector<1x16xf32>,
      %swap3A_1233 = vector.shape_cast %swap3A_1232 : vector<1x16xf32> to vector<16xf32>
      %swap3A_1234 = vector.shape_cast %add3A_1229 : vector<16xf32> to vector<1x16xf32>
      tpu.vector_store %arg10[%swap3A_1230, %swap3A_1231], %swap3A_1234 {strides = array<i32>} : memref<320x64xf32, #tpu.memory_space<vmem>>, vector<1x16xf32>,
      %get3A_1235 = arith.index_cast %add3A_1166 : i32 to index
      %get3A_1236 = arith.constant 48 : index
      %get3A_1237 = tpu.vector_load %arg10[%get3A_1235, %get3A_1236] {strides = array<i32>} : memref<320x64xf32, #tpu.memory_space<vmem>>, vector<1x16xf32>,
      %get3A_1238 = vector.shape_cast %get3A_1237 : vector<1x16xf32> to vector<16xf32>
      %get3A_1239 = arith.index_cast %add3A_1166 : i32 to index
      %get3A_1240 = arith.constant 48 : index
      %get3A_1241 = tpu.vector_load %arg11[%get3A_1239, %get3A_1240] {strides = array<i32>} : memref<320x64xf32, #tpu.memory_space<vmem>>, vector<1x16xf32>,
      %get3A_1242 = vector.shape_cast %get3A_1241 : vector<1x16xf32> to vector<16xf32>
      %add3A_1243 = arith.addf %get3A_1238, %get3A_1242 : vector<16xf32>
      %get3A_1244 = arith.index_cast %add3A_1166 : i32 to index
      %get3A_1245 = arith.constant 48 : index
      %get3A_1246 = tpu.vector_load %arg12[%get3A_1244, %get3A_1245] {strides = array<i32>} : memref<320x64xf32, #tpu.memory_space<vmem>>, vector<1x16xf32>,
      %get3A_1247 = vector.shape_cast %get3A_1246 : vector<1x16xf32> to vector<16xf32>
      %add3A_1248 = arith.addf %add3A_1243, %get3A_1247 : vector<16xf32>
      %mul3A_1249 = vector.broadcast %squeeze3A_1168 : f32 to vector<16xf32>
      %mul3A_1250 = arith.mulf %add3A_1248, %mul3A_1249 : vector<16xf32>
      %add3A_1251 = arith.addf %mul3A_1250, %get3A_23 : vector<16xf32>
      %swap3A_1252 = arith.index_cast %add3A_1166 : i32 to index
      %swap3A_1253 = arith.constant 48 : index
      %swap3A_1254 = tpu.vector_load %arg10[%swap3A_1252, %swap3A_1253] {strides = array<i32>} : memref<320x64xf32, #tpu.memory_space<vmem>>, vector<1x16xf32>,
      %swap3A_1255 = vector.shape_cast %swap3A_1254 : vector<1x16xf32> to vector<16xf32>
      %swap3A_1256 = vector.shape_cast %add3A_1251 : vector<16xf32> to vector<1x16xf32>
      tpu.vector_store %arg10[%swap3A_1252, %swap3A_1253], %swap3A_1256 {strides = array<i32>} : memref<320x64xf32, #tpu.memory_space<vmem>>, vector<1x16xf32>,
      %mul3A_1257 = arith.constant 16 : i32
      %mul3A_1258 = arith.muli %scan3A_31, %mul3A_1257 : i32
      %add3A_1259 = arith.constant 13 : i32
      %add3A_1260 = arith.addi %mul3A_1258, %add3A_1259 : i32
      %slice3A_1261 = vector.extract_strided_slice %get3A_37 {offsets = [13], sizes = [1], strides = [1]} : vector<16xf32> to vector<1xf32>
      %squeeze3A_1262 = vector.extract %slice3A_1261[0] : f32 from vector<1xf32>
      %get3A_1263 = arith.index_cast %add3A_1260 : i32 to index
      %get3A_1264 = arith.constant 0 : index
      %get3A_1265 = tpu.vector_load %arg10[%get3A_1263, %get3A_1264] {strides = array<i32>} : memref<320x64xf32, #tpu.memory_space<vmem>>, vector<1x16xf32>,
      %get3A_1266 = vector.shape_cast %get3A_1265 : vector<1x16xf32> to vector<16xf32>
      %get3A_1267 = arith.index_cast %add3A_1260 : i32 to index
      %get3A_1268 = arith.constant 0 : index
      %get3A_1269 = tpu.vector_load %arg11[%get3A_1267, %get3A_1268] {strides = array<i32>} : memref<320x64xf32, #tpu.memory_space<vmem>>, vector<1x16xf32>,
      %get3A_1270 = vector.shape_cast %get3A_1269 : vector<1x16xf32> to vector<16xf32>
      %add3A_1271 = arith.addf %get3A_1266, %get3A_1270 : vector<16xf32>
      %get3A_1272 = arith.index_cast %add3A_1260 : i32 to index
      %get3A_1273 = arith.constant 0 : index
      %get3A_1274 = tpu.vector_load %arg12[%get3A_1272, %get3A_1273] {strides = array<i32>} : memref<320x64xf32, #tpu.memory_space<vmem>>, vector<1x16xf32>,
      %get3A_1275 = vector.shape_cast %get3A_1274 : vector<1x16xf32> to vector<16xf32>
      %add3A_1276 = arith.addf %add3A_1271, %get3A_1275 : vector<16xf32>
      %mul3A_1277 = vector.broadcast %squeeze3A_1262 : f32 to vector<16xf32>
      %mul3A_1278 = arith.mulf %add3A_1276, %mul3A_1277 : vector<16xf32>
      %add3A_1279 = arith.addf %mul3A_1278, %get3A_14 : vector<16xf32>
      %swap3A_1280 = arith.index_cast %add3A_1260 : i32 to index
      %swap3A_1281 = arith.constant 0 : index
      %swap3A_1282 = tpu.vector_load %arg10[%swap3A_1280, %swap3A_1281] {strides = array<i32>} : memref<320x64xf32, #tpu.memory_space<vmem>>, vector<1x16xf32>,
      %swap3A_1283 = vector.shape_cast %swap3A_1282 : vector<1x16xf32> to vector<16xf32>
      %swap3A_1284 = vector.shape_cast %add3A_1279 : vector<16xf32> to vector<1x16xf32>
      tpu.vector_store %arg10[%swap3A_1280, %swap3A_1281], %swap3A_1284 {strides = array<i32>} : memref<320x64xf32, #tpu.memory_space<vmem>>, vector<1x16xf32>,
      %get3A_1285 = arith.index_cast %add3A_1260 : i32 to index
      %get3A_1286 = arith.constant 16 : index
      %get3A_1287 = tpu.vector_load %arg10[%get3A_1285, %get3A_1286] {strides = array<i32>} : memref<320x64xf32, #tpu.memory_space<vmem>>, vector<1x16xf32>,
      %get3A_1288 = vector.shape_cast %get3A_1287 : vector<1x16xf32> to vector<16xf32>
      %get3A_1289 = arith.index_cast %add3A_1260 : i32 to index
      %get3A_1290 = arith.constant 16 : index
      %get3A_1291 = tpu.vector_load %arg11[%get3A_1289, %get3A_1290] {strides = array<i32>} : memref<320x64xf32, #tpu.memory_space<vmem>>, vector<1x16xf32>,
      %get3A_1292 = vector.shape_cast %get3A_1291 : vector<1x16xf32> to vector<16xf32>
      %add3A_1293 = arith.addf %get3A_1288, %get3A_1292 : vector<16xf32>
      %get3A_1294 = arith.index_cast %add3A_1260 : i32 to index
      %get3A_1295 = arith.constant 16 : index
      %get3A_1296 = tpu.vector_load %arg12[%get3A_1294, %get3A_1295] {strides = array<i32>} : memref<320x64xf32, #tpu.memory_space<vmem>>, vector<1x16xf32>,
      %get3A_1297 = vector.shape_cast %get3A_1296 : vector<1x16xf32> to vector<16xf32>
      %add3A_1298 = arith.addf %add3A_1293, %get3A_1297 : vector<16xf32>
      %mul3A_1299 = vector.broadcast %squeeze3A_1262 : f32 to vector<16xf32>
      %mul3A_1300 = arith.mulf %add3A_1298, %mul3A_1299 : vector<16xf32>
      %add3A_1301 = arith.addf %mul3A_1300, %get3A_17 : vector<16xf32>
      %swap3A_1302 = arith.index_cast %add3A_1260 : i32 to index
      %swap3A_1303 = arith.constant 16 : index
      %swap3A_1304 = tpu.vector_load %arg10[%swap3A_1302, %swap3A_1303] {strides = array<i32>} : memref<320x64xf32, #tpu.memory_space<vmem>>, vector<1x16xf32>,
      %swap3A_1305 = vector.shape_cast %swap3A_1304 : vector<1x16xf32> to vector<16xf32>
      %swap3A_1306 = vector.shape_cast %add3A_1301 : vector<16xf32> to vector<1x16xf32>
      tpu.vector_store %arg10[%swap3A_1302, %swap3A_1303], %swap3A_1306 {strides = array<i32>} : memref<320x64xf32, #tpu.memory_space<vmem>>, vector<1x16xf32>,
      %get3A_1307 = arith.index_cast %add3A_1260 : i32 to index
      %get3A_1308 = arith.constant 32 : index
      %get3A_1309 = tpu.vector_load %arg10[%get3A_1307, %get3A_1308] {strides = array<i32>} : memref<320x64xf32, #tpu.memory_space<vmem>>, vector<1x16xf32>,
      %get3A_1310 = vector.shape_cast %get3A_1309 : vector<1x16xf32> to vector<16xf32>
      %get3A_1311 = arith.index_cast %add3A_1260 : i32 to index
      %get3A_1312 = arith.constant 32 : index
      %get3A_1313 = tpu.vector_load %arg11[%get3A_1311, %get3A_1312] {strides = array<i32>} : memref<320x64xf32, #tpu.memory_space<vmem>>, vector<1x16xf32>,
      %get3A_1314 = vector.shape_cast %get3A_1313 : vector<1x16xf32> to vector<16xf32>
      %add3A_1315 = arith.addf %get3A_1310, %get3A_1314 : vector<16xf32>
      %get3A_1316 = arith.index_cast %add3A_1260 : i32 to index
      %get3A_1317 = arith.constant 32 : index
      %get3A_1318 = tpu.vector_load %arg12[%get3A_1316, %get3A_1317] {strides = array<i32>} : memref<320x64xf32, #tpu.memory_space<vmem>>, vector<1x16xf32>,
      %get3A_1319 = vector.shape_cast %get3A_1318 : vector<1x16xf32> to vector<16xf32>
      %add3A_1320 = arith.addf %add3A_1315, %get3A_1319 : vector<16xf32>
      %mul3A_1321 = vector.broadcast %squeeze3A_1262 : f32 to vector<16xf32>
      %mul3A_1322 = arith.mulf %add3A_1320, %mul3A_1321 : vector<16xf32>
      %add3A_1323 = arith.addf %mul3A_1322, %get3A_20 : vector<16xf32>
      %swap3A_1324 = arith.index_cast %add3A_1260 : i32 to index
      %swap3A_1325 = arith.constant 32 : index
      %swap3A_1326 = tpu.vector_load %arg10[%swap3A_1324, %swap3A_1325] {strides = array<i32>} : memref<320x64xf32, #tpu.memory_space<vmem>>, vector<1x16xf32>,
      %swap3A_1327 = vector.shape_cast %swap3A_1326 : vector<1x16xf32> to vector<16xf32>
      %swap3A_1328 = vector.shape_cast %add3A_1323 : vector<16xf32> to vector<1x16xf32>
      tpu.vector_store %arg10[%swap3A_1324, %swap3A_1325], %swap3A_1328 {strides = array<i32>} : memref<320x64xf32, #tpu.memory_space<vmem>>, vector<1x16xf32>,
      %get3A_1329 = arith.index_cast %add3A_1260 : i32 to index
      %get3A_1330 = arith.constant 48 : index
      %get3A_1331 = tpu.vector_load %arg10[%get3A_1329, %get3A_1330] {strides = array<i32>} : memref<320x64xf32, #tpu.memory_space<vmem>>, vector<1x16xf32>,
      %get3A_1332 = vector.shape_cast %get3A_1331 : vector<1x16xf32> to vector<16xf32>
      %get3A_1333 = arith.index_cast %add3A_1260 : i32 to index
      %get3A_1334 = arith.constant 48 : index
      %get3A_1335 = tpu.vector_load %arg11[%get3A_1333, %get3A_1334] {strides = array<i32>} : memref<320x64xf32, #tpu.memory_space<vmem>>, vector<1x16xf32>,
      %get3A_1336 = vector.shape_cast %get3A_1335 : vector<1x16xf32> to vector<16xf32>
      %add3A_1337 = arith.addf %get3A_1332, %get3A_1336 : vector<16xf32>
      %get3A_1338 = arith.index_cast %add3A_1260 : i32 to index
      %get3A_1339 = arith.constant 48 : index
      %get3A_1340 = tpu.vector_load %arg12[%get3A_1338, %get3A_1339] {strides = array<i32>} : memref<320x64xf32, #tpu.memory_space<vmem>>, vector<1x16xf32>,
      %get3A_1341 = vector.shape_cast %get3A_1340 : vector<1x16xf32> to vector<16xf32>
      %add3A_1342 = arith.addf %add3A_1337, %get3A_1341 : vector<16xf32>
      %mul3A_1343 = vector.broadcast %squeeze3A_1262 : f32 to vector<16xf32>
      %mul3A_1344 = arith.mulf %add3A_1342, %mul3A_1343 : vector<16xf32>
      %add3A_1345 = arith.addf %mul3A_1344, %get3A_23 : vector<16xf32>
      %swap3A_1346 = arith.index_cast %add3A_1260 : i32 to index
      %swap3A_1347 = arith.constant 48 : index
      %swap3A_1348 = tpu.vector_load %arg10[%swap3A_1346, %swap3A_1347] {strides = array<i32>} : memref<320x64xf32, #tpu.memory_space<vmem>>, vector<1x16xf32>,
      %swap3A_1349 = vector.shape_cast %swap3A_1348 : vector<1x16xf32> to vector<16xf32>
      %swap3A_1350 = vector.shape_cast %add3A_1345 : vector<16xf32> to vector<1x16xf32>
      tpu.vector_store %arg10[%swap3A_1346, %swap3A_1347], %swap3A_1350 {strides = array<i32>} : memref<320x64xf32, #tpu.memory_space<vmem>>, vector<1x16xf32>,
      %mul3A_1351 = arith.constant 16 : i32
      %mul3A_1352 = arith.muli %scan3A_31, %mul3A_1351 : i32
      %add3A_1353 = arith.constant 14 : i32
      %add3A_1354 = arith.addi %mul3A_1352, %add3A_1353 : i32
      %slice3A_1355 = vector.extract_strided_slice %get3A_37 {offsets = [14], sizes = [1], strides = [1]} : vector<16xf32> to vector<1xf32>
      %squeeze3A_1356 = vector.extract %slice3A_1355[0] : f32 from vector<1xf32>
      %get3A_1357 = arith.index_cast %add3A_1354 : i32 to index
      %get3A_1358 = arith.constant 0 : index
      %get3A_1359 = tpu.vector_load %arg10[%get3A_1357, %get3A_1358] {strides = array<i32>} : memref<320x64xf32, #tpu.memory_space<vmem>>, vector<1x16xf32>,
      %get3A_1360 = vector.shape_cast %get3A_1359 : vector<1x16xf32> to vector<16xf32>
      %get3A_1361 = arith.index_cast %add3A_1354 : i32 to index
      %get3A_1362 = arith.constant 0 : index
      %get3A_1363 = tpu.vector_load %arg11[%get3A_1361, %get3A_1362] {strides = array<i32>} : memref<320x64xf32, #tpu.memory_space<vmem>>, vector<1x16xf32>,
      %get3A_1364 = vector.shape_cast %get3A_1363 : vector<1x16xf32> to vector<16xf32>
      %add3A_1365 = arith.addf %get3A_1360, %get3A_1364 : vector<16xf32>
      %get3A_1366 = arith.index_cast %add3A_1354 : i32 to index
      %get3A_1367 = arith.constant 0 : index
      %get3A_1368 = tpu.vector_load %arg12[%get3A_1366, %get3A_1367] {strides = array<i32>} : memref<320x64xf32, #tpu.memory_space<vmem>>, vector<1x16xf32>,
      %get3A_1369 = vector.shape_cast %get3A_1368 : vector<1x16xf32> to vector<16xf32>
      %add3A_1370 = arith.addf %add3A_1365, %get3A_1369 : vector<16xf32>
      %mul3A_1371 = vector.broadcast %squeeze3A_1356 : f32 to vector<16xf32>
      %mul3A_1372 = arith.mulf %add3A_1370, %mul3A_1371 : vector<16xf32>
      %add3A_1373 = arith.addf %mul3A_1372, %get3A_14 : vector<16xf32>
      %swap3A_1374 = arith.index_cast %add3A_1354 : i32 to index
      %swap3A_1375 = arith.constant 0 : index
      %swap3A_1376 = tpu.vector_load %arg10[%swap3A_1374, %swap3A_1375] {strides = array<i32>} : memref<320x64xf32, #tpu.memory_space<vmem>>, vector<1x16xf32>,
      %swap3A_1377 = vector.shape_cast %swap3A_1376 : vector<1x16xf32> to vector<16xf32>
      %swap3A_1378 = vector.shape_cast %add3A_1373 : vector<16xf32> to vector<1x16xf32>
      tpu.vector_store %arg10[%swap3A_1374, %swap3A_1375], %swap3A_1378 {strides = array<i32>} : memref<320x64xf32, #tpu.memory_space<vmem>>, vector<1x16xf32>,
      %get3A_1379 = arith.index_cast %add3A_1354 : i32 to index
      %get3A_1380 = arith.constant 16 : index
      %get3A_1381 = tpu.vector_load %arg10[%get3A_1379, %get3A_1380] {strides = array<i32>} : memref<320x64xf32, #tpu.memory_space<vmem>>, vector<1x16xf32>,
      %get3A_1382 = vector.shape_cast %get3A_1381 : vector<1x16xf32> to vector<16xf32>
      %get3A_1383 = arith.index_cast %add3A_1354 : i32 to index
      %get3A_1384 = arith.constant 16 : index
      %get3A_1385 = tpu.vector_load %arg11[%get3A_1383, %get3A_1384] {strides = array<i32>} : memref<320x64xf32, #tpu.memory_space<vmem>>, vector<1x16xf32>,
      %get3A_1386 = vector.shape_cast %get3A_1385 : vector<1x16xf32> to vector<16xf32>
      %add3A_1387 = arith.addf %get3A_1382, %get3A_1386 : vector<16xf32>
      %get3A_1388 = arith.index_cast %add3A_1354 : i32 to index
      %get3A_1389 = arith.constant 16 : index
      %get3A_1390 = tpu.vector_load %arg12[%get3A_1388, %get3A_1389] {strides = array<i32>} : memref<320x64xf32, #tpu.memory_space<vmem>>, vector<1x16xf32>,
      %get3A_1391 = vector.shape_cast %get3A_1390 : vector<1x16xf32> to vector<16xf32>
      %add3A_1392 = arith.addf %add3A_1387, %get3A_1391 : vector<16xf32>
      %mul3A_1393 = vector.broadcast %squeeze3A_1356 : f32 to vector<16xf32>
      %mul3A_1394 = arith.mulf %add3A_1392, %mul3A_1393 : vector<16xf32>
      %add3A_1395 = arith.addf %mul3A_1394, %get3A_17 : vector<16xf32>
      %swap3A_1396 = arith.index_cast %add3A_1354 : i32 to index
      %swap3A_1397 = arith.constant 16 : index
      %swap3A_1398 = tpu.vector_load %arg10[%swap3A_1396, %swap3A_1397] {strides = array<i32>} : memref<320x64xf32, #tpu.memory_space<vmem>>, vector<1x16xf32>,
      %swap3A_1399 = vector.shape_cast %swap3A_1398 : vector<1x16xf32> to vector<16xf32>
      %swap3A_1400 = vector.shape_cast %add3A_1395 : vector<16xf32> to vector<1x16xf32>
      tpu.vector_store %arg10[%swap3A_1396, %swap3A_1397], %swap3A_1400 {strides = array<i32>} : memref<320x64xf32, #tpu.memory_space<vmem>>, vector<1x16xf32>,
      %get3A_1401 = arith.index_cast %add3A_1354 : i32 to index
      %get3A_1402 = arith.constant 32 : index
      %get3A_1403 = tpu.vector_load %arg10[%get3A_1401, %get3A_1402] {strides = array<i32>} : memref<320x64xf32, #tpu.memory_space<vmem>>, vector<1x16xf32>,
      %get3A_1404 = vector.shape_cast %get3A_1403 : vector<1x16xf32> to vector<16xf32>
      %get3A_1405 = arith.index_cast %add3A_1354 : i32 to index
      %get3A_1406 = arith.constant 32 : index
      %get3A_1407 = tpu.vector_load %arg11[%get3A_1405, %get3A_1406] {strides = array<i32>} : memref<320x64xf32, #tpu.memory_space<vmem>>, vector<1x16xf32>,
      %get3A_1408 = vector.shape_cast %get3A_1407 : vector<1x16xf32> to vector<16xf32>
      %add3A_1409 = arith.addf %get3A_1404, %get3A_1408 : vector<16xf32>
      %get3A_1410 = arith.index_cast %add3A_1354 : i32 to index
      %get3A_1411 = arith.constant 32 : index
      %get3A_1412 = tpu.vector_load %arg12[%get3A_1410, %get3A_1411] {strides = array<i32>} : memref<320x64xf32, #tpu.memory_space<vmem>>, vector<1x16xf32>,
      %get3A_1413 = vector.shape_cast %get3A_1412 : vector<1x16xf32> to vector<16xf32>
      %add3A_1414 = arith.addf %add3A_1409, %get3A_1413 : vector<16xf32>
      %mul3A_1415 = vector.broadcast %squeeze3A_1356 : f32 to vector<16xf32>
      %mul3A_1416 = arith.mulf %add3A_1414, %mul3A_1415 : vector<16xf32>
      %add3A_1417 = arith.addf %mul3A_1416, %get3A_20 : vector<16xf32>
      %swap3A_1418 = arith.index_cast %add3A_1354 : i32 to index
      %swap3A_1419 = arith.constant 32 : index
      %swap3A_1420 = tpu.vector_load %arg10[%swap3A_1418, %swap3A_1419] {strides = array<i32>} : memref<320x64xf32, #tpu.memory_space<vmem>>, vector<1x16xf32>,
      %swap3A_1421 = vector.shape_cast %swap3A_1420 : vector<1x16xf32> to vector<16xf32>
      %swap3A_1422 = vector.shape_cast %add3A_1417 : vector<16xf32> to vector<1x16xf32>
      tpu.vector_store %arg10[%swap3A_1418, %swap3A_1419], %swap3A_1422 {strides = array<i32>} : memref<320x64xf32, #tpu.memory_space<vmem>>, vector<1x16xf32>,
      %get3A_1423 = arith.index_cast %add3A_1354 : i32 to index
      %get3A_1424 = arith.constant 48 : index
      %get3A_1425 = tpu.vector_load %arg10[%get3A_1423, %get3A_1424] {strides = array<i32>} : memref<320x64xf32, #tpu.memory_space<vmem>>, vector<1x16xf32>,
      %get3A_1426 = vector.shape_cast %get3A_1425 : vector<1x16xf32> to vector<16xf32>
      %get3A_1427 = arith.index_cast %add3A_1354 : i32 to index
      %get3A_1428 = arith.constant 48 : index
      %get3A_1429 = tpu.vector_load %arg11[%get3A_1427, %get3A_1428] {strides = array<i32>} : memref<320x64xf32, #tpu.memory_space<vmem>>, vector<1x16xf32>,
      %get3A_1430 = vector.shape_cast %get3A_1429 : vector<1x16xf32> to vector<16xf32>
      %add3A_1431 = arith.addf %get3A_1426, %get3A_1430 : vector<16xf32>
      %get3A_1432 = arith.index_cast %add3A_1354 : i32 to index
      %get3A_1433 = arith.constant 48 : index
      %get3A_1434 = tpu.vector_load %arg12[%get3A_1432, %get3A_1433] {strides = array<i32>} : memref<320x64xf32, #tpu.memory_space<vmem>>, vector<1x16xf32>,
      %get3A_1435 = vector.shape_cast %get3A_1434 : vector<1x16xf32> to vector<16xf32>
      %add3A_1436 = arith.addf %add3A_1431, %get3A_1435 : vector<16xf32>
      %mul3A_1437 = vector.broadcast %squeeze3A_1356 : f32 to vector<16xf32>
      %mul3A_1438 = arith.mulf %add3A_1436, %mul3A_1437 : vector<16xf32>
      %add3A_1439 = arith.addf %mul3A_1438, %get3A_23 : vector<16xf32>
      %swap3A_1440 = arith.index_cast %add3A_1354 : i32 to index
      %swap3A_1441 = arith.constant 48 : index
      %swap3A_1442 = tpu.vector_load %arg10[%swap3A_1440, %swap3A_1441] {strides = array<i32>} : memref<320x64xf32, #tpu.memory_space<vmem>>, vector<1x16xf32>,
      %swap3A_1443 = vector.shape_cast %swap3A_1442 : vector<1x16xf32> to vector<16xf32>
      %swap3A_1444 = vector.shape_cast %add3A_1439 : vector<16xf32> to vector<1x16xf32>
      tpu.vector_store %arg10[%swap3A_1440, %swap3A_1441], %swap3A_1444 {strides = array<i32>} : memref<320x64xf32, #tpu.memory_space<vmem>>, vector<1x16xf32>,
      %mul3A_1445 = arith.constant 16 : i32
      %mul3A_1446 = arith.muli %scan3A_31, %mul3A_1445 : i32
      %add3A_1447 = arith.constant 15 : i32
      %add3A_1448 = arith.addi %mul3A_1446, %add3A_1447 : i32
      %slice3A_1449 = vector.extract_strided_slice %get3A_37 {offsets = [15], sizes = [1], strides = [1]} : vector<16xf32> to vector<1xf32>
      %squeeze3A_1450 = vector.extract %slice3A_1449[0] : f32 from vector<1xf32>
      %get3A_1451 = arith.index_cast %add3A_1448 : i32 to index
      %get3A_1452 = arith.constant 0 : index
      %get3A_1453 = tpu.vector_load %arg10[%get3A_1451, %get3A_1452] {strides = array<i32>} : memref<320x64xf32, #tpu.memory_space<vmem>>, vector<1x16xf32>,
      %get3A_1454 = vector.shape_cast %get3A_1453 : vector<1x16xf32> to vector<16xf32>
      %get3A_1455 = arith.index_cast %add3A_1448 : i32 to index
      %get3A_1456 = arith.constant 0 : index
      %get3A_1457 = tpu.vector_load %arg11[%get3A_1455, %get3A_1456] {strides = array<i32>} : memref<320x64xf32, #tpu.memory_space<vmem>>, vector<1x16xf32>,
      %get3A_1458 = vector.shape_cast %get3A_1457 : vector<1x16xf32> to vector<16xf32>
      %add3A_1459 = arith.addf %get3A_1454, %get3A_1458 : vector<16xf32>
      %get3A_1460 = arith.index_cast %add3A_1448 : i32 to index
      %get3A_1461 = arith.constant 0 : index
      %get3A_1462 = tpu.vector_load %arg12[%get3A_1460, %get3A_1461] {strides = array<i32>} : memref<320x64xf32, #tpu.memory_space<vmem>>, vector<1x16xf32>,
      %get3A_1463 = vector.shape_cast %get3A_1462 : vector<1x16xf32> to vector<16xf32>
      %add3A_1464 = arith.addf %add3A_1459, %get3A_1463 : vector<16xf32>
      %mul3A_1465 = vector.broadcast %squeeze3A_1450 : f32 to vector<16xf32>
      %mul3A_1466 = arith.mulf %add3A_1464, %mul3A_1465 : vector<16xf32>
      %add3A_1467 = arith.addf %mul3A_1466, %get3A_14 : vector<16xf32>
      %swap3A_1468 = arith.index_cast %add3A_1448 : i32 to index
      %swap3A_1469 = arith.constant 0 : index
      %swap3A_1470 = tpu.vector_load %arg10[%swap3A_1468, %swap3A_1469] {strides = array<i32>} : memref<320x64xf32, #tpu.memory_space<vmem>>, vector<1x16xf32>,
      %swap3A_1471 = vector.shape_cast %swap3A_1470 : vector<1x16xf32> to vector<16xf32>
      %swap3A_1472 = vector.shape_cast %add3A_1467 : vector<16xf32> to vector<1x16xf32>
      tpu.vector_store %arg10[%swap3A_1468, %swap3A_1469], %swap3A_1472 {strides = array<i32>} : memref<320x64xf32, #tpu.memory_space<vmem>>, vector<1x16xf32>,
      %get3A_1473 = arith.index_cast %add3A_1448 : i32 to index
      %get3A_1474 = arith.constant 16 : index
      %get3A_1475 = tpu.vector_load %arg10[%get3A_1473, %get3A_1474] {strides = array<i32>} : memref<320x64xf32, #tpu.memory_space<vmem>>, vector<1x16xf32>,
      %get3A_1476 = vector.shape_cast %get3A_1475 : vector<1x16xf32> to vector<16xf32>
      %get3A_1477 = arith.index_cast %add3A_1448 : i32 to index
      %get3A_1478 = arith.constant 16 : index
      %get3A_1479 = tpu.vector_load %arg11[%get3A_1477, %get3A_1478] {strides = array<i32>} : memref<320x64xf32, #tpu.memory_space<vmem>>, vector<1x16xf32>,
      %get3A_1480 = vector.shape_cast %get3A_1479 : vector<1x16xf32> to vector<16xf32>
      %add3A_1481 = arith.addf %get3A_1476, %get3A_1480 : vector<16xf32>
      %get3A_1482 = arith.index_cast %add3A_1448 : i32 to index
      %get3A_1483 = arith.constant 16 : index
      %get3A_1484 = tpu.vector_load %arg12[%get3A_1482, %get3A_1483] {strides = array<i32>} : memref<320x64xf32, #tpu.memory_space<vmem>>, vector<1x16xf32>,
      %get3A_1485 = vector.shape_cast %get3A_1484 : vector<1x16xf32> to vector<16xf32>
      %add3A_1486 = arith.addf %add3A_1481, %get3A_1485 : vector<16xf32>
      %mul3A_1487 = vector.broadcast %squeeze3A_1450 : f32 to vector<16xf32>
      %mul3A_1488 = arith.mulf %add3A_1486, %mul3A_1487 : vector<16xf32>
      %add3A_1489 = arith.addf %mul3A_1488, %get3A_17 : vector<16xf32>
      %swap3A_1490 = arith.index_cast %add3A_1448 : i32 to index
      %swap3A_1491 = arith.constant 16 : index
      %swap3A_1492 = tpu.vector_load %arg10[%swap3A_1490, %swap3A_1491] {strides = array<i32>} : memref<320x64xf32, #tpu.memory_space<vmem>>, vector<1x16xf32>,
      %swap3A_1493 = vector.shape_cast %swap3A_1492 : vector<1x16xf32> to vector<16xf32>
      %swap3A_1494 = vector.shape_cast %add3A_1489 : vector<16xf32> to vector<1x16xf32>
      tpu.vector_store %arg10[%swap3A_1490, %swap3A_1491], %swap3A_1494 {strides = array<i32>} : memref<320x64xf32, #tpu.memory_space<vmem>>, vector<1x16xf32>,
      %get3A_1495 = arith.index_cast %add3A_1448 : i32 to index
      %get3A_1496 = arith.constant 32 : index
      %get3A_1497 = tpu.vector_load %arg10[%get3A_1495, %get3A_1496] {strides = array<i32>} : memref<320x64xf32, #tpu.memory_space<vmem>>, vector<1x16xf32>,
      %get3A_1498 = vector.shape_cast %get3A_1497 : vector<1x16xf32> to vector<16xf32>
      %get3A_1499 = arith.index_cast %add3A_1448 : i32 to index
      %get3A_1500 = arith.constant 32 : index
      %get3A_1501 = tpu.vector_load %arg11[%get3A_1499, %get3A_1500] {strides = array<i32>} : memref<320x64xf32, #tpu.memory_space<vmem>>, vector<1x16xf32>,
      %get3A_1502 = vector.shape_cast %get3A_1501 : vector<1x16xf32> to vector<16xf32>
      %add3A_1503 = arith.addf %get3A_1498, %get3A_1502 : vector<16xf32>
      %get3A_1504 = arith.index_cast %add3A_1448 : i32 to index
      %get3A_1505 = arith.constant 32 : index
      %get3A_1506 = tpu.vector_load %arg12[%get3A_1504, %get3A_1505] {strides = array<i32>} : memref<320x64xf32, #tpu.memory_space<vmem>>, vector<1x16xf32>,
      %get3A_1507 = vector.shape_cast %get3A_1506 : vector<1x16xf32> to vector<16xf32>
      %add3A_1508 = arith.addf %add3A_1503, %get3A_1507 : vector<16xf32>
      %mul3A_1509 = vector.broadcast %squeeze3A_1450 : f32 to vector<16xf32>
      %mul3A_1510 = arith.mulf %add3A_1508, %mul3A_1509 : vector<16xf32>
      %add3A_1511 = arith.addf %mul3A_1510, %get3A_20 : vector<16xf32>
      %swap3A_1512 = arith.index_cast %add3A_1448 : i32 to index
      %swap3A_1513 = arith.constant 32 : index
      %swap3A_1514 = tpu.vector_load %arg10[%swap3A_1512, %swap3A_1513] {strides = array<i32>} : memref<320x64xf32, #tpu.memory_space<vmem>>, vector<1x16xf32>,
      %swap3A_1515 = vector.shape_cast %swap3A_1514 : vector<1x16xf32> to vector<16xf32>
      %swap3A_1516 = vector.shape_cast %add3A_1511 : vector<16xf32> to vector<1x16xf32>
      tpu.vector_store %arg10[%swap3A_1512, %swap3A_1513], %swap3A_1516 {strides = array<i32>} : memref<320x64xf32, #tpu.memory_space<vmem>>, vector<1x16xf32>,
      %get3A_1517 = arith.index_cast %add3A_1448 : i32 to index
      %get3A_1518 = arith.constant 48 : index
      %get3A_1519 = tpu.vector_load %arg10[%get3A_1517, %get3A_1518] {strides = array<i32>} : memref<320x64xf32, #tpu.memory_space<vmem>>, vector<1x16xf32>,
      %get3A_1520 = vector.shape_cast %get3A_1519 : vector<1x16xf32> to vector<16xf32>
      %get3A_1521 = arith.index_cast %add3A_1448 : i32 to index
      %get3A_1522 = arith.constant 48 : index
      %get3A_1523 = tpu.vector_load %arg11[%get3A_1521, %get3A_1522] {strides = array<i32>} : memref<320x64xf32, #tpu.memory_space<vmem>>, vector<1x16xf32>,
      %get3A_1524 = vector.shape_cast %get3A_1523 : vector<1x16xf32> to vector<16xf32>
      %add3A_1525 = arith.addf %get3A_1520, %get3A_1524 : vector<16xf32>
      %get3A_1526 = arith.index_cast %add3A_1448 : i32 to index
      %get3A_1527 = arith.constant 48 : index
      %get3A_1528 = tpu.vector_load %arg12[%get3A_1526, %get3A_1527] {strides = array<i32>} : memref<320x64xf32, #tpu.memory_space<vmem>>, vector<1x16xf32>,
      %get3A_1529 = vector.shape_cast %get3A_1528 : vector<1x16xf32> to vector<16xf32>
      %add3A_1530 = arith.addf %add3A_1525, %get3A_1529 : vector<16xf32>
      %mul3A_1531 = vector.broadcast %squeeze3A_1450 : f32 to vector<16xf32>
      %mul3A_1532 = arith.mulf %add3A_1530, %mul3A_1531 : vector<16xf32>
      %add3A_1533 = arith.addf %mul3A_1532, %get3A_23 : vector<16xf32>
      %swap3A_1534 = arith.index_cast %add3A_1448 : i32 to index
      %swap3A_1535 = arith.constant 48 : index
      %swap3A_1536 = tpu.vector_load %arg10[%swap3A_1534, %swap3A_1535] {strides = array<i32>} : memref<320x64xf32, #tpu.memory_space<vmem>>, vector<1x16xf32>,
      %swap3A_1537 = vector.shape_cast %swap3A_1536 : vector<1x16xf32> to vector<16xf32>
      %swap3A_1538 = vector.shape_cast %add3A_1533 : vector<16xf32> to vector<1x16xf32>
      tpu.vector_store %arg10[%swap3A_1534, %swap3A_1535], %swap3A_1538 {strides = array<i32>} : memref<320x64xf32, #tpu.memory_space<vmem>>, vector<1x16xf32>,
      %scan3A_1539 = arith.constant 0 : i32
      scf.yield %scan3A_1539 : i32
    }
    %scan3A_30 = arith.constant 20 : i32
    "tpu.region"() ({
      %run_scoped3A = tpu.sem_alloc : memref<!tpu.dma_semaphore, #tpu.memory_space<semaphore_mem>>
      %dma_start3A = arith.constant 0 : i32
      %dma_start3A_31 = tpu.memref_slice %arg6[%mul3A_2, %dma_start3A] : memref<10240x64xf32, #tpu.memory_space<hbm>> -> memref<320x64xf32, #tpu.memory_space<hbm>>
      %dma_start3A_32 = arith.constant 0 : i32
      %dma_start3A_33 = tpu.memref_slice %arg6[%mul3A_2, %dma_start3A_32] : memref<10240x64xf32, #tpu.memory_space<hbm>> -> memref<320x64xf32, #tpu.memory_space<hbm>>
      tpu.enqueue_dma source(%arg10 : memref<320x64xf32, #tpu.memory_space<vmem>>) target(%dma_start3A_33 : memref<320x64xf32, #tpu.memory_space<hbm>>) target_semaphore(%run_scoped3A : memref<!tpu.dma_semaphore, #tpu.memory_space<semaphore_mem>>)
      %dma_wait3A = arith.constant 0 : i32
      %dma_wait3A_34 = tpu.memref_slice %arg6[%mul3A_2, %dma_wait3A] : memref<10240x64xf32, #tpu.memory_space<hbm>> -> memref<320x64xf32, #tpu.memory_space<hbm>>
      %dma_wait3A_35 = arith.constant 0 : i32
      %dma_wait3A_36 = tpu.memref_slice %arg6[%mul3A_2, %dma_wait3A_35] : memref<10240x64xf32, #tpu.memory_space<hbm>> -> memref<320x64xf32, #tpu.memory_space<hbm>>
      tpu.wait_dma2 semaphore(%run_scoped3A : memref<!tpu.dma_semaphore, #tpu.memory_space<semaphore_mem>>) src(%arg10 : memref<320x64xf32, #tpu.memory_space<vmem>>) dst(%dma_wait3A_36 : memref<320x64xf32, #tpu.memory_space<hbm>>)
      tpu.yield
    }) : () -> ()
    return
  }
}

#map = affine_map<(d0, d1) -> (0, 0)>
module attributes {stable_mosaic.version = 14 : i64} {
  func.func @_agg_body(%arg0: i32, %arg1: i32, %arg2: memref<20480x128xf32, #tpu.memory_space<hbm>>, %arg3: memref<2560x128xi32, #tpu.memory_space<hbm>>, %arg4: memref<1280x128xi32, #tpu.memory_space<hbm>>, %arg5: memref<640x128xf32, #tpu.memory_space<hbm>>, %arg6: memref<20480x128xf32, #tpu.memory_space<hbm>>, %arg7: memref<40x128xi32, #tpu.memory_space<vmem>>, %arg8: memref<40x128xi32, #tpu.memory_space<vmem>>, %arg9: memref<10240x128xf32, #tpu.memory_space<vmem_shared>>, %arg10: memref<128x128xf32, #tpu.memory_space<vmem>>, %arg11: memref<128x128xf32, #tpu.memory_space<vmem>>, %arg12: memref<!tpu.dma_semaphore, #tpu.memory_space<semaphore_mem>>, %arg13: memref<!tpu.dma_semaphore, #tpu.memory_space<semaphore_mem>>) attributes {dimension_semantics = [#tpu.dimension_semantics<core_parallel>, #tpu.dimension_semantics<subcore_parallel>], iteration_bounds = array<i64: 2, 16>, scalar_prefetch = 0 : i64, scratch_operands = 7 : i64, tpu.core_type = #tpu.core_type<sc_vector_subcore>, window_params = [{transform_indices = #map}, {transform_indices = #map}, {transform_indices = #map}, {transform_indices = #map}, {transform_indices = #map}]} {
    %mul3A = arith.constant 640 : i32
    %mul3A_0 = arith.muli %arg1, %mul3A : i32
    "tpu.region"() ({
      %run_scoped3A_106 = tpu.sem_alloc : memref<!tpu.dma_semaphore, #tpu.memory_space<semaphore_mem>>
      %dma_start3A_107 = arith.constant 0 : i32
      %dma_start3A_108 = tpu.memref_slice %arg9[%mul3A_0, %dma_start3A_107] : memref<10240x128xf32, #tpu.memory_space<vmem_shared>> -> memref<640x128xf32, #tpu.memory_space<vmem_shared>>
      tpu.enqueue_dma source(%arg5 : memref<640x128xf32, #tpu.memory_space<hbm>>) target(%dma_start3A_108 : memref<640x128xf32, #tpu.memory_space<vmem_shared>>) target_semaphore(%run_scoped3A_106 : memref<!tpu.dma_semaphore, #tpu.memory_space<semaphore_mem>>)
      %dma_wait3A_109 = arith.constant 0 : i32
      %dma_wait3A_110 = tpu.memref_slice %arg9[%mul3A_0, %dma_wait3A_109] : memref<10240x128xf32, #tpu.memory_space<vmem_shared>> -> memref<640x128xf32, #tpu.memory_space<vmem_shared>>
      tpu.wait_dma2 semaphore(%run_scoped3A_106 : memref<!tpu.dma_semaphore, #tpu.memory_space<semaphore_mem>>) src(%arg5 : memref<640x128xf32, #tpu.memory_space<hbm>>) dst(%dma_wait3A_110 : memref<640x128xf32, #tpu.memory_space<vmem_shared>>)
      tpu.yield
    }) : () -> ()
    %barrier3A = arith.constant 0 : index
    tpu.barrier barrier_id(%barrier3A)
    %mul3A_1 = arith.constant 1280 : i32
    %mul3A_2 = arith.muli %arg0, %mul3A_1 : i32
    %mul3A_3 = arith.constant 80 : i32
    %mul3A_4 = arith.muli %arg1, %mul3A_3 : i32
    %add3A = arith.addi %mul3A_2, %mul3A_4 : i32
    %add3A_5 = arith.constant 0 : i32
    %add3A_6 = arith.addi %add3A, %add3A_5 : i32
    %mul3A_7 = arith.constant 0 : i32
    %mul3A_8 = arith.muli %arg0, %mul3A_7 : i32
    %mul3A_9 = arith.constant 80 : i32
    %mul3A_10 = arith.muli %arg1, %mul3A_9 : i32
    %add3A_11 = arith.addi %mul3A_8, %mul3A_10 : i32
    %add3A_12 = arith.constant 0 : i32
    %add3A_13 = arith.addi %add3A_11, %add3A_12 : i32
    "tpu.region"() ({
      %run_scoped3A_106 = tpu.sem_alloc : memref<!tpu.dma_semaphore, #tpu.memory_space<semaphore_mem>>
      %dma_start3A_107 = arith.constant 0 : i32
      %dma_start3A_108 = tpu.memref_slice %arg3[%add3A_6, %dma_start3A_107] : memref<2560x128xi32, #tpu.memory_space<hbm>> -> memref<40x128xi32, #tpu.memory_space<hbm>>
      %dma_start3A_109 = arith.constant 0 : i32
      %dma_start3A_110 = tpu.memref_slice %arg3[%add3A_6, %dma_start3A_109] : memref<2560x128xi32, #tpu.memory_space<hbm>> -> memref<40x128xi32, #tpu.memory_space<hbm>>
      tpu.enqueue_dma source(%dma_start3A_110 : memref<40x128xi32, #tpu.memory_space<hbm>>) target(%arg7 : memref<40x128xi32, #tpu.memory_space<vmem>>) target_semaphore(%run_scoped3A_106 : memref<!tpu.dma_semaphore, #tpu.memory_space<semaphore_mem>>)
      %dma_wait3A_111 = arith.constant 0 : i32
      %dma_wait3A_112 = tpu.memref_slice %arg3[%add3A_6, %dma_wait3A_111] : memref<2560x128xi32, #tpu.memory_space<hbm>> -> memref<40x128xi32, #tpu.memory_space<hbm>>
      %dma_wait3A_113 = arith.constant 0 : i32
      %dma_wait3A_114 = tpu.memref_slice %arg3[%add3A_6, %dma_wait3A_113] : memref<2560x128xi32, #tpu.memory_space<hbm>> -> memref<40x128xi32, #tpu.memory_space<hbm>>
      tpu.wait_dma2 semaphore(%run_scoped3A_106 : memref<!tpu.dma_semaphore, #tpu.memory_space<semaphore_mem>>) src(%dma_wait3A_114 : memref<40x128xi32, #tpu.memory_space<hbm>>) dst(%arg7 : memref<40x128xi32, #tpu.memory_space<vmem>>)
      tpu.yield
    }) : () -> ()
    "tpu.region"() ({
      %run_scoped3A_106 = tpu.sem_alloc : memref<!tpu.dma_semaphore, #tpu.memory_space<semaphore_mem>>
      %dma_start3A_107 = arith.constant 0 : i32
      %dma_start3A_108 = tpu.memref_slice %arg4[%add3A_13, %dma_start3A_107] : memref<1280x128xi32, #tpu.memory_space<hbm>> -> memref<40x128xi32, #tpu.memory_space<hbm>>
      %dma_start3A_109 = arith.constant 0 : i32
      %dma_start3A_110 = tpu.memref_slice %arg4[%add3A_13, %dma_start3A_109] : memref<1280x128xi32, #tpu.memory_space<hbm>> -> memref<40x128xi32, #tpu.memory_space<hbm>>
      tpu.enqueue_dma source(%dma_start3A_110 : memref<40x128xi32, #tpu.memory_space<hbm>>) target(%arg8 : memref<40x128xi32, #tpu.memory_space<vmem>>) target_semaphore(%run_scoped3A_106 : memref<!tpu.dma_semaphore, #tpu.memory_space<semaphore_mem>>)
      %dma_wait3A_111 = arith.constant 0 : i32
      %dma_wait3A_112 = tpu.memref_slice %arg4[%add3A_13, %dma_wait3A_111] : memref<1280x128xi32, #tpu.memory_space<hbm>> -> memref<40x128xi32, #tpu.memory_space<hbm>>
      %dma_wait3A_113 = arith.constant 0 : i32
      %dma_wait3A_114 = tpu.memref_slice %arg4[%add3A_13, %dma_wait3A_113] : memref<1280x128xi32, #tpu.memory_space<hbm>> -> memref<40x128xi32, #tpu.memory_space<hbm>>
      tpu.wait_dma2 semaphore(%run_scoped3A_106 : memref<!tpu.dma_semaphore, #tpu.memory_space<semaphore_mem>>) src(%dma_wait3A_114 : memref<40x128xi32, #tpu.memory_space<hbm>>) dst(%arg8 : memref<40x128xi32, #tpu.memory_space<vmem>>)
      tpu.yield
    }) : () -> ()
    %dma_start3A = arith.constant 0 : i32
    %dma_start3A_14 = arith.constant 0 : i32
    %dma_start3A_15 = tpu.memref_slice %arg7[%dma_start3A, %dma_start3A_14] : memref<40x128xi32, #tpu.memory_space<vmem>> -> memref<1x128xi32, #tpu.memory_space<vmem>>
    %dma_start3A_16 = tpu.memref_squeeze %dma_start3A_15 : memref<1x128xi32, #tpu.memory_space<vmem>> -> memref<128xi32, #tpu.memory_space<vmem>>
    %dma_start3A_17 = arith.constant 0 : i32
    %dma_start3A_18 = arith.constant 0 : i32
    %dma_start3A_19 = tpu.memref_slice %arg2[%dma_start3A_17, %dma_start3A_18] : memref<20480x128xf32, #tpu.memory_space<hbm>> -> memref<20480x128xf32, #tpu.memory_space<hbm>>
    tpu.enqueue_indirect_dma source(%dma_start3A_19 : memref<20480x128xf32, #tpu.memory_space<hbm>>) target(%arg10 : memref<128x128xf32, #tpu.memory_space<vmem>>) offsets(%dma_start3A_16 : memref<128xi32, #tpu.memory_space<vmem>>) semaphore(%arg12 : memref<!tpu.dma_semaphore, #tpu.memory_space<semaphore_mem>>)
    %dma_start3A_20 = arith.constant 1 : i32
    %dma_start3A_21 = arith.constant 0 : i32
    %dma_start3A_22 = tpu.memref_slice %arg7[%dma_start3A_20, %dma_start3A_21] : memref<40x128xi32, #tpu.memory_space<vmem>> -> memref<1x128xi32, #tpu.memory_space<vmem>>
    %dma_start3A_23 = tpu.memref_squeeze %dma_start3A_22 : memref<1x128xi32, #tpu.memory_space<vmem>> -> memref<128xi32, #tpu.memory_space<vmem>>
    %dma_start3A_24 = arith.constant 0 : i32
    %dma_start3A_25 = arith.constant 0 : i32
    %dma_start3A_26 = tpu.memref_slice %arg2[%dma_start3A_24, %dma_start3A_25] : memref<20480x128xf32, #tpu.memory_space<hbm>> -> memref<20480x128xf32, #tpu.memory_space<hbm>>
    tpu.enqueue_indirect_dma source(%dma_start3A_26 : memref<20480x128xf32, #tpu.memory_space<hbm>>) target(%arg11 : memref<128x128xf32, #tpu.memory_space<vmem>>) offsets(%dma_start3A_23 : memref<128xi32, #tpu.memory_space<vmem>>) semaphore(%arg13 : memref<!tpu.dma_semaphore, #tpu.memory_space<semaphore_mem>>)
    %scan3A = arith.constant 0 : i32
    %scan3A_27 = arith.constant 0 : i32
    %scan3A_28 = arith.constant 19 : i32
    %scan3A_29 = arith.addi %scan3A_27, %scan3A_28 : i32
    %scan3A_30 = arith.constant 1 : i32
    %scan3A_31 = scf.for %scan3A_106 = %scan3A_27 to %scan3A_29 step %scan3A_30 iter_args(%scan3A_107 = %scan3A) -> (i32)  : i32 {
      %mul3A_108 = arith.constant 2 : i32
      %mul3A_109 = arith.muli %scan3A_106, %mul3A_108 : i32
      %add3A_110 = arith.constant 0 : i32
      %add3A_111 = arith.addi %mul3A_109, %add3A_110 : i32
      %dma_wait3A_112 = arith.constant 0 : i32
      %dma_wait3A_113 = tpu.memref_slice %arg7[%add3A_111, %dma_wait3A_112] : memref<40x128xi32, #tpu.memory_space<vmem>> -> memref<1x128xi32, #tpu.memory_space<vmem>>
      %dma_wait3A_114 = tpu.memref_squeeze %dma_wait3A_113 : memref<1x128xi32, #tpu.memory_space<vmem>> -> memref<128xi32, #tpu.memory_space<vmem>>
      %dma_wait3A_115 = arith.constant 0 : i32
      %dma_wait3A_116 = arith.constant 0 : i32
      %dma_wait3A_117 = tpu.memref_slice %arg2[%dma_wait3A_115, %dma_wait3A_116] : memref<20480x128xf32, #tpu.memory_space<hbm>> -> memref<20480x128xf32, #tpu.memory_space<hbm>>
      tpu.wait_indirect_dma semaphore(%arg12 : memref<!tpu.dma_semaphore, #tpu.memory_space<semaphore_mem>>) src(%dma_wait3A_117 : memref<20480x128xf32, #tpu.memory_space<hbm>>) dst(%arg10 : memref<128x128xf32, #tpu.memory_space<vmem>>)
      "tpu.region"() ({
        %run_scoped3A_145 = tpu.sem_alloc : memref<!tpu.dma_semaphore, #tpu.memory_space<semaphore_mem>>
        %dma_start3A_146 = arith.constant 0 : i32
        %dma_start3A_147 = tpu.memref_slice %arg8[%add3A_111, %dma_start3A_146] : memref<40x128xi32, #tpu.memory_space<vmem>> -> memref<1x128xi32, #tpu.memory_space<vmem>>
        %dma_start3A_148 = tpu.memref_squeeze %dma_start3A_147 : memref<1x128xi32, #tpu.memory_space<vmem>> -> memref<128xi32, #tpu.memory_space<vmem>>
        %dma_start3A_149 = arith.constant 0 : i32
        %dma_start3A_150 = arith.constant 0 : i32
        %dma_start3A_151 = tpu.memref_slice %arg9[%dma_start3A_149, %dma_start3A_150] : memref<10240x128xf32, #tpu.memory_space<vmem_shared>> -> memref<10240x128xf32, #tpu.memory_space<vmem_shared>>
        tpu.enqueue_indirect_dma source(%arg10 : memref<128x128xf32, #tpu.memory_space<vmem>>) target(%dma_start3A_151 : memref<10240x128xf32, #tpu.memory_space<vmem_shared>>) offsets(%dma_start3A_148 : memref<128xi32, #tpu.memory_space<vmem>>) semaphore(%run_scoped3A_145 : memref<!tpu.dma_semaphore, #tpu.memory_space<semaphore_mem>>) {add = true}
        %dma_wait3A_152 = arith.constant 0 : i32
        %dma_wait3A_153 = tpu.memref_slice %arg8[%add3A_111, %dma_wait3A_152] : memref<40x128xi32, #tpu.memory_space<vmem>> -> memref<1x128xi32, #tpu.memory_space<vmem>>
        %dma_wait3A_154 = tpu.memref_squeeze %dma_wait3A_153 : memref<1x128xi32, #tpu.memory_space<vmem>> -> memref<128xi32, #tpu.memory_space<vmem>>
        %dma_wait3A_155 = arith.constant 0 : i32
        %dma_wait3A_156 = arith.constant 0 : i32
        %dma_wait3A_157 = tpu.memref_slice %arg9[%dma_wait3A_155, %dma_wait3A_156] : memref<10240x128xf32, #tpu.memory_space<vmem_shared>> -> memref<10240x128xf32, #tpu.memory_space<vmem_shared>>
        tpu.wait_indirect_dma semaphore(%run_scoped3A_145 : memref<!tpu.dma_semaphore, #tpu.memory_space<semaphore_mem>>) src(%arg10 : memref<128x128xf32, #tpu.memory_space<vmem>>) dst(%dma_wait3A_157 : memref<10240x128xf32, #tpu.memory_space<vmem_shared>>)
        tpu.yield
      }) : () -> ()
      %add3A_118 = arith.constant 2 : i32
      %add3A_119 = arith.addi %add3A_111, %add3A_118 : i32
      %dma_start3A_120 = arith.constant 0 : i32
      %dma_start3A_121 = tpu.memref_slice %arg7[%add3A_119, %dma_start3A_120] : memref<40x128xi32, #tpu.memory_space<vmem>> -> memref<1x128xi32, #tpu.memory_space<vmem>>
      %dma_start3A_122 = tpu.memref_squeeze %dma_start3A_121 : memref<1x128xi32, #tpu.memory_space<vmem>> -> memref<128xi32, #tpu.memory_space<vmem>>
      %dma_start3A_123 = arith.constant 0 : i32
      %dma_start3A_124 = arith.constant 0 : i32
      %dma_start3A_125 = tpu.memref_slice %arg2[%dma_start3A_123, %dma_start3A_124] : memref<20480x128xf32, #tpu.memory_space<hbm>> -> memref<20480x128xf32, #tpu.memory_space<hbm>>
      tpu.enqueue_indirect_dma source(%dma_start3A_125 : memref<20480x128xf32, #tpu.memory_space<hbm>>) target(%arg10 : memref<128x128xf32, #tpu.memory_space<vmem>>) offsets(%dma_start3A_122 : memref<128xi32, #tpu.memory_space<vmem>>) semaphore(%arg12 : memref<!tpu.dma_semaphore, #tpu.memory_space<semaphore_mem>>)
      %mul3A_126 = arith.constant 2 : i32
      %mul3A_127 = arith.muli %scan3A_106, %mul3A_126 : i32
      %add3A_128 = arith.constant 1 : i32
      %add3A_129 = arith.addi %mul3A_127, %add3A_128 : i32
      %dma_wait3A_130 = arith.constant 0 : i32
      %dma_wait3A_131 = tpu.memref_slice %arg7[%add3A_129, %dma_wait3A_130] : memref<40x128xi32, #tpu.memory_space<vmem>> -> memref<1x128xi32, #tpu.memory_space<vmem>>
      %dma_wait3A_132 = tpu.memref_squeeze %dma_wait3A_131 : memref<1x128xi32, #tpu.memory_space<vmem>> -> memref<128xi32, #tpu.memory_space<vmem>>
      %dma_wait3A_133 = arith.constant 0 : i32
      %dma_wait3A_134 = arith.constant 0 : i32
      %dma_wait3A_135 = tpu.memref_slice %arg2[%dma_wait3A_133, %dma_wait3A_134] : memref<20480x128xf32, #tpu.memory_space<hbm>> -> memref<20480x128xf32, #tpu.memory_space<hbm>>
      tpu.wait_indirect_dma semaphore(%arg13 : memref<!tpu.dma_semaphore, #tpu.memory_space<semaphore_mem>>) src(%dma_wait3A_135 : memref<20480x128xf32, #tpu.memory_space<hbm>>) dst(%arg11 : memref<128x128xf32, #tpu.memory_space<vmem>>)
      "tpu.region"() ({
        %run_scoped3A_145 = tpu.sem_alloc : memref<!tpu.dma_semaphore, #tpu.memory_space<semaphore_mem>>
        %dma_start3A_146 = arith.constant 0 : i32
        %dma_start3A_147 = tpu.memref_slice %arg8[%add3A_129, %dma_start3A_146] : memref<40x128xi32, #tpu.memory_space<vmem>> -> memref<1x128xi32, #tpu.memory_space<vmem>>
        %dma_start3A_148 = tpu.memref_squeeze %dma_start3A_147 : memref<1x128xi32, #tpu.memory_space<vmem>> -> memref<128xi32, #tpu.memory_space<vmem>>
        %dma_start3A_149 = arith.constant 0 : i32
        %dma_start3A_150 = arith.constant 0 : i32
        %dma_start3A_151 = tpu.memref_slice %arg9[%dma_start3A_149, %dma_start3A_150] : memref<10240x128xf32, #tpu.memory_space<vmem_shared>> -> memref<10240x128xf32, #tpu.memory_space<vmem_shared>>
        tpu.enqueue_indirect_dma source(%arg11 : memref<128x128xf32, #tpu.memory_space<vmem>>) target(%dma_start3A_151 : memref<10240x128xf32, #tpu.memory_space<vmem_shared>>) offsets(%dma_start3A_148 : memref<128xi32, #tpu.memory_space<vmem>>) semaphore(%run_scoped3A_145 : memref<!tpu.dma_semaphore, #tpu.memory_space<semaphore_mem>>) {add = true}
        %dma_wait3A_152 = arith.constant 0 : i32
        %dma_wait3A_153 = tpu.memref_slice %arg8[%add3A_129, %dma_wait3A_152] : memref<40x128xi32, #tpu.memory_space<vmem>> -> memref<1x128xi32, #tpu.memory_space<vmem>>
        %dma_wait3A_154 = tpu.memref_squeeze %dma_wait3A_153 : memref<1x128xi32, #tpu.memory_space<vmem>> -> memref<128xi32, #tpu.memory_space<vmem>>
        %dma_wait3A_155 = arith.constant 0 : i32
        %dma_wait3A_156 = arith.constant 0 : i32
        %dma_wait3A_157 = tpu.memref_slice %arg9[%dma_wait3A_155, %dma_wait3A_156] : memref<10240x128xf32, #tpu.memory_space<vmem_shared>> -> memref<10240x128xf32, #tpu.memory_space<vmem_shared>>
        tpu.wait_indirect_dma semaphore(%run_scoped3A_145 : memref<!tpu.dma_semaphore, #tpu.memory_space<semaphore_mem>>) src(%arg11 : memref<128x128xf32, #tpu.memory_space<vmem>>) dst(%dma_wait3A_157 : memref<10240x128xf32, #tpu.memory_space<vmem_shared>>)
        tpu.yield
      }) : () -> ()
      %add3A_136 = arith.constant 2 : i32
      %add3A_137 = arith.addi %add3A_129, %add3A_136 : i32
      %dma_start3A_138 = arith.constant 0 : i32
      %dma_start3A_139 = tpu.memref_slice %arg7[%add3A_137, %dma_start3A_138] : memref<40x128xi32, #tpu.memory_space<vmem>> -> memref<1x128xi32, #tpu.memory_space<vmem>>
      %dma_start3A_140 = tpu.memref_squeeze %dma_start3A_139 : memref<1x128xi32, #tpu.memory_space<vmem>> -> memref<128xi32, #tpu.memory_space<vmem>>
      %dma_start3A_141 = arith.constant 0 : i32
      %dma_start3A_142 = arith.constant 0 : i32
      %dma_start3A_143 = tpu.memref_slice %arg2[%dma_start3A_141, %dma_start3A_142] : memref<20480x128xf32, #tpu.memory_space<hbm>> -> memref<20480x128xf32, #tpu.memory_space<hbm>>
      tpu.enqueue_indirect_dma source(%dma_start3A_143 : memref<20480x128xf32, #tpu.memory_space<hbm>>) target(%arg11 : memref<128x128xf32, #tpu.memory_space<vmem>>) offsets(%dma_start3A_140 : memref<128xi32, #tpu.memory_space<vmem>>) semaphore(%arg13 : memref<!tpu.dma_semaphore, #tpu.memory_space<semaphore_mem>>)
      %scan3A_144 = arith.constant 0 : i32
      scf.yield %scan3A_144 : i32
    }
    %scan3A_32 = arith.constant 19 : i32
    %dma_wait3A = arith.constant 38 : i32
    %dma_wait3A_33 = arith.constant 0 : i32
    %dma_wait3A_34 = tpu.memref_slice %arg7[%dma_wait3A, %dma_wait3A_33] : memref<40x128xi32, #tpu.memory_space<vmem>> -> memref<1x128xi32, #tpu.memory_space<vmem>>
    %dma_wait3A_35 = tpu.memref_squeeze %dma_wait3A_34 : memref<1x128xi32, #tpu.memory_space<vmem>> -> memref<128xi32, #tpu.memory_space<vmem>>
    %dma_wait3A_36 = arith.constant 0 : i32
    %dma_wait3A_37 = arith.constant 0 : i32
    %dma_wait3A_38 = tpu.memref_slice %arg2[%dma_wait3A_36, %dma_wait3A_37] : memref<20480x128xf32, #tpu.memory_space<hbm>> -> memref<20480x128xf32, #tpu.memory_space<hbm>>
    tpu.wait_indirect_dma semaphore(%arg12 : memref<!tpu.dma_semaphore, #tpu.memory_space<semaphore_mem>>) src(%dma_wait3A_38 : memref<20480x128xf32, #tpu.memory_space<hbm>>) dst(%arg10 : memref<128x128xf32, #tpu.memory_space<vmem>>)
    %run_scoped3A = arith.constant 38 : i32
    "tpu.region"() ({
      %run_scoped3A_106 = tpu.sem_alloc : memref<!tpu.dma_semaphore, #tpu.memory_space<semaphore_mem>>
      %dma_start3A_107 = arith.constant 0 : i32
      %dma_start3A_108 = tpu.memref_slice %arg8[%run_scoped3A, %dma_start3A_107] : memref<40x128xi32, #tpu.memory_space<vmem>> -> memref<1x128xi32, #tpu.memory_space<vmem>>
      %dma_start3A_109 = tpu.memref_squeeze %dma_start3A_108 : memref<1x128xi32, #tpu.memory_space<vmem>> -> memref<128xi32, #tpu.memory_space<vmem>>
      %dma_start3A_110 = arith.constant 0 : i32
      %dma_start3A_111 = arith.constant 0 : i32
      %dma_start3A_112 = tpu.memref_slice %arg9[%dma_start3A_110, %dma_start3A_111] : memref<10240x128xf32, #tpu.memory_space<vmem_shared>> -> memref<10240x128xf32, #tpu.memory_space<vmem_shared>>
      tpu.enqueue_indirect_dma source(%arg10 : memref<128x128xf32, #tpu.memory_space<vmem>>) target(%dma_start3A_112 : memref<10240x128xf32, #tpu.memory_space<vmem_shared>>) offsets(%dma_start3A_109 : memref<128xi32, #tpu.memory_space<vmem>>) semaphore(%run_scoped3A_106 : memref<!tpu.dma_semaphore, #tpu.memory_space<semaphore_mem>>) {add = true}
      %dma_wait3A_113 = arith.constant 0 : i32
      %dma_wait3A_114 = tpu.memref_slice %arg8[%run_scoped3A, %dma_wait3A_113] : memref<40x128xi32, #tpu.memory_space<vmem>> -> memref<1x128xi32, #tpu.memory_space<vmem>>
      %dma_wait3A_115 = tpu.memref_squeeze %dma_wait3A_114 : memref<1x128xi32, #tpu.memory_space<vmem>> -> memref<128xi32, #tpu.memory_space<vmem>>
      %dma_wait3A_116 = arith.constant 0 : i32
      %dma_wait3A_117 = arith.constant 0 : i32
      %dma_wait3A_118 = tpu.memref_slice %arg9[%dma_wait3A_116, %dma_wait3A_117] : memref<10240x128xf32, #tpu.memory_space<vmem_shared>> -> memref<10240x128xf32, #tpu.memory_space<vmem_shared>>
      tpu.wait_indirect_dma semaphore(%run_scoped3A_106 : memref<!tpu.dma_semaphore, #tpu.memory_space<semaphore_mem>>) src(%arg10 : memref<128x128xf32, #tpu.memory_space<vmem>>) dst(%dma_wait3A_118 : memref<10240x128xf32, #tpu.memory_space<vmem_shared>>)
      tpu.yield
    }) : () -> ()
    %dma_wait3A_39 = arith.constant 39 : i32
    %dma_wait3A_40 = arith.constant 0 : i32
    %dma_wait3A_41 = tpu.memref_slice %arg7[%dma_wait3A_39, %dma_wait3A_40] : memref<40x128xi32, #tpu.memory_space<vmem>> -> memref<1x128xi32, #tpu.memory_space<vmem>>
    %dma_wait3A_42 = tpu.memref_squeeze %dma_wait3A_41 : memref<1x128xi32, #tpu.memory_space<vmem>> -> memref<128xi32, #tpu.memory_space<vmem>>
    %dma_wait3A_43 = arith.constant 0 : i32
    %dma_wait3A_44 = arith.constant 0 : i32
    %dma_wait3A_45 = tpu.memref_slice %arg2[%dma_wait3A_43, %dma_wait3A_44] : memref<20480x128xf32, #tpu.memory_space<hbm>> -> memref<20480x128xf32, #tpu.memory_space<hbm>>
    tpu.wait_indirect_dma semaphore(%arg13 : memref<!tpu.dma_semaphore, #tpu.memory_space<semaphore_mem>>) src(%dma_wait3A_45 : memref<20480x128xf32, #tpu.memory_space<hbm>>) dst(%arg11 : memref<128x128xf32, #tpu.memory_space<vmem>>)
    %run_scoped3A_46 = arith.constant 39 : i32
    "tpu.region"() ({
      %run_scoped3A_106 = tpu.sem_alloc : memref<!tpu.dma_semaphore, #tpu.memory_space<semaphore_mem>>
      %dma_start3A_107 = arith.constant 0 : i32
      %dma_start3A_108 = tpu.memref_slice %arg8[%run_scoped3A_46, %dma_start3A_107] : memref<40x128xi32, #tpu.memory_space<vmem>> -> memref<1x128xi32, #tpu.memory_space<vmem>>
      %dma_start3A_109 = tpu.memref_squeeze %dma_start3A_108 : memref<1x128xi32, #tpu.memory_space<vmem>> -> memref<128xi32, #tpu.memory_space<vmem>>
      %dma_start3A_110 = arith.constant 0 : i32
      %dma_start3A_111 = arith.constant 0 : i32
      %dma_start3A_112 = tpu.memref_slice %arg9[%dma_start3A_110, %dma_start3A_111] : memref<10240x128xf32, #tpu.memory_space<vmem_shared>> -> memref<10240x128xf32, #tpu.memory_space<vmem_shared>>
      tpu.enqueue_indirect_dma source(%arg11 : memref<128x128xf32, #tpu.memory_space<vmem>>) target(%dma_start3A_112 : memref<10240x128xf32, #tpu.memory_space<vmem_shared>>) offsets(%dma_start3A_109 : memref<128xi32, #tpu.memory_space<vmem>>) semaphore(%run_scoped3A_106 : memref<!tpu.dma_semaphore, #tpu.memory_space<semaphore_mem>>) {add = true}
      %dma_wait3A_113 = arith.constant 0 : i32
      %dma_wait3A_114 = tpu.memref_slice %arg8[%run_scoped3A_46, %dma_wait3A_113] : memref<40x128xi32, #tpu.memory_space<vmem>> -> memref<1x128xi32, #tpu.memory_space<vmem>>
      %dma_wait3A_115 = tpu.memref_squeeze %dma_wait3A_114 : memref<1x128xi32, #tpu.memory_space<vmem>> -> memref<128xi32, #tpu.memory_space<vmem>>
      %dma_wait3A_116 = arith.constant 0 : i32
      %dma_wait3A_117 = arith.constant 0 : i32
      %dma_wait3A_118 = tpu.memref_slice %arg9[%dma_wait3A_116, %dma_wait3A_117] : memref<10240x128xf32, #tpu.memory_space<vmem_shared>> -> memref<10240x128xf32, #tpu.memory_space<vmem_shared>>
      tpu.wait_indirect_dma semaphore(%run_scoped3A_106 : memref<!tpu.dma_semaphore, #tpu.memory_space<semaphore_mem>>) src(%arg11 : memref<128x128xf32, #tpu.memory_space<vmem>>) dst(%dma_wait3A_118 : memref<10240x128xf32, #tpu.memory_space<vmem_shared>>)
      tpu.yield
    }) : () -> ()
    %mul3A_47 = arith.constant 1280 : i32
    %mul3A_48 = arith.muli %arg0, %mul3A_47 : i32
    %mul3A_49 = arith.constant 80 : i32
    %mul3A_50 = arith.muli %arg1, %mul3A_49 : i32
    %add3A_51 = arith.addi %mul3A_48, %mul3A_50 : i32
    %add3A_52 = arith.constant 40 : i32
    %add3A_53 = arith.addi %add3A_51, %add3A_52 : i32
    %mul3A_54 = arith.constant 0 : i32
    %mul3A_55 = arith.muli %arg0, %mul3A_54 : i32
    %mul3A_56 = arith.constant 80 : i32
    %mul3A_57 = arith.muli %arg1, %mul3A_56 : i32
    %add3A_58 = arith.addi %mul3A_55, %mul3A_57 : i32
    %add3A_59 = arith.constant 40 : i32
    %add3A_60 = arith.addi %add3A_58, %add3A_59 : i32
    "tpu.region"() ({
      %run_scoped3A_106 = tpu.sem_alloc : memref<!tpu.dma_semaphore, #tpu.memory_space<semaphore_mem>>
      %dma_start3A_107 = arith.constant 0 : i32
      %dma_start3A_108 = tpu.memref_slice %arg3[%add3A_53, %dma_start3A_107] : memref<2560x128xi32, #tpu.memory_space<hbm>> -> memref<40x128xi32, #tpu.memory_space<hbm>>
      %dma_start3A_109 = arith.constant 0 : i32
      %dma_start3A_110 = tpu.memref_slice %arg3[%add3A_53, %dma_start3A_109] : memref<2560x128xi32, #tpu.memory_space<hbm>> -> memref<40x128xi32, #tpu.memory_space<hbm>>
      tpu.enqueue_dma source(%dma_start3A_110 : memref<40x128xi32, #tpu.memory_space<hbm>>) target(%arg7 : memref<40x128xi32, #tpu.memory_space<vmem>>) target_semaphore(%run_scoped3A_106 : memref<!tpu.dma_semaphore, #tpu.memory_space<semaphore_mem>>)
      %dma_wait3A_111 = arith.constant 0 : i32
      %dma_wait3A_112 = tpu.memref_slice %arg3[%add3A_53, %dma_wait3A_111] : memref<2560x128xi32, #tpu.memory_space<hbm>> -> memref<40x128xi32, #tpu.memory_space<hbm>>
      %dma_wait3A_113 = arith.constant 0 : i32
      %dma_wait3A_114 = tpu.memref_slice %arg3[%add3A_53, %dma_wait3A_113] : memref<2560x128xi32, #tpu.memory_space<hbm>> -> memref<40x128xi32, #tpu.memory_space<hbm>>
      tpu.wait_dma2 semaphore(%run_scoped3A_106 : memref<!tpu.dma_semaphore, #tpu.memory_space<semaphore_mem>>) src(%dma_wait3A_114 : memref<40x128xi32, #tpu.memory_space<hbm>>) dst(%arg7 : memref<40x128xi32, #tpu.memory_space<vmem>>)
      tpu.yield
    }) : () -> ()
    "tpu.region"() ({
      %run_scoped3A_106 = tpu.sem_alloc : memref<!tpu.dma_semaphore, #tpu.memory_space<semaphore_mem>>
      %dma_start3A_107 = arith.constant 0 : i32
      %dma_start3A_108 = tpu.memref_slice %arg4[%add3A_60, %dma_start3A_107] : memref<1280x128xi32, #tpu.memory_space<hbm>> -> memref<40x128xi32, #tpu.memory_space<hbm>>
      %dma_start3A_109 = arith.constant 0 : i32
      %dma_start3A_110 = tpu.memref_slice %arg4[%add3A_60, %dma_start3A_109] : memref<1280x128xi32, #tpu.memory_space<hbm>> -> memref<40x128xi32, #tpu.memory_space<hbm>>
      tpu.enqueue_dma source(%dma_start3A_110 : memref<40x128xi32, #tpu.memory_space<hbm>>) target(%arg8 : memref<40x128xi32, #tpu.memory_space<vmem>>) target_semaphore(%run_scoped3A_106 : memref<!tpu.dma_semaphore, #tpu.memory_space<semaphore_mem>>)
      %dma_wait3A_111 = arith.constant 0 : i32
      %dma_wait3A_112 = tpu.memref_slice %arg4[%add3A_60, %dma_wait3A_111] : memref<1280x128xi32, #tpu.memory_space<hbm>> -> memref<40x128xi32, #tpu.memory_space<hbm>>
      %dma_wait3A_113 = arith.constant 0 : i32
      %dma_wait3A_114 = tpu.memref_slice %arg4[%add3A_60, %dma_wait3A_113] : memref<1280x128xi32, #tpu.memory_space<hbm>> -> memref<40x128xi32, #tpu.memory_space<hbm>>
      tpu.wait_dma2 semaphore(%run_scoped3A_106 : memref<!tpu.dma_semaphore, #tpu.memory_space<semaphore_mem>>) src(%dma_wait3A_114 : memref<40x128xi32, #tpu.memory_space<hbm>>) dst(%arg8 : memref<40x128xi32, #tpu.memory_space<vmem>>)
      tpu.yield
    }) : () -> ()
    %dma_start3A_61 = arith.constant 0 : i32
    %dma_start3A_62 = arith.constant 0 : i32
    %dma_start3A_63 = tpu.memref_slice %arg7[%dma_start3A_61, %dma_start3A_62] : memref<40x128xi32, #tpu.memory_space<vmem>> -> memref<1x128xi32, #tpu.memory_space<vmem>>
    %dma_start3A_64 = tpu.memref_squeeze %dma_start3A_63 : memref<1x128xi32, #tpu.memory_space<vmem>> -> memref<128xi32, #tpu.memory_space<vmem>>
    %dma_start3A_65 = arith.constant 0 : i32
    %dma_start3A_66 = arith.constant 0 : i32
    %dma_start3A_67 = tpu.memref_slice %arg2[%dma_start3A_65, %dma_start3A_66] : memref<20480x128xf32, #tpu.memory_space<hbm>> -> memref<20480x128xf32, #tpu.memory_space<hbm>>
    tpu.enqueue_indirect_dma source(%dma_start3A_67 : memref<20480x128xf32, #tpu.memory_space<hbm>>) target(%arg10 : memref<128x128xf32, #tpu.memory_space<vmem>>) offsets(%dma_start3A_64 : memref<128xi32, #tpu.memory_space<vmem>>) semaphore(%arg12 : memref<!tpu.dma_semaphore, #tpu.memory_space<semaphore_mem>>)
    %dma_start3A_68 = arith.constant 1 : i32
    %dma_start3A_69 = arith.constant 0 : i32
    %dma_start3A_70 = tpu.memref_slice %arg7[%dma_start3A_68, %dma_start3A_69] : memref<40x128xi32, #tpu.memory_space<vmem>> -> memref<1x128xi32, #tpu.memory_space<vmem>>
    %dma_start3A_71 = tpu.memref_squeeze %dma_start3A_70 : memref<1x128xi32, #tpu.memory_space<vmem>> -> memref<128xi32, #tpu.memory_space<vmem>>
    %dma_start3A_72 = arith.constant 0 : i32
    %dma_start3A_73 = arith.constant 0 : i32
    %dma_start3A_74 = tpu.memref_slice %arg2[%dma_start3A_72, %dma_start3A_73] : memref<20480x128xf32, #tpu.memory_space<hbm>> -> memref<20480x128xf32, #tpu.memory_space<hbm>>
    tpu.enqueue_indirect_dma source(%dma_start3A_74 : memref<20480x128xf32, #tpu.memory_space<hbm>>) target(%arg11 : memref<128x128xf32, #tpu.memory_space<vmem>>) offsets(%dma_start3A_71 : memref<128xi32, #tpu.memory_space<vmem>>) semaphore(%arg13 : memref<!tpu.dma_semaphore, #tpu.memory_space<semaphore_mem>>)
    %scan3A_75 = arith.constant 0 : i32
    %scan3A_76 = arith.constant 0 : i32
    %scan3A_77 = arith.constant 19 : i32
    %scan3A_78 = arith.addi %scan3A_76, %scan3A_77 : i32
    %scan3A_79 = arith.constant 1 : i32
    %scan3A_80 = scf.for %scan3A_106 = %scan3A_76 to %scan3A_78 step %scan3A_79 iter_args(%scan3A_107 = %scan3A_75) -> (i32)  : i32 {
      %mul3A_108 = arith.constant 2 : i32
      %mul3A_109 = arith.muli %scan3A_106, %mul3A_108 : i32
      %add3A_110 = arith.constant 0 : i32
      %add3A_111 = arith.addi %mul3A_109, %add3A_110 : i32
      %dma_wait3A_112 = arith.constant 0 : i32
      %dma_wait3A_113 = tpu.memref_slice %arg7[%add3A_111, %dma_wait3A_112] : memref<40x128xi32, #tpu.memory_space<vmem>> -> memref<1x128xi32, #tpu.memory_space<vmem>>
      %dma_wait3A_114 = tpu.memref_squeeze %dma_wait3A_113 : memref<1x128xi32, #tpu.memory_space<vmem>> -> memref<128xi32, #tpu.memory_space<vmem>>
      %dma_wait3A_115 = arith.constant 0 : i32
      %dma_wait3A_116 = arith.constant 0 : i32
      %dma_wait3A_117 = tpu.memref_slice %arg2[%dma_wait3A_115, %dma_wait3A_116] : memref<20480x128xf32, #tpu.memory_space<hbm>> -> memref<20480x128xf32, #tpu.memory_space<hbm>>
      tpu.wait_indirect_dma semaphore(%arg12 : memref<!tpu.dma_semaphore, #tpu.memory_space<semaphore_mem>>) src(%dma_wait3A_117 : memref<20480x128xf32, #tpu.memory_space<hbm>>) dst(%arg10 : memref<128x128xf32, #tpu.memory_space<vmem>>)
      "tpu.region"() ({
        %run_scoped3A_145 = tpu.sem_alloc : memref<!tpu.dma_semaphore, #tpu.memory_space<semaphore_mem>>
        %dma_start3A_146 = arith.constant 0 : i32
        %dma_start3A_147 = tpu.memref_slice %arg8[%add3A_111, %dma_start3A_146] : memref<40x128xi32, #tpu.memory_space<vmem>> -> memref<1x128xi32, #tpu.memory_space<vmem>>
        %dma_start3A_148 = tpu.memref_squeeze %dma_start3A_147 : memref<1x128xi32, #tpu.memory_space<vmem>> -> memref<128xi32, #tpu.memory_space<vmem>>
        %dma_start3A_149 = arith.constant 0 : i32
        %dma_start3A_150 = arith.constant 0 : i32
        %dma_start3A_151 = tpu.memref_slice %arg9[%dma_start3A_149, %dma_start3A_150] : memref<10240x128xf32, #tpu.memory_space<vmem_shared>> -> memref<10240x128xf32, #tpu.memory_space<vmem_shared>>
        tpu.enqueue_indirect_dma source(%arg10 : memref<128x128xf32, #tpu.memory_space<vmem>>) target(%dma_start3A_151 : memref<10240x128xf32, #tpu.memory_space<vmem_shared>>) offsets(%dma_start3A_148 : memref<128xi32, #tpu.memory_space<vmem>>) semaphore(%run_scoped3A_145 : memref<!tpu.dma_semaphore, #tpu.memory_space<semaphore_mem>>) {add = true}
        %dma_wait3A_152 = arith.constant 0 : i32
        %dma_wait3A_153 = tpu.memref_slice %arg8[%add3A_111, %dma_wait3A_152] : memref<40x128xi32, #tpu.memory_space<vmem>> -> memref<1x128xi32, #tpu.memory_space<vmem>>
        %dma_wait3A_154 = tpu.memref_squeeze %dma_wait3A_153 : memref<1x128xi32, #tpu.memory_space<vmem>> -> memref<128xi32, #tpu.memory_space<vmem>>
        %dma_wait3A_155 = arith.constant 0 : i32
        %dma_wait3A_156 = arith.constant 0 : i32
        %dma_wait3A_157 = tpu.memref_slice %arg9[%dma_wait3A_155, %dma_wait3A_156] : memref<10240x128xf32, #tpu.memory_space<vmem_shared>> -> memref<10240x128xf32, #tpu.memory_space<vmem_shared>>
        tpu.wait_indirect_dma semaphore(%run_scoped3A_145 : memref<!tpu.dma_semaphore, #tpu.memory_space<semaphore_mem>>) src(%arg10 : memref<128x128xf32, #tpu.memory_space<vmem>>) dst(%dma_wait3A_157 : memref<10240x128xf32, #tpu.memory_space<vmem_shared>>)
        tpu.yield
      }) : () -> ()
      %add3A_118 = arith.constant 2 : i32
      %add3A_119 = arith.addi %add3A_111, %add3A_118 : i32
      %dma_start3A_120 = arith.constant 0 : i32
      %dma_start3A_121 = tpu.memref_slice %arg7[%add3A_119, %dma_start3A_120] : memref<40x128xi32, #tpu.memory_space<vmem>> -> memref<1x128xi32, #tpu.memory_space<vmem>>
      %dma_start3A_122 = tpu.memref_squeeze %dma_start3A_121 : memref<1x128xi32, #tpu.memory_space<vmem>> -> memref<128xi32, #tpu.memory_space<vmem>>
      %dma_start3A_123 = arith.constant 0 : i32
      %dma_start3A_124 = arith.constant 0 : i32
      %dma_start3A_125 = tpu.memref_slice %arg2[%dma_start3A_123, %dma_start3A_124] : memref<20480x128xf32, #tpu.memory_space<hbm>> -> memref<20480x128xf32, #tpu.memory_space<hbm>>
      tpu.enqueue_indirect_dma source(%dma_start3A_125 : memref<20480x128xf32, #tpu.memory_space<hbm>>) target(%arg10 : memref<128x128xf32, #tpu.memory_space<vmem>>) offsets(%dma_start3A_122 : memref<128xi32, #tpu.memory_space<vmem>>) semaphore(%arg12 : memref<!tpu.dma_semaphore, #tpu.memory_space<semaphore_mem>>)
      %mul3A_126 = arith.constant 2 : i32
      %mul3A_127 = arith.muli %scan3A_106, %mul3A_126 : i32
      %add3A_128 = arith.constant 1 : i32
      %add3A_129 = arith.addi %mul3A_127, %add3A_128 : i32
      %dma_wait3A_130 = arith.constant 0 : i32
      %dma_wait3A_131 = tpu.memref_slice %arg7[%add3A_129, %dma_wait3A_130] : memref<40x128xi32, #tpu.memory_space<vmem>> -> memref<1x128xi32, #tpu.memory_space<vmem>>
      %dma_wait3A_132 = tpu.memref_squeeze %dma_wait3A_131 : memref<1x128xi32, #tpu.memory_space<vmem>> -> memref<128xi32, #tpu.memory_space<vmem>>
      %dma_wait3A_133 = arith.constant 0 : i32
      %dma_wait3A_134 = arith.constant 0 : i32
      %dma_wait3A_135 = tpu.memref_slice %arg2[%dma_wait3A_133, %dma_wait3A_134] : memref<20480x128xf32, #tpu.memory_space<hbm>> -> memref<20480x128xf32, #tpu.memory_space<hbm>>
      tpu.wait_indirect_dma semaphore(%arg13 : memref<!tpu.dma_semaphore, #tpu.memory_space<semaphore_mem>>) src(%dma_wait3A_135 : memref<20480x128xf32, #tpu.memory_space<hbm>>) dst(%arg11 : memref<128x128xf32, #tpu.memory_space<vmem>>)
      "tpu.region"() ({
        %run_scoped3A_145 = tpu.sem_alloc : memref<!tpu.dma_semaphore, #tpu.memory_space<semaphore_mem>>
        %dma_start3A_146 = arith.constant 0 : i32
        %dma_start3A_147 = tpu.memref_slice %arg8[%add3A_129, %dma_start3A_146] : memref<40x128xi32, #tpu.memory_space<vmem>> -> memref<1x128xi32, #tpu.memory_space<vmem>>
        %dma_start3A_148 = tpu.memref_squeeze %dma_start3A_147 : memref<1x128xi32, #tpu.memory_space<vmem>> -> memref<128xi32, #tpu.memory_space<vmem>>
        %dma_start3A_149 = arith.constant 0 : i32
        %dma_start3A_150 = arith.constant 0 : i32
        %dma_start3A_151 = tpu.memref_slice %arg9[%dma_start3A_149, %dma_start3A_150] : memref<10240x128xf32, #tpu.memory_space<vmem_shared>> -> memref<10240x128xf32, #tpu.memory_space<vmem_shared>>
        tpu.enqueue_indirect_dma source(%arg11 : memref<128x128xf32, #tpu.memory_space<vmem>>) target(%dma_start3A_151 : memref<10240x128xf32, #tpu.memory_space<vmem_shared>>) offsets(%dma_start3A_148 : memref<128xi32, #tpu.memory_space<vmem>>) semaphore(%run_scoped3A_145 : memref<!tpu.dma_semaphore, #tpu.memory_space<semaphore_mem>>) {add = true}
        %dma_wait3A_152 = arith.constant 0 : i32
        %dma_wait3A_153 = tpu.memref_slice %arg8[%add3A_129, %dma_wait3A_152] : memref<40x128xi32, #tpu.memory_space<vmem>> -> memref<1x128xi32, #tpu.memory_space<vmem>>
        %dma_wait3A_154 = tpu.memref_squeeze %dma_wait3A_153 : memref<1x128xi32, #tpu.memory_space<vmem>> -> memref<128xi32, #tpu.memory_space<vmem>>
        %dma_wait3A_155 = arith.constant 0 : i32
        %dma_wait3A_156 = arith.constant 0 : i32
        %dma_wait3A_157 = tpu.memref_slice %arg9[%dma_wait3A_155, %dma_wait3A_156] : memref<10240x128xf32, #tpu.memory_space<vmem_shared>> -> memref<10240x128xf32, #tpu.memory_space<vmem_shared>>
        tpu.wait_indirect_dma semaphore(%run_scoped3A_145 : memref<!tpu.dma_semaphore, #tpu.memory_space<semaphore_mem>>) src(%arg11 : memref<128x128xf32, #tpu.memory_space<vmem>>) dst(%dma_wait3A_157 : memref<10240x128xf32, #tpu.memory_space<vmem_shared>>)
        tpu.yield
      }) : () -> ()
      %add3A_136 = arith.constant 2 : i32
      %add3A_137 = arith.addi %add3A_129, %add3A_136 : i32
      %dma_start3A_138 = arith.constant 0 : i32
      %dma_start3A_139 = tpu.memref_slice %arg7[%add3A_137, %dma_start3A_138] : memref<40x128xi32, #tpu.memory_space<vmem>> -> memref<1x128xi32, #tpu.memory_space<vmem>>
      %dma_start3A_140 = tpu.memref_squeeze %dma_start3A_139 : memref<1x128xi32, #tpu.memory_space<vmem>> -> memref<128xi32, #tpu.memory_space<vmem>>
      %dma_start3A_141 = arith.constant 0 : i32
      %dma_start3A_142 = arith.constant 0 : i32
      %dma_start3A_143 = tpu.memref_slice %arg2[%dma_start3A_141, %dma_start3A_142] : memref<20480x128xf32, #tpu.memory_space<hbm>> -> memref<20480x128xf32, #tpu.memory_space<hbm>>
      tpu.enqueue_indirect_dma source(%dma_start3A_143 : memref<20480x128xf32, #tpu.memory_space<hbm>>) target(%arg11 : memref<128x128xf32, #tpu.memory_space<vmem>>) offsets(%dma_start3A_140 : memref<128xi32, #tpu.memory_space<vmem>>) semaphore(%arg13 : memref<!tpu.dma_semaphore, #tpu.memory_space<semaphore_mem>>)
      %scan3A_144 = arith.constant 0 : i32
      scf.yield %scan3A_144 : i32
    }
    %scan3A_81 = arith.constant 19 : i32
    %dma_wait3A_82 = arith.constant 38 : i32
    %dma_wait3A_83 = arith.constant 0 : i32
    %dma_wait3A_84 = tpu.memref_slice %arg7[%dma_wait3A_82, %dma_wait3A_83] : memref<40x128xi32, #tpu.memory_space<vmem>> -> memref<1x128xi32, #tpu.memory_space<vmem>>
    %dma_wait3A_85 = tpu.memref_squeeze %dma_wait3A_84 : memref<1x128xi32, #tpu.memory_space<vmem>> -> memref<128xi32, #tpu.memory_space<vmem>>
    %dma_wait3A_86 = arith.constant 0 : i32
    %dma_wait3A_87 = arith.constant 0 : i32
    %dma_wait3A_88 = tpu.memref_slice %arg2[%dma_wait3A_86, %dma_wait3A_87] : memref<20480x128xf32, #tpu.memory_space<hbm>> -> memref<20480x128xf32, #tpu.memory_space<hbm>>
    tpu.wait_indirect_dma semaphore(%arg12 : memref<!tpu.dma_semaphore, #tpu.memory_space<semaphore_mem>>) src(%dma_wait3A_88 : memref<20480x128xf32, #tpu.memory_space<hbm>>) dst(%arg10 : memref<128x128xf32, #tpu.memory_space<vmem>>)
    %run_scoped3A_89 = arith.constant 38 : i32
    "tpu.region"() ({
      %run_scoped3A_106 = tpu.sem_alloc : memref<!tpu.dma_semaphore, #tpu.memory_space<semaphore_mem>>
      %dma_start3A_107 = arith.constant 0 : i32
      %dma_start3A_108 = tpu.memref_slice %arg8[%run_scoped3A_89, %dma_start3A_107] : memref<40x128xi32, #tpu.memory_space<vmem>> -> memref<1x128xi32, #tpu.memory_space<vmem>>
      %dma_start3A_109 = tpu.memref_squeeze %dma_start3A_108 : memref<1x128xi32, #tpu.memory_space<vmem>> -> memref<128xi32, #tpu.memory_space<vmem>>
      %dma_start3A_110 = arith.constant 0 : i32
      %dma_start3A_111 = arith.constant 0 : i32
      %dma_start3A_112 = tpu.memref_slice %arg9[%dma_start3A_110, %dma_start3A_111] : memref<10240x128xf32, #tpu.memory_space<vmem_shared>> -> memref<10240x128xf32, #tpu.memory_space<vmem_shared>>
      tpu.enqueue_indirect_dma source(%arg10 : memref<128x128xf32, #tpu.memory_space<vmem>>) target(%dma_start3A_112 : memref<10240x128xf32, #tpu.memory_space<vmem_shared>>) offsets(%dma_start3A_109 : memref<128xi32, #tpu.memory_space<vmem>>) semaphore(%run_scoped3A_106 : memref<!tpu.dma_semaphore, #tpu.memory_space<semaphore_mem>>) {add = true}
      %dma_wait3A_113 = arith.constant 0 : i32
      %dma_wait3A_114 = tpu.memref_slice %arg8[%run_scoped3A_89, %dma_wait3A_113] : memref<40x128xi32, #tpu.memory_space<vmem>> -> memref<1x128xi32, #tpu.memory_space<vmem>>
      %dma_wait3A_115 = tpu.memref_squeeze %dma_wait3A_114 : memref<1x128xi32, #tpu.memory_space<vmem>> -> memref<128xi32, #tpu.memory_space<vmem>>
      %dma_wait3A_116 = arith.constant 0 : i32
      %dma_wait3A_117 = arith.constant 0 : i32
      %dma_wait3A_118 = tpu.memref_slice %arg9[%dma_wait3A_116, %dma_wait3A_117] : memref<10240x128xf32, #tpu.memory_space<vmem_shared>> -> memref<10240x128xf32, #tpu.memory_space<vmem_shared>>
      tpu.wait_indirect_dma semaphore(%run_scoped3A_106 : memref<!tpu.dma_semaphore, #tpu.memory_space<semaphore_mem>>) src(%arg10 : memref<128x128xf32, #tpu.memory_space<vmem>>) dst(%dma_wait3A_118 : memref<10240x128xf32, #tpu.memory_space<vmem_shared>>)
      tpu.yield
    }) : () -> ()
    %dma_wait3A_90 = arith.constant 39 : i32
    %dma_wait3A_91 = arith.constant 0 : i32
    %dma_wait3A_92 = tpu.memref_slice %arg7[%dma_wait3A_90, %dma_wait3A_91] : memref<40x128xi32, #tpu.memory_space<vmem>> -> memref<1x128xi32, #tpu.memory_space<vmem>>
    %dma_wait3A_93 = tpu.memref_squeeze %dma_wait3A_92 : memref<1x128xi32, #tpu.memory_space<vmem>> -> memref<128xi32, #tpu.memory_space<vmem>>
    %dma_wait3A_94 = arith.constant 0 : i32
    %dma_wait3A_95 = arith.constant 0 : i32
    %dma_wait3A_96 = tpu.memref_slice %arg2[%dma_wait3A_94, %dma_wait3A_95] : memref<20480x128xf32, #tpu.memory_space<hbm>> -> memref<20480x128xf32, #tpu.memory_space<hbm>>
    tpu.wait_indirect_dma semaphore(%arg13 : memref<!tpu.dma_semaphore, #tpu.memory_space<semaphore_mem>>) src(%dma_wait3A_96 : memref<20480x128xf32, #tpu.memory_space<hbm>>) dst(%arg11 : memref<128x128xf32, #tpu.memory_space<vmem>>)
    %run_scoped3A_97 = arith.constant 39 : i32
    "tpu.region"() ({
      %run_scoped3A_106 = tpu.sem_alloc : memref<!tpu.dma_semaphore, #tpu.memory_space<semaphore_mem>>
      %dma_start3A_107 = arith.constant 0 : i32
      %dma_start3A_108 = tpu.memref_slice %arg8[%run_scoped3A_97, %dma_start3A_107] : memref<40x128xi32, #tpu.memory_space<vmem>> -> memref<1x128xi32, #tpu.memory_space<vmem>>
      %dma_start3A_109 = tpu.memref_squeeze %dma_start3A_108 : memref<1x128xi32, #tpu.memory_space<vmem>> -> memref<128xi32, #tpu.memory_space<vmem>>
      %dma_start3A_110 = arith.constant 0 : i32
      %dma_start3A_111 = arith.constant 0 : i32
      %dma_start3A_112 = tpu.memref_slice %arg9[%dma_start3A_110, %dma_start3A_111] : memref<10240x128xf32, #tpu.memory_space<vmem_shared>> -> memref<10240x128xf32, #tpu.memory_space<vmem_shared>>
      tpu.enqueue_indirect_dma source(%arg11 : memref<128x128xf32, #tpu.memory_space<vmem>>) target(%dma_start3A_112 : memref<10240x128xf32, #tpu.memory_space<vmem_shared>>) offsets(%dma_start3A_109 : memref<128xi32, #tpu.memory_space<vmem>>) semaphore(%run_scoped3A_106 : memref<!tpu.dma_semaphore, #tpu.memory_space<semaphore_mem>>) {add = true}
      %dma_wait3A_113 = arith.constant 0 : i32
      %dma_wait3A_114 = tpu.memref_slice %arg8[%run_scoped3A_97, %dma_wait3A_113] : memref<40x128xi32, #tpu.memory_space<vmem>> -> memref<1x128xi32, #tpu.memory_space<vmem>>
      %dma_wait3A_115 = tpu.memref_squeeze %dma_wait3A_114 : memref<1x128xi32, #tpu.memory_space<vmem>> -> memref<128xi32, #tpu.memory_space<vmem>>
      %dma_wait3A_116 = arith.constant 0 : i32
      %dma_wait3A_117 = arith.constant 0 : i32
      %dma_wait3A_118 = tpu.memref_slice %arg9[%dma_wait3A_116, %dma_wait3A_117] : memref<10240x128xf32, #tpu.memory_space<vmem_shared>> -> memref<10240x128xf32, #tpu.memory_space<vmem_shared>>
      tpu.wait_indirect_dma semaphore(%run_scoped3A_106 : memref<!tpu.dma_semaphore, #tpu.memory_space<semaphore_mem>>) src(%arg11 : memref<128x128xf32, #tpu.memory_space<vmem>>) dst(%dma_wait3A_118 : memref<10240x128xf32, #tpu.memory_space<vmem_shared>>)
      tpu.yield
    }) : () -> ()
    %barrier3A_98 = arith.constant 0 : index
    tpu.barrier barrier_id(%barrier3A_98)
    %mul3A_99 = arith.constant 640 : i32
    %mul3A_100 = arith.muli %arg1, %mul3A_99 : i32
    %mul3A_101 = arith.constant 10240 : i32
    %mul3A_102 = arith.muli %arg0, %mul3A_101 : i32
    %mul3A_103 = arith.constant 640 : i32
    %mul3A_104 = arith.muli %arg1, %mul3A_103 : i32
    %add3A_105 = arith.addi %mul3A_102, %mul3A_104 : i32
    "tpu.region"() ({
      %run_scoped3A_106 = tpu.sem_alloc : memref<!tpu.dma_semaphore, #tpu.memory_space<semaphore_mem>>
      %dma_start3A_107 = arith.constant 0 : i32
      %dma_start3A_108 = tpu.memref_slice %arg6[%add3A_105, %dma_start3A_107] : memref<20480x128xf32, #tpu.memory_space<hbm>> -> memref<640x128xf32, #tpu.memory_space<hbm>>
      %dma_start3A_109 = arith.constant 0 : i32
      %dma_start3A_110 = tpu.memref_slice %arg9[%mul3A_100, %dma_start3A_109] : memref<10240x128xf32, #tpu.memory_space<vmem_shared>> -> memref<640x128xf32, #tpu.memory_space<vmem_shared>>
      tpu.enqueue_dma source(%dma_start3A_110 : memref<640x128xf32, #tpu.memory_space<vmem_shared>>) target(%dma_start3A_108 : memref<640x128xf32, #tpu.memory_space<hbm>>) target_semaphore(%run_scoped3A_106 : memref<!tpu.dma_semaphore, #tpu.memory_space<semaphore_mem>>)
      %dma_wait3A_111 = arith.constant 0 : i32
      %dma_wait3A_112 = tpu.memref_slice %arg6[%add3A_105, %dma_wait3A_111] : memref<20480x128xf32, #tpu.memory_space<hbm>> -> memref<640x128xf32, #tpu.memory_space<hbm>>
      %dma_wait3A_113 = arith.constant 0 : i32
      %dma_wait3A_114 = tpu.memref_slice %arg9[%mul3A_100, %dma_wait3A_113] : memref<10240x128xf32, #tpu.memory_space<vmem_shared>> -> memref<640x128xf32, #tpu.memory_space<vmem_shared>>
      tpu.wait_dma2 semaphore(%run_scoped3A_106 : memref<!tpu.dma_semaphore, #tpu.memory_space<semaphore_mem>>) src(%dma_wait3A_114 : memref<640x128xf32, #tpu.memory_space<vmem_shared>>) dst(%dma_wait3A_112 : memref<640x128xf32, #tpu.memory_space<hbm>>)
      tpu.yield
    }) : () -> ()
    return
  }
}

#map = affine_map<(d0, d1) -> (0, 0)>
module attributes {stable_mosaic.version = 14 : i64} {
  func.func @_agg_body(%arg0: i32, %arg1: i32, %arg2: memref<10240x64xf32, #tpu.memory_space<hbm>>, %arg3: memref<2560x128xi32, #tpu.memory_space<hbm>>, %arg4: memref<1280x128xi32, #tpu.memory_space<hbm>>, %arg5: memref<640x64xf32, #tpu.memory_space<hbm>>, %arg6: memref<20480x64xf32, #tpu.memory_space<hbm>>, %arg7: memref<40x128xi32, #tpu.memory_space<vmem>>, %arg8: memref<40x128xi32, #tpu.memory_space<vmem>>, %arg9: memref<10240x64xf32, #tpu.memory_space<vmem_shared>>, %arg10: memref<128x64xf32, #tpu.memory_space<vmem>>, %arg11: memref<128x64xf32, #tpu.memory_space<vmem>>, %arg12: memref<128x64xf32, #tpu.memory_space<vmem>>, %arg13: memref<128x64xf32, #tpu.memory_space<vmem>>, %arg14: memref<128x64xf32, #tpu.memory_space<vmem>>, %arg15: memref<128x64xf32, #tpu.memory_space<vmem>>, %arg16: memref<128x64xf32, #tpu.memory_space<vmem>>, %arg17: memref<128x64xf32, #tpu.memory_space<vmem>>, %arg18: memref<!tpu.dma_semaphore, #tpu.memory_space<semaphore_mem>>, %arg19: memref<!tpu.dma_semaphore, #tpu.memory_space<semaphore_mem>>, %arg20: memref<!tpu.dma_semaphore, #tpu.memory_space<semaphore_mem>>, %arg21: memref<!tpu.dma_semaphore, #tpu.memory_space<semaphore_mem>>, %arg22: memref<!tpu.dma_semaphore, #tpu.memory_space<semaphore_mem>>, %arg23: memref<!tpu.dma_semaphore, #tpu.memory_space<semaphore_mem>>, %arg24: memref<!tpu.dma_semaphore, #tpu.memory_space<semaphore_mem>>, %arg25: memref<!tpu.dma_semaphore, #tpu.memory_space<semaphore_mem>>) attributes {dimension_semantics = [#tpu.dimension_semantics<core_parallel>, #tpu.dimension_semantics<subcore_parallel>], iteration_bounds = array<i64: 2, 16>, scalar_prefetch = 0 : i64, scratch_operands = 19 : i64, tpu.core_type = #tpu.core_type<sc_vector_subcore>, window_params = [{transform_indices = #map}, {transform_indices = #map}, {transform_indices = #map}, {transform_indices = #map}, {transform_indices = #map}]} {
    %mul3A = arith.constant 640 : i32
    %mul3A_0 = arith.muli %arg1, %mul3A : i32
    "tpu.region"() ({
      %run_scoped3A_145 = tpu.sem_alloc : memref<!tpu.dma_semaphore, #tpu.memory_space<semaphore_mem>>
      %dma_start3A_146 = arith.constant 0 : i32
      %dma_start3A_147 = tpu.memref_slice %arg9[%mul3A_0, %dma_start3A_146] : memref<10240x64xf32, #tpu.memory_space<vmem_shared>> -> memref<640x64xf32, #tpu.memory_space<vmem_shared>>
      tpu.enqueue_dma source(%arg5 : memref<640x64xf32, #tpu.memory_space<hbm>>) target(%dma_start3A_147 : memref<640x64xf32, #tpu.memory_space<vmem_shared>>) target_semaphore(%run_scoped3A_145 : memref<!tpu.dma_semaphore, #tpu.memory_space<semaphore_mem>>)
      %dma_wait3A_148 = arith.constant 0 : i32
      %dma_wait3A_149 = tpu.memref_slice %arg9[%mul3A_0, %dma_wait3A_148] : memref<10240x64xf32, #tpu.memory_space<vmem_shared>> -> memref<640x64xf32, #tpu.memory_space<vmem_shared>>
      tpu.wait_dma2 semaphore(%run_scoped3A_145 : memref<!tpu.dma_semaphore, #tpu.memory_space<semaphore_mem>>) src(%arg5 : memref<640x64xf32, #tpu.memory_space<hbm>>) dst(%dma_wait3A_149 : memref<640x64xf32, #tpu.memory_space<vmem_shared>>)
      tpu.yield
    }) : () -> ()
    %barrier3A = arith.constant 0 : index
    tpu.barrier barrier_id(%barrier3A)
    %mul3A_1 = arith.constant 640 : i32
    %mul3A_2 = arith.muli %arg0, %mul3A_1 : i32
    %mul3A_3 = arith.constant 40 : i32
    %mul3A_4 = arith.muli %arg1, %mul3A_3 : i32
    %add3A = arith.addi %mul3A_2, %mul3A_4 : i32
    %add3A_5 = arith.constant 0 : i32
    %add3A_6 = arith.addi %add3A, %add3A_5 : i32
    %mul3A_7 = arith.constant 640 : i32
    %mul3A_8 = arith.muli %arg0, %mul3A_7 : i32
    %mul3A_9 = arith.constant 40 : i32
    %mul3A_10 = arith.muli %arg1, %mul3A_9 : i32
    %add3A_11 = arith.addi %mul3A_8, %mul3A_10 : i32
    %add3A_12 = arith.constant 0 : i32
    %add3A_13 = arith.addi %add3A_11, %add3A_12 : i32
    "tpu.region"() ({
      %run_scoped3A_145 = tpu.sem_alloc : memref<!tpu.dma_semaphore, #tpu.memory_space<semaphore_mem>>
      %dma_start3A_146 = arith.constant 0 : i32
      %dma_start3A_147 = tpu.memref_slice %arg3[%add3A_6, %dma_start3A_146] : memref<2560x128xi32, #tpu.memory_space<hbm>> -> memref<40x128xi32, #tpu.memory_space<hbm>>
      %dma_start3A_148 = arith.constant 0 : i32
      %dma_start3A_149 = tpu.memref_slice %arg3[%add3A_6, %dma_start3A_148] : memref<2560x128xi32, #tpu.memory_space<hbm>> -> memref<40x128xi32, #tpu.memory_space<hbm>>
      tpu.enqueue_dma source(%dma_start3A_149 : memref<40x128xi32, #tpu.memory_space<hbm>>) target(%arg7 : memref<40x128xi32, #tpu.memory_space<vmem>>) target_semaphore(%run_scoped3A_145 : memref<!tpu.dma_semaphore, #tpu.memory_space<semaphore_mem>>)
      %dma_wait3A_150 = arith.constant 0 : i32
      %dma_wait3A_151 = tpu.memref_slice %arg3[%add3A_6, %dma_wait3A_150] : memref<2560x128xi32, #tpu.memory_space<hbm>> -> memref<40x128xi32, #tpu.memory_space<hbm>>
      %dma_wait3A_152 = arith.constant 0 : i32
      %dma_wait3A_153 = tpu.memref_slice %arg3[%add3A_6, %dma_wait3A_152] : memref<2560x128xi32, #tpu.memory_space<hbm>> -> memref<40x128xi32, #tpu.memory_space<hbm>>
      tpu.wait_dma2 semaphore(%run_scoped3A_145 : memref<!tpu.dma_semaphore, #tpu.memory_space<semaphore_mem>>) src(%dma_wait3A_153 : memref<40x128xi32, #tpu.memory_space<hbm>>) dst(%arg7 : memref<40x128xi32, #tpu.memory_space<vmem>>)
      tpu.yield
    }) : () -> ()
    "tpu.region"() ({
      %run_scoped3A_145 = tpu.sem_alloc : memref<!tpu.dma_semaphore, #tpu.memory_space<semaphore_mem>>
      %dma_start3A_146 = arith.constant 0 : i32
      %dma_start3A_147 = tpu.memref_slice %arg4[%add3A_13, %dma_start3A_146] : memref<1280x128xi32, #tpu.memory_space<hbm>> -> memref<40x128xi32, #tpu.memory_space<hbm>>
      %dma_start3A_148 = arith.constant 0 : i32
      %dma_start3A_149 = tpu.memref_slice %arg4[%add3A_13, %dma_start3A_148] : memref<1280x128xi32, #tpu.memory_space<hbm>> -> memref<40x128xi32, #tpu.memory_space<hbm>>
      tpu.enqueue_dma source(%dma_start3A_149 : memref<40x128xi32, #tpu.memory_space<hbm>>) target(%arg8 : memref<40x128xi32, #tpu.memory_space<vmem>>) target_semaphore(%run_scoped3A_145 : memref<!tpu.dma_semaphore, #tpu.memory_space<semaphore_mem>>)
      %dma_wait3A_150 = arith.constant 0 : i32
      %dma_wait3A_151 = tpu.memref_slice %arg4[%add3A_13, %dma_wait3A_150] : memref<1280x128xi32, #tpu.memory_space<hbm>> -> memref<40x128xi32, #tpu.memory_space<hbm>>
      %dma_wait3A_152 = arith.constant 0 : i32
      %dma_wait3A_153 = tpu.memref_slice %arg4[%add3A_13, %dma_wait3A_152] : memref<1280x128xi32, #tpu.memory_space<hbm>> -> memref<40x128xi32, #tpu.memory_space<hbm>>
      tpu.wait_dma2 semaphore(%run_scoped3A_145 : memref<!tpu.dma_semaphore, #tpu.memory_space<semaphore_mem>>) src(%dma_wait3A_153 : memref<40x128xi32, #tpu.memory_space<hbm>>) dst(%arg8 : memref<40x128xi32, #tpu.memory_space<vmem>>)
      tpu.yield
    }) : () -> ()
    %dma_start3A = arith.constant 0 : i32
    %dma_start3A_14 = arith.constant 0 : i32
    %dma_start3A_15 = tpu.memref_slice %arg7[%dma_start3A, %dma_start3A_14] : memref<40x128xi32, #tpu.memory_space<vmem>> -> memref<1x128xi32, #tpu.memory_space<vmem>>
    %dma_start3A_16 = tpu.memref_squeeze %dma_start3A_15 : memref<1x128xi32, #tpu.memory_space<vmem>> -> memref<128xi32, #tpu.memory_space<vmem>>
    %dma_start3A_17 = arith.constant 0 : i32
    %dma_start3A_18 = arith.constant 0 : i32
    %dma_start3A_19 = tpu.memref_slice %arg2[%dma_start3A_17, %dma_start3A_18] : memref<10240x64xf32, #tpu.memory_space<hbm>> -> memref<10240x64xf32, #tpu.memory_space<hbm>>
    tpu.enqueue_indirect_dma source(%dma_start3A_19 : memref<10240x64xf32, #tpu.memory_space<hbm>>) target(%arg10 : memref<128x64xf32, #tpu.memory_space<vmem>>) offsets(%dma_start3A_16 : memref<128xi32, #tpu.memory_space<vmem>>) semaphore(%arg18 : memref<!tpu.dma_semaphore, #tpu.memory_space<semaphore_mem>>)
    %dma_start3A_20 = arith.constant 1 : i32
    %dma_start3A_21 = arith.constant 0 : i32
    %dma_start3A_22 = tpu.memref_slice %arg7[%dma_start3A_20, %dma_start3A_21] : memref<40x128xi32, #tpu.memory_space<vmem>> -> memref<1x128xi32, #tpu.memory_space<vmem>>
    %dma_start3A_23 = tpu.memref_squeeze %dma_start3A_22 : memref<1x128xi32, #tpu.memory_space<vmem>> -> memref<128xi32, #tpu.memory_space<vmem>>
    %dma_start3A_24 = arith.constant 0 : i32
    %dma_start3A_25 = arith.constant 0 : i32
    %dma_start3A_26 = tpu.memref_slice %arg2[%dma_start3A_24, %dma_start3A_25] : memref<10240x64xf32, #tpu.memory_space<hbm>> -> memref<10240x64xf32, #tpu.memory_space<hbm>>
    tpu.enqueue_indirect_dma source(%dma_start3A_26 : memref<10240x64xf32, #tpu.memory_space<hbm>>) target(%arg11 : memref<128x64xf32, #tpu.memory_space<vmem>>) offsets(%dma_start3A_23 : memref<128xi32, #tpu.memory_space<vmem>>) semaphore(%arg19 : memref<!tpu.dma_semaphore, #tpu.memory_space<semaphore_mem>>)
    %dma_start3A_27 = arith.constant 2 : i32
    %dma_start3A_28 = arith.constant 0 : i32
    %dma_start3A_29 = tpu.memref_slice %arg7[%dma_start3A_27, %dma_start3A_28] : memref<40x128xi32, #tpu.memory_space<vmem>> -> memref<1x128xi32, #tpu.memory_space<vmem>>
    %dma_start3A_30 = tpu.memref_squeeze %dma_start3A_29 : memref<1x128xi32, #tpu.memory_space<vmem>> -> memref<128xi32, #tpu.memory_space<vmem>>
    %dma_start3A_31 = arith.constant 0 : i32
    %dma_start3A_32 = arith.constant 0 : i32
    %dma_start3A_33 = tpu.memref_slice %arg2[%dma_start3A_31, %dma_start3A_32] : memref<10240x64xf32, #tpu.memory_space<hbm>> -> memref<10240x64xf32, #tpu.memory_space<hbm>>
    tpu.enqueue_indirect_dma source(%dma_start3A_33 : memref<10240x64xf32, #tpu.memory_space<hbm>>) target(%arg12 : memref<128x64xf32, #tpu.memory_space<vmem>>) offsets(%dma_start3A_30 : memref<128xi32, #tpu.memory_space<vmem>>) semaphore(%arg20 : memref<!tpu.dma_semaphore, #tpu.memory_space<semaphore_mem>>)
    %dma_start3A_34 = arith.constant 3 : i32
    %dma_start3A_35 = arith.constant 0 : i32
    %dma_start3A_36 = tpu.memref_slice %arg7[%dma_start3A_34, %dma_start3A_35] : memref<40x128xi32, #tpu.memory_space<vmem>> -> memref<1x128xi32, #tpu.memory_space<vmem>>
    %dma_start3A_37 = tpu.memref_squeeze %dma_start3A_36 : memref<1x128xi32, #tpu.memory_space<vmem>> -> memref<128xi32, #tpu.memory_space<vmem>>
    %dma_start3A_38 = arith.constant 0 : i32
    %dma_start3A_39 = arith.constant 0 : i32
    %dma_start3A_40 = tpu.memref_slice %arg2[%dma_start3A_38, %dma_start3A_39] : memref<10240x64xf32, #tpu.memory_space<hbm>> -> memref<10240x64xf32, #tpu.memory_space<hbm>>
    tpu.enqueue_indirect_dma source(%dma_start3A_40 : memref<10240x64xf32, #tpu.memory_space<hbm>>) target(%arg13 : memref<128x64xf32, #tpu.memory_space<vmem>>) offsets(%dma_start3A_37 : memref<128xi32, #tpu.memory_space<vmem>>) semaphore(%arg21 : memref<!tpu.dma_semaphore, #tpu.memory_space<semaphore_mem>>)
    %dma_start3A_41 = arith.constant 4 : i32
    %dma_start3A_42 = arith.constant 0 : i32
    %dma_start3A_43 = tpu.memref_slice %arg7[%dma_start3A_41, %dma_start3A_42] : memref<40x128xi32, #tpu.memory_space<vmem>> -> memref<1x128xi32, #tpu.memory_space<vmem>>
    %dma_start3A_44 = tpu.memref_squeeze %dma_start3A_43 : memref<1x128xi32, #tpu.memory_space<vmem>> -> memref<128xi32, #tpu.memory_space<vmem>>
    %dma_start3A_45 = arith.constant 0 : i32
    %dma_start3A_46 = arith.constant 0 : i32
    %dma_start3A_47 = tpu.memref_slice %arg2[%dma_start3A_45, %dma_start3A_46] : memref<10240x64xf32, #tpu.memory_space<hbm>> -> memref<10240x64xf32, #tpu.memory_space<hbm>>
    tpu.enqueue_indirect_dma source(%dma_start3A_47 : memref<10240x64xf32, #tpu.memory_space<hbm>>) target(%arg14 : memref<128x64xf32, #tpu.memory_space<vmem>>) offsets(%dma_start3A_44 : memref<128xi32, #tpu.memory_space<vmem>>) semaphore(%arg22 : memref<!tpu.dma_semaphore, #tpu.memory_space<semaphore_mem>>)
    %dma_start3A_48 = arith.constant 5 : i32
    %dma_start3A_49 = arith.constant 0 : i32
    %dma_start3A_50 = tpu.memref_slice %arg7[%dma_start3A_48, %dma_start3A_49] : memref<40x128xi32, #tpu.memory_space<vmem>> -> memref<1x128xi32, #tpu.memory_space<vmem>>
    %dma_start3A_51 = tpu.memref_squeeze %dma_start3A_50 : memref<1x128xi32, #tpu.memory_space<vmem>> -> memref<128xi32, #tpu.memory_space<vmem>>
    %dma_start3A_52 = arith.constant 0 : i32
    %dma_start3A_53 = arith.constant 0 : i32
    %dma_start3A_54 = tpu.memref_slice %arg2[%dma_start3A_52, %dma_start3A_53] : memref<10240x64xf32, #tpu.memory_space<hbm>> -> memref<10240x64xf32, #tpu.memory_space<hbm>>
    tpu.enqueue_indirect_dma source(%dma_start3A_54 : memref<10240x64xf32, #tpu.memory_space<hbm>>) target(%arg15 : memref<128x64xf32, #tpu.memory_space<vmem>>) offsets(%dma_start3A_51 : memref<128xi32, #tpu.memory_space<vmem>>) semaphore(%arg23 : memref<!tpu.dma_semaphore, #tpu.memory_space<semaphore_mem>>)
    %dma_start3A_55 = arith.constant 6 : i32
    %dma_start3A_56 = arith.constant 0 : i32
    %dma_start3A_57 = tpu.memref_slice %arg7[%dma_start3A_55, %dma_start3A_56] : memref<40x128xi32, #tpu.memory_space<vmem>> -> memref<1x128xi32, #tpu.memory_space<vmem>>
    %dma_start3A_58 = tpu.memref_squeeze %dma_start3A_57 : memref<1x128xi32, #tpu.memory_space<vmem>> -> memref<128xi32, #tpu.memory_space<vmem>>
    %dma_start3A_59 = arith.constant 0 : i32
    %dma_start3A_60 = arith.constant 0 : i32
    %dma_start3A_61 = tpu.memref_slice %arg2[%dma_start3A_59, %dma_start3A_60] : memref<10240x64xf32, #tpu.memory_space<hbm>> -> memref<10240x64xf32, #tpu.memory_space<hbm>>
    tpu.enqueue_indirect_dma source(%dma_start3A_61 : memref<10240x64xf32, #tpu.memory_space<hbm>>) target(%arg16 : memref<128x64xf32, #tpu.memory_space<vmem>>) offsets(%dma_start3A_58 : memref<128xi32, #tpu.memory_space<vmem>>) semaphore(%arg24 : memref<!tpu.dma_semaphore, #tpu.memory_space<semaphore_mem>>)
    %dma_start3A_62 = arith.constant 7 : i32
    %dma_start3A_63 = arith.constant 0 : i32
    %dma_start3A_64 = tpu.memref_slice %arg7[%dma_start3A_62, %dma_start3A_63] : memref<40x128xi32, #tpu.memory_space<vmem>> -> memref<1x128xi32, #tpu.memory_space<vmem>>
    %dma_start3A_65 = tpu.memref_squeeze %dma_start3A_64 : memref<1x128xi32, #tpu.memory_space<vmem>> -> memref<128xi32, #tpu.memory_space<vmem>>
    %dma_start3A_66 = arith.constant 0 : i32
    %dma_start3A_67 = arith.constant 0 : i32
    %dma_start3A_68 = tpu.memref_slice %arg2[%dma_start3A_66, %dma_start3A_67] : memref<10240x64xf32, #tpu.memory_space<hbm>> -> memref<10240x64xf32, #tpu.memory_space<hbm>>
    tpu.enqueue_indirect_dma source(%dma_start3A_68 : memref<10240x64xf32, #tpu.memory_space<hbm>>) target(%arg17 : memref<128x64xf32, #tpu.memory_space<vmem>>) offsets(%dma_start3A_65 : memref<128xi32, #tpu.memory_space<vmem>>) semaphore(%arg25 : memref<!tpu.dma_semaphore, #tpu.memory_space<semaphore_mem>>)
    %scan3A = arith.constant 0 : i32
    %scan3A_69 = arith.constant 0 : i32
    %scan3A_70 = arith.constant 4 : i32
    %scan3A_71 = arith.addi %scan3A_69, %scan3A_70 : i32
    %scan3A_72 = arith.constant 1 : i32
    %scan3A_73 = scf.for %scan3A_145 = %scan3A_69 to %scan3A_71 step %scan3A_72 iter_args(%scan3A_146 = %scan3A) -> (i32)  : i32 {
      %mul3A_147 = arith.constant 8 : i32
      %mul3A_148 = arith.muli %scan3A_145, %mul3A_147 : i32
      %add3A_149 = arith.constant 0 : i32
      %add3A_150 = arith.addi %mul3A_148, %add3A_149 : i32
      %dma_wait3A_151 = arith.constant 0 : i32
      %dma_wait3A_152 = tpu.memref_slice %arg7[%add3A_150, %dma_wait3A_151] : memref<40x128xi32, #tpu.memory_space<vmem>> -> memref<1x128xi32, #tpu.memory_space<vmem>>
      %dma_wait3A_153 = tpu.memref_squeeze %dma_wait3A_152 : memref<1x128xi32, #tpu.memory_space<vmem>> -> memref<128xi32, #tpu.memory_space<vmem>>
      %dma_wait3A_154 = arith.constant 0 : i32
      %dma_wait3A_155 = arith.constant 0 : i32
      %dma_wait3A_156 = tpu.memref_slice %arg2[%dma_wait3A_154, %dma_wait3A_155] : memref<10240x64xf32, #tpu.memory_space<hbm>> -> memref<10240x64xf32, #tpu.memory_space<hbm>>
      tpu.wait_indirect_dma semaphore(%arg18 : memref<!tpu.dma_semaphore, #tpu.memory_space<semaphore_mem>>) src(%dma_wait3A_156 : memref<10240x64xf32, #tpu.memory_space<hbm>>) dst(%arg10 : memref<128x64xf32, #tpu.memory_space<vmem>>)
      "tpu.region"() ({
        %run_scoped3A_292 = tpu.sem_alloc : memref<!tpu.dma_semaphore, #tpu.memory_space<semaphore_mem>>
        %dma_start3A_293 = arith.constant 0 : i32
        %dma_start3A_294 = tpu.memref_slice %arg8[%add3A_150, %dma_start3A_293] : memref<40x128xi32, #tpu.memory_space<vmem>> -> memref<1x128xi32, #tpu.memory_space<vmem>>
        %dma_start3A_295 = tpu.memref_squeeze %dma_start3A_294 : memref<1x128xi32, #tpu.memory_space<vmem>> -> memref<128xi32, #tpu.memory_space<vmem>>
        %dma_start3A_296 = arith.constant 0 : i32
        %dma_start3A_297 = arith.constant 0 : i32
        %dma_start3A_298 = tpu.memref_slice %arg9[%dma_start3A_296, %dma_start3A_297] : memref<10240x64xf32, #tpu.memory_space<vmem_shared>> -> memref<10240x64xf32, #tpu.memory_space<vmem_shared>>
        tpu.enqueue_indirect_dma source(%arg10 : memref<128x64xf32, #tpu.memory_space<vmem>>) target(%dma_start3A_298 : memref<10240x64xf32, #tpu.memory_space<vmem_shared>>) offsets(%dma_start3A_295 : memref<128xi32, #tpu.memory_space<vmem>>) semaphore(%run_scoped3A_292 : memref<!tpu.dma_semaphore, #tpu.memory_space<semaphore_mem>>) {add = true}
        %dma_wait3A_299 = arith.constant 0 : i32
        %dma_wait3A_300 = tpu.memref_slice %arg8[%add3A_150, %dma_wait3A_299] : memref<40x128xi32, #tpu.memory_space<vmem>> -> memref<1x128xi32, #tpu.memory_space<vmem>>
        %dma_wait3A_301 = tpu.memref_squeeze %dma_wait3A_300 : memref<1x128xi32, #tpu.memory_space<vmem>> -> memref<128xi32, #tpu.memory_space<vmem>>
        %dma_wait3A_302 = arith.constant 0 : i32
        %dma_wait3A_303 = arith.constant 0 : i32
        %dma_wait3A_304 = tpu.memref_slice %arg9[%dma_wait3A_302, %dma_wait3A_303] : memref<10240x64xf32, #tpu.memory_space<vmem_shared>> -> memref<10240x64xf32, #tpu.memory_space<vmem_shared>>
        tpu.wait_indirect_dma semaphore(%run_scoped3A_292 : memref<!tpu.dma_semaphore, #tpu.memory_space<semaphore_mem>>) src(%arg10 : memref<128x64xf32, #tpu.memory_space<vmem>>) dst(%dma_wait3A_304 : memref<10240x64xf32, #tpu.memory_space<vmem_shared>>)
        tpu.yield
      }) : () -> ()
      %add3A_157 = arith.constant 8 : i32
      %add3A_158 = arith.addi %add3A_150, %add3A_157 : i32
      %dma_start3A_159 = arith.constant 0 : i32
      %dma_start3A_160 = tpu.memref_slice %arg7[%add3A_158, %dma_start3A_159] : memref<40x128xi32, #tpu.memory_space<vmem>> -> memref<1x128xi32, #tpu.memory_space<vmem>>
      %dma_start3A_161 = tpu.memref_squeeze %dma_start3A_160 : memref<1x128xi32, #tpu.memory_space<vmem>> -> memref<128xi32, #tpu.memory_space<vmem>>
      %dma_start3A_162 = arith.constant 0 : i32
      %dma_start3A_163 = arith.constant 0 : i32
      %dma_start3A_164 = tpu.memref_slice %arg2[%dma_start3A_162, %dma_start3A_163] : memref<10240x64xf32, #tpu.memory_space<hbm>> -> memref<10240x64xf32, #tpu.memory_space<hbm>>
      tpu.enqueue_indirect_dma source(%dma_start3A_164 : memref<10240x64xf32, #tpu.memory_space<hbm>>) target(%arg10 : memref<128x64xf32, #tpu.memory_space<vmem>>) offsets(%dma_start3A_161 : memref<128xi32, #tpu.memory_space<vmem>>) semaphore(%arg18 : memref<!tpu.dma_semaphore, #tpu.memory_space<semaphore_mem>>)
      %mul3A_165 = arith.constant 8 : i32
      %mul3A_166 = arith.muli %scan3A_145, %mul3A_165 : i32
      %add3A_167 = arith.constant 1 : i32
      %add3A_168 = arith.addi %mul3A_166, %add3A_167 : i32
      %dma_wait3A_169 = arith.constant 0 : i32
      %dma_wait3A_170 = tpu.memref_slice %arg7[%add3A_168, %dma_wait3A_169] : memref<40x128xi32, #tpu.memory_space<vmem>> -> memref<1x128xi32, #tpu.memory_space<vmem>>
      %dma_wait3A_171 = tpu.memref_squeeze %dma_wait3A_170 : memref<1x128xi32, #tpu.memory_space<vmem>> -> memref<128xi32, #tpu.memory_space<vmem>>
      %dma_wait3A_172 = arith.constant 0 : i32
      %dma_wait3A_173 = arith.constant 0 : i32
      %dma_wait3A_174 = tpu.memref_slice %arg2[%dma_wait3A_172, %dma_wait3A_173] : memref<10240x64xf32, #tpu.memory_space<hbm>> -> memref<10240x64xf32, #tpu.memory_space<hbm>>
      tpu.wait_indirect_dma semaphore(%arg19 : memref<!tpu.dma_semaphore, #tpu.memory_space<semaphore_mem>>) src(%dma_wait3A_174 : memref<10240x64xf32, #tpu.memory_space<hbm>>) dst(%arg11 : memref<128x64xf32, #tpu.memory_space<vmem>>)
      "tpu.region"() ({
        %run_scoped3A_292 = tpu.sem_alloc : memref<!tpu.dma_semaphore, #tpu.memory_space<semaphore_mem>>
        %dma_start3A_293 = arith.constant 0 : i32
        %dma_start3A_294 = tpu.memref_slice %arg8[%add3A_168, %dma_start3A_293] : memref<40x128xi32, #tpu.memory_space<vmem>> -> memref<1x128xi32, #tpu.memory_space<vmem>>
        %dma_start3A_295 = tpu.memref_squeeze %dma_start3A_294 : memref<1x128xi32, #tpu.memory_space<vmem>> -> memref<128xi32, #tpu.memory_space<vmem>>
        %dma_start3A_296 = arith.constant 0 : i32
        %dma_start3A_297 = arith.constant 0 : i32
        %dma_start3A_298 = tpu.memref_slice %arg9[%dma_start3A_296, %dma_start3A_297] : memref<10240x64xf32, #tpu.memory_space<vmem_shared>> -> memref<10240x64xf32, #tpu.memory_space<vmem_shared>>
        tpu.enqueue_indirect_dma source(%arg11 : memref<128x64xf32, #tpu.memory_space<vmem>>) target(%dma_start3A_298 : memref<10240x64xf32, #tpu.memory_space<vmem_shared>>) offsets(%dma_start3A_295 : memref<128xi32, #tpu.memory_space<vmem>>) semaphore(%run_scoped3A_292 : memref<!tpu.dma_semaphore, #tpu.memory_space<semaphore_mem>>) {add = true}
        %dma_wait3A_299 = arith.constant 0 : i32
        %dma_wait3A_300 = tpu.memref_slice %arg8[%add3A_168, %dma_wait3A_299] : memref<40x128xi32, #tpu.memory_space<vmem>> -> memref<1x128xi32, #tpu.memory_space<vmem>>
        %dma_wait3A_301 = tpu.memref_squeeze %dma_wait3A_300 : memref<1x128xi32, #tpu.memory_space<vmem>> -> memref<128xi32, #tpu.memory_space<vmem>>
        %dma_wait3A_302 = arith.constant 0 : i32
        %dma_wait3A_303 = arith.constant 0 : i32
        %dma_wait3A_304 = tpu.memref_slice %arg9[%dma_wait3A_302, %dma_wait3A_303] : memref<10240x64xf32, #tpu.memory_space<vmem_shared>> -> memref<10240x64xf32, #tpu.memory_space<vmem_shared>>
        tpu.wait_indirect_dma semaphore(%run_scoped3A_292 : memref<!tpu.dma_semaphore, #tpu.memory_space<semaphore_mem>>) src(%arg11 : memref<128x64xf32, #tpu.memory_space<vmem>>) dst(%dma_wait3A_304 : memref<10240x64xf32, #tpu.memory_space<vmem_shared>>)
        tpu.yield
      }) : () -> ()
      %add3A_175 = arith.constant 8 : i32
      %add3A_176 = arith.addi %add3A_168, %add3A_175 : i32
      %dma_start3A_177 = arith.constant 0 : i32
      %dma_start3A_178 = tpu.memref_slice %arg7[%add3A_176, %dma_start3A_177] : memref<40x128xi32, #tpu.memory_space<vmem>> -> memref<1x128xi32, #tpu.memory_space<vmem>>
      %dma_start3A_179 = tpu.memref_squeeze %dma_start3A_178 : memref<1x128xi32, #tpu.memory_space<vmem>> -> memref<128xi32, #tpu.memory_space<vmem>>
      %dma_start3A_180 = arith.constant 0 : i32
      %dma_start3A_181 = arith.constant 0 : i32
      %dma_start3A_182 = tpu.memref_slice %arg2[%dma_start3A_180, %dma_start3A_181] : memref<10240x64xf32, #tpu.memory_space<hbm>> -> memref<10240x64xf32, #tpu.memory_space<hbm>>
      tpu.enqueue_indirect_dma source(%dma_start3A_182 : memref<10240x64xf32, #tpu.memory_space<hbm>>) target(%arg11 : memref<128x64xf32, #tpu.memory_space<vmem>>) offsets(%dma_start3A_179 : memref<128xi32, #tpu.memory_space<vmem>>) semaphore(%arg19 : memref<!tpu.dma_semaphore, #tpu.memory_space<semaphore_mem>>)
      %mul3A_183 = arith.constant 8 : i32
      %mul3A_184 = arith.muli %scan3A_145, %mul3A_183 : i32
      %add3A_185 = arith.constant 2 : i32
      %add3A_186 = arith.addi %mul3A_184, %add3A_185 : i32
      %dma_wait3A_187 = arith.constant 0 : i32
      %dma_wait3A_188 = tpu.memref_slice %arg7[%add3A_186, %dma_wait3A_187] : memref<40x128xi32, #tpu.memory_space<vmem>> -> memref<1x128xi32, #tpu.memory_space<vmem>>
      %dma_wait3A_189 = tpu.memref_squeeze %dma_wait3A_188 : memref<1x128xi32, #tpu.memory_space<vmem>> -> memref<128xi32, #tpu.memory_space<vmem>>
      %dma_wait3A_190 = arith.constant 0 : i32
      %dma_wait3A_191 = arith.constant 0 : i32
      %dma_wait3A_192 = tpu.memref_slice %arg2[%dma_wait3A_190, %dma_wait3A_191] : memref<10240x64xf32, #tpu.memory_space<hbm>> -> memref<10240x64xf32, #tpu.memory_space<hbm>>
      tpu.wait_indirect_dma semaphore(%arg20 : memref<!tpu.dma_semaphore, #tpu.memory_space<semaphore_mem>>) src(%dma_wait3A_192 : memref<10240x64xf32, #tpu.memory_space<hbm>>) dst(%arg12 : memref<128x64xf32, #tpu.memory_space<vmem>>)
      "tpu.region"() ({
        %run_scoped3A_292 = tpu.sem_alloc : memref<!tpu.dma_semaphore, #tpu.memory_space<semaphore_mem>>
        %dma_start3A_293 = arith.constant 0 : i32
        %dma_start3A_294 = tpu.memref_slice %arg8[%add3A_186, %dma_start3A_293] : memref<40x128xi32, #tpu.memory_space<vmem>> -> memref<1x128xi32, #tpu.memory_space<vmem>>
        %dma_start3A_295 = tpu.memref_squeeze %dma_start3A_294 : memref<1x128xi32, #tpu.memory_space<vmem>> -> memref<128xi32, #tpu.memory_space<vmem>>
        %dma_start3A_296 = arith.constant 0 : i32
        %dma_start3A_297 = arith.constant 0 : i32
        %dma_start3A_298 = tpu.memref_slice %arg9[%dma_start3A_296, %dma_start3A_297] : memref<10240x64xf32, #tpu.memory_space<vmem_shared>> -> memref<10240x64xf32, #tpu.memory_space<vmem_shared>>
        tpu.enqueue_indirect_dma source(%arg12 : memref<128x64xf32, #tpu.memory_space<vmem>>) target(%dma_start3A_298 : memref<10240x64xf32, #tpu.memory_space<vmem_shared>>) offsets(%dma_start3A_295 : memref<128xi32, #tpu.memory_space<vmem>>) semaphore(%run_scoped3A_292 : memref<!tpu.dma_semaphore, #tpu.memory_space<semaphore_mem>>) {add = true}
        %dma_wait3A_299 = arith.constant 0 : i32
        %dma_wait3A_300 = tpu.memref_slice %arg8[%add3A_186, %dma_wait3A_299] : memref<40x128xi32, #tpu.memory_space<vmem>> -> memref<1x128xi32, #tpu.memory_space<vmem>>
        %dma_wait3A_301 = tpu.memref_squeeze %dma_wait3A_300 : memref<1x128xi32, #tpu.memory_space<vmem>> -> memref<128xi32, #tpu.memory_space<vmem>>
        %dma_wait3A_302 = arith.constant 0 : i32
        %dma_wait3A_303 = arith.constant 0 : i32
        %dma_wait3A_304 = tpu.memref_slice %arg9[%dma_wait3A_302, %dma_wait3A_303] : memref<10240x64xf32, #tpu.memory_space<vmem_shared>> -> memref<10240x64xf32, #tpu.memory_space<vmem_shared>>
        tpu.wait_indirect_dma semaphore(%run_scoped3A_292 : memref<!tpu.dma_semaphore, #tpu.memory_space<semaphore_mem>>) src(%arg12 : memref<128x64xf32, #tpu.memory_space<vmem>>) dst(%dma_wait3A_304 : memref<10240x64xf32, #tpu.memory_space<vmem_shared>>)
        tpu.yield
      }) : () -> ()
      %add3A_193 = arith.constant 8 : i32
      %add3A_194 = arith.addi %add3A_186, %add3A_193 : i32
      %dma_start3A_195 = arith.constant 0 : i32
      %dma_start3A_196 = tpu.memref_slice %arg7[%add3A_194, %dma_start3A_195] : memref<40x128xi32, #tpu.memory_space<vmem>> -> memref<1x128xi32, #tpu.memory_space<vmem>>
      %dma_start3A_197 = tpu.memref_squeeze %dma_start3A_196 : memref<1x128xi32, #tpu.memory_space<vmem>> -> memref<128xi32, #tpu.memory_space<vmem>>
      %dma_start3A_198 = arith.constant 0 : i32
      %dma_start3A_199 = arith.constant 0 : i32
      %dma_start3A_200 = tpu.memref_slice %arg2[%dma_start3A_198, %dma_start3A_199] : memref<10240x64xf32, #tpu.memory_space<hbm>> -> memref<10240x64xf32, #tpu.memory_space<hbm>>
      tpu.enqueue_indirect_dma source(%dma_start3A_200 : memref<10240x64xf32, #tpu.memory_space<hbm>>) target(%arg12 : memref<128x64xf32, #tpu.memory_space<vmem>>) offsets(%dma_start3A_197 : memref<128xi32, #tpu.memory_space<vmem>>) semaphore(%arg20 : memref<!tpu.dma_semaphore, #tpu.memory_space<semaphore_mem>>)
      %mul3A_201 = arith.constant 8 : i32
      %mul3A_202 = arith.muli %scan3A_145, %mul3A_201 : i32
      %add3A_203 = arith.constant 3 : i32
      %add3A_204 = arith.addi %mul3A_202, %add3A_203 : i32
      %dma_wait3A_205 = arith.constant 0 : i32
      %dma_wait3A_206 = tpu.memref_slice %arg7[%add3A_204, %dma_wait3A_205] : memref<40x128xi32, #tpu.memory_space<vmem>> -> memref<1x128xi32, #tpu.memory_space<vmem>>
      %dma_wait3A_207 = tpu.memref_squeeze %dma_wait3A_206 : memref<1x128xi32, #tpu.memory_space<vmem>> -> memref<128xi32, #tpu.memory_space<vmem>>
      %dma_wait3A_208 = arith.constant 0 : i32
      %dma_wait3A_209 = arith.constant 0 : i32
      %dma_wait3A_210 = tpu.memref_slice %arg2[%dma_wait3A_208, %dma_wait3A_209] : memref<10240x64xf32, #tpu.memory_space<hbm>> -> memref<10240x64xf32, #tpu.memory_space<hbm>>
      tpu.wait_indirect_dma semaphore(%arg21 : memref<!tpu.dma_semaphore, #tpu.memory_space<semaphore_mem>>) src(%dma_wait3A_210 : memref<10240x64xf32, #tpu.memory_space<hbm>>) dst(%arg13 : memref<128x64xf32, #tpu.memory_space<vmem>>)
      "tpu.region"() ({
        %run_scoped3A_292 = tpu.sem_alloc : memref<!tpu.dma_semaphore, #tpu.memory_space<semaphore_mem>>
        %dma_start3A_293 = arith.constant 0 : i32
        %dma_start3A_294 = tpu.memref_slice %arg8[%add3A_204, %dma_start3A_293] : memref<40x128xi32, #tpu.memory_space<vmem>> -> memref<1x128xi32, #tpu.memory_space<vmem>>
        %dma_start3A_295 = tpu.memref_squeeze %dma_start3A_294 : memref<1x128xi32, #tpu.memory_space<vmem>> -> memref<128xi32, #tpu.memory_space<vmem>>
        %dma_start3A_296 = arith.constant 0 : i32
        %dma_start3A_297 = arith.constant 0 : i32
        %dma_start3A_298 = tpu.memref_slice %arg9[%dma_start3A_296, %dma_start3A_297] : memref<10240x64xf32, #tpu.memory_space<vmem_shared>> -> memref<10240x64xf32, #tpu.memory_space<vmem_shared>>
        tpu.enqueue_indirect_dma source(%arg13 : memref<128x64xf32, #tpu.memory_space<vmem>>) target(%dma_start3A_298 : memref<10240x64xf32, #tpu.memory_space<vmem_shared>>) offsets(%dma_start3A_295 : memref<128xi32, #tpu.memory_space<vmem>>) semaphore(%run_scoped3A_292 : memref<!tpu.dma_semaphore, #tpu.memory_space<semaphore_mem>>) {add = true}
        %dma_wait3A_299 = arith.constant 0 : i32
        %dma_wait3A_300 = tpu.memref_slice %arg8[%add3A_204, %dma_wait3A_299] : memref<40x128xi32, #tpu.memory_space<vmem>> -> memref<1x128xi32, #tpu.memory_space<vmem>>
        %dma_wait3A_301 = tpu.memref_squeeze %dma_wait3A_300 : memref<1x128xi32, #tpu.memory_space<vmem>> -> memref<128xi32, #tpu.memory_space<vmem>>
        %dma_wait3A_302 = arith.constant 0 : i32
        %dma_wait3A_303 = arith.constant 0 : i32
        %dma_wait3A_304 = tpu.memref_slice %arg9[%dma_wait3A_302, %dma_wait3A_303] : memref<10240x64xf32, #tpu.memory_space<vmem_shared>> -> memref<10240x64xf32, #tpu.memory_space<vmem_shared>>
        tpu.wait_indirect_dma semaphore(%run_scoped3A_292 : memref<!tpu.dma_semaphore, #tpu.memory_space<semaphore_mem>>) src(%arg13 : memref<128x64xf32, #tpu.memory_space<vmem>>) dst(%dma_wait3A_304 : memref<10240x64xf32, #tpu.memory_space<vmem_shared>>)
        tpu.yield
      }) : () -> ()
      %add3A_211 = arith.constant 8 : i32
      %add3A_212 = arith.addi %add3A_204, %add3A_211 : i32
      %dma_start3A_213 = arith.constant 0 : i32
      %dma_start3A_214 = tpu.memref_slice %arg7[%add3A_212, %dma_start3A_213] : memref<40x128xi32, #tpu.memory_space<vmem>> -> memref<1x128xi32, #tpu.memory_space<vmem>>
      %dma_start3A_215 = tpu.memref_squeeze %dma_start3A_214 : memref<1x128xi32, #tpu.memory_space<vmem>> -> memref<128xi32, #tpu.memory_space<vmem>>
      %dma_start3A_216 = arith.constant 0 : i32
      %dma_start3A_217 = arith.constant 0 : i32
      %dma_start3A_218 = tpu.memref_slice %arg2[%dma_start3A_216, %dma_start3A_217] : memref<10240x64xf32, #tpu.memory_space<hbm>> -> memref<10240x64xf32, #tpu.memory_space<hbm>>
      tpu.enqueue_indirect_dma source(%dma_start3A_218 : memref<10240x64xf32, #tpu.memory_space<hbm>>) target(%arg13 : memref<128x64xf32, #tpu.memory_space<vmem>>) offsets(%dma_start3A_215 : memref<128xi32, #tpu.memory_space<vmem>>) semaphore(%arg21 : memref<!tpu.dma_semaphore, #tpu.memory_space<semaphore_mem>>)
      %mul3A_219 = arith.constant 8 : i32
      %mul3A_220 = arith.muli %scan3A_145, %mul3A_219 : i32
      %add3A_221 = arith.constant 4 : i32
      %add3A_222 = arith.addi %mul3A_220, %add3A_221 : i32
      %dma_wait3A_223 = arith.constant 0 : i32
      %dma_wait3A_224 = tpu.memref_slice %arg7[%add3A_222, %dma_wait3A_223] : memref<40x128xi32, #tpu.memory_space<vmem>> -> memref<1x128xi32, #tpu.memory_space<vmem>>
      %dma_wait3A_225 = tpu.memref_squeeze %dma_wait3A_224 : memref<1x128xi32, #tpu.memory_space<vmem>> -> memref<128xi32, #tpu.memory_space<vmem>>
      %dma_wait3A_226 = arith.constant 0 : i32
      %dma_wait3A_227 = arith.constant 0 : i32
      %dma_wait3A_228 = tpu.memref_slice %arg2[%dma_wait3A_226, %dma_wait3A_227] : memref<10240x64xf32, #tpu.memory_space<hbm>> -> memref<10240x64xf32, #tpu.memory_space<hbm>>
      tpu.wait_indirect_dma semaphore(%arg22 : memref<!tpu.dma_semaphore, #tpu.memory_space<semaphore_mem>>) src(%dma_wait3A_228 : memref<10240x64xf32, #tpu.memory_space<hbm>>) dst(%arg14 : memref<128x64xf32, #tpu.memory_space<vmem>>)
      "tpu.region"() ({
        %run_scoped3A_292 = tpu.sem_alloc : memref<!tpu.dma_semaphore, #tpu.memory_space<semaphore_mem>>
        %dma_start3A_293 = arith.constant 0 : i32
        %dma_start3A_294 = tpu.memref_slice %arg8[%add3A_222, %dma_start3A_293] : memref<40x128xi32, #tpu.memory_space<vmem>> -> memref<1x128xi32, #tpu.memory_space<vmem>>
        %dma_start3A_295 = tpu.memref_squeeze %dma_start3A_294 : memref<1x128xi32, #tpu.memory_space<vmem>> -> memref<128xi32, #tpu.memory_space<vmem>>
        %dma_start3A_296 = arith.constant 0 : i32
        %dma_start3A_297 = arith.constant 0 : i32
        %dma_start3A_298 = tpu.memref_slice %arg9[%dma_start3A_296, %dma_start3A_297] : memref<10240x64xf32, #tpu.memory_space<vmem_shared>> -> memref<10240x64xf32, #tpu.memory_space<vmem_shared>>
        tpu.enqueue_indirect_dma source(%arg14 : memref<128x64xf32, #tpu.memory_space<vmem>>) target(%dma_start3A_298 : memref<10240x64xf32, #tpu.memory_space<vmem_shared>>) offsets(%dma_start3A_295 : memref<128xi32, #tpu.memory_space<vmem>>) semaphore(%run_scoped3A_292 : memref<!tpu.dma_semaphore, #tpu.memory_space<semaphore_mem>>) {add = true}
        %dma_wait3A_299 = arith.constant 0 : i32
        %dma_wait3A_300 = tpu.memref_slice %arg8[%add3A_222, %dma_wait3A_299] : memref<40x128xi32, #tpu.memory_space<vmem>> -> memref<1x128xi32, #tpu.memory_space<vmem>>
        %dma_wait3A_301 = tpu.memref_squeeze %dma_wait3A_300 : memref<1x128xi32, #tpu.memory_space<vmem>> -> memref<128xi32, #tpu.memory_space<vmem>>
        %dma_wait3A_302 = arith.constant 0 : i32
        %dma_wait3A_303 = arith.constant 0 : i32
        %dma_wait3A_304 = tpu.memref_slice %arg9[%dma_wait3A_302, %dma_wait3A_303] : memref<10240x64xf32, #tpu.memory_space<vmem_shared>> -> memref<10240x64xf32, #tpu.memory_space<vmem_shared>>
        tpu.wait_indirect_dma semaphore(%run_scoped3A_292 : memref<!tpu.dma_semaphore, #tpu.memory_space<semaphore_mem>>) src(%arg14 : memref<128x64xf32, #tpu.memory_space<vmem>>) dst(%dma_wait3A_304 : memref<10240x64xf32, #tpu.memory_space<vmem_shared>>)
        tpu.yield
      }) : () -> ()
      %add3A_229 = arith.constant 8 : i32
      %add3A_230 = arith.addi %add3A_222, %add3A_229 : i32
      %dma_start3A_231 = arith.constant 0 : i32
      %dma_start3A_232 = tpu.memref_slice %arg7[%add3A_230, %dma_start3A_231] : memref<40x128xi32, #tpu.memory_space<vmem>> -> memref<1x128xi32, #tpu.memory_space<vmem>>
      %dma_start3A_233 = tpu.memref_squeeze %dma_start3A_232 : memref<1x128xi32, #tpu.memory_space<vmem>> -> memref<128xi32, #tpu.memory_space<vmem>>
      %dma_start3A_234 = arith.constant 0 : i32
      %dma_start3A_235 = arith.constant 0 : i32
      %dma_start3A_236 = tpu.memref_slice %arg2[%dma_start3A_234, %dma_start3A_235] : memref<10240x64xf32, #tpu.memory_space<hbm>> -> memref<10240x64xf32, #tpu.memory_space<hbm>>
      tpu.enqueue_indirect_dma source(%dma_start3A_236 : memref<10240x64xf32, #tpu.memory_space<hbm>>) target(%arg14 : memref<128x64xf32, #tpu.memory_space<vmem>>) offsets(%dma_start3A_233 : memref<128xi32, #tpu.memory_space<vmem>>) semaphore(%arg22 : memref<!tpu.dma_semaphore, #tpu.memory_space<semaphore_mem>>)
      %mul3A_237 = arith.constant 8 : i32
      %mul3A_238 = arith.muli %scan3A_145, %mul3A_237 : i32
      %add3A_239 = arith.constant 5 : i32
      %add3A_240 = arith.addi %mul3A_238, %add3A_239 : i32
      %dma_wait3A_241 = arith.constant 0 : i32
      %dma_wait3A_242 = tpu.memref_slice %arg7[%add3A_240, %dma_wait3A_241] : memref<40x128xi32, #tpu.memory_space<vmem>> -> memref<1x128xi32, #tpu.memory_space<vmem>>
      %dma_wait3A_243 = tpu.memref_squeeze %dma_wait3A_242 : memref<1x128xi32, #tpu.memory_space<vmem>> -> memref<128xi32, #tpu.memory_space<vmem>>
      %dma_wait3A_244 = arith.constant 0 : i32
      %dma_wait3A_245 = arith.constant 0 : i32
      %dma_wait3A_246 = tpu.memref_slice %arg2[%dma_wait3A_244, %dma_wait3A_245] : memref<10240x64xf32, #tpu.memory_space<hbm>> -> memref<10240x64xf32, #tpu.memory_space<hbm>>
      tpu.wait_indirect_dma semaphore(%arg23 : memref<!tpu.dma_semaphore, #tpu.memory_space<semaphore_mem>>) src(%dma_wait3A_246 : memref<10240x64xf32, #tpu.memory_space<hbm>>) dst(%arg15 : memref<128x64xf32, #tpu.memory_space<vmem>>)
      "tpu.region"() ({
        %run_scoped3A_292 = tpu.sem_alloc : memref<!tpu.dma_semaphore, #tpu.memory_space<semaphore_mem>>
        %dma_start3A_293 = arith.constant 0 : i32
        %dma_start3A_294 = tpu.memref_slice %arg8[%add3A_240, %dma_start3A_293] : memref<40x128xi32, #tpu.memory_space<vmem>> -> memref<1x128xi32, #tpu.memory_space<vmem>>
        %dma_start3A_295 = tpu.memref_squeeze %dma_start3A_294 : memref<1x128xi32, #tpu.memory_space<vmem>> -> memref<128xi32, #tpu.memory_space<vmem>>
        %dma_start3A_296 = arith.constant 0 : i32
        %dma_start3A_297 = arith.constant 0 : i32
        %dma_start3A_298 = tpu.memref_slice %arg9[%dma_start3A_296, %dma_start3A_297] : memref<10240x64xf32, #tpu.memory_space<vmem_shared>> -> memref<10240x64xf32, #tpu.memory_space<vmem_shared>>
        tpu.enqueue_indirect_dma source(%arg15 : memref<128x64xf32, #tpu.memory_space<vmem>>) target(%dma_start3A_298 : memref<10240x64xf32, #tpu.memory_space<vmem_shared>>) offsets(%dma_start3A_295 : memref<128xi32, #tpu.memory_space<vmem>>) semaphore(%run_scoped3A_292 : memref<!tpu.dma_semaphore, #tpu.memory_space<semaphore_mem>>) {add = true}
        %dma_wait3A_299 = arith.constant 0 : i32
        %dma_wait3A_300 = tpu.memref_slice %arg8[%add3A_240, %dma_wait3A_299] : memref<40x128xi32, #tpu.memory_space<vmem>> -> memref<1x128xi32, #tpu.memory_space<vmem>>
        %dma_wait3A_301 = tpu.memref_squeeze %dma_wait3A_300 : memref<1x128xi32, #tpu.memory_space<vmem>> -> memref<128xi32, #tpu.memory_space<vmem>>
        %dma_wait3A_302 = arith.constant 0 : i32
        %dma_wait3A_303 = arith.constant 0 : i32
        %dma_wait3A_304 = tpu.memref_slice %arg9[%dma_wait3A_302, %dma_wait3A_303] : memref<10240x64xf32, #tpu.memory_space<vmem_shared>> -> memref<10240x64xf32, #tpu.memory_space<vmem_shared>>
        tpu.wait_indirect_dma semaphore(%run_scoped3A_292 : memref<!tpu.dma_semaphore, #tpu.memory_space<semaphore_mem>>) src(%arg15 : memref<128x64xf32, #tpu.memory_space<vmem>>) dst(%dma_wait3A_304 : memref<10240x64xf32, #tpu.memory_space<vmem_shared>>)
        tpu.yield
      }) : () -> ()
      %add3A_247 = arith.constant 8 : i32
      %add3A_248 = arith.addi %add3A_240, %add3A_247 : i32
      %dma_start3A_249 = arith.constant 0 : i32
      %dma_start3A_250 = tpu.memref_slice %arg7[%add3A_248, %dma_start3A_249] : memref<40x128xi32, #tpu.memory_space<vmem>> -> memref<1x128xi32, #tpu.memory_space<vmem>>
      %dma_start3A_251 = tpu.memref_squeeze %dma_start3A_250 : memref<1x128xi32, #tpu.memory_space<vmem>> -> memref<128xi32, #tpu.memory_space<vmem>>
      %dma_start3A_252 = arith.constant 0 : i32
      %dma_start3A_253 = arith.constant 0 : i32
      %dma_start3A_254 = tpu.memref_slice %arg2[%dma_start3A_252, %dma_start3A_253] : memref<10240x64xf32, #tpu.memory_space<hbm>> -> memref<10240x64xf32, #tpu.memory_space<hbm>>
      tpu.enqueue_indirect_dma source(%dma_start3A_254 : memref<10240x64xf32, #tpu.memory_space<hbm>>) target(%arg15 : memref<128x64xf32, #tpu.memory_space<vmem>>) offsets(%dma_start3A_251 : memref<128xi32, #tpu.memory_space<vmem>>) semaphore(%arg23 : memref<!tpu.dma_semaphore, #tpu.memory_space<semaphore_mem>>)
      %mul3A_255 = arith.constant 8 : i32
      %mul3A_256 = arith.muli %scan3A_145, %mul3A_255 : i32
      %add3A_257 = arith.constant 6 : i32
      %add3A_258 = arith.addi %mul3A_256, %add3A_257 : i32
      %dma_wait3A_259 = arith.constant 0 : i32
      %dma_wait3A_260 = tpu.memref_slice %arg7[%add3A_258, %dma_wait3A_259] : memref<40x128xi32, #tpu.memory_space<vmem>> -> memref<1x128xi32, #tpu.memory_space<vmem>>
      %dma_wait3A_261 = tpu.memref_squeeze %dma_wait3A_260 : memref<1x128xi32, #tpu.memory_space<vmem>> -> memref<128xi32, #tpu.memory_space<vmem>>
      %dma_wait3A_262 = arith.constant 0 : i32
      %dma_wait3A_263 = arith.constant 0 : i32
      %dma_wait3A_264 = tpu.memref_slice %arg2[%dma_wait3A_262, %dma_wait3A_263] : memref<10240x64xf32, #tpu.memory_space<hbm>> -> memref<10240x64xf32, #tpu.memory_space<hbm>>
      tpu.wait_indirect_dma semaphore(%arg24 : memref<!tpu.dma_semaphore, #tpu.memory_space<semaphore_mem>>) src(%dma_wait3A_264 : memref<10240x64xf32, #tpu.memory_space<hbm>>) dst(%arg16 : memref<128x64xf32, #tpu.memory_space<vmem>>)
      "tpu.region"() ({
        %run_scoped3A_292 = tpu.sem_alloc : memref<!tpu.dma_semaphore, #tpu.memory_space<semaphore_mem>>
        %dma_start3A_293 = arith.constant 0 : i32
        %dma_start3A_294 = tpu.memref_slice %arg8[%add3A_258, %dma_start3A_293] : memref<40x128xi32, #tpu.memory_space<vmem>> -> memref<1x128xi32, #tpu.memory_space<vmem>>
        %dma_start3A_295 = tpu.memref_squeeze %dma_start3A_294 : memref<1x128xi32, #tpu.memory_space<vmem>> -> memref<128xi32, #tpu.memory_space<vmem>>
        %dma_start3A_296 = arith.constant 0 : i32
        %dma_start3A_297 = arith.constant 0 : i32
        %dma_start3A_298 = tpu.memref_slice %arg9[%dma_start3A_296, %dma_start3A_297] : memref<10240x64xf32, #tpu.memory_space<vmem_shared>> -> memref<10240x64xf32, #tpu.memory_space<vmem_shared>>
        tpu.enqueue_indirect_dma source(%arg16 : memref<128x64xf32, #tpu.memory_space<vmem>>) target(%dma_start3A_298 : memref<10240x64xf32, #tpu.memory_space<vmem_shared>>) offsets(%dma_start3A_295 : memref<128xi32, #tpu.memory_space<vmem>>) semaphore(%run_scoped3A_292 : memref<!tpu.dma_semaphore, #tpu.memory_space<semaphore_mem>>) {add = true}
        %dma_wait3A_299 = arith.constant 0 : i32
        %dma_wait3A_300 = tpu.memref_slice %arg8[%add3A_258, %dma_wait3A_299] : memref<40x128xi32, #tpu.memory_space<vmem>> -> memref<1x128xi32, #tpu.memory_space<vmem>>
        %dma_wait3A_301 = tpu.memref_squeeze %dma_wait3A_300 : memref<1x128xi32, #tpu.memory_space<vmem>> -> memref<128xi32, #tpu.memory_space<vmem>>
        %dma_wait3A_302 = arith.constant 0 : i32
        %dma_wait3A_303 = arith.constant 0 : i32
        %dma_wait3A_304 = tpu.memref_slice %arg9[%dma_wait3A_302, %dma_wait3A_303] : memref<10240x64xf32, #tpu.memory_space<vmem_shared>> -> memref<10240x64xf32, #tpu.memory_space<vmem_shared>>
        tpu.wait_indirect_dma semaphore(%run_scoped3A_292 : memref<!tpu.dma_semaphore, #tpu.memory_space<semaphore_mem>>) src(%arg16 : memref<128x64xf32, #tpu.memory_space<vmem>>) dst(%dma_wait3A_304 : memref<10240x64xf32, #tpu.memory_space<vmem_shared>>)
        tpu.yield
      }) : () -> ()
      %add3A_265 = arith.constant 8 : i32
      %add3A_266 = arith.addi %add3A_258, %add3A_265 : i32
      %dma_start3A_267 = arith.constant 0 : i32
      %dma_start3A_268 = tpu.memref_slice %arg7[%add3A_266, %dma_start3A_267] : memref<40x128xi32, #tpu.memory_space<vmem>> -> memref<1x128xi32, #tpu.memory_space<vmem>>
      %dma_start3A_269 = tpu.memref_squeeze %dma_start3A_268 : memref<1x128xi32, #tpu.memory_space<vmem>> -> memref<128xi32, #tpu.memory_space<vmem>>
      %dma_start3A_270 = arith.constant 0 : i32
      %dma_start3A_271 = arith.constant 0 : i32
      %dma_start3A_272 = tpu.memref_slice %arg2[%dma_start3A_270, %dma_start3A_271] : memref<10240x64xf32, #tpu.memory_space<hbm>> -> memref<10240x64xf32, #tpu.memory_space<hbm>>
      tpu.enqueue_indirect_dma source(%dma_start3A_272 : memref<10240x64xf32, #tpu.memory_space<hbm>>) target(%arg16 : memref<128x64xf32, #tpu.memory_space<vmem>>) offsets(%dma_start3A_269 : memref<128xi32, #tpu.memory_space<vmem>>) semaphore(%arg24 : memref<!tpu.dma_semaphore, #tpu.memory_space<semaphore_mem>>)
      %mul3A_273 = arith.constant 8 : i32
      %mul3A_274 = arith.muli %scan3A_145, %mul3A_273 : i32
      %add3A_275 = arith.constant 7 : i32
      %add3A_276 = arith.addi %mul3A_274, %add3A_275 : i32
      %dma_wait3A_277 = arith.constant 0 : i32
      %dma_wait3A_278 = tpu.memref_slice %arg7[%add3A_276, %dma_wait3A_277] : memref<40x128xi32, #tpu.memory_space<vmem>> -> memref<1x128xi32, #tpu.memory_space<vmem>>
      %dma_wait3A_279 = tpu.memref_squeeze %dma_wait3A_278 : memref<1x128xi32, #tpu.memory_space<vmem>> -> memref<128xi32, #tpu.memory_space<vmem>>
      %dma_wait3A_280 = arith.constant 0 : i32
      %dma_wait3A_281 = arith.constant 0 : i32
      %dma_wait3A_282 = tpu.memref_slice %arg2[%dma_wait3A_280, %dma_wait3A_281] : memref<10240x64xf32, #tpu.memory_space<hbm>> -> memref<10240x64xf32, #tpu.memory_space<hbm>>
      tpu.wait_indirect_dma semaphore(%arg25 : memref<!tpu.dma_semaphore, #tpu.memory_space<semaphore_mem>>) src(%dma_wait3A_282 : memref<10240x64xf32, #tpu.memory_space<hbm>>) dst(%arg17 : memref<128x64xf32, #tpu.memory_space<vmem>>)
      "tpu.region"() ({
        %run_scoped3A_292 = tpu.sem_alloc : memref<!tpu.dma_semaphore, #tpu.memory_space<semaphore_mem>>
        %dma_start3A_293 = arith.constant 0 : i32
        %dma_start3A_294 = tpu.memref_slice %arg8[%add3A_276, %dma_start3A_293] : memref<40x128xi32, #tpu.memory_space<vmem>> -> memref<1x128xi32, #tpu.memory_space<vmem>>
        %dma_start3A_295 = tpu.memref_squeeze %dma_start3A_294 : memref<1x128xi32, #tpu.memory_space<vmem>> -> memref<128xi32, #tpu.memory_space<vmem>>
        %dma_start3A_296 = arith.constant 0 : i32
        %dma_start3A_297 = arith.constant 0 : i32
        %dma_start3A_298 = tpu.memref_slice %arg9[%dma_start3A_296, %dma_start3A_297] : memref<10240x64xf32, #tpu.memory_space<vmem_shared>> -> memref<10240x64xf32, #tpu.memory_space<vmem_shared>>
        tpu.enqueue_indirect_dma source(%arg17 : memref<128x64xf32, #tpu.memory_space<vmem>>) target(%dma_start3A_298 : memref<10240x64xf32, #tpu.memory_space<vmem_shared>>) offsets(%dma_start3A_295 : memref<128xi32, #tpu.memory_space<vmem>>) semaphore(%run_scoped3A_292 : memref<!tpu.dma_semaphore, #tpu.memory_space<semaphore_mem>>) {add = true}
        %dma_wait3A_299 = arith.constant 0 : i32
        %dma_wait3A_300 = tpu.memref_slice %arg8[%add3A_276, %dma_wait3A_299] : memref<40x128xi32, #tpu.memory_space<vmem>> -> memref<1x128xi32, #tpu.memory_space<vmem>>
        %dma_wait3A_301 = tpu.memref_squeeze %dma_wait3A_300 : memref<1x128xi32, #tpu.memory_space<vmem>> -> memref<128xi32, #tpu.memory_space<vmem>>
        %dma_wait3A_302 = arith.constant 0 : i32
        %dma_wait3A_303 = arith.constant 0 : i32
        %dma_wait3A_304 = tpu.memref_slice %arg9[%dma_wait3A_302, %dma_wait3A_303] : memref<10240x64xf32, #tpu.memory_space<vmem_shared>> -> memref<10240x64xf32, #tpu.memory_space<vmem_shared>>
        tpu.wait_indirect_dma semaphore(%run_scoped3A_292 : memref<!tpu.dma_semaphore, #tpu.memory_space<semaphore_mem>>) src(%arg17 : memref<128x64xf32, #tpu.memory_space<vmem>>) dst(%dma_wait3A_304 : memref<10240x64xf32, #tpu.memory_space<vmem_shared>>)
        tpu.yield
      }) : () -> ()
      %add3A_283 = arith.constant 8 : i32
      %add3A_284 = arith.addi %add3A_276, %add3A_283 : i32
      %dma_start3A_285 = arith.constant 0 : i32
      %dma_start3A_286 = tpu.memref_slice %arg7[%add3A_284, %dma_start3A_285] : memref<40x128xi32, #tpu.memory_space<vmem>> -> memref<1x128xi32, #tpu.memory_space<vmem>>
      %dma_start3A_287 = tpu.memref_squeeze %dma_start3A_286 : memref<1x128xi32, #tpu.memory_space<vmem>> -> memref<128xi32, #tpu.memory_space<vmem>>
      %dma_start3A_288 = arith.constant 0 : i32
      %dma_start3A_289 = arith.constant 0 : i32
      %dma_start3A_290 = tpu.memref_slice %arg2[%dma_start3A_288, %dma_start3A_289] : memref<10240x64xf32, #tpu.memory_space<hbm>> -> memref<10240x64xf32, #tpu.memory_space<hbm>>
      tpu.enqueue_indirect_dma source(%dma_start3A_290 : memref<10240x64xf32, #tpu.memory_space<hbm>>) target(%arg17 : memref<128x64xf32, #tpu.memory_space<vmem>>) offsets(%dma_start3A_287 : memref<128xi32, #tpu.memory_space<vmem>>) semaphore(%arg25 : memref<!tpu.dma_semaphore, #tpu.memory_space<semaphore_mem>>)
      %scan3A_291 = arith.constant 0 : i32
      scf.yield %scan3A_291 : i32
    }
    %scan3A_74 = arith.constant 4 : i32
    %dma_wait3A = arith.constant 32 : i32
    %dma_wait3A_75 = arith.constant 0 : i32
    %dma_wait3A_76 = tpu.memref_slice %arg7[%dma_wait3A, %dma_wait3A_75] : memref<40x128xi32, #tpu.memory_space<vmem>> -> memref<1x128xi32, #tpu.memory_space<vmem>>
    %dma_wait3A_77 = tpu.memref_squeeze %dma_wait3A_76 : memref<1x128xi32, #tpu.memory_space<vmem>> -> memref<128xi32, #tpu.memory_space<vmem>>
    %dma_wait3A_78 = arith.constant 0 : i32
    %dma_wait3A_79 = arith.constant 0 : i32
    %dma_wait3A_80 = tpu.memref_slice %arg2[%dma_wait3A_78, %dma_wait3A_79] : memref<10240x64xf32, #tpu.memory_space<hbm>> -> memref<10240x64xf32, #tpu.memory_space<hbm>>
    tpu.wait_indirect_dma semaphore(%arg18 : memref<!tpu.dma_semaphore, #tpu.memory_space<semaphore_mem>>) src(%dma_wait3A_80 : memref<10240x64xf32, #tpu.memory_space<hbm>>) dst(%arg10 : memref<128x64xf32, #tpu.memory_space<vmem>>)
    %run_scoped3A = arith.constant 32 : i32
    "tpu.region"() ({
      %run_scoped3A_145 = tpu.sem_alloc : memref<!tpu.dma_semaphore, #tpu.memory_space<semaphore_mem>>
      %dma_start3A_146 = arith.constant 0 : i32
      %dma_start3A_147 = tpu.memref_slice %arg8[%run_scoped3A, %dma_start3A_146] : memref<40x128xi32, #tpu.memory_space<vmem>> -> memref<1x128xi32, #tpu.memory_space<vmem>>
      %dma_start3A_148 = tpu.memref_squeeze %dma_start3A_147 : memref<1x128xi32, #tpu.memory_space<vmem>> -> memref<128xi32, #tpu.memory_space<vmem>>
      %dma_start3A_149 = arith.constant 0 : i32
      %dma_start3A_150 = arith.constant 0 : i32
      %dma_start3A_151 = tpu.memref_slice %arg9[%dma_start3A_149, %dma_start3A_150] : memref<10240x64xf32, #tpu.memory_space<vmem_shared>> -> memref<10240x64xf32, #tpu.memory_space<vmem_shared>>
      tpu.enqueue_indirect_dma source(%arg10 : memref<128x64xf32, #tpu.memory_space<vmem>>) target(%dma_start3A_151 : memref<10240x64xf32, #tpu.memory_space<vmem_shared>>) offsets(%dma_start3A_148 : memref<128xi32, #tpu.memory_space<vmem>>) semaphore(%run_scoped3A_145 : memref<!tpu.dma_semaphore, #tpu.memory_space<semaphore_mem>>) {add = true}
      %dma_wait3A_152 = arith.constant 0 : i32
      %dma_wait3A_153 = tpu.memref_slice %arg8[%run_scoped3A, %dma_wait3A_152] : memref<40x128xi32, #tpu.memory_space<vmem>> -> memref<1x128xi32, #tpu.memory_space<vmem>>
      %dma_wait3A_154 = tpu.memref_squeeze %dma_wait3A_153 : memref<1x128xi32, #tpu.memory_space<vmem>> -> memref<128xi32, #tpu.memory_space<vmem>>
      %dma_wait3A_155 = arith.constant 0 : i32
      %dma_wait3A_156 = arith.constant 0 : i32
      %dma_wait3A_157 = tpu.memref_slice %arg9[%dma_wait3A_155, %dma_wait3A_156] : memref<10240x64xf32, #tpu.memory_space<vmem_shared>> -> memref<10240x64xf32, #tpu.memory_space<vmem_shared>>
      tpu.wait_indirect_dma semaphore(%run_scoped3A_145 : memref<!tpu.dma_semaphore, #tpu.memory_space<semaphore_mem>>) src(%arg10 : memref<128x64xf32, #tpu.memory_space<vmem>>) dst(%dma_wait3A_157 : memref<10240x64xf32, #tpu.memory_space<vmem_shared>>)
      tpu.yield
    }) : () -> ()
    %dma_wait3A_81 = arith.constant 33 : i32
    %dma_wait3A_82 = arith.constant 0 : i32
    %dma_wait3A_83 = tpu.memref_slice %arg7[%dma_wait3A_81, %dma_wait3A_82] : memref<40x128xi32, #tpu.memory_space<vmem>> -> memref<1x128xi32, #tpu.memory_space<vmem>>
    %dma_wait3A_84 = tpu.memref_squeeze %dma_wait3A_83 : memref<1x128xi32, #tpu.memory_space<vmem>> -> memref<128xi32, #tpu.memory_space<vmem>>
    %dma_wait3A_85 = arith.constant 0 : i32
    %dma_wait3A_86 = arith.constant 0 : i32
    %dma_wait3A_87 = tpu.memref_slice %arg2[%dma_wait3A_85, %dma_wait3A_86] : memref<10240x64xf32, #tpu.memory_space<hbm>> -> memref<10240x64xf32, #tpu.memory_space<hbm>>
    tpu.wait_indirect_dma semaphore(%arg19 : memref<!tpu.dma_semaphore, #tpu.memory_space<semaphore_mem>>) src(%dma_wait3A_87 : memref<10240x64xf32, #tpu.memory_space<hbm>>) dst(%arg11 : memref<128x64xf32, #tpu.memory_space<vmem>>)
    %run_scoped3A_88 = arith.constant 33 : i32
    "tpu.region"() ({
      %run_scoped3A_145 = tpu.sem_alloc : memref<!tpu.dma_semaphore, #tpu.memory_space<semaphore_mem>>
      %dma_start3A_146 = arith.constant 0 : i32
      %dma_start3A_147 = tpu.memref_slice %arg8[%run_scoped3A_88, %dma_start3A_146] : memref<40x128xi32, #tpu.memory_space<vmem>> -> memref<1x128xi32, #tpu.memory_space<vmem>>
      %dma_start3A_148 = tpu.memref_squeeze %dma_start3A_147 : memref<1x128xi32, #tpu.memory_space<vmem>> -> memref<128xi32, #tpu.memory_space<vmem>>
      %dma_start3A_149 = arith.constant 0 : i32
      %dma_start3A_150 = arith.constant 0 : i32
      %dma_start3A_151 = tpu.memref_slice %arg9[%dma_start3A_149, %dma_start3A_150] : memref<10240x64xf32, #tpu.memory_space<vmem_shared>> -> memref<10240x64xf32, #tpu.memory_space<vmem_shared>>
      tpu.enqueue_indirect_dma source(%arg11 : memref<128x64xf32, #tpu.memory_space<vmem>>) target(%dma_start3A_151 : memref<10240x64xf32, #tpu.memory_space<vmem_shared>>) offsets(%dma_start3A_148 : memref<128xi32, #tpu.memory_space<vmem>>) semaphore(%run_scoped3A_145 : memref<!tpu.dma_semaphore, #tpu.memory_space<semaphore_mem>>) {add = true}
      %dma_wait3A_152 = arith.constant 0 : i32
      %dma_wait3A_153 = tpu.memref_slice %arg8[%run_scoped3A_88, %dma_wait3A_152] : memref<40x128xi32, #tpu.memory_space<vmem>> -> memref<1x128xi32, #tpu.memory_space<vmem>>
      %dma_wait3A_154 = tpu.memref_squeeze %dma_wait3A_153 : memref<1x128xi32, #tpu.memory_space<vmem>> -> memref<128xi32, #tpu.memory_space<vmem>>
      %dma_wait3A_155 = arith.constant 0 : i32
      %dma_wait3A_156 = arith.constant 0 : i32
      %dma_wait3A_157 = tpu.memref_slice %arg9[%dma_wait3A_155, %dma_wait3A_156] : memref<10240x64xf32, #tpu.memory_space<vmem_shared>> -> memref<10240x64xf32, #tpu.memory_space<vmem_shared>>
      tpu.wait_indirect_dma semaphore(%run_scoped3A_145 : memref<!tpu.dma_semaphore, #tpu.memory_space<semaphore_mem>>) src(%arg11 : memref<128x64xf32, #tpu.memory_space<vmem>>) dst(%dma_wait3A_157 : memref<10240x64xf32, #tpu.memory_space<vmem_shared>>)
      tpu.yield
    }) : () -> ()
    %dma_wait3A_89 = arith.constant 34 : i32
    %dma_wait3A_90 = arith.constant 0 : i32
    %dma_wait3A_91 = tpu.memref_slice %arg7[%dma_wait3A_89, %dma_wait3A_90] : memref<40x128xi32, #tpu.memory_space<vmem>> -> memref<1x128xi32, #tpu.memory_space<vmem>>
    %dma_wait3A_92 = tpu.memref_squeeze %dma_wait3A_91 : memref<1x128xi32, #tpu.memory_space<vmem>> -> memref<128xi32, #tpu.memory_space<vmem>>
    %dma_wait3A_93 = arith.constant 0 : i32
    %dma_wait3A_94 = arith.constant 0 : i32
    %dma_wait3A_95 = tpu.memref_slice %arg2[%dma_wait3A_93, %dma_wait3A_94] : memref<10240x64xf32, #tpu.memory_space<hbm>> -> memref<10240x64xf32, #tpu.memory_space<hbm>>
    tpu.wait_indirect_dma semaphore(%arg20 : memref<!tpu.dma_semaphore, #tpu.memory_space<semaphore_mem>>) src(%dma_wait3A_95 : memref<10240x64xf32, #tpu.memory_space<hbm>>) dst(%arg12 : memref<128x64xf32, #tpu.memory_space<vmem>>)
    %run_scoped3A_96 = arith.constant 34 : i32
    "tpu.region"() ({
      %run_scoped3A_145 = tpu.sem_alloc : memref<!tpu.dma_semaphore, #tpu.memory_space<semaphore_mem>>
      %dma_start3A_146 = arith.constant 0 : i32
      %dma_start3A_147 = tpu.memref_slice %arg8[%run_scoped3A_96, %dma_start3A_146] : memref<40x128xi32, #tpu.memory_space<vmem>> -> memref<1x128xi32, #tpu.memory_space<vmem>>
      %dma_start3A_148 = tpu.memref_squeeze %dma_start3A_147 : memref<1x128xi32, #tpu.memory_space<vmem>> -> memref<128xi32, #tpu.memory_space<vmem>>
      %dma_start3A_149 = arith.constant 0 : i32
      %dma_start3A_150 = arith.constant 0 : i32
      %dma_start3A_151 = tpu.memref_slice %arg9[%dma_start3A_149, %dma_start3A_150] : memref<10240x64xf32, #tpu.memory_space<vmem_shared>> -> memref<10240x64xf32, #tpu.memory_space<vmem_shared>>
      tpu.enqueue_indirect_dma source(%arg12 : memref<128x64xf32, #tpu.memory_space<vmem>>) target(%dma_start3A_151 : memref<10240x64xf32, #tpu.memory_space<vmem_shared>>) offsets(%dma_start3A_148 : memref<128xi32, #tpu.memory_space<vmem>>) semaphore(%run_scoped3A_145 : memref<!tpu.dma_semaphore, #tpu.memory_space<semaphore_mem>>) {add = true}
      %dma_wait3A_152 = arith.constant 0 : i32
      %dma_wait3A_153 = tpu.memref_slice %arg8[%run_scoped3A_96, %dma_wait3A_152] : memref<40x128xi32, #tpu.memory_space<vmem>> -> memref<1x128xi32, #tpu.memory_space<vmem>>
      %dma_wait3A_154 = tpu.memref_squeeze %dma_wait3A_153 : memref<1x128xi32, #tpu.memory_space<vmem>> -> memref<128xi32, #tpu.memory_space<vmem>>
      %dma_wait3A_155 = arith.constant 0 : i32
      %dma_wait3A_156 = arith.constant 0 : i32
      %dma_wait3A_157 = tpu.memref_slice %arg9[%dma_wait3A_155, %dma_wait3A_156] : memref<10240x64xf32, #tpu.memory_space<vmem_shared>> -> memref<10240x64xf32, #tpu.memory_space<vmem_shared>>
      tpu.wait_indirect_dma semaphore(%run_scoped3A_145 : memref<!tpu.dma_semaphore, #tpu.memory_space<semaphore_mem>>) src(%arg12 : memref<128x64xf32, #tpu.memory_space<vmem>>) dst(%dma_wait3A_157 : memref<10240x64xf32, #tpu.memory_space<vmem_shared>>)
      tpu.yield
    }) : () -> ()
    %dma_wait3A_97 = arith.constant 35 : i32
    %dma_wait3A_98 = arith.constant 0 : i32
    %dma_wait3A_99 = tpu.memref_slice %arg7[%dma_wait3A_97, %dma_wait3A_98] : memref<40x128xi32, #tpu.memory_space<vmem>> -> memref<1x128xi32, #tpu.memory_space<vmem>>
    %dma_wait3A_100 = tpu.memref_squeeze %dma_wait3A_99 : memref<1x128xi32, #tpu.memory_space<vmem>> -> memref<128xi32, #tpu.memory_space<vmem>>
    %dma_wait3A_101 = arith.constant 0 : i32
    %dma_wait3A_102 = arith.constant 0 : i32
    %dma_wait3A_103 = tpu.memref_slice %arg2[%dma_wait3A_101, %dma_wait3A_102] : memref<10240x64xf32, #tpu.memory_space<hbm>> -> memref<10240x64xf32, #tpu.memory_space<hbm>>
    tpu.wait_indirect_dma semaphore(%arg21 : memref<!tpu.dma_semaphore, #tpu.memory_space<semaphore_mem>>) src(%dma_wait3A_103 : memref<10240x64xf32, #tpu.memory_space<hbm>>) dst(%arg13 : memref<128x64xf32, #tpu.memory_space<vmem>>)
    %run_scoped3A_104 = arith.constant 35 : i32
    "tpu.region"() ({
      %run_scoped3A_145 = tpu.sem_alloc : memref<!tpu.dma_semaphore, #tpu.memory_space<semaphore_mem>>
      %dma_start3A_146 = arith.constant 0 : i32
      %dma_start3A_147 = tpu.memref_slice %arg8[%run_scoped3A_104, %dma_start3A_146] : memref<40x128xi32, #tpu.memory_space<vmem>> -> memref<1x128xi32, #tpu.memory_space<vmem>>
      %dma_start3A_148 = tpu.memref_squeeze %dma_start3A_147 : memref<1x128xi32, #tpu.memory_space<vmem>> -> memref<128xi32, #tpu.memory_space<vmem>>
      %dma_start3A_149 = arith.constant 0 : i32
      %dma_start3A_150 = arith.constant 0 : i32
      %dma_start3A_151 = tpu.memref_slice %arg9[%dma_start3A_149, %dma_start3A_150] : memref<10240x64xf32, #tpu.memory_space<vmem_shared>> -> memref<10240x64xf32, #tpu.memory_space<vmem_shared>>
      tpu.enqueue_indirect_dma source(%arg13 : memref<128x64xf32, #tpu.memory_space<vmem>>) target(%dma_start3A_151 : memref<10240x64xf32, #tpu.memory_space<vmem_shared>>) offsets(%dma_start3A_148 : memref<128xi32, #tpu.memory_space<vmem>>) semaphore(%run_scoped3A_145 : memref<!tpu.dma_semaphore, #tpu.memory_space<semaphore_mem>>) {add = true}
      %dma_wait3A_152 = arith.constant 0 : i32
      %dma_wait3A_153 = tpu.memref_slice %arg8[%run_scoped3A_104, %dma_wait3A_152] : memref<40x128xi32, #tpu.memory_space<vmem>> -> memref<1x128xi32, #tpu.memory_space<vmem>>
      %dma_wait3A_154 = tpu.memref_squeeze %dma_wait3A_153 : memref<1x128xi32, #tpu.memory_space<vmem>> -> memref<128xi32, #tpu.memory_space<vmem>>
      %dma_wait3A_155 = arith.constant 0 : i32
      %dma_wait3A_156 = arith.constant 0 : i32
      %dma_wait3A_157 = tpu.memref_slice %arg9[%dma_wait3A_155, %dma_wait3A_156] : memref<10240x64xf32, #tpu.memory_space<vmem_shared>> -> memref<10240x64xf32, #tpu.memory_space<vmem_shared>>
      tpu.wait_indirect_dma semaphore(%run_scoped3A_145 : memref<!tpu.dma_semaphore, #tpu.memory_space<semaphore_mem>>) src(%arg13 : memref<128x64xf32, #tpu.memory_space<vmem>>) dst(%dma_wait3A_157 : memref<10240x64xf32, #tpu.memory_space<vmem_shared>>)
      tpu.yield
    }) : () -> ()
    %dma_wait3A_105 = arith.constant 36 : i32
    %dma_wait3A_106 = arith.constant 0 : i32
    %dma_wait3A_107 = tpu.memref_slice %arg7[%dma_wait3A_105, %dma_wait3A_106] : memref<40x128xi32, #tpu.memory_space<vmem>> -> memref<1x128xi32, #tpu.memory_space<vmem>>
    %dma_wait3A_108 = tpu.memref_squeeze %dma_wait3A_107 : memref<1x128xi32, #tpu.memory_space<vmem>> -> memref<128xi32, #tpu.memory_space<vmem>>
    %dma_wait3A_109 = arith.constant 0 : i32
    %dma_wait3A_110 = arith.constant 0 : i32
    %dma_wait3A_111 = tpu.memref_slice %arg2[%dma_wait3A_109, %dma_wait3A_110] : memref<10240x64xf32, #tpu.memory_space<hbm>> -> memref<10240x64xf32, #tpu.memory_space<hbm>>
    tpu.wait_indirect_dma semaphore(%arg22 : memref<!tpu.dma_semaphore, #tpu.memory_space<semaphore_mem>>) src(%dma_wait3A_111 : memref<10240x64xf32, #tpu.memory_space<hbm>>) dst(%arg14 : memref<128x64xf32, #tpu.memory_space<vmem>>)
    %run_scoped3A_112 = arith.constant 36 : i32
    "tpu.region"() ({
      %run_scoped3A_145 = tpu.sem_alloc : memref<!tpu.dma_semaphore, #tpu.memory_space<semaphore_mem>>
      %dma_start3A_146 = arith.constant 0 : i32
      %dma_start3A_147 = tpu.memref_slice %arg8[%run_scoped3A_112, %dma_start3A_146] : memref<40x128xi32, #tpu.memory_space<vmem>> -> memref<1x128xi32, #tpu.memory_space<vmem>>
      %dma_start3A_148 = tpu.memref_squeeze %dma_start3A_147 : memref<1x128xi32, #tpu.memory_space<vmem>> -> memref<128xi32, #tpu.memory_space<vmem>>
      %dma_start3A_149 = arith.constant 0 : i32
      %dma_start3A_150 = arith.constant 0 : i32
      %dma_start3A_151 = tpu.memref_slice %arg9[%dma_start3A_149, %dma_start3A_150] : memref<10240x64xf32, #tpu.memory_space<vmem_shared>> -> memref<10240x64xf32, #tpu.memory_space<vmem_shared>>
      tpu.enqueue_indirect_dma source(%arg14 : memref<128x64xf32, #tpu.memory_space<vmem>>) target(%dma_start3A_151 : memref<10240x64xf32, #tpu.memory_space<vmem_shared>>) offsets(%dma_start3A_148 : memref<128xi32, #tpu.memory_space<vmem>>) semaphore(%run_scoped3A_145 : memref<!tpu.dma_semaphore, #tpu.memory_space<semaphore_mem>>) {add = true}
      %dma_wait3A_152 = arith.constant 0 : i32
      %dma_wait3A_153 = tpu.memref_slice %arg8[%run_scoped3A_112, %dma_wait3A_152] : memref<40x128xi32, #tpu.memory_space<vmem>> -> memref<1x128xi32, #tpu.memory_space<vmem>>
      %dma_wait3A_154 = tpu.memref_squeeze %dma_wait3A_153 : memref<1x128xi32, #tpu.memory_space<vmem>> -> memref<128xi32, #tpu.memory_space<vmem>>
      %dma_wait3A_155 = arith.constant 0 : i32
      %dma_wait3A_156 = arith.constant 0 : i32
      %dma_wait3A_157 = tpu.memref_slice %arg9[%dma_wait3A_155, %dma_wait3A_156] : memref<10240x64xf32, #tpu.memory_space<vmem_shared>> -> memref<10240x64xf32, #tpu.memory_space<vmem_shared>>
      tpu.wait_indirect_dma semaphore(%run_scoped3A_145 : memref<!tpu.dma_semaphore, #tpu.memory_space<semaphore_mem>>) src(%arg14 : memref<128x64xf32, #tpu.memory_space<vmem>>) dst(%dma_wait3A_157 : memref<10240x64xf32, #tpu.memory_space<vmem_shared>>)
      tpu.yield
    }) : () -> ()
    %dma_wait3A_113 = arith.constant 37 : i32
    %dma_wait3A_114 = arith.constant 0 : i32
    %dma_wait3A_115 = tpu.memref_slice %arg7[%dma_wait3A_113, %dma_wait3A_114] : memref<40x128xi32, #tpu.memory_space<vmem>> -> memref<1x128xi32, #tpu.memory_space<vmem>>
    %dma_wait3A_116 = tpu.memref_squeeze %dma_wait3A_115 : memref<1x128xi32, #tpu.memory_space<vmem>> -> memref<128xi32, #tpu.memory_space<vmem>>
    %dma_wait3A_117 = arith.constant 0 : i32
    %dma_wait3A_118 = arith.constant 0 : i32
    %dma_wait3A_119 = tpu.memref_slice %arg2[%dma_wait3A_117, %dma_wait3A_118] : memref<10240x64xf32, #tpu.memory_space<hbm>> -> memref<10240x64xf32, #tpu.memory_space<hbm>>
    tpu.wait_indirect_dma semaphore(%arg23 : memref<!tpu.dma_semaphore, #tpu.memory_space<semaphore_mem>>) src(%dma_wait3A_119 : memref<10240x64xf32, #tpu.memory_space<hbm>>) dst(%arg15 : memref<128x64xf32, #tpu.memory_space<vmem>>)
    %run_scoped3A_120 = arith.constant 37 : i32
    "tpu.region"() ({
      %run_scoped3A_145 = tpu.sem_alloc : memref<!tpu.dma_semaphore, #tpu.memory_space<semaphore_mem>>
      %dma_start3A_146 = arith.constant 0 : i32
      %dma_start3A_147 = tpu.memref_slice %arg8[%run_scoped3A_120, %dma_start3A_146] : memref<40x128xi32, #tpu.memory_space<vmem>> -> memref<1x128xi32, #tpu.memory_space<vmem>>
      %dma_start3A_148 = tpu.memref_squeeze %dma_start3A_147 : memref<1x128xi32, #tpu.memory_space<vmem>> -> memref<128xi32, #tpu.memory_space<vmem>>
      %dma_start3A_149 = arith.constant 0 : i32
      %dma_start3A_150 = arith.constant 0 : i32
      %dma_start3A_151 = tpu.memref_slice %arg9[%dma_start3A_149, %dma_start3A_150] : memref<10240x64xf32, #tpu.memory_space<vmem_shared>> -> memref<10240x64xf32, #tpu.memory_space<vmem_shared>>
      tpu.enqueue_indirect_dma source(%arg15 : memref<128x64xf32, #tpu.memory_space<vmem>>) target(%dma_start3A_151 : memref<10240x64xf32, #tpu.memory_space<vmem_shared>>) offsets(%dma_start3A_148 : memref<128xi32, #tpu.memory_space<vmem>>) semaphore(%run_scoped3A_145 : memref<!tpu.dma_semaphore, #tpu.memory_space<semaphore_mem>>) {add = true}
      %dma_wait3A_152 = arith.constant 0 : i32
      %dma_wait3A_153 = tpu.memref_slice %arg8[%run_scoped3A_120, %dma_wait3A_152] : memref<40x128xi32, #tpu.memory_space<vmem>> -> memref<1x128xi32, #tpu.memory_space<vmem>>
      %dma_wait3A_154 = tpu.memref_squeeze %dma_wait3A_153 : memref<1x128xi32, #tpu.memory_space<vmem>> -> memref<128xi32, #tpu.memory_space<vmem>>
      %dma_wait3A_155 = arith.constant 0 : i32
      %dma_wait3A_156 = arith.constant 0 : i32
      %dma_wait3A_157 = tpu.memref_slice %arg9[%dma_wait3A_155, %dma_wait3A_156] : memref<10240x64xf32, #tpu.memory_space<vmem_shared>> -> memref<10240x64xf32, #tpu.memory_space<vmem_shared>>
      tpu.wait_indirect_dma semaphore(%run_scoped3A_145 : memref<!tpu.dma_semaphore, #tpu.memory_space<semaphore_mem>>) src(%arg15 : memref<128x64xf32, #tpu.memory_space<vmem>>) dst(%dma_wait3A_157 : memref<10240x64xf32, #tpu.memory_space<vmem_shared>>)
      tpu.yield
    }) : () -> ()
    %dma_wait3A_121 = arith.constant 38 : i32
    %dma_wait3A_122 = arith.constant 0 : i32
    %dma_wait3A_123 = tpu.memref_slice %arg7[%dma_wait3A_121, %dma_wait3A_122] : memref<40x128xi32, #tpu.memory_space<vmem>> -> memref<1x128xi32, #tpu.memory_space<vmem>>
    %dma_wait3A_124 = tpu.memref_squeeze %dma_wait3A_123 : memref<1x128xi32, #tpu.memory_space<vmem>> -> memref<128xi32, #tpu.memory_space<vmem>>
    %dma_wait3A_125 = arith.constant 0 : i32
    %dma_wait3A_126 = arith.constant 0 : i32
    %dma_wait3A_127 = tpu.memref_slice %arg2[%dma_wait3A_125, %dma_wait3A_126] : memref<10240x64xf32, #tpu.memory_space<hbm>> -> memref<10240x64xf32, #tpu.memory_space<hbm>>
    tpu.wait_indirect_dma semaphore(%arg24 : memref<!tpu.dma_semaphore, #tpu.memory_space<semaphore_mem>>) src(%dma_wait3A_127 : memref<10240x64xf32, #tpu.memory_space<hbm>>) dst(%arg16 : memref<128x64xf32, #tpu.memory_space<vmem>>)
    %run_scoped3A_128 = arith.constant 38 : i32
    "tpu.region"() ({
      %run_scoped3A_145 = tpu.sem_alloc : memref<!tpu.dma_semaphore, #tpu.memory_space<semaphore_mem>>
      %dma_start3A_146 = arith.constant 0 : i32
      %dma_start3A_147 = tpu.memref_slice %arg8[%run_scoped3A_128, %dma_start3A_146] : memref<40x128xi32, #tpu.memory_space<vmem>> -> memref<1x128xi32, #tpu.memory_space<vmem>>
      %dma_start3A_148 = tpu.memref_squeeze %dma_start3A_147 : memref<1x128xi32, #tpu.memory_space<vmem>> -> memref<128xi32, #tpu.memory_space<vmem>>
      %dma_start3A_149 = arith.constant 0 : i32
      %dma_start3A_150 = arith.constant 0 : i32
      %dma_start3A_151 = tpu.memref_slice %arg9[%dma_start3A_149, %dma_start3A_150] : memref<10240x64xf32, #tpu.memory_space<vmem_shared>> -> memref<10240x64xf32, #tpu.memory_space<vmem_shared>>
      tpu.enqueue_indirect_dma source(%arg16 : memref<128x64xf32, #tpu.memory_space<vmem>>) target(%dma_start3A_151 : memref<10240x64xf32, #tpu.memory_space<vmem_shared>>) offsets(%dma_start3A_148 : memref<128xi32, #tpu.memory_space<vmem>>) semaphore(%run_scoped3A_145 : memref<!tpu.dma_semaphore, #tpu.memory_space<semaphore_mem>>) {add = true}
      %dma_wait3A_152 = arith.constant 0 : i32
      %dma_wait3A_153 = tpu.memref_slice %arg8[%run_scoped3A_128, %dma_wait3A_152] : memref<40x128xi32, #tpu.memory_space<vmem>> -> memref<1x128xi32, #tpu.memory_space<vmem>>
      %dma_wait3A_154 = tpu.memref_squeeze %dma_wait3A_153 : memref<1x128xi32, #tpu.memory_space<vmem>> -> memref<128xi32, #tpu.memory_space<vmem>>
      %dma_wait3A_155 = arith.constant 0 : i32
      %dma_wait3A_156 = arith.constant 0 : i32
      %dma_wait3A_157 = tpu.memref_slice %arg9[%dma_wait3A_155, %dma_wait3A_156] : memref<10240x64xf32, #tpu.memory_space<vmem_shared>> -> memref<10240x64xf32, #tpu.memory_space<vmem_shared>>
      tpu.wait_indirect_dma semaphore(%run_scoped3A_145 : memref<!tpu.dma_semaphore, #tpu.memory_space<semaphore_mem>>) src(%arg16 : memref<128x64xf32, #tpu.memory_space<vmem>>) dst(%dma_wait3A_157 : memref<10240x64xf32, #tpu.memory_space<vmem_shared>>)
      tpu.yield
    }) : () -> ()
    %dma_wait3A_129 = arith.constant 39 : i32
    %dma_wait3A_130 = arith.constant 0 : i32
    %dma_wait3A_131 = tpu.memref_slice %arg7[%dma_wait3A_129, %dma_wait3A_130] : memref<40x128xi32, #tpu.memory_space<vmem>> -> memref<1x128xi32, #tpu.memory_space<vmem>>
    %dma_wait3A_132 = tpu.memref_squeeze %dma_wait3A_131 : memref<1x128xi32, #tpu.memory_space<vmem>> -> memref<128xi32, #tpu.memory_space<vmem>>
    %dma_wait3A_133 = arith.constant 0 : i32
    %dma_wait3A_134 = arith.constant 0 : i32
    %dma_wait3A_135 = tpu.memref_slice %arg2[%dma_wait3A_133, %dma_wait3A_134] : memref<10240x64xf32, #tpu.memory_space<hbm>> -> memref<10240x64xf32, #tpu.memory_space<hbm>>
    tpu.wait_indirect_dma semaphore(%arg25 : memref<!tpu.dma_semaphore, #tpu.memory_space<semaphore_mem>>) src(%dma_wait3A_135 : memref<10240x64xf32, #tpu.memory_space<hbm>>) dst(%arg17 : memref<128x64xf32, #tpu.memory_space<vmem>>)
    %run_scoped3A_136 = arith.constant 39 : i32
    "tpu.region"() ({
      %run_scoped3A_145 = tpu.sem_alloc : memref<!tpu.dma_semaphore, #tpu.memory_space<semaphore_mem>>
      %dma_start3A_146 = arith.constant 0 : i32
      %dma_start3A_147 = tpu.memref_slice %arg8[%run_scoped3A_136, %dma_start3A_146] : memref<40x128xi32, #tpu.memory_space<vmem>> -> memref<1x128xi32, #tpu.memory_space<vmem>>
      %dma_start3A_148 = tpu.memref_squeeze %dma_start3A_147 : memref<1x128xi32, #tpu.memory_space<vmem>> -> memref<128xi32, #tpu.memory_space<vmem>>
      %dma_start3A_149 = arith.constant 0 : i32
      %dma_start3A_150 = arith.constant 0 : i32
      %dma_start3A_151 = tpu.memref_slice %arg9[%dma_start3A_149, %dma_start3A_150] : memref<10240x64xf32, #tpu.memory_space<vmem_shared>> -> memref<10240x64xf32, #tpu.memory_space<vmem_shared>>
      tpu.enqueue_indirect_dma source(%arg17 : memref<128x64xf32, #tpu.memory_space<vmem>>) target(%dma_start3A_151 : memref<10240x64xf32, #tpu.memory_space<vmem_shared>>) offsets(%dma_start3A_148 : memref<128xi32, #tpu.memory_space<vmem>>) semaphore(%run_scoped3A_145 : memref<!tpu.dma_semaphore, #tpu.memory_space<semaphore_mem>>) {add = true}
      %dma_wait3A_152 = arith.constant 0 : i32
      %dma_wait3A_153 = tpu.memref_slice %arg8[%run_scoped3A_136, %dma_wait3A_152] : memref<40x128xi32, #tpu.memory_space<vmem>> -> memref<1x128xi32, #tpu.memory_space<vmem>>
      %dma_wait3A_154 = tpu.memref_squeeze %dma_wait3A_153 : memref<1x128xi32, #tpu.memory_space<vmem>> -> memref<128xi32, #tpu.memory_space<vmem>>
      %dma_wait3A_155 = arith.constant 0 : i32
      %dma_wait3A_156 = arith.constant 0 : i32
      %dma_wait3A_157 = tpu.memref_slice %arg9[%dma_wait3A_155, %dma_wait3A_156] : memref<10240x64xf32, #tpu.memory_space<vmem_shared>> -> memref<10240x64xf32, #tpu.memory_space<vmem_shared>>
      tpu.wait_indirect_dma semaphore(%run_scoped3A_145 : memref<!tpu.dma_semaphore, #tpu.memory_space<semaphore_mem>>) src(%arg17 : memref<128x64xf32, #tpu.memory_space<vmem>>) dst(%dma_wait3A_157 : memref<10240x64xf32, #tpu.memory_space<vmem_shared>>)
      tpu.yield
    }) : () -> ()
    %barrier3A_137 = arith.constant 0 : index
    tpu.barrier barrier_id(%barrier3A_137)
    %mul3A_138 = arith.constant 640 : i32
    %mul3A_139 = arith.muli %arg1, %mul3A_138 : i32
    %mul3A_140 = arith.constant 10240 : i32
    %mul3A_141 = arith.muli %arg0, %mul3A_140 : i32
    %mul3A_142 = arith.constant 640 : i32
    %mul3A_143 = arith.muli %arg1, %mul3A_142 : i32
    %add3A_144 = arith.addi %mul3A_141, %mul3A_143 : i32
    "tpu.region"() ({
      %run_scoped3A_145 = tpu.sem_alloc : memref<!tpu.dma_semaphore, #tpu.memory_space<semaphore_mem>>
      %dma_start3A_146 = arith.constant 0 : i32
      %dma_start3A_147 = tpu.memref_slice %arg6[%add3A_144, %dma_start3A_146] : memref<20480x64xf32, #tpu.memory_space<hbm>> -> memref<640x64xf32, #tpu.memory_space<hbm>>
      %dma_start3A_148 = arith.constant 0 : i32
      %dma_start3A_149 = tpu.memref_slice %arg9[%mul3A_139, %dma_start3A_148] : memref<10240x64xf32, #tpu.memory_space<vmem_shared>> -> memref<640x64xf32, #tpu.memory_space<vmem_shared>>
      tpu.enqueue_dma source(%dma_start3A_149 : memref<640x64xf32, #tpu.memory_space<vmem_shared>>) target(%dma_start3A_147 : memref<640x64xf32, #tpu.memory_space<hbm>>) target_semaphore(%run_scoped3A_145 : memref<!tpu.dma_semaphore, #tpu.memory_space<semaphore_mem>>)
      %dma_wait3A_150 = arith.constant 0 : i32
      %dma_wait3A_151 = tpu.memref_slice %arg6[%add3A_144, %dma_wait3A_150] : memref<20480x64xf32, #tpu.memory_space<hbm>> -> memref<640x64xf32, #tpu.memory_space<hbm>>
      %dma_wait3A_152 = arith.constant 0 : i32
      %dma_wait3A_153 = tpu.memref_slice %arg9[%mul3A_139, %dma_wait3A_152] : memref<10240x64xf32, #tpu.memory_space<vmem_shared>> -> memref<640x64xf32, #tpu.memory_space<vmem_shared>>
      tpu.wait_dma2 semaphore(%run_scoped3A_145 : memref<!tpu.dma_semaphore, #tpu.memory_space<semaphore_mem>>) src(%dma_wait3A_153 : memref<640x64xf32, #tpu.memory_space<vmem_shared>>) dst(%dma_wait3A_151 : memref<640x64xf32, #tpu.memory_space<hbm>>)
      tpu.yield
    }) : () -> ()
    return
  }
}

module attributes {stable_mosaic.version = 14 : i64} {
  func.func @_k2_body(%arg0: i32, %arg1: i32, %arg2: memref<2048x256xf32, #tpu.memory_space<vmem>>, %arg3: memref<256x128xf32, #tpu.memory_space<vmem>>, %arg4: memref<2x10240xf32, #tpu.memory_space<vmem>>, %arg5: memref<2048x128xf32, #tpu.memory_space<vmem>>) attributes {dimension_semantics = [#tpu.dimension_semantics<arbitrary>, #tpu.dimension_semantics<arbitrary>], iteration_bounds = array<i64: 5, 2>, scalar_prefetch = 0 : i64, scratch_operands = 0 : i64, tpu.core_type = #tpu.core_type<tc>, window_params = [{transform_indices = @transform_0, window_bounds = array<i64: 2048, 256>}, {transform_indices = @transform_1, window_bounds = array<i64: 256, 128>}, {pipeline_mode = #tpu.pipeline_mode<synchronous>, transform_indices = @transform_2, window_bounds = array<i64: 2, 10240>}, {transform_indices = @transform_3, window_bounds = array<i64: 2048, 128>}]} {
    %mul3A = arith.constant 2048 : i32
    %mul3A_0 = arith.muli %arg0, %mul3A : i32
    %get3A = arith.constant 0 : index
    %get3A_1 = arith.index_cast %mul3A_0 : i32 to index
    %get3A_2 = vector.load %arg4[%get3A, %get3A_1] : memref<2x10240xf32, #tpu.memory_space<vmem>>, vector<1x2048xf32>
    %get3A_3 = vector.shape_cast %get3A_2 : vector<1x2048xf32> to vector<2048xf32>
    %mul3A_4 = arith.constant 2048 : i32
    %mul3A_5 = arith.muli %arg0, %mul3A_4 : i32
    %get3A_6 = arith.constant 1 : index
    %get3A_7 = arith.index_cast %mul3A_5 : i32 to index
    %get3A_8 = vector.load %arg4[%get3A_6, %get3A_7] : memref<2x10240xf32, #tpu.memory_space<vmem>>, vector<1x2048xf32>
    %get3A_9 = vector.shape_cast %get3A_8 : vector<1x2048xf32> to vector<2048xf32>
    %add3A = arith.addf %get3A_3, %get3A_9 : vector<2048xf32>
    %add3A_10 = arith.constant 1.000000e+00 : f32
    %add3A_11 = vector.broadcast %add3A_10 : f32 to vector<2048xf32>
    %add3A_12 = arith.addf %add3A, %add3A_11 : vector<2048xf32>
    %rsqrt3A = math.rsqrt %add3A_12 : vector<2048xf32>
    %get3A_13 = arith.constant 0 : index
    %get3A_14 = arith.constant 0 : index
    %get3A_15 = vector.load %arg2[%get3A_13, %get3A_14] : memref<2048x256xf32, #tpu.memory_space<vmem>>, vector<2048x256xf32>
    %get3A_16 = arith.constant 0 : index
    %get3A_17 = arith.constant 0 : index
    %get3A_18 = vector.load %arg3[%get3A_16, %get3A_17] : memref<256x128xf32, #tpu.memory_space<vmem>>, vector<256x128xf32>
    %dot_general3A = arith.constant dense<0.000000e+00> : vector<2048x128xf32>
    %dot_general3A_19 = tpu.matmul %get3A_15, %get3A_18, %dot_general3A {dimension_numbers = #tpu.dot_dimension_numbers<[1], [0], [0], [1], [0, 0, 1, 1], [], []>, transpose_lhs_hint = false} : vector<2048x256xf32>, vector<256x128xf32>, vector<2048x128xf32> -> vector<2048x128xf32>
    %broadcast_in_dim3A = vector.shape_cast %rsqrt3A : vector<2048xf32> to vector<2048x1xf32>
    %mul3A_20 = vector.broadcast %broadcast_in_dim3A : vector<2048x1xf32> to vector<2048x128xf32>
    %mul3A_21 = arith.mulf %dot_general3A_19, %mul3A_20 : vector<2048x128xf32>
    %swap3A = arith.constant 0 : index
    %swap3A_22 = arith.constant 0 : index
    %swap3A_23 = vector.load %arg5[%swap3A, %swap3A_22] : memref<2048x128xf32, #tpu.memory_space<vmem>>, vector<2048x128xf32>
    tpu.vector_store %arg5[%swap3A, %swap3A_22], %mul3A_21 {strides = array<i32>} : memref<2048x128xf32, #tpu.memory_space<vmem>>, vector<2048x128xf32>,
    return
  }
  func.func @transform_0(%arg0: i32, %arg1: i32) -> (i32, i32) {
    %c0_i32 = arith.constant 0 : i32
    %c0_i32_0 = arith.constant 0 : i32
    return %arg0, %c0_i32 : i32, i32
  }
  func.func @transform_1(%arg0: i32, %arg1: i32) -> (i32, i32) {
    %c0_i32 = arith.constant 0 : i32
    %c0_i32_0 = arith.constant 0 : i32
    return %c0_i32, %arg1 : i32, i32
  }
  func.func @transform_2(%arg0: i32, %arg1: i32) -> (i32, i32) {
    %c0_i32 = arith.constant 0 : i32
    %c0_i32_0 = arith.constant 0 : i32
    %c0_i32_1 = arith.constant 0 : i32
    return %c0_i32, %c0_i32_0 : i32, i32
  }
  func.func @transform_3(%arg0: i32, %arg1: i32) -> (i32, i32) {
    %mul3A = arith.constant 5 : i32
    %mul3A_0 = arith.muli %arg1, %mul3A : i32
    %add3A = arith.addi %mul3A_0, %arg0 : i32
    %c0_i32 = arith.constant 0 : i32
    %c0_i32_1 = arith.constant 0 : i32
    return %add3A, %c0_i32 : i32, i32
  }
}

module attributes {stable_mosaic.version = 14 : i64} {
  func.func @_k4_body(%arg0: i32, %arg1: memref<1x2048x128xf32, #tpu.memory_space<vmem>>, %arg2: memref<1x2048x128xf32, #tpu.memory_space<vmem>>, %arg3: memref<1x2048x128xf32, #tpu.memory_space<vmem>>, %arg4: memref<1x2048x128xf32, #tpu.memory_space<vmem>>, %arg5: memref<1x2048x128xi8, #tpu.memory_space<vmem>>, %arg6: memref<1x2048x128xi8, #tpu.memory_space<vmem>>, %arg7: memref<2x10240xf32, #tpu.memory_space<vmem>>, %arg8: memref<1x256xf32, #tpu.memory_space<vmem>>, %arg9: memref<256x64xf32, #tpu.memory_space<vmem>>, %arg10: memref<2048x64xf32, #tpu.memory_space<vmem>>) attributes {dimension_semantics = [#tpu.dimension_semantics<arbitrary>], iteration_bounds = array<i64: 5>, scalar_prefetch = 0 : i64, scratch_operands = 0 : i64, tpu.core_type = #tpu.core_type<tc>, window_params = [{transform_indices = @transform_0, window_bounds = array<i64: 1, 2048, 128>}, {transform_indices = @transform_1, window_bounds = array<i64: 1, 2048, 128>}, {transform_indices = @transform_2, window_bounds = array<i64: 1, 2048, 128>}, {transform_indices = @transform_3, window_bounds = array<i64: 1, 2048, 128>}, {transform_indices = @transform_4, window_bounds = array<i64: 1, 2048, 128>}, {transform_indices = @transform_5, window_bounds = array<i64: 1, 2048, 128>}, {pipeline_mode = #tpu.pipeline_mode<synchronous>, transform_indices = @transform_6, window_bounds = array<i64: 2, 10240>}, {pipeline_mode = #tpu.pipeline_mode<synchronous>, transform_indices = @transform_7, window_bounds = array<i64: 1, 256>}, {pipeline_mode = #tpu.pipeline_mode<synchronous>, transform_indices = @transform_8, window_bounds = array<i64: 256, 64>}, {transform_indices = @transform_9, window_bounds = array<i64: 2048, 64>}]} {
    %mul3A = arith.constant 2048 : i32
    %mul3A_0 = arith.muli %arg0, %mul3A : i32
    %get3A = arith.constant 0 : index
    %get3A_1 = arith.index_cast %mul3A_0 : i32 to index
    %get3A_2 = vector.load %arg7[%get3A, %get3A_1] : memref<2x10240xf32, #tpu.memory_space<vmem>>, vector<1x2048xf32>
    %get3A_3 = vector.shape_cast %get3A_2 : vector<1x2048xf32> to vector<2048xf32>
    %mul3A_4 = arith.constant 2048 : i32
    %mul3A_5 = arith.muli %arg0, %mul3A_4 : i32
    %get3A_6 = arith.constant 1 : index
    %get3A_7 = arith.index_cast %mul3A_5 : i32 to index
    %get3A_8 = vector.load %arg7[%get3A_6, %get3A_7] : memref<2x10240xf32, #tpu.memory_space<vmem>>, vector<1x2048xf32>
    %get3A_9 = vector.shape_cast %get3A_8 : vector<1x2048xf32> to vector<2048xf32>
    %add3A = arith.addf %get3A_3, %get3A_9 : vector<2048xf32>
    %add3A_10 = arith.constant 1.000000e+00 : f32
    %add3A_11 = vector.broadcast %add3A_10 : f32 to vector<2048xf32>
    %add3A_12 = arith.addf %add3A, %add3A_11 : vector<2048xf32>
    %rsqrt3A = math.rsqrt %add3A_12 : vector<2048xf32>
    %broadcast_in_dim3A = vector.shape_cast %rsqrt3A : vector<2048xf32> to vector<2048x1xf32>
    %get3A_13 = arith.constant 0 : index
    %get3A_14 = arith.constant 0 : index
    %get3A_15 = arith.constant 0 : index
    %get3A_16 = vector.load %arg5[%get3A_13, %get3A_14, %get3A_15] : memref<1x2048x128xi8, #tpu.memory_space<vmem>>, vector<1x2048x128xi8>
    %get3A_17 = vector.shape_cast %get3A_16 : vector<1x2048x128xi8> to vector<2048x128xi8>
    %ne3A = arith.constant 0 : i8
    %ne3A_18 = vector.broadcast %ne3A : i8 to vector<2048x128xi8>
    %ne3A_19 = arith.cmpi ne, %get3A_17, %ne3A_18 : vector<2048x128xi8>
    %get3A_20 = arith.constant 0 : index
    %get3A_21 = arith.constant 0 : index
    %get3A_22 = arith.constant 0 : index
    %get3A_23 = vector.load %arg1[%get3A_20, %get3A_21, %get3A_22] : memref<1x2048x128xf32, #tpu.memory_space<vmem>>, vector<1x2048x128xf32>
    %get3A_24 = vector.shape_cast %get3A_23 : vector<1x2048x128xf32> to vector<2048x128xf32>
    %get3A_25 = arith.constant 0 : index
    %get3A_26 = arith.constant 0 : index
    %get3A_27 = arith.constant 0 : index
    %get3A_28 = vector.load %arg3[%get3A_25, %get3A_26, %get3A_27] : memref<1x2048x128xf32, #tpu.memory_space<vmem>>, vector<1x2048x128xf32>
    %get3A_29 = vector.shape_cast %get3A_28 : vector<1x2048x128xf32> to vector<2048x128xf32>
    %add3A_30 = arith.addf %get3A_24, %get3A_29 : vector<2048x128xf32>
    %mul3A_31 = vector.broadcast %broadcast_in_dim3A : vector<2048x1xf32> to vector<2048x128xf32>
    %mul3A_32 = arith.mulf %mul3A_31, %add3A_30 : vector<2048x128xf32>
    %get3A_33 = arith.constant 0 : index
    %get3A_34 = arith.constant 0 : index
    %get3A_35 = vector.load %arg8[%get3A_33, %get3A_34] : memref<1x256xf32, #tpu.memory_space<vmem>>, vector<1x128xf32>
    %get3A_36 = vector.shape_cast %get3A_35 : vector<1x128xf32> to vector<128xf32>
    %broadcast_in_dim3A_37 = vector.shape_cast %get3A_36 : vector<128xf32> to vector<1x128xf32>
    %add3A_38 = vector.broadcast %broadcast_in_dim3A_37 : vector<1x128xf32> to vector<2048x128xf32>
    %add3A_39 = arith.addf %mul3A_32, %add3A_38 : vector<2048x128xf32>
    %max3A = arith.constant 0.000000e+00 : f32
    %max3A_40 = vector.broadcast %max3A : f32 to vector<2048x128xf32>
    %max3A_41 = arith.maximumf %add3A_39, %max3A_40 : vector<2048x128xf32>
    %mul3A_42 = arith.constant 2.000000e+00 : f32
    %mul3A_43 = vector.broadcast %mul3A_42 : f32 to vector<2048x128xf32>
    %mul3A_44 = arith.mulf %mul3A_43, %max3A_41 : vector<2048x128xf32>
    %jit3A = arith.constant 0.000000e+00 : f32
    %broadcast_in_dim3A_45 = vector.broadcast %jit3A : f32 to vector<2048x128xf32>
    %select_n3A = arith.select %ne3A_19, %mul3A_44, %broadcast_in_dim3A_45 : vector<2048x128xi1>, vector<2048x128xf32>
    %get3A_46 = arith.constant 0 : index
    %get3A_47 = arith.constant 0 : index
    %get3A_48 = arith.constant 0 : index
    %get3A_49 = vector.load %arg6[%get3A_46, %get3A_47, %get3A_48] : memref<1x2048x128xi8, #tpu.memory_space<vmem>>, vector<1x2048x128xi8>
    %get3A_50 = vector.shape_cast %get3A_49 : vector<1x2048x128xi8> to vector<2048x128xi8>
    %ne3A_51 = arith.constant 0 : i8
    %ne3A_52 = vector.broadcast %ne3A_51 : i8 to vector<2048x128xi8>
    %ne3A_53 = arith.cmpi ne, %get3A_50, %ne3A_52 : vector<2048x128xi8>
    %get3A_54 = arith.constant 0 : index
    %get3A_55 = arith.constant 0 : index
    %get3A_56 = arith.constant 0 : index
    %get3A_57 = vector.load %arg2[%get3A_54, %get3A_55, %get3A_56] : memref<1x2048x128xf32, #tpu.memory_space<vmem>>, vector<1x2048x128xf32>
    %get3A_58 = vector.shape_cast %get3A_57 : vector<1x2048x128xf32> to vector<2048x128xf32>
    %get3A_59 = arith.constant 0 : index
    %get3A_60 = arith.constant 0 : index
    %get3A_61 = arith.constant 0 : index
    %get3A_62 = vector.load %arg4[%get3A_59, %get3A_60, %get3A_61] : memref<1x2048x128xf32, #tpu.memory_space<vmem>>, vector<1x2048x128xf32>
    %get3A_63 = vector.shape_cast %get3A_62 : vector<1x2048x128xf32> to vector<2048x128xf32>
    %add3A_64 = arith.addf %get3A_58, %get3A_63 : vector<2048x128xf32>
    %mul3A_65 = vector.broadcast %broadcast_in_dim3A : vector<2048x1xf32> to vector<2048x128xf32>
    %mul3A_66 = arith.mulf %mul3A_65, %add3A_64 : vector<2048x128xf32>
    %get3A_67 = arith.constant 0 : index
    %get3A_68 = arith.constant 128 : index
    %get3A_69 = vector.load %arg8[%get3A_67, %get3A_68] : memref<1x256xf32, #tpu.memory_space<vmem>>, vector<1x128xf32>
    %get3A_70 = vector.shape_cast %get3A_69 : vector<1x128xf32> to vector<128xf32>
    %broadcast_in_dim3A_71 = vector.shape_cast %get3A_70 : vector<128xf32> to vector<1x128xf32>
    %add3A_72 = vector.broadcast %broadcast_in_dim3A_71 : vector<1x128xf32> to vector<2048x128xf32>
    %add3A_73 = arith.addf %mul3A_66, %add3A_72 : vector<2048x128xf32>
    %max3A_74 = arith.constant 0.000000e+00 : f32
    %max3A_75 = vector.broadcast %max3A_74 : f32 to vector<2048x128xf32>
    %max3A_76 = arith.maximumf %add3A_73, %max3A_75 : vector<2048x128xf32>
    %mul3A_77 = arith.constant 2.000000e+00 : f32
    %mul3A_78 = vector.broadcast %mul3A_77 : f32 to vector<2048x128xf32>
    %mul3A_79 = arith.mulf %mul3A_78, %max3A_76 : vector<2048x128xf32>
    %jit3A_80 = arith.constant 0.000000e+00 : f32
    %broadcast_in_dim3A_81 = vector.broadcast %jit3A_80 : f32 to vector<2048x128xf32>
    %select_n3A_82 = arith.select %ne3A_53, %mul3A_79, %broadcast_in_dim3A_81 : vector<2048x128xi1>, vector<2048x128xf32>
    %get3A_83 = arith.constant 0 : index
    %get3A_84 = arith.constant 0 : index
    %get3A_85 = vector.load %arg9[%get3A_83, %get3A_84] : memref<256x64xf32, #tpu.memory_space<vmem>>, vector<128x64xf32>
    %dot_general3A = arith.constant dense<0.000000e+00> : vector<2048x64xf32>
    %dot_general3A_86 = tpu.matmul %select_n3A, %get3A_85, %dot_general3A {dimension_numbers = #tpu.dot_dimension_numbers<[1], [0], [0], [1], [0, 0, 1, 1], [], []>, transpose_lhs_hint = false} : vector<2048x128xf32>, vector<128x64xf32>, vector<2048x64xf32> -> vector<2048x64xf32>
    %get3A_87 = arith.constant 128 : index
    %get3A_88 = arith.constant 0 : index
    %get3A_89 = vector.load %arg9[%get3A_87, %get3A_88] : memref<256x64xf32, #tpu.memory_space<vmem>>, vector<128x64xf32>
    %dot_general3A_90 = arith.constant dense<0.000000e+00> : vector<2048x64xf32>
    %dot_general3A_91 = tpu.matmul %select_n3A_82, %get3A_89, %dot_general3A_90 {dimension_numbers = #tpu.dot_dimension_numbers<[1], [0], [0], [1], [0, 0, 1, 1], [], []>, transpose_lhs_hint = false} : vector<2048x128xf32>, vector<128x64xf32>, vector<2048x64xf32> -> vector<2048x64xf32>
    %add3A_92 = arith.addf %dot_general3A_86, %dot_general3A_91 : vector<2048x64xf32>
    %mul3A_93 = vector.broadcast %broadcast_in_dim3A : vector<2048x1xf32> to vector<2048x64xf32>
    %mul3A_94 = arith.mulf %add3A_92, %mul3A_93 : vector<2048x64xf32>
    %swap3A = arith.constant 0 : index
    %swap3A_95 = arith.constant 0 : index
    %swap3A_96 = vector.load %arg10[%swap3A, %swap3A_95] : memref<2048x64xf32, #tpu.memory_space<vmem>>, vector<2048x64xf32>
    tpu.vector_store %arg10[%swap3A, %swap3A_95], %mul3A_94 {strides = array<i32>} : memref<2048x64xf32, #tpu.memory_space<vmem>>, vector<2048x64xf32>,
    return
  }
  func.func @transform_0(%arg0: i32) -> (i32, i32, i32) {
    %c0_i32 = arith.constant 0 : i32
    %c0_i32_0 = arith.constant 0 : i32
    %c0_i32_1 = arith.constant 0 : i32
    return %c0_i32, %arg0, %c0_i32_0 : i32, i32, i32
  }
  func.func @transform_1(%arg0: i32) -> (i32, i32, i32) {
    %c1_i32 = arith.constant 1 : i32
    %c0_i32 = arith.constant 0 : i32
    %c0_i32_0 = arith.constant 0 : i32
    return %c1_i32, %arg0, %c0_i32 : i32, i32, i32
  }
  func.func @transform_2(%arg0: i32) -> (i32, i32, i32) {
    %c0_i32 = arith.constant 0 : i32
    %c0_i32_0 = arith.constant 0 : i32
    %c0_i32_1 = arith.constant 0 : i32
    return %c0_i32, %arg0, %c0_i32_0 : i32, i32, i32
  }
  func.func @transform_3(%arg0: i32) -> (i32, i32, i32) {
    %c1_i32 = arith.constant 1 : i32
    %c0_i32 = arith.constant 0 : i32
    %c0_i32_0 = arith.constant 0 : i32
    return %c1_i32, %arg0, %c0_i32 : i32, i32, i32
  }
  func.func @transform_4(%arg0: i32) -> (i32, i32, i32) {
    %c0_i32 = arith.constant 0 : i32
    %c0_i32_0 = arith.constant 0 : i32
    %c0_i32_1 = arith.constant 0 : i32
    return %c0_i32, %arg0, %c0_i32_0 : i32, i32, i32
  }
  func.func @transform_5(%arg0: i32) -> (i32, i32, i32) {
    %c1_i32 = arith.constant 1 : i32
    %c0_i32 = arith.constant 0 : i32
    %c0_i32_0 = arith.constant 0 : i32
    return %c1_i32, %arg0, %c0_i32 : i32, i32, i32
  }
  func.func @transform_6(%arg0: i32) -> (i32, i32) {
    %c0_i32 = arith.constant 0 : i32
    %c0_i32_0 = arith.constant 0 : i32
    %c0_i32_1 = arith.constant 0 : i32
    return %c0_i32, %c0_i32_0 : i32, i32
  }
  func.func @transform_7(%arg0: i32) -> (i32, i32) {
    %c0_i32 = arith.constant 0 : i32
    %c0_i32_0 = arith.constant 0 : i32
    %c0_i32_1 = arith.constant 0 : i32
    return %c0_i32, %c0_i32_0 : i32, i32
  }
  func.func @transform_8(%arg0: i32) -> (i32, i32) {
    %c0_i32 = arith.constant 0 : i32
    %c0_i32_0 = arith.constant 0 : i32
    %c0_i32_1 = arith.constant 0 : i32
    return %c0_i32, %c0_i32_0 : i32, i32
  }
  func.func @transform_9(%arg0: i32) -> (i32, i32) {
    %c0_i32 = arith.constant 0 : i32
    %c0_i32_0 = arith.constant 0 : i32
    return %arg0, %c0_i32 : i32, i32
  }
}

</mosaic_0001>

<sc_bundles>
// kernel: kernel.11.cloned.1.call-start
scs
__scs_entry_jumppad:
0x0: {  	(pc) =	sbr.rel $0x88, $3  }
0x1: {  	(tag) =	ssettag $0x0;
	lr =	simm.s32 $0x1  }
0x2: {  	[smem:$0x3F9B] =	sst lr;
	_ =	strace $0xD0000000  }
0x3: {  	_ = 	snop  }
0x4: {  	_ = 	snop  }
0x5: {  	_ = 	snop  }
0x6: {  	_ = 	snop  }
0x7: {  	_ = 	snop  }
__scs_overlays_trampoline_lowered:
0x8: {  	[smem:$0x3FAA] =	sst s0  }
0x9: {  	[smem:$0x3FAB] =	sst s1  }
0xa: {  	[smem:$0x3FAC] =	sst s2  }
0xb: {  	[smem:$0x3FAD] =	sst s3  }
0xc: {  	[smem:$0x3FAE] =	sst s4  }
0xd: {  	[smem:$0x3FAF] =	sst s5  }
0xe: {  	[smem:$0x3FB0] =	sst s6  }
0xf: {  	[smem:$0x3FB1] =	sst s7  }
0x10: {  	[smem:$0x3FB2] =	sst s8  }
0x11: {  	[smem:$0x3FB3] =	sst s9;
	s0 =	simm.s32 @!p0 $0x0  }
0x12: {  	s1 =	sld [smem:$0x3F99];
	s0 =	simm.s32 @p0 $0x1  }
0x13: {  	[smem:$0x3FB4] =	sst s0;
	s0 =	simm.s32 @!p1 $0x0  }
0x14: {  	s2 =	sld [smem:$0x3F98];
	s0 =	simm.s32 @p1 $0x1  }
0x15: {  	[smem:$0x3FB5] =	sst s0;
	s0 =	simm.s32 @!p2 $0x0  }
0x16: {  	s3 =	sld [smem:$0x3FDB];
	s0 =	simm.s32 @p2 $0x1  }
0x17: {  	s4 =	simm.s32 $0x1BF5;
	[smem:$0x3FB7] =	sst s0  }
0x18: {  	s0 =	sld [smem:$0x3F9A];
	_ =	swait.ge [sflag:s4], $0x0  }
0x19: {  	s7 =	sld [smem:$0x3F9B]  }
0x1a: {  	s8 =	sadd.s32 $0xFFFFE003, lr  }
0x1b: {  	s9 =	sadd.s32 $0xFFFFFEF7, lr;
	s5 =	simm.s32 $0xFFFFFFFF;
	p2 =	slt.u32 s8, $0xFFFFF086  }
0x1c: {  	p1 =	slt.u32 s9, $0xF7A;
	s5 =	simm.s32 @!p2 $0x0  }
0x1d: {  	s5 =	simm.s32 @p1 $0x1;
	p0 =	seq.s32 s7, s2  }
0x1e: {  	s7 =	smul.u32 @!p0 $0xF7A, s2;
	p2 =	seq.s32 @!p0 s5, $0x0  }
0x1f: {  	s9 =	smul.u32 $0xF7A, s1;
	s8 =	simm.s32 @!p0 $0x1BF5;
	p2 =	por !p2, p0  }
0x20: {  	[sflag:s8] =	ssyncset.s32 @!p0 $0xFFFFF086;
	s6 =	sadd.s32 @!p0 s3, s7;
	s7 =	simm.s32 @!p0 $0x108  }
0x21: {  	s3 =	sadd.s32 s3, s9;
	s6 =	sadd.s32 @!p0 $0x88, s6;
	s7 =	simm.s32 @p2 $0x1082  }
0x22: {  	[simem:s7], [sflag:s8] =	dma.local @!p0 [hbm:s6], $0xF7A  }
0x23: {  	s9 =	sor.u32 $0xD0000000, s2;
	s6 =	simm.s32 $0x108;
	_ =	swait.ge @!p0 [sflag:s8], $0x0  }
0x24: {  	s3 =	sadd.s32 $0x88, s3;
	s6 =	simm.s32 @!p1 $0x1082;
	[sflag:s4] =	ssyncset.s32 $0xFFFFF086  }
0x25: {  	[simem:s6], [sflag:s4] =	dma.local [hbm:s3], $0xF7A  }
0x26: {  	[smem:$0x3F9B] =	sst s1;
	(tag) =	ssettag s2;
	_ =	strace s9  }
0x27: {  	s1 =	sld [smem:$0x3FAB]  }
0x28: {  	s2 =	sld [smem:$0x3FAC]  }
0x29: {  	s4 =	sld [smem:$0x3FAE]  }
0x2a: {  	p0 =	seq.s32 s5, $0x0;
	s5 =	sld [smem:$0x3FAF]  }
0x2b: {  	s6 =	sld [smem:$0x3FB0]  }
0x2c: {  	s7 =	sld [smem:$0x3FB1]  }
0x2d: {  	s3 =	simm.s32 $0x108;
	s8 =	sld [smem:$0x3FB2]  }
0x2e: {  	s3 =	simm.s32 @!p0 $0x1082;
	s9 =	sld [smem:$0x3FB3]  }
0x2f: {  	lr =	sadd.s32 s0, s3;
	s0 =	sld [smem:$0x3FAA]  }
0x30: {  	s3 =	sld [smem:$0x3FAD]  }
0x31: {  	[smem:$0x3FB6] =	sst s10  }
0x32: {  	s10 =	sld [smem:$0x3FB4];
	_ =	sdelay $0x3  }
0x33: {  	p0 =	seq.s32 s10, $0x1;
	s10 =	sld [smem:$0x3FB6];
	_ =	sdelay $0x3  }
0x34: {  	[smem:$0x3FB6] =	sst s10  }
0x35: {  	s10 =	sld [smem:$0x3FB5];
	_ =	sdelay $0x3  }
0x36: {  	p1 =	seq.s32 s10, $0x1;
	s10 =	sld [smem:$0x3FB6];
	_ =	sdelay $0x3  }
0x37: {  	[smem:$0x3FB6] =	sst s10  }
0x38: {  	s10 =	sld [smem:$0x3FB7]  }
0x39: {  	_ = 	snop;
	(pc) =	sbr.ind lr, $3  }
0x3a: {  	_ = 	snop  }
0x3b: {  	_ = 	snop  }
0x3c: {  	p2 =	seq.s32 s10, $0x1;
	s10 =	sld [smem:$0x3FB6]  }
0x3d: {  	_ =	shalt  }
0x3e: {  	_ =	shalt  }
0x3f: {  	_ =	shalt  }
0x40: {  	_ =	shalt  }
0x41: {  	_ =	shalt  }
0x42: {  	_ =	shalt  }
0x43: {  	_ =	shalt  }
0x44: {  	_ =	shalt  }
0x45: {  	_ =	shalt  }
0x46: {  	_ =	shalt  }
0x47: {  	_ =	shalt  }
0x48: {  	_ =	shalt  }
0x49: {  	_ =	shalt  }
0x4a: {  	_ =	shalt  }
0x4b: {  	_ =	shalt  }
0x4c: {  	_ =	shalt  }
0x4d: {  	_ =	shalt  }
0x4e: {  	_ =	shalt  }
0x4f: {  	_ =	shalt  }
0x50: {  	_ =	shalt  }
0x51: {  	_ =	shalt  }
0x52: {  	_ =	shalt  }
0x53: {  	_ =	shalt  }
0x54: {  	_ =	shalt  }
0x55: {  	_ =	shalt  }
0x56: {  	_ =	shalt  }
0x57: {  	_ =	shalt  }
0x58: {  	_ =	shalt  }
0x59: {  	_ =	shalt  }
0x5a: {  	_ =	shalt  }
0x5b: {  	_ =	shalt  }
0x5c: {  	_ =	shalt  }
0x5d: {  	_ =	shalt  }
0x5e: {  	_ =	shalt  }
0x5f: {  	_ =	shalt  }
0x60: {  	_ =	shalt  }
0x61: {  	_ =	shalt  }
0x62: {  	_ =	shalt  }
0x63: {  	_ =	shalt  }
0x64: {  	_ =	shalt  }
0x65: {  	_ =	shalt  }
0x66: {  	_ =	shalt  }
0x67: {  	_ =	shalt  }
0x68: {  	_ =	shalt  }
0x69: {  	_ =	shalt  }
0x6a: {  	_ =	shalt  }
0x6b: {  	_ =	shalt  }
0x6c: {  	_ =	shalt  }
0x6d: {  	_ =	shalt  }
0x6e: {  	_ =	shalt  }
0x6f: {  	_ =	shalt  }
0x70: {  	_ =	shalt  }
0x71: {  	_ =	shalt  }
0x72: {  	_ =	shalt  }
0x73: {  	_ =	shalt  }
0x74: {  	_ =	shalt  }
0x75: {  	_ =	shalt  }
0x76: {  	_ =	shalt  }
0x77: {  	_ =	shalt  }
0x78: {  	_ =	shalt  }
0x79: {  	_ =	shalt  }
0x7a: {  	_ =	shalt  }
0x7b: {  	_ =	shalt  }
0x7c: {  	_ =	shalt  }
0x7d: {  	_ =	shalt  }
0x7e: {  	_ =	shalt  }
0x7f: {  	_ =	shalt  }
0x80: {  	_ =	shalt  }
0x81: {  	_ =	shalt  }
0x82: {  	_ =	shalt  }
0x83: {  	_ =	shalt  }
0x84: {  	_ =	shalt  }
0x85: {  	_ =	shalt  }
0x86: {  	_ =	shalt  }
0x87: {  	_ =	shalt  }
.Lfunc_end0:
.L_simem_size_0:
called_computation.1_lowered:
.L_overlay_start_0:
0x88: {  	s2 =	sld [smem:$0x3FD9]  }
0x89: {  	s3 =	sld [smem:$0x3FFE];
	_ =	sdelay $0x1  }
0x8a: {  	s1 =	srdreg.scid  }
0x8b: {  	s0 =	sand.u32 $0x1, s1  }
0x8c: {  	s17 =	sshll.u32 s0, $0xA;
	s2 =	sadd.s32 s3, s2  }
0x8d: {  	s2 =	sadd.s32 s2, s17  }
0x8e: {  	[smem:$0x3FC2] =	sst s2  }
0x8f: {  	_ = 	snop  }
0x90: {  	s2 =	sld [smem:$0x3FD0];
	(tm) =	ssettm $0x1  }
0x91: {  	s18 =	sld [smem:$0x3FFB];
	_ =	sdelay $0x3  }
0x92: {  	_ =	strace s18  }
0x93: {  	s3 =	sld [smem:$0x3FFC];
	_ =	sdelay $0x3  }
0x94: {  	_ =	strace s3  }
0x95: {  	s3 =	sld [smem:$0x3FFD];
	_ =	sdelay $0x3  }
0x96: {  	_ =	strace s3  }
0x97: {  	_ =	strace $0x8FFFFFFF  }
0x98: {  	s19 =	sld [smem:$0x3FDB];
	_ =	sdelay $0x1  }
0x99: {  	s4 =	simm.s32 $_scs_section_size  }
0x9a: {  	s5 =	simm.s32 $_size__tile_overlayer_lowered;
	s6 =	simm.s32 $_tile_overlayer_lowered  }
0x9b: {  	s22 =	simm.s32 $0x1BFF;
	s21 =	sshll.u32 s6, $0x1;
	s3 =	sadd.s32 s4, s19  }
0x9c: {  	s7 =	simm.s32 $0x0;
	s20 =	sshll.u32 s5, $0x1;
	s5 =	sadd.s32 s21, s3  }
0x9d: {  	[timem:s7], [sflag:s22] =	dma.local [hbm:s5], s20  }
0x9e: {  	_ =	swait.ge [sflag:s22], s20  }
0x9f: {  	s4 =	ssub.s32 $0x0, s20;
	[sflag:s22] =	ssyncset.done $0x0  }
0xa0: {  	[sflag:s22] =	ssyncadd.s32 s4;
	_ =	sdelay $0x1  }
0xa1: {  	s23 =	simm.s32 $0x1B8B  }
0xa2: {  	_ =	swait.ge [sflag:s23], $0x1  }
0xa3: {  	[sflag:s23] =	ssyncset.done $0x0  }
0xa4: {  	s25 =	simm.s32 $0x1B8E;
	s24 =	sld [smem:$0x3FFE];
	[sflag:s23] =	ssyncadd.s32 $0xFFFFFFFF  }
0xa5: {  	s26 =	simm.s32 $execute0_lowered;
	[smem:$0x3FD2] =	sst s25  }
0xa6: {  	s5 =	sshll.u32 s26, $0x1;
	_ =	strace $0x80000049;
	[dreg:$0x1] =	wrdreg $0xFFFFFFFF  }
0xa7: {  	s28 =	simm.s32 $_size_execute0_lowered;
	s3 =	sadd.s32 s3, s5;
	[dreg:$0x0] =	wrdreg $0x0  }
0xa8: {  	s5 =	sshll.u32 s28, $0x1;
	[dreg:$0x2] =	wrdreg s3  }
0xa9: {  	[dreg:$0x3] =	wrdreg s5  }
0xaa: {  	[dreg:$0x4] =	wrdreg $0xC0  }
0xab: {  	_ =	task [dreg:s7], $0x5FFFF  }
0xac: {  	[dreg:$0x1] =	wrdreg $0xFFFFFFFF  }
0xad: {  	[dreg:$0x0] =	wrdreg $0x60  }
0xae: {  	[dreg:$0x2] =	wrdreg s24  }
0xaf: {  	[dreg:$0x3] =	wrdreg s2  }
0xb0: {  	[dreg:$0x4] =	wrdreg $0x28000  }
0xb1: {  	[dreg:$0x5] =	wrdreg $0x9  }
0xb2: {  	_ =	task.clear_ibuf [dreg:s7], $0x6FFFF;
	_ =	strace $0x90000049  }
0xb3: {  	s29 =	simm.s32 $0x9;
	_ =	strace $0x8000004B  }
0xb4: {  	_ =	swait.ge [sflag:s29], $0x1  }
0xb5: {  	[sflag:s29] =	ssyncadd.s32 $0xFFFFFFFF  }
0xb6: {  	_ =	strace $0x9000004B  }
0xb7: {  	_ =	sfence  }
0xb8: {  	s30 =	sld [smem:$0x0];
	_ =	sdelay $0x2  }
0xb9: {  	s31 =	sshll.u32 s1, $0xD;
	s1 =	sshrl.u32 s1, $0x2  }
0xba: {  	s3 =	sand.u32 $0x4000, s31;
	s1 =	sadd.s32 s1, s30  }
0xbb: {  	s0 =	sor.u32 s3, s0;
	s1 =	sshll.u32 s1, $0x11  }
0xbc: {  	s0 =	sor.u32 s1, s0  }
0xbd: {  	s0 =	sadd.s32 $0x8F2B, s0  }
0xbe: {  	[sflag:s0] =	ssyncadd.remote.s32 $0x1  }
0xbf: {  	_ =	sfence.sel $0xFFFF  }
0xc0: {  	[dreg:$0x0] =	wrdreg $0xFFFFFFFF;
	(pc) =	sbr.abs _section_cstart, $3  }
0xc1: {  	[dreg:$0x1] =	wrdreg $0xFFFFFFFF  }
0xc2: {  	_ =	task.clear_ibuf [dreg:s7], $0x2FFFF;
	_ =	strace $0x9FFFFFFF  }
0xc3: {  	(tm) =	ssettm $0x7FFFFFFF  }
tec
execute0_lowered:
.L_overlay_start_1:
0x0: {  	(tag) =	ssettag $0x1  }
0x1: {  	s6 =	rddreg [dreg:$0x0]  }
0x2: {  	s7 =	rddreg [dreg:$0x1]  }
0x3: {  	s2 =	rddreg [dreg:$0x2]  }
0x4: {  	s0 =	rddreg [dreg:$0x3]  }
0x5: {  	s3 =	simm.s32 $0x0;
	s4 =	srdreg.scid;
	s1 =	stileid.u32  }
0x6: {  	s17 =	simm.s32 $0x16800;
	s18 =	simm.s32 $0x1A800;
	s19 =	simm.s32 $0x1  }
0x7: {  	s20 =	simm.s32 $0x2;
	s21 =	simm.s32 $0x2700;
	s9 =	smul.u32 $0x2800, s1  }
0x8: {  	s22 =	simm.s32 $0x2780;
	s23 =	simm.s32 $0x0;
	s12 =	smul.u32 $0x50000, s1  }
0x9: {  	[smem:$0x7FF] =	sst s3;
	s8 =	sand.u32 $0x1, s4;
	s15 =	smul.u32 $0x50, s1  }
0xa: {  	s4 =	sadd.s32 $0x7400, s6;
	s11 =	sadd.s32 $0x1A00, s6;
	s30 =	smul.u32 $0x500, s1  }
0xb: {  	s5 =	sadd.s32 $0x57400, s6;
	s29 =	sshll.u32 s1, $0x6;
	s10 =	smul.u32 $0x28000, s8  }
0xc: {  	_ =	strace $0x8000004A;
	s13 =	ssub.s32 $0x2, s8;
	s8 =	smul.u32 $0x500, s8  }
0xd: {  	s14 =	sshrl.u32 s13, $0x1;
	s12 =	sshrl.u32 s12, $0x2;
	s10 =	sadd.s32 s9, s10  }
0xe: {  	s13 =	ssub.s32 s13, s14;
	s28 =	sadd.s32 s12, s2;
	s8 =	sadd.s32 s15, s8  }
0xf: {  	s9 =	sshrl.u32 s9, $0x3;
	s14 =	simm.s32 $0x3;
	s15 =	simm.s32 $0x1400  }
0x10: {  	s16 =	sadd.s32 s10, s6;
	s6 =	sor.u32 $0x1C03, s29;
	s8 =	sshll.u32 s8, $0x4  }
0x11: {  	s31 =	sadd.s32 s11, s9;
	s12 =	smax.u32 s13, $0x1;
	s13 =	sshrl.u32 s28, $0x3  }
0x12: {  	s7 =	sadd.s32 s7, s8;
	s8 =	sadd.s32 s11, s30;
	s10 =	sadd.s32 $0x280, s31  }
0x13: {  	s11 =	sadd.s32 $0x59C00, s16;
	s16 =	simm.s32 $0x80;
	s9 =	sadd.s32 $0x280, s7  }
.LBB2_1:
0x14: {  	[spmem:s13], [sflag:s6] =	dma.local [hbm:s5], $0x2800  }
0x15: {  	_ =	swait.ge [sflag:s14], $0x2800  }
0x16: {  	[sflag:s14] =	ssyncset.done $0x0  }
0x17: {  	[sflag:s14] =	ssyncadd.s32 $0xFFFFD800  }
0x18: {  	[bflag:$0x0] =	sbarrier.arrive $0xFFFF  }
0x19: {  	[tilespmem:s3], [sflag:$0x3] =	stream.linear.gather [hbm4b:s7+s3], $0x1400, $0x38;
	[tilespmem:$0x1E800] =	vst v63  }
0x1a: {  	_ =	swait.ge [sflag:s14], $0x1400  }
0x1b: {  	[sflag:s14] =	ssyncset.done $0x0  }
0x1c: {  	[sflag:s14] =	ssyncadd.s32 $0xFFFFEC00  }
0x1d: {  	[tilespmem:s15], [sflag:$0x3] =	stream.linear.gather [hbm4b:s8+s3], $0x1400, $0x38;
	[tilespmem:$0x1E800] =	vst v63  }
0x1e: {  	_ =	swait.ge [sflag:s14], $0x1400  }
0x1f: {  	[sflag:s14] =	ssyncset.done $0x0  }
0x20: {  	[sflag:s14] =	ssyncadd.s32 $0xFFFFEC00  }
0x21: {  	[tilespmem:s17], [sflag:$0x1] =	stream.indirect.gather [hbm4b:s4+s16], $0x80, s3, s16, $0xb8;
	[tilespmem:$0x1E800] =	vst v63  }
0x22: {  	_ = 	snop  }
0x23: {  	[tilespmem:s18], [sflag:$0x2] =	stream.indirect.gather [hbm4b:s4+s16], $0x80, s16, s16, $0xb8;
	[tilespmem:$0x1E800] =	vst v63  }
0x24: {  	_ =	swait.ge [sflag:s19], $0x4000  }
0x25: {  	[sflag:s19] =	ssyncset.done $0x0  }
0x26: {  	s24 =	simm.s32 $0x1400;
	[sflag:s19] =	ssyncadd.s32 $0xFFFFC000  }
0x27: {  	[spmem:s2] =	stream.indirect.scatter.add.f32 [tilespmem:s17], [sflag:$0x3], $0x80, s24, s16, $0xb8;
	[tilespmem:$0x1E800] =	vst v63  }
0x28: {  	_ =	swait.ge [sflag:s14], $0x4000  }
0x29: {  	[sflag:s14] =	ssyncset.done $0x0  }
0x2a: {  	s30 =	simm.s32 $0x100;
	[sflag:s14] =	ssyncadd.s32 $0xFFFFC000  }
0x2b: {  	[tilespmem:s17], [sflag:$0x1] =	stream.indirect.gather [hbm4b:s4+s16], $0x80, s30, s16, $0xb8;
	[tilespmem:$0x1E800] =	vst v63  }
0x2c: {  	_ =	swait.ge [sflag:s20], $0x4000  }
0x2d: {  	[sflag:s20] =	ssyncset.done $0x0  }
0x2e: {  	s31 =	simm.s32 $0x1480;
	[sflag:s20] =	ssyncadd.s32 $0xFFFFC000  }
0x2f: {  	[spmem:s2] =	stream.indirect.scatter.add.f32 [tilespmem:s18], [sflag:$0x3], $0x80, s31, s16, $0xb8;
	[tilespmem:$0x1E800] =	vst v63  }
0x30: {  	_ =	swait.ge [sflag:s14], $0x4000  }
0x31: {  	[sflag:s14] =	ssyncset.done $0x0  }
0x32: {  	s25 =	simm.s32 $0x180;
	s24 =	simm.s32 $0x400;
	[sflag:s14] =	ssyncadd.s32 $0xFFFFC000  }
.LBB2_2:
0x33: {  	[tilespmem:s18], [sflag:$0x2] =	stream.indirect.gather [hbm4b:s4+s16], $0x80, s25, s16, $0xb8;
	[tilespmem:$0x1E800] =	vst v63  }
0x34: {  	s25 =	smov.u32 s24  }
0x35: {  	p0 =	sne.s32 s24, $0x4800;
	s24 =	sadd.s32 $0x400, s24;
	_ =	swait.ge [sflag:s19], $0x4000  }
0x36: {  	s25 =	sshra.s32 s25, $0x2;
	[sflag:s19] =	ssyncset.done $0x0  }
0x37: {  	s26 =	sadd.s32 $0x1400, s25;
	[sflag:s19] =	ssyncadd.s32 $0xFFFFC000  }
0x38: {  	[spmem:s2] =	stream.indirect.scatter.add.f32 [tilespmem:s17], [sflag:$0x3], $0x80, s26, s16, $0xb8;
	[tilespmem:$0x1E800] =	vst v63  }
0x39: {  	_ =	swait.ge [sflag:s14], $0x4000  }
0x3a: {  	[sflag:s14] =	ssyncset.done $0x0  }
0x3b: {  	s26 =	sadd.s32 $0x100, s25;
	[sflag:s14] =	ssyncadd.s32 $0xFFFFC000  }
0x3c: {  	[tilespmem:s17], [sflag:$0x1] =	stream.indirect.gather [hbm4b:s4+s16], $0x80, s26, s16, $0xb8;
	[tilespmem:$0x1E800] =	vst v63  }
0x3d: {  	_ =	swait.ge [sflag:s20], $0x4000  }
0x3e: {  	[sflag:s20] =	ssyncset.done $0x0  }
.Ltmp0:
0x3f: {  	s26 =	sadd.s32 $0x1480, s25;
	[sflag:s20] =	ssyncadd.s32 $0xFFFFC000;
	(pc) =	sbr.rel @p0 .LBB2_2-.Ltmp0, $4  }
0x40: {  	[spmem:s2] =	stream.indirect.scatter.add.f32 [tilespmem:s18], [sflag:$0x3], $0x80, s26, s16, $0xb8;
	[tilespmem:$0x1E800] =	vst v63  }
0x41: {  	_ =	swait.ge [sflag:s14], $0x4000  }
0x42: {  	[sflag:s14] =	ssyncset.done $0x0  }
0x43: {  	s25 =	sadd.s32 $0x180, s25;
	[sflag:s14] =	ssyncadd.s32 $0xFFFFC000  }
0x44: {  	[tilespmem:s18], [sflag:$0x2] =	stream.indirect.gather [hbm4b:s4+s16], $0x80, s25, s16, $0xb8;
	[tilespmem:$0x1E800] =	vst v63  }
0x45: {  	_ =	swait.ge [sflag:s19], $0x4000  }
0x46: {  	[sflag:s19] =	ssyncset.done $0x0  }
0x47: {  	[sflag:s19] =	ssyncadd.s32 $0xFFFFC000  }
0x48: {  	[spmem:s2] =	stream.indirect.scatter.add.f32 [tilespmem:s17], [sflag:$0x3], $0x80, s21, s16, $0xb8;
	[tilespmem:$0x1E800] =	vst v63  }
0x49: {  	_ =	swait.ge [sflag:s14], $0x4000  }
0x4a: {  	[sflag:s14] =	ssyncset.done $0x0  }
0x4b: {  	[sflag:s14] =	ssyncadd.s32 $0xFFFFC000  }
0x4c: {  	_ =	swait.ge [sflag:s20], $0x4000  }
0x4d: {  	[sflag:s20] =	ssyncset.done $0x0  }
0x4e: {  	[sflag:s20] =	ssyncadd.s32 $0xFFFFC000  }
0x4f: {  	[spmem:s2] =	stream.indirect.scatter.add.f32 [tilespmem:s18], [sflag:$0x3], $0x80, s22, s16, $0xb8;
	[tilespmem:$0x1E800] =	vst v63  }
0x50: {  	_ =	swait.ge [sflag:s14], $0x4000  }
0x51: {  	[sflag:s14] =	ssyncset.done $0x0  }
0x52: {  	s24 =	simm.s32 $0x0;
	[sflag:s14] =	ssyncadd.s32 $0xFFFFC000  }
0x53: {  	[tilespmem:s24], [sflag:$0x3] =	stream.linear.gather [hbm4b:s9+s24], $0x1400, $0x38;
	[tilespmem:$0x1E800] =	vst v63  }
0x54: {  	_ =	swait.ge [sflag:s14], $0x1400  }
0x55: {  	[sflag:s14] =	ssyncset.done $0x0  }
0x56: {  	[sflag:s14] =	ssyncadd.s32 $0xFFFFEC00  }
0x57: {  	[tilespmem:s15], [sflag:$0x3] =	stream.linear.gather [hbm4b:s10+s24], $0x1400, $0x38;
	[tilespmem:$0x1E800] =	vst v63  }
0x58: {  	_ =	swait.ge [sflag:s14], $0x1400  }
0x59: {  	[sflag:s14] =	ssyncset.done $0x0  }
0x5a: {  	[sflag:s14] =	ssyncadd.s32 $0xFFFFEC00  }
0x5b: {  	[tilespmem:s17], [sflag:$0x1] =	stream.indirect.gather [hbm4b:s4+s16], $0x80, s24, s16, $0xb8;
	[tilespmem:$0x1E800] =	vst v63  }
0x5c: {  	_ = 	snop  }
0x5d: {  	[tilespmem:s18], [sflag:$0x2] =	stream.indirect.gather [hbm4b:s4+s16], $0x80, s16, s16, $0xb8;
	[tilespmem:$0x1E800] =	vst v63  }
0x5e: {  	_ =	swait.ge [sflag:s19], $0x4000  }
0x5f: {  	[sflag:s19] =	ssyncset.done $0x0  }
0x60: {  	s29 =	simm.s32 $0x1400;
	[sflag:s19] =	ssyncadd.s32 $0xFFFFC000  }
0x61: {  	[spmem:s2] =	stream.indirect.scatter.add.f32 [tilespmem:s17], [sflag:$0x3], $0x80, s29, s16, $0xb8;
	[tilespmem:$0x1E800] =	vst v63  }
0x62: {  	_ =	swait.ge [sflag:s14], $0x4000  }
0x63: {  	[sflag:s14] =	ssyncset.done $0x0  }
0x64: {  	s30 =	simm.s32 $0x100;
	[sflag:s14] =	ssyncadd.s32 $0xFFFFC000  }
0x65: {  	[tilespmem:s17], [sflag:$0x1] =	stream.indirect.gather [hbm4b:s4+s16], $0x80, s30, s16, $0xb8;
	[tilespmem:$0x1E800] =	vst v63  }
0x66: {  	_ =	swait.ge [sflag:s20], $0x4000  }
0x67: {  	[sflag:s20] =	ssyncset.done $0x0  }
0x68: {  	s31 =	simm.s32 $0x1480;
	[sflag:s20] =	ssyncadd.s32 $0xFFFFC000  }
0x69: {  	[spmem:s2] =	stream.indirect.scatter.add.f32 [tilespmem:s18], [sflag:$0x3], $0x80, s31, s16, $0xb8;
	[tilespmem:$0x1E800] =	vst v63  }
0x6a: {  	_ =	swait.ge [sflag:s14], $0x4000  }
0x6b: {  	[sflag:s14] =	ssyncset.done $0x0  }
0x6c: {  	s25 =	simm.s32 $0x180;
	s24 =	simm.s32 $0x400;
	[sflag:s14] =	ssyncadd.s32 $0xFFFFC000  }
.LBB2_4:
0x6d: {  	[tilespmem:s18], [sflag:$0x2] =	stream.indirect.gather [hbm4b:s4+s16], $0x80, s25, s16, $0xb8;
	[tilespmem:$0x1E800] =	vst v63  }
0x6e: {  	s25 =	smov.u32 s24  }
0x6f: {  	p0 =	sne.s32 s24, $0x4800;
	s24 =	sadd.s32 $0x400, s24;
	_ =	swait.ge [sflag:s19], $0x4000  }
0x70: {  	s25 =	sshra.s32 s25, $0x2;
	[sflag:s19] =	ssyncset.done $0x0  }
0x71: {  	s26 =	sadd.s32 $0x1400, s25;
	[sflag:s19] =	ssyncadd.s32 $0xFFFFC000  }
0x72: {  	[spmem:s2] =	stream.indirect.scatter.add.f32 [tilespmem:s17], [sflag:$0x3], $0x80, s26, s16, $0xb8;
	[tilespmem:$0x1E800] =	vst v63  }
0x73: {  	_ =	swait.ge [sflag:s14], $0x4000  }
0x74: {  	[sflag:s14] =	ssyncset.done $0x0  }
0x75: {  	s26 =	sadd.s32 $0x100, s25;
	[sflag:s14] =	ssyncadd.s32 $0xFFFFC000  }
0x76: {  	[tilespmem:s17], [sflag:$0x1] =	stream.indirect.gather [hbm4b:s4+s16], $0x80, s26, s16, $0xb8;
	[tilespmem:$0x1E800] =	vst v63  }
0x77: {  	_ =	swait.ge [sflag:s20], $0x4000  }
0x78: {  	[sflag:s20] =	ssyncset.done $0x0  }
.Ltmp1:
0x79: {  	s26 =	sadd.s32 $0x1480, s25;
	[sflag:s20] =	ssyncadd.s32 $0xFFFFC000;
	(pc) =	sbr.rel @p0 .LBB2_4-.Ltmp1, $4  }
0x7a: {  	[spmem:s2] =	stream.indirect.scatter.add.f32 [tilespmem:s18], [sflag:$0x3], $0x80, s26, s16, $0xb8;
	[tilespmem:$0x1E800] =	vst v63  }
0x7b: {  	_ =	swait.ge [sflag:s14], $0x4000  }
0x7c: {  	[sflag:s14] =	ssyncset.done $0x0  }
0x7d: {  	s25 =	sadd.s32 $0x180, s25;
	[sflag:s14] =	ssyncadd.s32 $0xFFFFC000  }
0x7e: {  	[tilespmem:s18], [sflag:$0x2] =	stream.indirect.gather [hbm4b:s4+s16], $0x80, s25, s16, $0xb8;
	[tilespmem:$0x1E800] =	vst v63  }
0x7f: {  	_ =	swait.ge [sflag:s19], $0x4000  }
0x80: {  	[sflag:s19] =	ssyncset.done $0x0  }
0x81: {  	[sflag:s19] =	ssyncadd.s32 $0xFFFFC000  }
0x82: {  	[spmem:s2] =	stream.indirect.scatter.add.f32 [tilespmem:s17], [sflag:$0x3], $0x80, s21, s16, $0xb8;
	[tilespmem:$0x1E800] =	vst v63  }
0x83: {  	_ =	swait.ge [sflag:s14], $0x4000  }
0x84: {  	[sflag:s14] =	ssyncset.done $0x0  }
0x85: {  	[sflag:s14] =	ssyncadd.s32 $0xFFFFC000  }
0x86: {  	_ =	swait.ge [sflag:s20], $0x4000  }
0x87: {  	[sflag:s20] =	ssyncset.done $0x0  }
0x88: {  	[sflag:s20] =	ssyncadd.s32 $0xFFFFC000  }
0x89: {  	[spmem:s2] =	stream.indirect.scatter.add.f32 [tilespmem:s18], [sflag:$0x3], $0x80, s22, s16, $0xb8;
	[tilespmem:$0x1E800] =	vst v63  }
0x8a: {  	_ =	swait.ge [sflag:s14], $0x4000  }
0x8b: {  	s23 =	sadd.s32 $0x1, s23;
	[sflag:s14] =	ssyncset.done $0x0  }
0x8c: {  	p0 =	sne.s32 s23, s12;
	[sflag:s14] =	ssyncadd.s32 $0xFFFFC000  }
.Ltmp2:
0x8d: {  	[bflag:$0x0] =	sbarrier.arrive $0xFFFF;
	(pc) =	sbr.rel @p0 .LBB2_1-.Ltmp2, $4  }
0x8e: {  	[hbm:s11], [sflag:s6] =	dma.local [spmem:s13], $0x2800  }
0x8f: {  	_ =	swait.ge [sflag:s14], $0x2800  }
0x90: {  	[sflag:s14] =	ssyncset.done $0x0  }
0x91: {  	[sflag:s14] =	ssyncadd.s32 $0xFFFFD800  }
0x92: {  	_ =	sfence.sel $0x180000  }
0x93: {  	[bflag:$0x0] =	sbarrier.arrive $0xFFFF  }
0x94: {  	p0 =	sne.s32 s1, $0x0;
	_ =	strace $0x9000004A  }
0x95: {  	s0 =	sadd.s32 @!p0 $0x100000, s0;
	[bflag:$0x2] =	sbarrier.arrive $0xFFFF  }
0x96: {  	[sflag:s0] =	ssyncadd.tile.s32 @!p0 $0x1;
	_ =	shalt  }
.Lfunc_end2:
_tile_overlayer_lowered:
.L_overlay_start_2:
0x97: {  	(tag) =	ssettag $0x2  }
0x98: {  	s0 =	rddreg [dreg:$0x0];
	s2 =	stileid.u32  }
0x99: {  	s1 =	rddreg [dreg:$0x1];
	p0 =	sne.s32 s2, $0x0  }
0x9a: {  	s3 =	rddreg [dreg:$0x2];
	[bflag:$0x3] =	sbarrier.arrive $0xFFFF;
	s2 =	simm.s32 @!p0 $0x1C03  }
0x9b: {  	[timem:s3], [sflag:s2] =	dma.local @!p0 [hbm:s0], s1  }
0x9c: {  	s0 =	simm.s32 @!p0 $0x3  }
0x9d: {  	_ =	swait.ge @!p0 [sflag:s0], s1  }
0x9e: {  	s1 =	ssub.s32 @!p0 $0x0, s1;
	[sflag:s0] =	ssyncset.done @!p0 $0x0  }
0x9f: {  	[sflag:s0] =	ssyncadd.s32 @!p0 s1  }
0xa0: {  	[bflag:$0x3] =	sbarrier.arrive $0xFFFF  }
0xa1: {  	_ =	shalt  }

// kernel: kernel.14.cloned.1.call-start
scs
__scs_entry_jumppad:
0x0: {  	(pc) =	sbr.rel $0x88, $3  }
0x1: {  	(tag) =	ssettag $0x0;
	lr =	simm.s32 $0x1  }
0x2: {  	[smem:$0x3F9B] =	sst lr;
	_ =	strace $0xD0000000  }
0x3: {  	_ = 	snop  }
0x4: {  	_ = 	snop  }
0x5: {  	_ = 	snop  }
0x6: {  	_ = 	snop  }
0x7: {  	_ = 	snop  }
__scs_overlays_trampoline_lowered:
0x8: {  	[smem:$0x3FAA] =	sst s0  }
0x9: {  	[smem:$0x3FAB] =	sst s1  }
0xa: {  	[smem:$0x3FAC] =	sst s2  }
0xb: {  	[smem:$0x3FAD] =	sst s3  }
0xc: {  	[smem:$0x3FAE] =	sst s4  }
0xd: {  	[smem:$0x3FAF] =	sst s5  }
0xe: {  	[smem:$0x3FB0] =	sst s6  }
0xf: {  	[smem:$0x3FB1] =	sst s7  }
0x10: {  	[smem:$0x3FB2] =	sst s8  }
0x11: {  	[smem:$0x3FB3] =	sst s9;
	s0 =	simm.s32 @!p0 $0x0  }
0x12: {  	s1 =	sld [smem:$0x3F99];
	s0 =	simm.s32 @p0 $0x1  }
0x13: {  	[smem:$0x3FB4] =	sst s0;
	s0 =	simm.s32 @!p1 $0x0  }
0x14: {  	s2 =	sld [smem:$0x3F98];
	s0 =	simm.s32 @p1 $0x1  }
0x15: {  	[smem:$0x3FB5] =	sst s0;
	s0 =	simm.s32 @!p2 $0x0  }
0x16: {  	s3 =	sld [smem:$0x3FDB];
	s0 =	simm.s32 @p2 $0x1  }
0x17: {  	s4 =	simm.s32 $0x1BF5;
	[smem:$0x3FB7] =	sst s0  }
0x18: {  	s0 =	sld [smem:$0x3F9A];
	_ =	swait.ge [sflag:s4], $0x0  }
0x19: {  	s7 =	sld [smem:$0x3F9B]  }
0x1a: {  	s8 =	sadd.s32 $0xFFFFE003, lr  }
0x1b: {  	s9 =	sadd.s32 $0xFFFFFEF7, lr;
	s5 =	simm.s32 $0xFFFFFFFF;
	p2 =	slt.u32 s8, $0xFFFFF086  }
0x1c: {  	p1 =	slt.u32 s9, $0xF7A;
	s5 =	simm.s32 @!p2 $0x0  }
0x1d: {  	s5 =	simm.s32 @p1 $0x1;
	p0 =	seq.s32 s7, s2  }
0x1e: {  	s7 =	smul.u32 @!p0 $0xF7A, s2;
	p2 =	seq.s32 @!p0 s5, $0x0  }
0x1f: {  	s9 =	smul.u32 $0xF7A, s1;
	s8 =	simm.s32 @!p0 $0x1BF5;
	p2 =	por !p2, p0  }
0x20: {  	[sflag:s8] =	ssyncset.s32 @!p0 $0xFFFFF086;
	s6 =	sadd.s32 @!p0 s3, s7;
	s7 =	simm.s32 @!p0 $0x108  }
0x21: {  	s3 =	sadd.s32 s3, s9;
	s6 =	sadd.s32 @!p0 $0x88, s6;
	s7 =	simm.s32 @p2 $0x1082  }
0x22: {  	[simem:s7], [sflag:s8] =	dma.local @!p0 [hbm:s6], $0xF7A  }
0x23: {  	s9 =	sor.u32 $0xD0000000, s2;
	s6 =	simm.s32 $0x108;
	_ =	swait.ge @!p0 [sflag:s8], $0x0  }
0x24: {  	s3 =	sadd.s32 $0x88, s3;
	s6 =	simm.s32 @!p1 $0x1082;
	[sflag:s4] =	ssyncset.s32 $0xFFFFF086  }
0x25: {  	[simem:s6], [sflag:s4] =	dma.local [hbm:s3], $0xF7A  }
0x26: {  	[smem:$0x3F9B] =	sst s1;
	(tag) =	ssettag s2;
	_ =	strace s9  }
0x27: {  	s1 =	sld [smem:$0x3FAB]  }
0x28: {  	s2 =	sld [smem:$0x3FAC]  }
0x29: {  	s4 =	sld [smem:$0x3FAE]  }
0x2a: {  	p0 =	seq.s32 s5, $0x0;
	s5 =	sld [smem:$0x3FAF]  }
0x2b: {  	s6 =	sld [smem:$0x3FB0]  }
0x2c: {  	s7 =	sld [smem:$0x3FB1]  }
0x2d: {  	s3 =	simm.s32 $0x108;
	s8 =	sld [smem:$0x3FB2]  }
0x2e: {  	s3 =	simm.s32 @!p0 $0x1082;
	s9 =	sld [smem:$0x3FB3]  }
0x2f: {  	lr =	sadd.s32 s0, s3;
	s0 =	sld [smem:$0x3FAA]  }
0x30: {  	s3 =	sld [smem:$0x3FAD]  }
0x31: {  	[smem:$0x3FB6] =	sst s10  }
0x32: {  	s10 =	sld [smem:$0x3FB4];
	_ =	sdelay $0x3  }
0x33: {  	p0 =	seq.s32 s10, $0x1;
	s10 =	sld [smem:$0x3FB6];
	_ =	sdelay $0x3  }
0x34: {  	[smem:$0x3FB6] =	sst s10  }
0x35: {  	s10 =	sld [smem:$0x3FB5];
	_ =	sdelay $0x3  }
0x36: {  	p1 =	seq.s32 s10, $0x1;
	s10 =	sld [smem:$0x3FB6];
	_ =	sdelay $0x3  }
0x37: {  	[smem:$0x3FB6] =	sst s10  }
0x38: {  	s10 =	sld [smem:$0x3FB7]  }
0x39: {  	_ = 	snop;
	(pc) =	sbr.ind lr, $3  }
0x3a: {  	_ = 	snop  }
0x3b: {  	_ = 	snop  }
0x3c: {  	p2 =	seq.s32 s10, $0x1;
	s10 =	sld [smem:$0x3FB6]  }
0x3d: {  	_ =	shalt  }
0x3e: {  	_ =	shalt  }
0x3f: {  	_ =	shalt  }
0x40: {  	_ =	shalt  }
0x41: {  	_ =	shalt  }
0x42: {  	_ =	shalt  }
0x43: {  	_ =	shalt  }
0x44: {  	_ =	shalt  }
0x45: {  	_ =	shalt  }
0x46: {  	_ =	shalt  }
0x47: {  	_ =	shalt  }
0x48: {  	_ =	shalt  }
0x49: {  	_ =	shalt  }
0x4a: {  	_ =	shalt  }
0x4b: {  	_ =	shalt  }
0x4c: {  	_ =	shalt  }
0x4d: {  	_ =	shalt  }
0x4e: {  	_ =	shalt  }
0x4f: {  	_ =	shalt  }
0x50: {  	_ =	shalt  }
0x51: {  	_ =	shalt  }
0x52: {  	_ =	shalt  }
0x53: {  	_ =	shalt  }
0x54: {  	_ =	shalt  }
0x55: {  	_ =	shalt  }
0x56: {  	_ =	shalt  }
0x57: {  	_ =	shalt  }
0x58: {  	_ =	shalt  }
0x59: {  	_ =	shalt  }
0x5a: {  	_ =	shalt  }
0x5b: {  	_ =	shalt  }
0x5c: {  	_ =	shalt  }
0x5d: {  	_ =	shalt  }
0x5e: {  	_ =	shalt  }
0x5f: {  	_ =	shalt  }
0x60: {  	_ =	shalt  }
0x61: {  	_ =	shalt  }
0x62: {  	_ =	shalt  }
0x63: {  	_ =	shalt  }
0x64: {  	_ =	shalt  }
0x65: {  	_ =	shalt  }
0x66: {  	_ =	shalt  }
0x67: {  	_ =	shalt  }
0x68: {  	_ =	shalt  }
0x69: {  	_ =	shalt  }
0x6a: {  	_ =	shalt  }
0x6b: {  	_ =	shalt  }
0x6c: {  	_ =	shalt  }
0x6d: {  	_ =	shalt  }
0x6e: {  	_ =	shalt  }
0x6f: {  	_ =	shalt  }
0x70: {  	_ =	shalt  }
0x71: {  	_ =	shalt  }
0x72: {  	_ =	shalt  }
0x73: {  	_ =	shalt  }
0x74: {  	_ =	shalt  }
0x75: {  	_ =	shalt  }
0x76: {  	_ =	shalt  }
0x77: {  	_ =	shalt  }
0x78: {  	_ =	shalt  }
0x79: {  	_ =	shalt  }
0x7a: {  	_ =	shalt  }
0x7b: {  	_ =	shalt  }
0x7c: {  	_ =	shalt  }
0x7d: {  	_ =	shalt  }
0x7e: {  	_ =	shalt  }
0x7f: {  	_ =	shalt  }
0x80: {  	_ =	shalt  }
0x81: {  	_ =	shalt  }
0x82: {  	_ =	shalt  }
0x83: {  	_ =	shalt  }
0x84: {  	_ =	shalt  }
0x85: {  	_ =	shalt  }
0x86: {  	_ =	shalt  }
0x87: {  	_ =	shalt  }
.Lfunc_end0:
.L_simem_size_0:
called_computation.2_lowered:
.L_overlay_start_0:
0x88: {  	s2 =	sld [smem:$0x3FD9]  }
0x89: {  	s3 =	sld [smem:$0x3FFE];
	_ =	sdelay $0x1  }
0x8a: {  	s1 =	srdreg.scid  }
0x8b: {  	s0 =	sand.u32 $0x1, s1  }
0x8c: {  	s17 =	sshll.u32 s0, $0xA;
	s2 =	sadd.s32 s3, s2  }
0x8d: {  	s2 =	sadd.s32 s2, s17  }
0x8e: {  	[smem:$0x3FC2] =	sst s2  }
0x8f: {  	_ = 	snop  }
0x90: {  	s2 =	sld [smem:$0x3FD0];
	(tm) =	ssettm $0x1  }
0x91: {  	s18 =	sld [smem:$0x3FFB];
	_ =	sdelay $0x3  }
0x92: {  	_ =	strace s18  }
0x93: {  	s3 =	sld [smem:$0x3FFC];
	_ =	sdelay $0x3  }
0x94: {  	_ =	strace s3  }
0x95: {  	s3 =	sld [smem:$0x3FFD];
	_ =	sdelay $0x3  }
0x96: {  	_ =	strace s3  }
0x97: {  	_ =	strace $0x8FFFFFFF  }
0x98: {  	s19 =	sld [smem:$0x3FDB];
	_ =	sdelay $0x1  }
0x99: {  	s4 =	simm.s32 $_scs_section_size  }
0x9a: {  	s5 =	simm.s32 $_size__tile_overlayer_lowered;
	s6 =	simm.s32 $_tile_overlayer_lowered  }
0x9b: {  	s22 =	simm.s32 $0x1BFF;
	s21 =	sshll.u32 s6, $0x1;
	s3 =	sadd.s32 s4, s19  }
0x9c: {  	s7 =	simm.s32 $0x0;
	s20 =	sshll.u32 s5, $0x1;
	s5 =	sadd.s32 s21, s3  }
0x9d: {  	[timem:s7], [sflag:s22] =	dma.local [hbm:s5], s20  }
0x9e: {  	_ =	swait.ge [sflag:s22], s20  }
0x9f: {  	s4 =	ssub.s32 $0x0, s20;
	[sflag:s22] =	ssyncset.done $0x0  }
0xa0: {  	[sflag:s22] =	ssyncadd.s32 s4;
	_ =	sdelay $0x1  }
0xa1: {  	s23 =	simm.s32 $0x1B8B  }
0xa2: {  	_ =	swait.ge [sflag:s23], $0x1  }
0xa3: {  	[sflag:s23] =	ssyncset.done $0x0  }
0xa4: {  	s25 =	simm.s32 $0x1B8E;
	s24 =	sld [smem:$0x3FFE];
	[sflag:s23] =	ssyncadd.s32 $0xFFFFFFFF  }
0xa5: {  	s26 =	simm.s32 $execute0_lowered;
	[smem:$0x3FD2] =	sst s25  }
0xa6: {  	s5 =	sshll.u32 s26, $0x1;
	_ =	strace $0x8000004C;
	[dreg:$0x1] =	wrdreg $0xFFFFFFFF  }
0xa7: {  	s28 =	simm.s32 $_size_execute0_lowered;
	s3 =	sadd.s32 s3, s5;
	[dreg:$0x0] =	wrdreg $0x0  }
0xa8: {  	s5 =	sshll.u32 s28, $0x1;
	[dreg:$0x2] =	wrdreg s3  }
0xa9: {  	[dreg:$0x3] =	wrdreg s5  }
0xaa: {  	[dreg:$0x4] =	wrdreg $0xC0  }
0xab: {  	_ =	task [dreg:s7], $0x5FFFF  }
0xac: {  	[dreg:$0x1] =	wrdreg $0xFFFFFFFF  }
0xad: {  	[dreg:$0x0] =	wrdreg $0x60  }
0xae: {  	[dreg:$0x2] =	wrdreg s24  }
0xaf: {  	[dreg:$0x3] =	wrdreg s2  }
0xb0: {  	[dreg:$0x4] =	wrdreg $0x28000  }
0xb1: {  	[dreg:$0x5] =	wrdreg $0x9  }
0xb2: {  	_ =	task.clear_ibuf [dreg:s7], $0x6FFFF;
	_ =	strace $0x9000004C  }
0xb3: {  	s29 =	simm.s32 $0x9;
	_ =	strace $0x8000004E  }
0xb4: {  	_ =	swait.ge [sflag:s29], $0x1  }
0xb5: {  	[sflag:s29] =	ssyncadd.s32 $0xFFFFFFFF  }
0xb6: {  	_ =	strace $0x9000004E  }
0xb7: {  	_ =	sfence  }
0xb8: {  	s30 =	sld [smem:$0x0];
	_ =	sdelay $0x2  }
0xb9: {  	s31 =	sshll.u32 s1, $0xD;
	s1 =	sshrl.u32 s1, $0x2  }
0xba: {  	s3 =	sand.u32 $0x4000, s31;
	s1 =	sadd.s32 s1, s30  }
0xbb: {  	s0 =	sor.u32 s3, s0;
	s1 =	sshll.u32 s1, $0x11  }
0xbc: {  	s0 =	sor.u32 s1, s0  }
0xbd: {  	s0 =	sadd.s32 $0x8F2B, s0  }
0xbe: {  	[sflag:s0] =	ssyncadd.remote.s32 $0x1  }
0xbf: {  	_ =	sfence.sel $0xFFFF  }
0xc0: {  	[dreg:$0x0] =	wrdreg $0xFFFFFFFF;
	(pc) =	sbr.abs _section_cstart, $3  }
0xc1: {  	[dreg:$0x1] =	wrdreg $0xFFFFFFFF  }
0xc2: {  	_ =	task.clear_ibuf [dreg:s7], $0x2FFFF;
	_ =	strace $0x9FFFFFFF  }
0xc3: {  	(tm) =	ssettm $0x7FFFFFFF  }
tec
execute0_lowered:
.L_overlay_start_1:
0x0: {  	(tag) =	ssettag $0x1  }
0x1: {  	s0 =	rddreg [dreg:$0x0];
	s1 =	srdreg.scid  }
0x2: {  	s9 =	stileid.u32;
	s3 =	rddreg [dreg:$0x2];
	s4 =	simm.s32 $0x0  }
0x3: {  	s12 =	simm.s32 $0x9;
	s14 =	simm.s32 $0x80;
	s15 =	simm.s32 $0xC800  }
0x4: {  	s16 =	simm.s32 $0xE800;
	s18 =	simm.s32 $0x10800;
	s20 =	simm.s32 $0x12800  }
0x5: {  	s22 =	simm.s32 $0x14800;
	s29 =	simm.s32 $0x1A800;
	s30 =	simm.s32 $0x1  }
0x6: {  	s31 =	simm.s32 $0x2;
	s13 =	simm.s32 $0x6;
	s6 =	smul.u32 $0x28, s9  }
0x7: {  	s17 =	simm.s32 $0x7;
	s19 =	simm.s32 $0x8;
	s7 =	smul.u32 $0x1400, s9  }
0x8: {  	s21 =	simm.s32 $0x0;
	s1 =	sand.u32 $0x1, s1;
	s25 =	smul.u32 $0x28000, s9  }
0x9: {  	[smem:$0x7FF] =	sst s4;
	s5 =	sadd.s32 $0x7400, s0;
	s2 =	smul.u32 $0x280, s1  }
0xa: {  	s28 =	sshll.u32 s9, $0x6;
	s8 =	smul.u32 $0x14000, s1;
	s1 =	ssub.s32 $0x2, s1  }
0xb: {  	_ =	strace $0x8000004D;
	s26 =	sshrl.u32 s1, $0x1;
	s2 =	sadd.s32 s6, s2  }
0xc: {  	s24 =	sadd.s32 s7, s8;
	s7 =	sshrl.u32 s25, $0x2;
	s1 =	ssub.s32 s1, s26  }
0xd: {  	s6 =	sor.u32 $0x1C09, s28;
	s26 =	simm.s32 $0x18800;
	s2 =	sshll.u32 s2, $0x4  }
0xe: {  	s11 =	sadd.s32 s7, s3;
	s10 =	smax.u32 s1, $0x1;
	s1 =	simm.s32 $0x3  }
0xf: {  	s2 =	sadd.s32 s2, s0;
	s0 =	sadd.s32 s24, s0;
	s11 =	sshrl.u32 s11, $0x3  }
0x10: {  	s24 =	simm.s32 $0x16800;
	s7 =	sadd.s32 $0xA9C00, s2;
	s8 =	sadd.s32 $0x1A00, s2  }
0x11: {  	s9 =	sadd.s32 $0x1B400, s0;
	s0 =	simm.s32 $0x4;
	s2 =	simm.s32 $0x5  }
.LBB2_1:
0x12: {  	s23 =	rddreg [dreg:$0x1]  }
0x13: {  	[spmem:s11], [sflag:s6] =	dma.local [hbm:s23], $0x1400  }
0x14: {  	_ =	swait.ge [sflag:s12], $0x1400  }
0x15: {  	[sflag:s12] =	ssyncset.done $0x0  }
0x16: {  	[sflag:s12] =	ssyncadd.s32 $0xFFFFEC00  }
0x17: {  	[bflag:$0x0] =	sbarrier.arrive $0xFFFF  }
0x18: {  	[tilespmem:s4], [sflag:$0x9] =	stream.linear.gather [hbm4b:s7+s4], $0x1400, $0x38;
	[tilespmem:$0x1C800] =	vst v63  }
0x19: {  	_ =	swait.ge [sflag:s12], $0x1400  }
0x1a: {  	[sflag:s12] =	ssyncset.done $0x0  }
0x1b: {  	s25 =	simm.s32 $0x1400;
	[sflag:s12] =	ssyncadd.s32 $0xFFFFEC00  }
0x1c: {  	[tilespmem:s25], [sflag:$0x9] =	stream.linear.gather [hbm4b:s8+s4], $0x1400, $0x38;
	[tilespmem:$0x1C800] =	vst v63  }
0x1d: {  	_ =	swait.ge [sflag:s12], $0x1400  }
0x1e: {  	[sflag:s12] =	ssyncset.done $0x0  }
0x1f: {  	[sflag:s12] =	ssyncadd.s32 $0xFFFFEC00  }
0x20: {  	[tilespmem:s15], [sflag:$0x1] =	stream.indirect.gather [hbm4b:s5+s14], $0x40, s4, s14, $0xb8;
	[tilespmem:$0x1C800] =	vst v63  }
0x21: {  	_ = 	snop  }
0x22: {  	[tilespmem:s16], [sflag:$0x2] =	stream.indirect.gather [hbm4b:s5+s14], $0x40, s14, s14, $0xb8;
	[tilespmem:$0x1C800] =	vst v63  }
0x23: {  	s28 =	simm.s32 $0x100  }
0x24: {  	[tilespmem:s18], [sflag:$0x3] =	stream.indirect.gather [hbm4b:s5+s14], $0x40, s28, s14, $0xb8;
	[tilespmem:$0x1C800] =	vst v63  }
0x25: {  	s25 =	simm.s32 $0x180  }
0x26: {  	[tilespmem:s20], [sflag:$0x4] =	stream.indirect.gather [hbm4b:s5+s14], $0x40, s25, s14, $0xb8;
	[tilespmem:$0x1C800] =	vst v63  }
0x27: {  	s28 =	simm.s32 $0x200  }
0x28: {  	[tilespmem:s22], [sflag:$0x5] =	stream.indirect.gather [hbm4b:s5+s14], $0x40, s28, s14, $0xb8;
	[tilespmem:$0x1C800] =	vst v63  }
0x29: {  	s25 =	simm.s32 $0x280  }
0x2a: {  	[tilespmem:s24], [sflag:$0x6] =	stream.indirect.gather [hbm4b:s5+s14], $0x40, s25, s14, $0xb8;
	[tilespmem:$0x1C800] =	vst v63  }
0x2b: {  	s28 =	simm.s32 $0x300  }
0x2c: {  	[tilespmem:s26], [sflag:$0x7] =	stream.indirect.gather [hbm4b:s5+s14], $0x40, s28, s14, $0xb8;
	[tilespmem:$0x1C800] =	vst v63  }
0x2d: {  	s25 =	simm.s32 $0x380  }
0x2e: {  	[tilespmem:s29], [sflag:$0x8] =	stream.indirect.gather [hbm4b:s5+s14], $0x40, s25, s14, $0xb8;
	[tilespmem:$0x1C800] =	vst v63  }
0x2f: {  	_ =	swait.ge [sflag:s30], $0x2000  }
0x30: {  	[sflag:s30] =	ssyncset.done $0x0  }
0x31: {  	s28 =	simm.s32 $0x1400;
	[sflag:s30] =	ssyncadd.s32 $0xFFFFE000  }
0x32: {  	[spmem:s3] =	stream.indirect.scatter.add.f32 [tilespmem:s15], [sflag:$0x9], $0x40, s28, s14, $0xb8;
	[tilespmem:$0x1C800] =	vst v63  }
0x33: {  	_ =	swait.ge [sflag:s12], $0x2000  }
0x34: {  	[sflag:s12] =	ssyncset.done $0x0  }
0x35: {  	s25 =	simm.s32 $0x400;
	[sflag:s12] =	ssyncadd.s32 $0xFFFFE000  }
0x36: {  	[tilespmem:s15], [sflag:$0x1] =	stream.indirect.gather [hbm4b:s5+s14], $0x40, s25, s14, $0xb8;
	[tilespmem:$0x1C800] =	vst v63  }
0x37: {  	_ =	swait.ge [sflag:s31], $0x2000  }
0x38: {  	[sflag:s31] =	ssyncset.done $0x0  }
0x39: {  	s28 =	simm.s32 $0x1480;
	[sflag:s31] =	ssyncadd.s32 $0xFFFFE000  }
0x3a: {  	[spmem:s3] =	stream.indirect.scatter.add.f32 [tilespmem:s16], [sflag:$0x9], $0x40, s28, s14, $0xb8;
	[tilespmem:$0x1C800] =	vst v63  }
0x3b: {  	_ =	swait.ge [sflag:s12], $0x2000  }
0x3c: {  	[sflag:s12] =	ssyncset.done $0x0  }
0x3d: {  	s25 =	simm.s32 $0x480;
	[sflag:s12] =	ssyncadd.s32 $0xFFFFE000  }
0x3e: {  	[tilespmem:s16], [sflag:$0x2] =	stream.indirect.gather [hbm4b:s5+s14], $0x40, s25, s14, $0xb8;
	[tilespmem:$0x1C800] =	vst v63  }
0x3f: {  	_ =	swait.ge [sflag:s1], $0x2000  }
0x40: {  	[sflag:s1] =	ssyncset.done $0x0  }
0x41: {  	s28 =	simm.s32 $0x1500;
	[sflag:s1] =	ssyncadd.s32 $0xFFFFE000  }
0x42: {  	[spmem:s3] =	stream.indirect.scatter.add.f32 [tilespmem:s18], [sflag:$0x9], $0x40, s28, s14, $0xb8;
	[tilespmem:$0x1C800] =	vst v63  }
0x43: {  	_ =	swait.ge [sflag:s12], $0x2000  }
0x44: {  	[sflag:s12] =	ssyncset.done $0x0  }
0x45: {  	s25 =	simm.s32 $0x500;
	[sflag:s12] =	ssyncadd.s32 $0xFFFFE000  }
0x46: {  	[tilespmem:s18], [sflag:$0x3] =	stream.indirect.gather [hbm4b:s5+s14], $0x40, s25, s14, $0xb8;
	[tilespmem:$0x1C800] =	vst v63  }
0x47: {  	_ =	swait.ge [sflag:s0], $0x2000  }
0x48: {  	[sflag:s0] =	ssyncset.done $0x0  }
0x49: {  	s28 =	simm.s32 $0x1580;
	[sflag:s0] =	ssyncadd.s32 $0xFFFFE000  }
0x4a: {  	[spmem:s3] =	stream.indirect.scatter.add.f32 [tilespmem:s20], [sflag:$0x9], $0x40, s28, s14, $0xb8;
	[tilespmem:$0x1C800] =	vst v63  }
0x4b: {  	_ =	swait.ge [sflag:s12], $0x2000  }
0x4c: {  	[sflag:s12] =	ssyncset.done $0x0  }
0x4d: {  	s25 =	simm.s32 $0x580;
	[sflag:s12] =	ssyncadd.s32 $0xFFFFE000  }
0x4e: {  	[tilespmem:s20], [sflag:$0x4] =	stream.indirect.gather [hbm4b:s5+s14], $0x40, s25, s14, $0xb8;
	[tilespmem:$0x1C800] =	vst v63  }
0x4f: {  	_ =	swait.ge [sflag:s2], $0x2000  }
0x50: {  	[sflag:s2] =	ssyncset.done $0x0  }
0x51: {  	s28 =	simm.s32 $0x1600;
	[sflag:s2] =	ssyncadd.s32 $0xFFFFE000  }
0x52: {  	[spmem:s3] =	stream.indirect.scatter.add.f32 [tilespmem:s22], [sflag:$0x9], $0x40, s28, s14, $0xb8;
	[tilespmem:$0x1C800] =	vst v63  }
0x53: {  	_ =	swait.ge [sflag:s12], $0x2000  }
0x54: {  	[sflag:s12] =	ssyncset.done $0x0  }
0x55: {  	s25 =	simm.s32 $0x600;
	[sflag:s12] =	ssyncadd.s32 $0xFFFFE000  }
0x56: {  	[tilespmem:s22], [sflag:$0x5] =	stream.indirect.gather [hbm4b:s5+s14], $0x40, s25, s14, $0xb8;
	[tilespmem:$0x1C800] =	vst v63  }
0x57: {  	_ =	swait.ge [sflag:s13], $0x2000  }
0x58: {  	[sflag:s13] =	ssyncset.done $0x0  }
0x59: {  	s28 =	simm.s32 $0x1680;
	[sflag:s13] =	ssyncadd.s32 $0xFFFFE000  }
0x5a: {  	[spmem:s3] =	stream.indirect.scatter.add.f32 [tilespmem:s24], [sflag:$0x9], $0x40, s28, s14, $0xb8;
	[tilespmem:$0x1C800] =	vst v63  }
0x5b: {  	_ =	swait.ge [sflag:s12], $0x2000  }
0x5c: {  	[sflag:s12] =	ssyncset.done $0x0  }
0x5d: {  	s25 =	simm.s32 $0x680;
	[sflag:s12] =	ssyncadd.s32 $0xFFFFE000  }
0x5e: {  	[tilespmem:s24], [sflag:$0x6] =	stream.indirect.gather [hbm4b:s5+s14], $0x40, s25, s14, $0xb8;
	[tilespmem:$0x1C800] =	vst v63  }
0x5f: {  	_ =	swait.ge [sflag:s17], $0x2000  }
0x60: {  	[sflag:s17] =	ssyncset.done $0x0  }
0x61: {  	s28 =	simm.s32 $0x1700;
	[sflag:s17] =	ssyncadd.s32 $0xFFFFE000  }
0x62: {  	[spmem:s3] =	stream.indirect.scatter.add.f32 [tilespmem:s26], [sflag:$0x9], $0x40, s28, s14, $0xb8;
	[tilespmem:$0x1C800] =	vst v63  }
0x63: {  	_ =	swait.ge [sflag:s12], $0x2000  }
0x64: {  	[sflag:s12] =	ssyncset.done $0x0  }
0x65: {  	s25 =	simm.s32 $0x700;
	[sflag:s12] =	ssyncadd.s32 $0xFFFFE000  }
0x66: {  	[tilespmem:s26], [sflag:$0x7] =	stream.indirect.gather [hbm4b:s5+s14], $0x40, s25, s14, $0xb8;
	[tilespmem:$0x1C800] =	vst v63  }
0x67: {  	_ =	swait.ge [sflag:s19], $0x2000  }
0x68: {  	[sflag:s19] =	ssyncset.done $0x0  }
0x69: {  	s28 =	simm.s32 $0x1780;
	[sflag:s19] =	ssyncadd.s32 $0xFFFFE000  }
0x6a: {  	[spmem:s3] =	stream.indirect.scatter.add.f32 [tilespmem:s29], [sflag:$0x9], $0x40, s28, s14, $0xb8;
	[tilespmem:$0x1C800] =	vst v63  }
0x6b: {  	_ =	swait.ge [sflag:s12], $0x2000  }
0x6c: {  	[sflag:s12] =	ssyncset.done $0x0  }
0x6d: {  	s23 =	simm.s32 $0x1000;
	s25 =	simm.s32 $0x780;
	[sflag:s12] =	ssyncadd.s32 $0xFFFFE000  }
.LBB2_2:
0x6e: {  	[tilespmem:s29], [sflag:$0x8] =	stream.indirect.gather [hbm4b:s5+s14], $0x40, s25, s14, $0xb8;
	[tilespmem:$0x1C800] =	vst v63  }
0x6f: {  	s25 =	smov.u32 s23  }
0x70: {  	p0 =	sne.s32 s23, $0x3000;
	s23 =	sadd.s32 $0x1000, s23;
	_ =	swait.ge [sflag:s30], $0x2000  }
0x71: {  	s25 =	sshra.s32 s25, $0x2;
	[sflag:s30] =	ssyncset.done $0x0  }
0x72: {  	s28 =	sadd.s32 $0x1400, s25;
	[sflag:s30] =	ssyncadd.s32 $0xFFFFE000  }
0x73: {  	[spmem:s3] =	stream.indirect.scatter.add.f32 [tilespmem:s15], [sflag:$0x9], $0x40, s28, s14, $0xb8;
	[tilespmem:$0x1C800] =	vst v63  }
0x74: {  	_ =	swait.ge [sflag:s12], $0x2000  }
0x75: {  	[sflag:s12] =	ssyncset.done $0x0  }
0x76: {  	s28 =	sadd.s32 $0x400, s25;
	[sflag:s12] =	ssyncadd.s32 $0xFFFFE000  }
0x77: {  	[tilespmem:s15], [sflag:$0x1] =	stream.indirect.gather [hbm4b:s5+s14], $0x40, s28, s14, $0xb8;
	[tilespmem:$0x1C800] =	vst v63  }
0x78: {  	_ =	swait.ge [sflag:s31], $0x2000  }
0x79: {  	[sflag:s31] =	ssyncset.done $0x0  }
0x7a: {  	s28 =	sadd.s32 $0x1480, s25;
	[sflag:s31] =	ssyncadd.s32 $0xFFFFE000  }
0x7b: {  	[spmem:s3] =	stream.indirect.scatter.add.f32 [tilespmem:s16], [sflag:$0x9], $0x40, s28, s14, $0xb8;
	[tilespmem:$0x1C800] =	vst v63  }
0x7c: {  	_ =	swait.ge [sflag:s12], $0x2000  }
0x7d: {  	[sflag:s12] =	ssyncset.done $0x0  }
0x7e: {  	s28 =	sadd.s32 $0x480, s25;
	[sflag:s12] =	ssyncadd.s32 $0xFFFFE000  }
0x7f: {  	[tilespmem:s16], [sflag:$0x2] =	stream.indirect.gather [hbm4b:s5+s14], $0x40, s28, s14, $0xb8;
	[tilespmem:$0x1C800] =	vst v63  }
0x80: {  	_ =	swait.ge [sflag:s1], $0x2000  }
0x81: {  	[sflag:s1] =	ssyncset.done $0x0  }
0x82: {  	s28 =	sadd.s32 $0x1500, s25;
	[sflag:s1] =	ssyncadd.s32 $0xFFFFE000  }
0x83: {  	[spmem:s3] =	stream.indirect.scatter.add.f32 [tilespmem:s18], [sflag:$0x9], $0x40, s28, s14, $0xb8;
	[tilespmem:$0x1C800] =	vst v63  }
0x84: {  	_ =	swait.ge [sflag:s12], $0x2000  }
0x85: {  	[sflag:s12] =	ssyncset.done $0x0  }
0x86: {  	s28 =	sadd.s32 $0x500, s25;
	[sflag:s12] =	ssyncadd.s32 $0xFFFFE000  }
0x87: {  	[tilespmem:s18], [sflag:$0x3] =	stream.indirect.gather [hbm4b:s5+s14], $0x40, s28, s14, $0xb8;
	[tilespmem:$0x1C800] =	vst v63  }
0x88: {  	_ =	swait.ge [sflag:s0], $0x2000  }
0x89: {  	[sflag:s0] =	ssyncset.done $0x0  }
0x8a: {  	s28 =	sadd.s32 $0x1580, s25;
	[sflag:s0] =	ssyncadd.s32 $0xFFFFE000  }
0x8b: {  	[spmem:s3] =	stream.indirect.scatter.add.f32 [tilespmem:s20], [sflag:$0x9], $0x40, s28, s14, $0xb8;
	[tilespmem:$0x1C800] =	vst v63  }
0x8c: {  	_ =	swait.ge [sflag:s12], $0x2000  }
0x8d: {  	[sflag:s12] =	ssyncset.done $0x0  }
0x8e: {  	s28 =	sadd.s32 $0x580, s25;
	[sflag:s12] =	ssyncadd.s32 $0xFFFFE000  }
0x8f: {  	[tilespmem:s20], [sflag:$0x4] =	stream.indirect.gather [hbm4b:s5+s14], $0x40, s28, s14, $0xb8;
	[tilespmem:$0x1C800] =	vst v63  }
0x90: {  	_ =	swait.ge [sflag:s2], $0x2000  }
0x91: {  	[sflag:s2] =	ssyncset.done $0x0  }
0x92: {  	s28 =	sadd.s32 $0x1600, s25;
	[sflag:s2] =	ssyncadd.s32 $0xFFFFE000  }
0x93: {  	[spmem:s3] =	stream.indirect.scatter.add.f32 [tilespmem:s22], [sflag:$0x9], $0x40, s28, s14, $0xb8;
	[tilespmem:$0x1C800] =	vst v63  }
0x94: {  	_ =	swait.ge [sflag:s12], $0x2000  }
0x95: {  	[sflag:s12] =	ssyncset.done $0x0  }
0x96: {  	s28 =	sadd.s32 $0x600, s25;
	[sflag:s12] =	ssyncadd.s32 $0xFFFFE000  }
0x97: {  	[tilespmem:s22], [sflag:$0x5] =	stream.indirect.gather [hbm4b:s5+s14], $0x40, s28, s14, $0xb8;
	[tilespmem:$0x1C800] =	vst v63  }
0x98: {  	_ =	swait.ge [sflag:s13], $0x2000  }
0x99: {  	[sflag:s13] =	ssyncset.done $0x0  }
0x9a: {  	s28 =	sadd.s32 $0x1680, s25;
	[sflag:s13] =	ssyncadd.s32 $0xFFFFE000  }
0x9b: {  	[spmem:s3] =	stream.indirect.scatter.add.f32 [tilespmem:s24], [sflag:$0x9], $0x40, s28, s14, $0xb8;
	[tilespmem:$0x1C800] =	vst v63  }
0x9c: {  	_ =	swait.ge [sflag:s12], $0x2000  }
0x9d: {  	[sflag:s12] =	ssyncset.done $0x0  }
0x9e: {  	s28 =	sadd.s32 $0x680, s25;
	[sflag:s12] =	ssyncadd.s32 $0xFFFFE000  }
0x9f: {  	[tilespmem:s24], [sflag:$0x6] =	stream.indirect.gather [hbm4b:s5+s14], $0x40, s28, s14, $0xb8;
	[tilespmem:$0x1C800] =	vst v63  }
0xa0: {  	_ =	swait.ge [sflag:s17], $0x2000  }
0xa1: {  	[sflag:s17] =	ssyncset.done $0x0  }
0xa2: {  	s28 =	sadd.s32 $0x1700, s25;
	[sflag:s17] =	ssyncadd.s32 $0xFFFFE000  }
0xa3: {  	[spmem:s3] =	stream.indirect.scatter.add.f32 [tilespmem:s26], [sflag:$0x9], $0x40, s28, s14, $0xb8;
	[tilespmem:$0x1C800] =	vst v63  }
0xa4: {  	_ =	swait.ge [sflag:s12], $0x2000  }
0xa5: {  	[sflag:s12] =	ssyncset.done $0x0  }
0xa6: {  	s28 =	sadd.s32 $0x700, s25;
	[sflag:s12] =	ssyncadd.s32 $0xFFFFE000  }
0xa7: {  	[tilespmem:s26], [sflag:$0x7] =	stream.indirect.gather [hbm4b:s5+s14], $0x40, s28, s14, $0xb8;
	[tilespmem:$0x1C800] =	vst v63  }
0xa8: {  	_ =	swait.ge [sflag:s19], $0x2000  }
0xa9: {  	[sflag:s19] =	ssyncset.done $0x0  }
.Ltmp0:
0xaa: {  	s28 =	sadd.s32 $0x1780, s25;
	[sflag:s19] =	ssyncadd.s32 $0xFFFFE000;
	(pc) =	sbr.rel @p0 .LBB2_2-.Ltmp0, $4  }
0xab: {  	[spmem:s3] =	stream.indirect.scatter.add.f32 [tilespmem:s29], [sflag:$0x9], $0x40, s28, s14, $0xb8;
	[tilespmem:$0x1C800] =	vst v63  }
0xac: {  	_ =	swait.ge [sflag:s12], $0x2000  }
0xad: {  	[sflag:s12] =	ssyncset.done $0x0  }
0xae: {  	s25 =	sadd.s32 $0x780, s25;
	[sflag:s12] =	ssyncadd.s32 $0xFFFFE000  }
0xaf: {  	[tilespmem:s29], [sflag:$0x8] =	stream.indirect.gather [hbm4b:s5+s14], $0x40, s25, s14, $0xb8;
	[tilespmem:$0x1C800] =	vst v63  }
0xb0: {  	_ =	swait.ge [sflag:s30], $0x2000  }
0xb1: {  	[sflag:s30] =	ssyncset.done $0x0  }
0xb2: {  	s23 =	simm.s32 $0x2400;
	[sflag:s30] =	ssyncadd.s32 $0xFFFFE000  }
0xb3: {  	[spmem:s3] =	stream.indirect.scatter.add.f32 [tilespmem:s15], [sflag:$0x9], $0x40, s23, s14, $0xb8;
	[tilespmem:$0x1C800] =	vst v63  }
0xb4: {  	_ =	swait.ge [sflag:s12], $0x2000  }
0xb5: {  	[sflag:s12] =	ssyncset.done $0x0  }
0xb6: {  	[sflag:s12] =	ssyncadd.s32 $0xFFFFE000  }
0xb7: {  	_ =	swait.ge [sflag:s31], $0x2000  }
0xb8: {  	[sflag:s31] =	ssyncset.done $0x0  }
0xb9: {  	s28 =	simm.s32 $0x2480;
	[sflag:s31] =	ssyncadd.s32 $0xFFFFE000  }
0xba: {  	[spmem:s3] =	stream.indirect.scatter.add.f32 [tilespmem:s16], [sflag:$0x9], $0x40, s28, s14, $0xb8;
	[tilespmem:$0x1C800] =	vst v63  }
0xbb: {  	_ =	swait.ge [sflag:s12], $0x2000  }
0xbc: {  	[sflag:s12] =	ssyncset.done $0x0  }
0xbd: {  	[sflag:s12] =	ssyncadd.s32 $0xFFFFE000  }
0xbe: {  	_ =	swait.ge [sflag:s1], $0x2000  }
0xbf: {  	[sflag:s1] =	ssyncset.done $0x0  }
0xc0: {  	s25 =	simm.s32 $0x2500;
	[sflag:s1] =	ssyncadd.s32 $0xFFFFE000  }
0xc1: {  	[spmem:s3] =	stream.indirect.scatter.add.f32 [tilespmem:s18], [sflag:$0x9], $0x40, s25, s14, $0xb8;
	[tilespmem:$0x1C800] =	vst v63  }
0xc2: {  	_ =	swait.ge [sflag:s12], $0x2000  }
0xc3: {  	[sflag:s12] =	ssyncset.done $0x0  }
0xc4: {  	[sflag:s12] =	ssyncadd.s32 $0xFFFFE000  }
0xc5: {  	_ =	swait.ge [sflag:s0], $0x2000  }
0xc6: {  	[sflag:s0] =	ssyncset.done $0x0  }
0xc7: {  	s28 =	simm.s32 $0x2580;
	[sflag:s0] =	ssyncadd.s32 $0xFFFFE000  }
0xc8: {  	[spmem:s3] =	stream.indirect.scatter.add.f32 [tilespmem:s20], [sflag:$0x9], $0x40, s28, s14, $0xb8;
	[tilespmem:$0x1C800] =	vst v63  }
0xc9: {  	_ =	swait.ge [sflag:s12], $0x2000  }
0xca: {  	[sflag:s12] =	ssyncset.done $0x0  }
0xcb: {  	[sflag:s12] =	ssyncadd.s32 $0xFFFFE000  }
0xcc: {  	_ =	swait.ge [sflag:s2], $0x2000  }
0xcd: {  	[sflag:s2] =	ssyncset.done $0x0  }
0xce: {  	s25 =	simm.s32 $0x2600;
	[sflag:s2] =	ssyncadd.s32 $0xFFFFE000  }
0xcf: {  	[spmem:s3] =	stream.indirect.scatter.add.f32 [tilespmem:s22], [sflag:$0x9], $0x40, s25, s14, $0xb8;
	[tilespmem:$0x1C800] =	vst v63  }
0xd0: {  	_ =	swait.ge [sflag:s12], $0x2000  }
0xd1: {  	[sflag:s12] =	ssyncset.done $0x0  }
0xd2: {  	[sflag:s12] =	ssyncadd.s32 $0xFFFFE000  }
0xd3: {  	_ =	swait.ge [sflag:s13], $0x2000  }
0xd4: {  	[sflag:s13] =	ssyncset.done $0x0  }
0xd5: {  	s28 =	simm.s32 $0x2680;
	[sflag:s13] =	ssyncadd.s32 $0xFFFFE000  }
0xd6: {  	[spmem:s3] =	stream.indirect.scatter.add.f32 [tilespmem:s24], [sflag:$0x9], $0x40, s28, s14, $0xb8;
	[tilespmem:$0x1C800] =	vst v63  }
0xd7: {  	_ =	swait.ge [sflag:s12], $0x2000  }
0xd8: {  	[sflag:s12] =	ssyncset.done $0x0  }
0xd9: {  	[sflag:s12] =	ssyncadd.s32 $0xFFFFE000  }
0xda: {  	_ =	swait.ge [sflag:s17], $0x2000  }
0xdb: {  	[sflag:s17] =	ssyncset.done $0x0  }
0xdc: {  	s25 =	simm.s32 $0x2700;
	[sflag:s17] =	ssyncadd.s32 $0xFFFFE000  }
0xdd: {  	[spmem:s3] =	stream.indirect.scatter.add.f32 [tilespmem:s26], [sflag:$0x9], $0x40, s25, s14, $0xb8;
	[tilespmem:$0x1C800] =	vst v63  }
0xde: {  	_ =	swait.ge [sflag:s12], $0x2000  }
0xdf: {  	[sflag:s12] =	ssyncset.done $0x0  }
0xe0: {  	[sflag:s12] =	ssyncadd.s32 $0xFFFFE000  }
0xe1: {  	_ =	swait.ge [sflag:s19], $0x2000  }
0xe2: {  	[sflag:s19] =	ssyncset.done $0x0  }
0xe3: {  	s28 =	simm.s32 $0x2780;
	[sflag:s19] =	ssyncadd.s32 $0xFFFFE000  }
0xe4: {  	[spmem:s3] =	stream.indirect.scatter.add.f32 [tilespmem:s29], [sflag:$0x9], $0x40, s28, s14, $0xb8;
	[tilespmem:$0x1C800] =	vst v63  }
0xe5: {  	_ =	swait.ge [sflag:s12], $0x2000  }
0xe6: {  	s21 =	sadd.s32 $0x1, s21;
	[sflag:s12] =	ssyncset.done $0x0  }
0xe7: {  	p0 =	sne.s32 s21, s10;
	[sflag:s12] =	ssyncadd.s32 $0xFFFFE000  }
.Ltmp1:
0xe8: {  	[bflag:$0x0] =	sbarrier.arrive $0xFFFF;
	(pc) =	sbr.rel @p0 .LBB2_1-.Ltmp1, $4  }
0xe9: {  	[hbm:s9], [sflag:s6] =	dma.local [spmem:s11], $0x1400  }
0xea: {  	_ =	swait.ge [sflag:s12], $0x1400  }
0xeb: {  	[sflag:s12] =	ssyncset.done $0x0  }
0xec: {  	[sflag:s12] =	ssyncadd.s32 $0xFFFFEC00  }
0xed: {  	_ =	sfence.sel $0x180000  }
0xee: {  	[bflag:$0x0] =	sbarrier.arrive $0xFFFF  }
0xef: {  	_ =	strace $0x9000004D  }
0xf0: {  	s0 =	stileid.u32;
	[bflag:$0x2] =	sbarrier.arrive $0xFFFF  }
0xf1: {  	p0 =	sne.s32 s0, $0x0;
	s0 =	rddreg [dreg:$0x3]  }
0xf2: {  	s0 =	sadd.s32 @!p0 $0x100000, s0  }
0xf3: {  	[sflag:s0] =	ssyncadd.tile.s32 @!p0 $0x1;
	_ =	shalt  }
.Lfunc_end2:
_tile_overlayer_lowered:
.L_overlay_start_2:
0xf4: {  	(tag) =	ssettag $0x2  }
0xf5: {  	s0 =	rddreg [dreg:$0x0];
	s2 =	stileid.u32  }
0xf6: {  	s1 =	rddreg [dreg:$0x1];
	p0 =	sne.s32 s2, $0x0  }
0xf7: {  	s3 =	rddreg [dreg:$0x2];
	[bflag:$0x3] =	sbarrier.arrive $0xFFFF;
	s2 =	simm.s32 @!p0 $0x1C09  }
0xf8: {  	[timem:s3], [sflag:s2] =	dma.local @!p0 [hbm:s0], s1  }
0xf9: {  	s0 =	simm.s32 @!p0 $0x9  }
0xfa: {  	_ =	swait.ge @!p0 [sflag:s0], s1  }
0xfb: {  	s1 =	ssub.s32 @!p0 $0x0, s1;
	[sflag:s0] =	ssyncset.done @!p0 $0x0  }
0xfc: {  	[sflag:s0] =	ssyncadd.s32 @!p0 s1  }
0xfd: {  	[bflag:$0x3] =	sbarrier.arrive $0xFFFF  }
0xfe: {  	_ =	shalt  }

// kernel: kernel.17.cloned.1.call-start
scs
__scs_entry_jumppad:
0x0: {  	(pc) =	sbr.rel $0x88, $3  }
0x1: {  	(tag) =	ssettag $0x0;
	lr =	simm.s32 $0x1  }
0x2: {  	[smem:$0x3F9B] =	sst lr;
	_ =	strace $0xD0000000  }
0x3: {  	_ = 	snop  }
0x4: {  	_ = 	snop  }
0x5: {  	_ = 	snop  }
0x6: {  	_ = 	snop  }
0x7: {  	_ = 	snop  }
__scs_overlays_trampoline_lowered:
0x8: {  	[smem:$0x3FAA] =	sst s0  }
0x9: {  	[smem:$0x3FAB] =	sst s1  }
0xa: {  	[smem:$0x3FAC] =	sst s2  }
0xb: {  	[smem:$0x3FAD] =	sst s3  }
0xc: {  	[smem:$0x3FAE] =	sst s4  }
0xd: {  	[smem:$0x3FAF] =	sst s5  }
0xe: {  	[smem:$0x3FB0] =	sst s6  }
0xf: {  	[smem:$0x3FB1] =	sst s7  }
0x10: {  	[smem:$0x3FB2] =	sst s8  }
0x11: {  	[smem:$0x3FB3] =	sst s9;
	s0 =	simm.s32 @!p0 $0x0  }
0x12: {  	s1 =	sld [smem:$0x3F99];
	s0 =	simm.s32 @p0 $0x1  }
0x13: {  	[smem:$0x3FB4] =	sst s0;
	s0 =	simm.s32 @!p1 $0x0  }
0x14: {  	s2 =	sld [smem:$0x3F98];
	s0 =	simm.s32 @p1 $0x1  }
0x15: {  	[smem:$0x3FB5] =	sst s0;
	s0 =	simm.s32 @!p2 $0x0  }
0x16: {  	s3 =	sld [smem:$0x3FDB];
	s0 =	simm.s32 @p2 $0x1  }
0x17: {  	s4 =	simm.s32 $0x1BF5;
	[smem:$0x3FB7] =	sst s0  }
0x18: {  	s0 =	sld [smem:$0x3F9A];
	_ =	swait.ge [sflag:s4], $0x0  }
0x19: {  	s7 =	sld [smem:$0x3F9B]  }
0x1a: {  	s8 =	sadd.s32 $0xFFFFE003, lr  }
0x1b: {  	s9 =	sadd.s32 $0xFFFFFEF7, lr;
	s5 =	simm.s32 $0xFFFFFFFF;
	p2 =	slt.u32 s8, $0xFFFFF086  }
0x1c: {  	p1 =	slt.u32 s9, $0xF7A;
	s5 =	simm.s32 @!p2 $0x0  }
0x1d: {  	s5 =	simm.s32 @p1 $0x1;
	p0 =	seq.s32 s7, s2  }
0x1e: {  	s7 =	smul.u32 @!p0 $0xF7A, s2;
	p2 =	seq.s32 @!p0 s5, $0x0  }
0x1f: {  	s9 =	smul.u32 $0xF7A, s1;
	s8 =	simm.s32 @!p0 $0x1BF5;
	p2 =	por !p2, p0  }
0x20: {  	[sflag:s8] =	ssyncset.s32 @!p0 $0xFFFFF086;
	s6 =	sadd.s32 @!p0 s3, s7;
	s7 =	simm.s32 @!p0 $0x108  }
0x21: {  	s3 =	sadd.s32 s3, s9;
	s6 =	sadd.s32 @!p0 $0x88, s6;
	s7 =	simm.s32 @p2 $0x1082  }
0x22: {  	[simem:s7], [sflag:s8] =	dma.local @!p0 [hbm:s6], $0xF7A  }
0x23: {  	s9 =	sor.u32 $0xD0000000, s2;
	s6 =	simm.s32 $0x108;
	_ =	swait.ge @!p0 [sflag:s8], $0x0  }
0x24: {  	s3 =	sadd.s32 $0x88, s3;
	s6 =	simm.s32 @!p1 $0x1082;
	[sflag:s4] =	ssyncset.s32 $0xFFFFF086  }
0x25: {  	[simem:s6], [sflag:s4] =	dma.local [hbm:s3], $0xF7A  }
0x26: {  	[smem:$0x3F9B] =	sst s1;
	(tag) =	ssettag s2;
	_ =	strace s9  }
0x27: {  	s1 =	sld [smem:$0x3FAB]  }
0x28: {  	s2 =	sld [smem:$0x3FAC]  }
0x29: {  	s4 =	sld [smem:$0x3FAE]  }
0x2a: {  	p0 =	seq.s32 s5, $0x0;
	s5 =	sld [smem:$0x3FAF]  }
0x2b: {  	s6 =	sld [smem:$0x3FB0]  }
0x2c: {  	s7 =	sld [smem:$0x3FB1]  }
0x2d: {  	s3 =	simm.s32 $0x108;
	s8 =	sld [smem:$0x3FB2]  }
0x2e: {  	s3 =	simm.s32 @!p0 $0x1082;
	s9 =	sld [smem:$0x3FB3]  }
0x2f: {  	lr =	sadd.s32 s0, s3;
	s0 =	sld [smem:$0x3FAA]  }
0x30: {  	s3 =	sld [smem:$0x3FAD]  }
0x31: {  	[smem:$0x3FB6] =	sst s10  }
0x32: {  	s10 =	sld [smem:$0x3FB4];
	_ =	sdelay $0x3  }
0x33: {  	p0 =	seq.s32 s10, $0x1;
	s10 =	sld [smem:$0x3FB6];
	_ =	sdelay $0x3  }
0x34: {  	[smem:$0x3FB6] =	sst s10  }
0x35: {  	s10 =	sld [smem:$0x3FB5];
	_ =	sdelay $0x3  }
0x36: {  	p1 =	seq.s32 s10, $0x1;
	s10 =	sld [smem:$0x3FB6];
	_ =	sdelay $0x3  }
0x37: {  	[smem:$0x3FB6] =	sst s10  }
0x38: {  	s10 =	sld [smem:$0x3FB7]  }
0x39: {  	_ = 	snop;
	(pc) =	sbr.ind lr, $3  }
0x3a: {  	_ = 	snop  }
0x3b: {  	_ = 	snop  }
0x3c: {  	p2 =	seq.s32 s10, $0x1;
	s10 =	sld [smem:$0x3FB6]  }
0x3d: {  	_ =	shalt  }
0x3e: {  	_ =	shalt  }
0x3f: {  	_ =	shalt  }
0x40: {  	_ =	shalt  }
0x41: {  	_ =	shalt  }
0x42: {  	_ =	shalt  }
0x43: {  	_ =	shalt  }
0x44: {  	_ =	shalt  }
0x45: {  	_ =	shalt  }
0x46: {  	_ =	shalt  }
0x47: {  	_ =	shalt  }
0x48: {  	_ =	shalt  }
0x49: {  	_ =	shalt  }
0x4a: {  	_ =	shalt  }
0x4b: {  	_ =	shalt  }
0x4c: {  	_ =	shalt  }
0x4d: {  	_ =	shalt  }
0x4e: {  	_ =	shalt  }
0x4f: {  	_ =	shalt  }
0x50: {  	_ =	shalt  }
0x51: {  	_ =	shalt  }
0x52: {  	_ =	shalt  }
0x53: {  	_ =	shalt  }
0x54: {  	_ =	shalt  }
0x55: {  	_ =	shalt  }
0x56: {  	_ =	shalt  }
0x57: {  	_ =	shalt  }
0x58: {  	_ =	shalt  }
0x59: {  	_ =	shalt  }
0x5a: {  	_ =	shalt  }
0x5b: {  	_ =	shalt  }
0x5c: {  	_ =	shalt  }
0x5d: {  	_ =	shalt  }
0x5e: {  	_ =	shalt  }
0x5f: {  	_ =	shalt  }
0x60: {  	_ =	shalt  }
0x61: {  	_ =	shalt  }
0x62: {  	_ =	shalt  }
0x63: {  	_ =	shalt  }
0x64: {  	_ =	shalt  }
0x65: {  	_ =	shalt  }
0x66: {  	_ =	shalt  }
0x67: {  	_ =	shalt  }
0x68: {  	_ =	shalt  }
0x69: {  	_ =	shalt  }
0x6a: {  	_ =	shalt  }
0x6b: {  	_ =	shalt  }
0x6c: {  	_ =	shalt  }
0x6d: {  	_ =	shalt  }
0x6e: {  	_ =	shalt  }
0x6f: {  	_ =	shalt  }
0x70: {  	_ =	shalt  }
0x71: {  	_ =	shalt  }
0x72: {  	_ =	shalt  }
0x73: {  	_ =	shalt  }
0x74: {  	_ =	shalt  }
0x75: {  	_ =	shalt  }
0x76: {  	_ =	shalt  }
0x77: {  	_ =	shalt  }
0x78: {  	_ =	shalt  }
0x79: {  	_ =	shalt  }
0x7a: {  	_ =	shalt  }
0x7b: {  	_ =	shalt  }
0x7c: {  	_ =	shalt  }
0x7d: {  	_ =	shalt  }
0x7e: {  	_ =	shalt  }
0x7f: {  	_ =	shalt  }
0x80: {  	_ =	shalt  }
0x81: {  	_ =	shalt  }
0x82: {  	_ =	shalt  }
0x83: {  	_ =	shalt  }
0x84: {  	_ =	shalt  }
0x85: {  	_ =	shalt  }
0x86: {  	_ =	shalt  }
0x87: {  	_ =	shalt  }
.Lfunc_end0:
.L_simem_size_0:
called_computation.3_lowered:
.L_overlay_start_0:
0x88: {  	s2 =	sld [smem:$0x3FD9]  }
0x89: {  	s3 =	sld [smem:$0x3FFE];
	_ =	sdelay $0x1  }
0x8a: {  	s1 =	srdreg.scid  }
0x8b: {  	s0 =	sand.u32 $0x1, s1  }
0x8c: {  	s17 =	sshll.u32 s0, $0xA;
	s2 =	sadd.s32 s3, s2  }
0x8d: {  	s2 =	sadd.s32 s2, s17  }
0x8e: {  	[smem:$0x3FC2] =	sst s2  }
0x8f: {  	_ = 	snop  }
0x90: {  	s2 =	sld [smem:$0x3FC4];
	(tm) =	ssettm $0x1  }
0x91: {  	s18 =	sld [smem:$0x3FFB];
	_ =	sdelay $0x3  }
0x92: {  	_ =	strace s18  }
0x93: {  	s3 =	sld [smem:$0x3FFC];
	_ =	sdelay $0x3  }
0x94: {  	_ =	strace s3  }
0x95: {  	s3 =	sld [smem:$0x3FFD];
	_ =	sdelay $0x3  }
0x96: {  	_ =	strace s3  }
0x97: {  	_ =	strace $0x8FFFFFFF  }
0x98: {  	s19 =	sld [smem:$0x3FDB];
	_ =	sdelay $0x1  }
0x99: {  	s4 =	simm.s32 $_scs_section_size  }
0x9a: {  	s5 =	simm.s32 $_size__tile_overlayer_lowered;
	s6 =	simm.s32 $_tile_overlayer_lowered  }
0x9b: {  	s22 =	simm.s32 $0x1BFF;
	s21 =	sshll.u32 s6, $0x1;
	s3 =	sadd.s32 s4, s19  }
0x9c: {  	s7 =	simm.s32 $0x0;
	s20 =	sshll.u32 s5, $0x1;
	s5 =	sadd.s32 s21, s3  }
0x9d: {  	[timem:s7], [sflag:s22] =	dma.local [hbm:s5], s20  }
0x9e: {  	_ =	swait.ge [sflag:s22], s20  }
0x9f: {  	s4 =	ssub.s32 $0x0, s20;
	[sflag:s22] =	ssyncset.done $0x0  }
0xa0: {  	[sflag:s22] =	ssyncadd.s32 s4;
	_ =	sdelay $0x1  }
0xa1: {  	s23 =	simm.s32 $0x1B8B  }
0xa2: {  	_ =	swait.ge [sflag:s23], $0x1  }
0xa3: {  	[sflag:s23] =	ssyncset.done $0x0  }
0xa4: {  	s25 =	simm.s32 $0x1B8E;
	s24 =	sld [smem:$0x3FFE];
	[sflag:s23] =	ssyncadd.s32 $0xFFFFFFFF  }
0xa5: {  	s26 =	simm.s32 $execute0_lowered;
	[smem:$0x3FD2] =	sst s25  }
0xa6: {  	s5 =	sshll.u32 s26, $0x1;
	_ =	strace $0x8000004F;
	[dreg:$0x1] =	wrdreg $0xFFFFFFFF  }
0xa7: {  	s28 =	simm.s32 $_size_execute0_lowered;
	s3 =	sadd.s32 s3, s5;
	[dreg:$0x0] =	wrdreg $0x0  }
0xa8: {  	s5 =	sshll.u32 s28, $0x1;
	[dreg:$0x2] =	wrdreg s3  }
0xa9: {  	[dreg:$0x3] =	wrdreg s5  }
0xaa: {  	[dreg:$0x4] =	wrdreg $0xC0  }
0xab: {  	_ =	task [dreg:s7], $0x5FFFF  }
0xac: {  	[dreg:$0x1] =	wrdreg $0xFFFFFFFF  }
0xad: {  	[dreg:$0x0] =	wrdreg $0x60  }
0xae: {  	[dreg:$0x2] =	wrdreg s24  }
0xaf: {  	[dreg:$0x3] =	wrdreg s2  }
0xb0: {  	[dreg:$0x4] =	wrdreg $0x9  }
0xb1: {  	_ =	task.clear_ibuf [dreg:s7], $0x5FFFF;
	_ =	strace $0x9000004F  }
0xb2: {  	s29 =	simm.s32 $0x9;
	_ =	strace $0x80000051  }
0xb3: {  	_ =	swait.ge [sflag:s29], $0x1  }
0xb4: {  	[sflag:s29] =	ssyncadd.s32 $0xFFFFFFFF  }
0xb5: {  	_ =	strace $0x90000051  }
0xb6: {  	_ =	sfence  }
0xb7: {  	s30 =	sld [smem:$0x0];
	_ =	sdelay $0x2  }
0xb8: {  	s31 =	sshll.u32 s1, $0xD;
	s1 =	sshrl.u32 s1, $0x2  }
0xb9: {  	s3 =	sand.u32 $0x4000, s31;
	s1 =	sadd.s32 s1, s30  }
0xba: {  	s0 =	sor.u32 s3, s0;
	s1 =	sshll.u32 s1, $0x11  }
0xbb: {  	s0 =	sor.u32 s1, s0  }
0xbc: {  	s0 =	sadd.s32 $0x8F2B, s0  }
0xbd: {  	[sflag:s0] =	ssyncadd.remote.s32 $0x1  }
0xbe: {  	_ =	sfence.sel $0xFFFF  }
0xbf: {  	[dreg:$0x0] =	wrdreg $0xFFFFFFFF;
	(pc) =	sbr.abs _section_cstart, $3  }
0xc0: {  	[dreg:$0x1] =	wrdreg $0xFFFFFFFF  }
0xc1: {  	_ =	task.clear_ibuf [dreg:s7], $0x2FFFF;
	_ =	strace $0x9FFFFFFF  }
0xc2: {  	(tm) =	ssettm $0x7FFFFFFF  }
0xc3: {  	_ =	shalt  }
tec
execute0_lowered:
.L_overlay_start_1:
0x0: {  	(tag) =	ssettag $0x1  }
0x1: {  	s4 =	rddreg [dreg:$0x0];
	s1 =	srdreg.scid  }
0x2: {  	s0 =	stileid.u32;
	s2 =	rddreg [dreg:$0x1]  }
0x3: {  	s3 =	simm.s32 $0x0;
	s13 =	simm.s32 $0x3C0;
	s14 =	simm.s32 $0x53C0  }
0x4: {  	s15 =	simm.s32 $0xA3C0;
	s5 =	sand.u32 $0x1, s1;
	s6 =	sshll.u32 s0, $0x1  }
0x5: {  	s16 =	simm.s32 $0xF3C0;
	s1 =	rddreg [dreg:$0x2];
	s6 =	sor.u32 s5, s6  }
0x6: {  	s17 =	simm.s32 $0x0;
	[smem:$0x7FF] =	sst s3;
	s7 =	smul.u32 $0xA00, s6  }
0x7: {  	s8 =	sadd.s32 $0x6A00, s4;
	s5 =	ssub.s32 $0x2, s5;
	s6 =	smul.u32 $0x140, s6  }
0x8: {  	s9 =	sadd.s32 $0x1B400, s4;
	_ =	strace $0x80000050;
	s28 =	sshrl.u32 s5, $0x1  }
0x9: {  	s12 =	ssub.s32 s5, s28;
	s10 =	sadd.s32 s7, s4;
	s11 =	sadd.s32 $0x2800, s6  }
0xa: {  	s29 =	sshrl.u32 s6, $0x3;
	s6 =	sadd.s32 s9, s7;
	s30 =	sshrl.u32 s11, $0x3  }
0xb: {  	s4 =	sadd.s32 s8, s29;
	s31 =	sshll.u32 s11, $0x3;
	s11 =	simm.s32 $0x1  }
0xc: {  	s5 =	sadd.s32 s8, s30;
	s7 =	sadd.s32 s9, s31;
	s8 =	sadd.s32 $0x7400, s10  }
0xd: {  	s9 =	sadd.s32 $0x43400, s10;
	s10 =	smax.u32 s12, $0x1;
	s12 =	simm.s32 $0x140  }
.LBB2_1:
0xe: {  	[tilespmem:s3], [sflag:$0x1] =	stream.linear.gather [hbm4b:s4+s3], $0x140, $0x38;
	[tilespmem:$0xF400] =	vst v63  }
0xf: {  	_ =	swait.ge [sflag:s11], $0x140  }
0x10: {  	[sflag:s11] =	ssyncset.done $0x0  }
0x11: {  	[sflag:s11] =	ssyncadd.s32 $0xFFFFFEC0  }
0x12: {  	[tilespmem:s12], [sflag:$0x1] =	stream.linear.gather [hbm4b:s5+s3], $0x140, $0x38;
	[tilespmem:$0xF400] =	vst v63  }
0x13: {  	_ =	swait.ge [sflag:s11], $0x140  }
0x14: {  	[sflag:s11] =	ssyncset.done $0x0  }
0x15: {  	[sflag:s11] =	ssyncadd.s32 $0xFFFFFEC0  }
0x16: {  	[tilespmem:s13], [sflag:$0x1] =	stream.linear.gather [hbm4b:s6+s3], $0x5000, $0x38;
	[tilespmem:$0xF400] =	vst v63  }
0x17: {  	_ =	swait.ge [sflag:s11], $0x5000  }
0x18: {  	[sflag:s11] =	ssyncset.done $0x0  }
0x19: {  	[sflag:s11] =	ssyncadd.s32 $0xFFFFB000  }
0x1a: {  	[tilespmem:s14], [sflag:$0x1] =	stream.linear.gather [hbm4b:s7+s3], $0x5000, $0x38;
	[tilespmem:$0xF400] =	vst v63  }
0x1b: {  	_ =	swait.ge [sflag:s11], $0x5000  }
0x1c: {  	[sflag:s11] =	ssyncset.done $0x0  }
0x1d: {  	[sflag:s11] =	ssyncadd.s32 $0xFFFFB000  }
0x1e: {  	[tilespmem:s15], [sflag:$0x1] =	stream.linear.gather [hbm4b:s8+s3], $0x5000, $0x38;
	[tilespmem:$0xF400] =	vst v63  }
0x1f: {  	_ =	swait.ge [sflag:s11], $0x5000  }
0x20: {  	[sflag:s11] =	ssyncset.done $0x0  }
0x21: {  	[sflag:s11] =	ssyncadd.s32 $0xFFFFB000  }
0x22: {  	[tilespmem:s16], [sflag:$0x1] =	stream.linear.gather [hbm4b:s2+s3], $0x40, $0x38;
	[tilespmem:$0xF400] =	vst v63  }
0x23: {  	_ =	swait.ge [sflag:s11], $0x40  }
0x24: {  	[sflag:s11] =	ssyncset.done $0x0  }
0x25: {  	s19 =	simm.s32 $0x0;
	[sflag:s11] =	ssyncadd.s32 $0xFFFFFFC0  }
0x26: {  	v0 =	vld [tilespmem:s19+$0x140]  }
0x27: {  	v1 =	vld [tilespmem:s19+$0x0];
	_ =	sdelay $0x2  }
0x28: {  	s18 =	simm.s32 $0x10  }
0x29: {  	v2 =	vld [tilespmem:s18+$0x140]  }
0x2a: {  	v0 =	vadd.f32 v0, v1;
	v1 =	vld [tilespmem:s18+$0x0];
	_ =	sdelay $0x1  }
0x2b: {  	v0 =	vadd.f32 $1.000000000e+00, v0;
	_ =	sdelay $0x1  }
0x2c: {  	s20 =	simm.s32 $0x20;
	v3 =	vshrl.u32 v0, $0x1;
	v4 =	vmul.f32 $5.000000000e-01, v0  }
0x2d: {  	v5 =	vld [tilespmem:s20+$0x0];
	v0 =	vsub.s32 $0x5F3759DF, v3;
	v1 =	vadd.f32 v2, v1  }
0x2e: {  	v3 =	vld [tilespmem:s20+$0x140];
	v2 =	vmul.f32 v0, v4  }
0x2f: {  	v1 =	vadd.f32 $1.000000000e+00, v1  }
0x30: {  	v2 =	vmul.f32 v0, v2  }
0x31: {  	s21 =	simm.s32 $0x30;
	v6 =	vshrl.u32 v1, $0x1;
	v9 =	vmul.f32 $5.000000000e-01, v1  }
0x32: {  	v7 =	vld [tilespmem:s21+$0x0];
	v1 =	vsub.f32 $1.500000000e+00, v2;
	v2 =	vsub.s32 $0x5F3759DF, v6  }
0x33: {  	v6 =	vld [tilespmem:s21+$0x140];
	v3 =	vadd.f32 v3, v5;
	v5 =	vmul.f32 v2, v9  }
0x34: {  	v1 =	vmul.f32 v0, v1  }
0x35: {  	v0 =	vadd.f32 $1.000000000e+00, v3;
	v3 =	vmul.f32 v2, v5  }
0x36: {  	v5 =	vmul.f32 v1, v4  }
0x37: {  	s22 =	simm.s32 $0x40;
	v8 =	vshrl.u32 v0, $0x1;
	v0 =	vmul.f32 $5.000000000e-01, v0;
	v3 =	vsub.f32 $1.500000000e+00, v3  }
0x38: {  	v10 =	vld [tilespmem:s22+$0x140];
	v8 =	vsub.s32 $0x5F3759DF, v8;
	v6 =	vadd.f32 v6, v7;
	v5 =	vmul.f32 v5, v1  }
0x39: {  	v11 =	vld [tilespmem:s22+$0x0];
	v7 =	vmul.f32 v8, v0  }
0x3a: {  	v3 =	vmul.f32 v2, v3;
	v2 =	vsub.f32 $1.500000000e+00, v5;
	v5 =	vadd.f32 $1.000000000e+00, v6  }
0x3b: {  	v6 =	vmul.f32 v8, v7  }
0x3c: {  	v2 =	vmul.f32 v2, v1;
	v12 =	vshrl.u32 v5, $0x1;
	v1 =	vmul.f32 $5.000000000e-01, v5  }
0x3d: {  	v7 =	vmul.f32 v3, v9;
	v5 =	vsub.f32 $1.500000000e+00, v6;
	v6 =	vsub.s32 $0x5F3759DF, v12  }
0x3e: {  	v10 =	vadd.f32 v10, v11;
	v11 =	vmul.f32 v6, v1  }
0x3f: {  	v7 =	vmul.f32 v7, v3  }
0x40: {  	s23 =	simm.s32 $0x50;
	v12 =	vmul.f32 v2, v4;
	v11 =	vmul.f32 v6, v11  }
0x41: {  	v4 =	vmul.f32 v8, v5;
	v8 =	vld [tilespmem:s23+$0x140]  }
0x42: {  	v5 =	vsub.f32 $1.500000000e+00, v7;
	v7 =	vmul.f32 v12, v2;
	v12 =	vsub.f32 $1.500000000e+00, v11;
	v11 =	vld [tilespmem:s23+$0x0]  }
0x43: {  	v10 =	vadd.f32 $1.000000000e+00, v10  }
0x44: {  	v13 =	vmul.f32 v4, v0;
	v3 =	vmul.f32 v5, v3  }
0x45: {  	v14 =	vshrl.u32 v10, $0x1;
	v5 =	vsub.f32 $1.500000000e+00, v7;
	v7 =	vmul.f32 $5.000000000e-01, v10  }
0x46: {  	s24 =	simm.s32 $0x60;
	s25 =	simm.s32 $0x1C0;
	v10 =	vsub.s32 $0x5F3759DF, v14;
	v13 =	vmul.f32 v13, v4;
	v9 =	vmul.f32 v3, v9  }
.LBB2_2:
0x47: {  	s26 =	sshra.s32 s25, $0x2;
	p0 =	sne.s32 s25, $0x4C0;
	s25 =	sadd.s32 $0x40, s25;
	v14 =	vadd.f32 v8, v11;
	v8 =	vld [tilespmem:s24+$0x140];
	v15 =	vmul.f32 v10, v7;
	v12 =	vmul.f32 v6, v12;
	v16 =	vmovc v7  }
.Ltmp0:
0x48: {  	v6 =	vmovc v10;
	v11 =	vld [tilespmem:s24+$0x0];
	v7 =	vsub.f32 $1.500000000e+00, v13;
	v9 =	vmul.f32 v9, v3;
	v13 =	vmul.f32 v5, v2;
	v2 =	vmovc v3;
	(pc) =	sbr.rel @p0 .LBB2_2-.Ltmp0, $4  }
0x49: {  	v10 =	vadd.f32 $1.000000000e+00, v14;
	v14 =	vmul.f32 v6, v15;
	v15 =	vmul.f32 v12, v1  }
0x4a: {  	v3 =	vmul.f32 v7, v4;
	v5 =	vsub.f32 $1.500000000e+00, v9;
	[tilespmem:s19+$0x280] =	vst v13;
	v4 =	vmov v12;
	s19 =	smov.u32 s18;
	s18 =	smov.u32 s20;
	s20 =	smov.u32 s21  }
0x4b: {  	s21 =	smov.u32 s22;
	s22 =	smov.u32 s23;
	s23 =	smov.u32 s24;
	v9 =	vshrl.u32 v10, $0x1;
	v7 =	vmul.f32 $5.000000000e-01, v10;
	v12 =	vsub.f32 $1.500000000e+00, v14  }
0x4c: {  	s24 =	smov.u32 s26;
	v13 =	vmul.f32 v15, v4;
	v10 =	vsub.s32 $0x5F3759DF, v9;
	v9 =	vmul.f32 v3, v0;
	v0 =	vmovc v1;
	v1 =	vmovc v16  }
0x4d: {  	v14 =	vld [tilespmem:s24+$0x140]  }
0x4e: {  	v15 =	vld [tilespmem:s24+$0x0];
	_ =	sdelay $0x3  }
0x4f: {  	v8 =	vadd.f32 v8, v11  }
0x50: {  	v11 =	vadd.f32 v14, v15  }
0x51: {  	v8 =	vadd.f32 $1.000000000e+00, v8  }
0x52: {  	v11 =	vadd.f32 $1.000000000e+00, v11  }
0x53: {  	v14 =	vmul.f32 v10, v7;
	v15 =	vshrl.u32 v8, $0x1;
	v8 =	vmul.f32 $5.000000000e-01, v8  }
0x54: {  	v15 =	vsub.s32 $0x5F3759DF, v15;
	v16 =	vshrl.u32 v11, $0x1;
	v11 =	vmul.f32 $5.000000000e-01, v11  }
0x55: {  	v17 =	vmul.f32 v15, v8;
	v16 =	vsub.s32 $0x5F3759DF, v16  }
0x56: {  	v14 =	vmul.f32 v10, v14;
	v18 =	vmul.f32 v16, v11  }
0x57: {  	v6 =	vmul.f32 v6, v12;
	v17 =	vmul.f32 v15, v17  }
0x58: {  	v13 =	vsub.f32 $1.500000000e+00, v13;
	v12 =	vsub.f32 $1.500000000e+00, v14;
	v14 =	vmul.f32 v16, v18  }
0x59: {  	v17 =	vsub.f32 $1.500000000e+00, v17  }
0x5a: {  	v4 =	vmul.f32 v13, v4;
	v10 =	vmul.f32 v10, v12;
	v12 =	vsub.f32 $1.500000000e+00, v14  }
0x5b: {  	v18 =	vmul.f32 v6, v1;
	v13 =	vmul.f32 v15, v17  }
0x5c: {  	v14 =	vmul.f32 v10, v7;
	v12 =	vmul.f32 v16, v12  }
0x5d: {  	v15 =	vmul.f32 v18, v6;
	v16 =	vmul.f32 v13, v8  }
0x5e: {  	v14 =	vmul.f32 v14, v10;
	v17 =	vmul.f32 v12, v11  }
0x5f: {  	v2 =	vmul.f32 v5, v2;
	v15 =	vsub.f32 $1.500000000e+00, v15;
	v16 =	vmul.f32 v16, v13  }
0x60: {  	v0 =	vmul.f32 v4, v0;
	v14 =	vsub.f32 $1.500000000e+00, v14;
	v17 =	vmul.f32 v17, v12  }
0x61: {  	v9 =	vmul.f32 v9, v3;
	v5 =	vmul.f32 v15, v6;
	v6 =	vsub.f32 $1.500000000e+00, v16  }
0x62: {  	v0 =	vmul.f32 v0, v4;
	v10 =	vmul.f32 v14, v10;
	v14 =	vsub.f32 $1.500000000e+00, v17  }
0x63: {  	v1 =	vmul.f32 v5, v1;
	v6 =	vmul.f32 v6, v13  }
0x64: {  	v7 =	vmul.f32 v10, v7;
	v12 =	vmul.f32 v14, v12  }
0x65: {  	v9 =	vsub.f32 $1.500000000e+00, v9;
	v1 =	vmul.f32 v1, v5;
	v8 =	vmul.f32 v6, v8  }
0x66: {  	v0 =	vsub.f32 $1.500000000e+00, v0;
	v7 =	vmul.f32 v7, v10;
	v11 =	vmul.f32 v12, v11  }
0x67: {  	v3 =	vmul.f32 v9, v3;
	v1 =	vsub.f32 $1.500000000e+00, v1;
	v8 =	vmul.f32 v8, v6  }
0x68: {  	[tilespmem:s19+$0x280] =	vst v2;
	v0 =	vmul.f32 v0, v4;
	v2 =	vsub.f32 $1.500000000e+00, v7;
	v4 =	vmul.f32 v11, v12  }
0x69: {  	[tilespmem:s18+$0x280] =	vst v3;
	v1 =	vmul.f32 v1, v5;
	v3 =	vsub.f32 $1.500000000e+00, v8  }
0x6a: {  	[tilespmem:s20+$0x280] =	vst v0;
	v0 =	vmul.f32 v2, v10;
	v2 =	vsub.f32 $1.500000000e+00, v4  }
0x6b: {  	[tilespmem:s21+$0x280] =	vst v1;
	v1 =	vmul.f32 v3, v6  }
0x6c: {  	[tilespmem:s22+$0x280] =	vst v0;
	v0 =	vmul.f32 v2, v12  }
0x6d: {  	[tilespmem:s23+$0x280] =	vst v1  }
0x6e: {  	s18 =	simm.s32 $0x0;
	[tilespmem:s24+$0x280] =	vst v0  }
0x6f: {  	v4 =	vld [tilespmem:s18+$0xA3E0];
	_ =	sdelay $0x4  }
0x70: {  	[tilespmem:$0x1FCD0] =	vst v4;
	v4 =	vld [tilespmem:s18+$0xA3F0];
	_ =	sdelay $0x4  }
0x71: {  	[tilespmem:$0x1FCE0] =	vst v4;
	v4 =	vld [tilespmem:s18+$0xA400];
	_ =	sdelay $0x4  }
0x72: {  	[tilespmem:$0x1FCF0] =	vst v4;
	v4 =	vld [tilespmem:s18+$0xA410];
	_ =	sdelay $0x4  }
0x73: {  	[tilespmem:$0x1FD00] =	vst v4;
	v4 =	vld [tilespmem:s18+$0xA420];
	_ =	sdelay $0x4  }
0x74: {  	[tilespmem:$0x1FFF0] =	vst v4;
	v4 =	vld [tilespmem:s18+$0xA430];
	_ =	sdelay $0x4  }
0x75: {  	[tilespmem:$0x1FFE0] =	vst v4;
	v4 =	vld [tilespmem:s18+$0xA440];
	_ =	sdelay $0x4  }
0x76: {  	[tilespmem:$0x1FFD0] =	vst v4;
	v4 =	vld [tilespmem:s18+$0xA450];
	_ =	sdelay $0x4  }
0x77: {  	[tilespmem:$0x1FFB0] =	vst v4;
	v4 =	vld [tilespmem:s18+$0xA460];
	_ =	sdelay $0x4  }
0x78: {  	[tilespmem:$0x1FF90] =	vst v4;
	v4 =	vld [tilespmem:s18+$0xA470];
	_ =	sdelay $0x4  }
0x79: {  	[tilespmem:$0x1FF80] =	vst v4;
	v4 =	vld [tilespmem:s18+$0xA480];
	_ =	sdelay $0x4  }
0x7a: {  	[tilespmem:$0x1FF70] =	vst v4;
	v4 =	vld [tilespmem:s18+$0xA490];
	_ =	sdelay $0x4  }
0x7b: {  	[tilespmem:$0x1FF60] =	vst v4;
	v4 =	vld [tilespmem:s18+$0xA4A0];
	_ =	sdelay $0x4  }
0x7c: {  	[tilespmem:$0x1FF50] =	vst v4;
	v4 =	vld [tilespmem:s18+$0xA4B0];
	_ =	sdelay $0x4  }
0x7d: {  	[tilespmem:$0x1FF30] =	vst v4;
	v4 =	vld [tilespmem:s18+$0xA4C0];
	_ =	sdelay $0x4  }
0x7e: {  	[tilespmem:$0x1FF10] =	vst v4;
	v4 =	vld [tilespmem:s18+$0xA4D0];
	_ =	sdelay $0x4  }
0x7f: {  	[tilespmem:$0x1FF00] =	vst v4;
	v4 =	vld [tilespmem:s18+$0xA4E0];
	_ =	sdelay $0x4  }
0x80: {  	[tilespmem:$0x1FEF0] =	vst v4;
	v4 =	vld [tilespmem:s18+$0xA4F0];
	_ =	sdelay $0x4  }
0x81: {  	[tilespmem:$0x1FEE0] =	vst v4;
	v4 =	vld [tilespmem:s18+$0xA500];
	_ =	sdelay $0x4  }
0x82: {  	[tilespmem:$0x1FED0] =	vst v4;
	v4 =	vld [tilespmem:s18+$0xA510];
	_ =	sdelay $0x4  }
0x83: {  	[tilespmem:$0x1FEB0] =	vst v4;
	v4 =	vld [tilespmem:s18+$0xA520];
	_ =	sdelay $0x4  }
0x84: {  	[tilespmem:$0x1FE90] =	vst v4;
	v4 =	vld [tilespmem:s18+$0xA530];
	_ =	sdelay $0x4  }
0x85: {  	[tilespmem:$0x1FE80] =	vst v4;
	v4 =	vld [tilespmem:s18+$0xA540];
	_ =	sdelay $0x4  }
0x86: {  	[tilespmem:$0x1FE70] =	vst v4;
	v4 =	vld [tilespmem:s18+$0xA550];
	_ =	sdelay $0x4  }
0x87: {  	[tilespmem:$0x1FE60] =	vst v4;
	v4 =	vld [tilespmem:s18+$0xA560];
	_ =	sdelay $0x4  }
0x88: {  	[tilespmem:$0x1FE50] =	vst v4;
	v4 =	vld [tilespmem:s18+$0xA570];
	_ =	sdelay $0x4  }
0x89: {  	[tilespmem:$0x1FE30] =	vst v4;
	v4 =	vld [tilespmem:s18+$0xA580];
	_ =	sdelay $0x2  }
0x8a: {  	v0 =	vld [tilespmem:$0xF3C0]  }
0x8b: {  	v1 =	vld [tilespmem:$0xF3D0]  }
0x8c: {  	[tilespmem:$0x1FE10] =	vst v4;
	v4 =	vld [tilespmem:s18+$0xA590]  }
0x8d: {  	s31 =	simm.s32 $0x0;
	v2 =	vld [tilespmem:$0xF3E0]  }
0x8e: {  	s19 =	sand.u32 $0x3FFFFFF0, s31;
	v3 =	vld [tilespmem:$0xF3F0]  }
0x8f: {  	v8 =	vld [tilespmem:s19+$0x280]  }
0x90: {  	v50 =	vld [tilespmem:s18+$0xA650]  }
0x91: {  	[tilespmem:$0x1FE00] =	vst v4;
	v4 =	vld [tilespmem:s18+$0xA5A0]  }
0x92: {  	v52 =	vld [tilespmem:s18+$0xA660]  }
0x93: {  	v53 =	vld [tilespmem:s18+$0xA670]  }
0x94: {  	v55 =	vld [tilespmem:s18+$0xA680]  }
0x95: {  	v56 =	vld [tilespmem:s18+$0xA690]  }
0x96: {  	[tilespmem:$0x1FDF0] =	vst v4;
	v4 =	vld [tilespmem:s18+$0xA5B0]  }
0x97: {  	v57 =	vld [tilespmem:s18+$0xA6A0]  }
0x98: {  	v58 =	vld [tilespmem:s18+$0xA6B0]  }
0x99: {  	v59 =	vld [tilespmem:s18+$0xA6C0]  }
0x9a: {  	v60 =	vld [tilespmem:s18+$0xA6D0]  }
0x9b: {  	[tilespmem:$0x1FDE0] =	vst v4;
	v4 =	vld [tilespmem:s18+$0xA5C0]  }
0x9c: {  	v61 =	vld [tilespmem:s18+$0xA6E0]  }
0x9d: {  	v62 =	vld [tilespmem:s18+$0xA6F0]  }
0x9e: {  	v63 =	vld [tilespmem:s18+$0xA700]  }
0x9f: {  	v47 =	vld [tilespmem:s18+$0xA710]  }
0xa0: {  	[tilespmem:$0x1FDD0] =	vst v4;
	v4 =	vld [tilespmem:s18+$0xA5D0]  }
0xa1: {  	v46 =	vld [tilespmem:s18+$0xA720]  }
0xa2: {  	v45 =	vld [tilespmem:s18+$0xA730]  }
0xa3: {  	v44 =	vld [tilespmem:s18+$0xA740]  }
0xa4: {  	v43 =	vld [tilespmem:s18+$0xA750]  }
0xa5: {  	[tilespmem:$0x1FDB0] =	vst v4;
	v4 =	vld [tilespmem:s18+$0xA5E0]  }
0xa6: {  	v42 =	vld [tilespmem:s18+$0xA760]  }
0xa7: {  	v39 =	vld [tilespmem:s18+$0xA770]  }
0xa8: {  	v38 =	vld [tilespmem:s18+$0xA780]  }
0xa9: {  	v37 =	vld [tilespmem:s18+$0xA790]  }
0xaa: {  	[tilespmem:$0x1FD90] =	vst v4;
	v4 =	vld [tilespmem:s18+$0xA5F0]  }
0xab: {  	v36 =	vld [tilespmem:s18+$0xA7A0]  }
0xac: {  	v35 =	vld [tilespmem:s18+$0xA7B0]  }
0xad: {  	v51 =	vld [tilespmem:s18+$0x5600]  }
0xae: {  	v54 =	vld [tilespmem:s18+$0x5610]  }
0xaf: {  	[tilespmem:$0x1FD80] =	vst v4;
	v4 =	vld [tilespmem:s18+$0xA600]  }
0xb0: {  	v49 =	vld [tilespmem:s18+$0x5660]  }
0xb1: {  	v48 =	vld [tilespmem:s18+$0x5670]  }
0xb2: {  	v41 =	vld [tilespmem:s18+$0x56C0]  }
0xb3: {  	v40 =	vld [tilespmem:s18+$0x56D0]  }
0xb4: {  	[tilespmem:$0x1FD70] =	vst v4;
	v4 =	vld [tilespmem:s18+$0xA610]  }
0xb5: {  	v34 =	vld [tilespmem:s18+$0x5720]  }
0xb6: {  	v33 =	vld [tilespmem:s18+$0x5730]  }
0xb7: {  	v20 =	vld [tilespmem:s18+$0x5780]  }
0xb8: {  	v15 =	vld [tilespmem:s18+$0x5790]  }
0xb9: {  	[tilespmem:$0x1FD60] =	vst v4;
	v4 =	vld [tilespmem:s18+$0xA620]  }
0xba: {  	v10 =	vld [tilespmem:s18+$0x57A0]  }
0xbb: {  	v5 =	vld [tilespmem:s18+$0x57B0]  }
0xbc: {  	v6 =	vld [tilespmem:s18+$0x7A0]  }
0xbd: {  	v7 =	vld [tilespmem:s18+$0x790]  }
0xbe: {  	[tilespmem:$0x1FD50] =	vst v4;
	v4 =	vld [tilespmem:s18+$0xA630]  }
0xbf: {  	v9 =	vld [tilespmem:s18+$0x780]  }
0xc0: {  	v26 =	vld [tilespmem:s18+$0x5740]  }
0xc1: {  	v19 =	vld [tilespmem:s18+$0x5750]  }
0xc2: {  	v17 =	vld [tilespmem:s18+$0x5760]  }
0xc3: {  	[tilespmem:$0x1FD40] =	vst v4;
	v4 =	vld [tilespmem:s18+$0xA640]  }
0xc4: {  	v12 =	vld [tilespmem:s18+$0x5770]  }
0xc5: {  	v11 =	vld [tilespmem:s18+$0x770]  }
0xc6: {  	v13 =	vld [tilespmem:s18+$0x760]  }
0xc7: {  	v14 =	vld [tilespmem:s18+$0x750]  }
0xc8: {  	[tilespmem:$0x1FD30] =	vst v4;
	v4 =	vld [tilespmem:s18+$0x53C0]  }
0xc9: {  	v16 =	vld [tilespmem:s18+$0x740]  }
0xca: {  	v18 =	vld [tilespmem:s18+$0x730]  }
0xcb: {  	v21 =	vld [tilespmem:s18+$0x720]  }
0xcc: {  	v32 =	vld [tilespmem:s18+$0x56E0]  }
0xcd: {  	[tilespmem:$0x1FD10] =	vst v4;
	v4 =	vld [tilespmem:s18+$0x53D0]  }
0xce: {  	v30 =	vld [tilespmem:s18+$0x56F0]  }
0xcf: {  	v28 =	vld [tilespmem:s18+$0x5700]  }
0xd0: {  	v23 =	vld [tilespmem:s18+$0x5710]  }
0xd1: {  	v22 =	vld [tilespmem:s18+$0x710]  }
0xd2: {  	[tilespmem:$0x1FD20] =	vst v4;
	v4 =	vld [tilespmem:s18+$0x5420]  }
0xd3: {  	v24 =	vld [tilespmem:s18+$0x700]  }
0xd4: {  	v25 =	vld [tilespmem:s18+$0x6F0]  }
0xd5: {  	v27 =	vld [tilespmem:s18+$0x6E0]  }
0xd6: {  	v29 =	vld [tilespmem:s18+$0x6D0]  }
0xd7: {  	[tilespmem:$0x1FFC0] =	vst v4;
	v4 =	vld [tilespmem:s18+$0x5430]  }
0xd8: {  	v31 =	vld [tilespmem:s18+$0x6C0]  }
0xd9: {  	v6 =	vadd.f32 v10, v6;
	v10 =	vld [tilespmem:s18+$0x5690]  }
0xda: {  	v7 =	vadd.f32 v15, v7;
	v15 =	vld [tilespmem:s18+$0x56A0]  }
0xdb: {  	v9 =	vadd.f32 v20, v9;
	v20 =	vld [tilespmem:s18+$0x56B0]  }
0xdc: {  	[tilespmem:$0x1FFA0] =	vst v4;
	v4 =	vld [tilespmem:s18+$0x5480]  }
0xdd: {  	v11 =	vadd.f32 v12, v11;
	v12 =	vld [tilespmem:s18+$0x6B0]  }
0xde: {  	v13 =	vadd.f32 v17, v13;
	v17 =	vld [tilespmem:s18+$0x6A0]  }
0xdf: {  	v14 =	vadd.f32 v19, v14;
	v19 =	vld [tilespmem:s18+$0x690]  }
0xe0: {  	v16 =	vadd.f32 v26, v16;
	v26 =	vld [tilespmem:s18+$0x680]  }
0xe1: {  	[tilespmem:$0x1FF40] =	vst v4;
	v4 =	vld [tilespmem:s18+$0x5490]  }
0xe2: {  	v18 =	vadd.f32 v33, v18;
	v33 =	vld [tilespmem:s18+$0x670]  }
0xe3: {  	v21 =	vadd.f32 v34, v21;
	v34 =	vld [tilespmem:s18+$0x660]  }
0xe4: {  	v22 =	vadd.f32 v23, v22;
	v23 =	vld [tilespmem:s18+$0x5620]  }
0xe5: {  	v24 =	vadd.f32 v28, v24;
	v28 =	vld [tilespmem:s18+$0x5630]  }
0xe6: {  	[tilespmem:$0x1FF20] =	vst v4;
	v4 =	vld [tilespmem:s18+$0x54E0]  }
0xe7: {  	v31 =	vadd.f32 v41, v31;
	v41 =	vld [tilespmem:s18+$0x590]  }
0xe8: {  	v13 =	vadd.f32 v42, v13;
	v42 =	vld [tilespmem:s18+$0x5640]  }
0xe9: {  	v14 =	vadd.f32 v43, v14;
	v43 =	vld [tilespmem:s18+$0x5650]  }
0xea: {  	v18 =	vadd.f32 v45, v18;
	v45 =	vld [tilespmem:s18+$0x650]  }
0xeb: {  	[tilespmem:$0x1FEC0] =	vst v4;
	v4 =	vld [tilespmem:s18+$0x54F0]  }
0xec: {  	v27 =	vadd.f32 v32, v27;
	v21 =	vadd.f32 v46, v21;
	v46 =	vld [tilespmem:s18+$0x640]  }
0xed: {  	v22 =	vadd.f32 v47, v22;
	v47 =	vld [tilespmem:s18+$0x55F0]  }
0xee: {  	v27 =	vadd.f32 v61, v27;
	v61 =	vld [tilespmem:s18+$0x5C0]  }
0xef: {  	v7 =	vadd.f32 v37, v7;
	v37 =	vld [tilespmem:s18+$0x5B0]  }
0xf0: {  	[tilespmem:$0x1FEA0] =	vst v4;
	v4 =	vld [tilespmem:s18+$0x5540]  }
0xf1: {  	v12 =	vadd.f32 v20, v12;
	v20 =	vld [tilespmem:s18+$0x55C0]  }
0xf2: {  	v15 =	vadd.f32 v15, v17;
	v17 =	vld [tilespmem:s18+$0x55D0]  }
0xf3: {  	v10 =	vadd.f32 v10, v19;
	v19 =	vld [tilespmem:s18+$0x55E0]  }
0xf4: {  	v34 =	vadd.f32 v49, v34;
	v49 =	vld [tilespmem:s18+$0x620]  }
0xf5: {  	[tilespmem:$0x1FE40] =	vst v4;
	v4 =	vld [tilespmem:s18+$0x5550]  }
0xf6: {  	v33 =	vadd.f32 v48, v33;
	v48 =	vld [tilespmem:s18+$0x570]  }
0xf7: {  	v10 =	vadd.f32 v56, v10;
	v56 =	vld [tilespmem:s18+$0x5580]  }
0xf8: {  	v12 =	vadd.f32 v58, v12;
	v58 =	vld [tilespmem:s18+$0x5590]  }
0xf9: {  	v15 =	vadd.f32 v57, v15;
	v57 =	vld [tilespmem:s18+$0x600]  }
0xfa: {  	[tilespmem:$0x1FE20] =	vst v4;
	v4 =	vld [tilespmem:s18+$0x55A0]  }
0xfb: {  	v33 =	vadd.f32 v53, v33;
	v53 =	vld [tilespmem:s18+$0x540]  }
0xfc: {  	v20 =	vadd.f32 v20, v61;
	v61 =	vld [tilespmem:s18+$0x54B0]  }
0xfd: {  	v34 =	vadd.f32 v52, v34;
	v52 =	vadd.f32 v58, v41;
	v58 =	vld [tilespmem:s18+$0x520]  }
0xfe: {  	v11 =	vadd.f32 v39, v11;
	v39 =	vld [tilespmem:$0x1FE80]  }
0xff: {  	v29 =	vadd.f32 v40, v29;
	[tilespmem:$0x1FDC0] =	vst v4;
	v4 =	vld [tilespmem:s18+$0x55B0]  }
0x100: {  	v6 =	vadd.f32 v36, v6;
	v36 =	vld [tilespmem:$0x1FE70]  }
0x101: {  	v29 =	vadd.f32 v60, v29;
	v60 =	vadd.f32 v51, v57;
	v51 =	vld [tilespmem:$0x1FDF0]  }
0x102: {  	v23 =	vadd.f32 v23, v49;
	v49 =	vld [tilespmem:$0x1FDD0]  }
0x103: {  	v32 =	vadd.f32 v43, v45;
	v45 =	vld [tilespmem:$0x1FDB0]  }
0x104: {  	v25 =	vadd.f32 v30, v25;
	[tilespmem:$0x1FDA0] =	vst v4;
	v4 =	vld [tilespmem:s18+$0x7B0]  }
0x105: {  	v30 =	vadd.f32 v42, v46;
	v42 =	vld [tilespmem:$0x1FD90]  }
0x106: {  	v25 =	vadd.f32 v62, v25;
	v62 =	vld [tilespmem:$0x1FD50]  }
0x107: {  	v9 =	vadd.f32 v38, v9;
	v38 =	vld [tilespmem:$0x1FD80]  }
0x108: {  	v24 =	vadd.f32 v63, v24;
	v63 =	vld [tilespmem:$0x1FD60]  }
0x109: {  	v4 =	vadd.f32 v5, v4;
	v5 =	vld [tilespmem:s18+$0x5680]  }
0x10a: {  	v16 =	vadd.f32 v44, v16;
	v31 =	vadd.f32 v59, v31;
	v59 =	vld [tilespmem:$0x1FD40]  }
0x10b: {  	v44 =	vbroadcast v8, $0xF;
	v23 =	vadd.f32 v62, v23;
	v62 =	vld [tilespmem:$0x1FE50];
	v4 =	vadd.f32 v35, v4  }
0x10c: {  	v20 =	vadd.f32 v49, v20;
	v49 =	vld [tilespmem:$0x1FF20]  }
0x10d: {  	v41 =	vld [tilespmem:$0x1FEA0];
	v4 =	vmul.f32 v4, v44  }
0x10e: {  	v57 =	vld [tilespmem:$0x1FE20];
	v5 =	vadd.f32 v5, v26  }
0x10f: {  	v6 =	vmul.f32 v6, v44;
	v46 =	vld [tilespmem:$0x1FDC0];
	v4 =	vadd.f32 v4, v3  }
0x110: {  	v40 =	vbroadcast v8, $0xB;
	v43 =	vld [tilespmem:$0x1FDA0];
	v5 =	vadd.f32 v55, v5  }
0x111: {  	v6 =	vadd.f32 v6, v2;
	v35 =	vld [tilespmem:s18+$0x5560];
	[tilespmem:s18+$0x7B0] =	vst v4;
	v4 =	vmul.f32 v7, v44  }
0x112: {  	v9 =	vmul.f32 v9, v44;
	v44 =	vld [tilespmem:s18+$0x5520];
	v5 =	vmul.f32 v5, v40  }
0x113: {  	[tilespmem:s18+$0x7A0] =	vst v6;
	v6 =	vbroadcast v8, $0xE;
	v7 =	vld [tilespmem:s18+$0x630];
	v4 =	vadd.f32 v4, v1  }
0x114: {  	v55 =	vld [tilespmem:s18+$0x5570];
	v5 =	vadd.f32 v5, v0  }
0x115: {  	[tilespmem:s18+$0x790] =	vst v4;
	v4 =	vadd.f32 v9, v0;
	v9 =	vmul.f32 v11, v6;
	v11 =	vld [tilespmem:s18+$0x610]  }
0x116: {  	[tilespmem:s18+$0x680] =	vst v5;
	v5 =	vld [tilespmem:$0x1FE00]  }
0x117: {  	v13 =	vmul.f32 v13, v6;
	v26 =	vadd.f32 v44, v58;
	v44 =	vld [tilespmem:$0x1FED0]  }
0x118: {  	v7 =	vadd.f32 v28, v7;
	v58 =	vld [tilespmem:s18+$0x440];
	[tilespmem:s18+$0x780] =	vst v4;
	v4 =	vmul.f32 v14, v6;
	v9 =	vadd.f32 v9, v3  }
0x119: {  	v14 =	vbroadcast v8, $0xD;
	v6 =	vmul.f32 v16, v6;
	v16 =	vadd.f32 v50, v32;
	v50 =	vld [tilespmem:s18+$0x560]  }
0x11a: {  	v13 =	vadd.f32 v13, v2;
	v7 =	vadd.f32 v59, v7;
	v59 =	vld [tilespmem:$0x1FE30]  }
0x11b: {  	[tilespmem:s18+$0x770] =	vst v9;
	v9 =	vmul.f32 v18, v14;
	v18 =	vld [tilespmem:$0x1FD30]  }
0x11c: {  	[tilespmem:s18+$0x760] =	vst v13;
	v4 =	vadd.f32 v4, v1;
	v13 =	vmul.f32 v21, v14;
	v21 =	vld [tilespmem:s18+$0x5F0]  }
0x11d: {  	v11 =	vadd.f32 v54, v11;
	v54 =	vadd.f32 v55, v48;
	v55 =	vld [tilespmem:$0x1FE10]  }
0x11e: {  	v6 =	vadd.f32 v6, v0;
	v48 =	vld [tilespmem:$0x1FF10]  }
0x11f: {  	[tilespmem:s18+$0x750] =	vst v4;
	v4 =	vadd.f32 v9, v3;
	v9 =	vmul.f32 v22, v14;
	v22 =	vld [tilespmem:s18+$0x5E0]  }
0x120: {  	[tilespmem:s18+$0x740] =	vst v6;
	v6 =	vadd.f32 v13, v2;
	v13 =	vld [tilespmem:s18+$0x5D0]  }
0x121: {  	v14 =	vmul.f32 v24, v14;
	v24 =	vadd.f32 v43, v37;
	v37 =	vld [tilespmem:s18+$0x54C0]  }
0x122: {  	v43 =	vld [tilespmem:$0x1FEC0]  }
0x123: {  	v11 =	vadd.f32 v63, v11;
	v63 =	vld [tilespmem:$0x1FE60]  }
0x124: {  	[tilespmem:s18+$0x720] =	vst v6;
	v6 =	vld [tilespmem:$0x1FD70]  }
0x125: {  	[tilespmem:s18+$0x730] =	vst v4;
	v4 =	vadd.f32 v9, v1;
	v9 =	vbroadcast v8, $0xC;
	v28 =	vadd.f32 v59, v54;
	v54 =	vld [tilespmem:s18+$0x470]  }
0x126: {  	v21 =	vadd.f32 v47, v21;
	v47 =	vld [tilespmem:s18+$0x5530]  }
0x127: {  	v14 =	vadd.f32 v14, v0;
	[tilespmem:s18+$0x710] =	vst v4;
	v4 =	vmul.f32 v25, v9;
	v25 =	vld [tilespmem:s18+$0x5510]  }
0x128: {  	v19 =	vadd.f32 v19, v22;
	v22 =	vld [tilespmem:s18+$0x5500];
	v21 =	vadd.f32 v38, v21;
	v38 =	vbroadcast v8, $0x8  }
0x129: {  	v12 =	vmul.f32 v12, v40;
	[tilespmem:s18+$0x700] =	vst v14;
	v14 =	vmul.f32 v27, v9;
	v13 =	vadd.f32 v17, v13;
	v17 =	vld [tilespmem:s18+$0x5A0]  }
0x12a: {  	v4 =	vadd.f32 v4, v3;
	v6 =	vadd.f32 v6, v60;
	v60 =	vld [tilespmem:$0x1FE40];
	v21 =	vmul.f32 v21, v38  }
0x12b: {  	v14 =	vadd.f32 v14, v2;
	v19 =	vadd.f32 v42, v19;
	v20 =	vmul.f32 v20, v38;
	v42 =	vld [tilespmem:$0x1FEB0]  }
0x12c: {  	v13 =	vadd.f32 v45, v13;
	v45 =	vld [tilespmem:$0x1FEE0];
	[tilespmem:s18+$0x6F0] =	vst v4;
	v4 =	vmul.f32 v29, v9;
	v21 =	vadd.f32 v21, v3  }
0x12d: {  	v5 =	vadd.f32 v5, v52;
	v9 =	vmul.f32 v31, v9;
	[tilespmem:s18+$0x6E0] =	vst v14;
	v14 =	vld [tilespmem:s18+$0x580];
	v20 =	vadd.f32 v20, v0  }
0x12e: {  	v15 =	vmul.f32 v15, v40;
	v4 =	vadd.f32 v4, v1;
	v17 =	vadd.f32 v46, v17;
	v46 =	vld [tilespmem:s18+$0x5440];
	[tilespmem:s18+$0x5F0] =	vst v21  }
0x12f: {  	v18 =	vadd.f32 v18, v30;
	v13 =	vmul.f32 v13, v38;
	v9 =	vadd.f32 v9, v0;
	v21 =	vld [tilespmem:s18+$0x4B0];
	[tilespmem:s18+$0x5C0] =	vst v20  }
0x130: {  	v20 =	vld [tilespmem:s18+$0x480];
	[tilespmem:s18+$0x6D0] =	vst v4;
	v4 =	vmul.f32 v10, v40;
	v10 =	vadd.f32 v12, v3;
	v12 =	vbroadcast v8, $0xA  }
0x131: {  	v13 =	vadd.f32 v13, v1;
	[tilespmem:s18+$0x6C0] =	vst v9;
	v9 =	vadd.f32 v15, v2;
	v15 =	vld [tilespmem:$0x1FDE0]  }
0x132: {  	v17 =	vadd.f32 v51, v17;
	v51 =	vld [tilespmem:s18+$0x5470];
	[tilespmem:s18+$0x6B0] =	vst v10;
	v10 =	vmul.f32 v33, v12;
	v4 =	vadd.f32 v4, v1  }
0x133: {  	v19 =	vmul.f32 v19, v38;
	v27 =	vadd.f32 v60, v53;
	v40 =	vbroadcast v8, $0x7;
	v53 =	vld [tilespmem:$0x1FF40];
	[tilespmem:s18+$0x5D0] =	vst v13  }
0x134: {  	v14 =	vadd.f32 v56, v14;
	v56 =	vld [tilespmem:s18+$0x54A0];
	[tilespmem:s18+$0x690] =	vst v4;
	v4 =	vmul.f32 v34, v12;
	v10 =	vadd.f32 v10, v3  }
0x135: {  	v19 =	vadd.f32 v19, v2;
	v13 =	vld [tilespmem:s18+$0x490];
	[tilespmem:s18+$0x6A0] =	vst v9;
	v27 =	vadd.f32 v36, v27;
	v17 =	vmul.f32 v17, v40  }
0x136: {  	v9 =	vld [tilespmem:s18+$0x550];
	[tilespmem:s18+$0x670] =	vst v10;
	v4 =	vadd.f32 v4, v2;
	v10 =	vmul.f32 v16, v12;
	v12 =	vmul.f32 v18, v12  }
0x137: {  	[tilespmem:s18+$0x5E0] =	vst v19;
	v19 =	vld [tilespmem:s18+$0x4A0];
	v5 =	vmul.f32 v5, v40;
	v14 =	vadd.f32 v55, v14;
	v15 =	vadd.f32 v15, v24  }
0x138: {  	v55 =	vld [tilespmem:$0x1FF50];
	[tilespmem:s18+$0x660] =	vst v4;
	v4 =	vadd.f32 v10, v1;
	v10 =	vbroadcast v8, $0x9;
	v12 =	vadd.f32 v12, v0  }
0x139: {  	v5 =	vadd.f32 v5, v1;
	v14 =	vmul.f32 v14, v40;
	v16 =	vld [tilespmem:s18+$0x530];
	v15 =	vmul.f32 v15, v40  }
0x13a: {  	v18 =	vadd.f32 v35, v50;
	v13 =	vadd.f32 v49, v13;
	v23 =	vmul.f32 v23, v10;
	[tilespmem:s18+$0x640] =	vst v12;
	v12 =	vld [tilespmem:s18+$0x500]  }
0x13b: {  	v50 =	vld [tilespmem:$0x1FF30];
	[tilespmem:s18+$0x590] =	vst v5;
	v9 =	vadd.f32 v57, v9;
	v15 =	vadd.f32 v15, v3;
	v7 =	vmul.f32 v7, v10  }
0x13c: {  	[tilespmem:s18+$0x650] =	vst v4;
	v4 =	vld [tilespmem:s18+$0x510];
	v11 =	vmul.f32 v11, v10;
	v6 =	vmul.f32 v6, v10;
	v10 =	vadd.f32 v23, v2  }
0x13d: {  	v14 =	vadd.f32 v14, v0;
	[tilespmem:s18+$0x5B0] =	vst v15;
	v15 =	vadd.f32 v17, v2;
	v23 =	vld [tilespmem:s18+$0x54D0]  }
0x13e: {  	v18 =	vadd.f32 v62, v18;
	v11 =	vadd.f32 v11, v1;
	[tilespmem:s18+$0x620] =	vst v10;
	v10 =	vld [tilespmem:s18+$0x4E0]  }
0x13f: {  	v6 =	vadd.f32 v6, v0;
	[tilespmem:s18+$0x5A0] =	vst v15;
	v15 =	vbroadcast v8, $0x6;
	v12 =	vadd.f32 v22, v12;
	v22 =	vld [tilespmem:$0x1FE90]  }
0x140: {  	v5 =	vbroadcast v8, $0x5;
	v9 =	vadd.f32 v63, v9;
	v16 =	vadd.f32 v47, v16;
	[tilespmem:s18+$0x610] =	vst v11;
	v11 =	vld [tilespmem:s18+$0x4D0]  }
0x141: {  	v7 =	vadd.f32 v7, v3;
	[tilespmem:s18+$0x600] =	vst v6;
	v6 =	vld [tilespmem:s18+$0x4C0];
	v4 =	vadd.f32 v25, v4;
	v52 =	vmul.f32 v28, v15  }
0x142: {  	v17 =	vld [tilespmem:$0x1FF00];
	v16 =	vadd.f32 v39, v16;
	v18 =	vmul.f32 v18, v15;
	v9 =	vmul.f32 v9, v15  }
0x143: {  	v57 =	vld [tilespmem:$0x1FF70];
	v15 =	vmul.f32 v27, v15;
	v4 =	vadd.f32 v42, v4;
	v12 =	vadd.f32 v44, v12  }
0x144: {  	[tilespmem:s18+$0x580] =	vst v14;
	v47 =	vld [tilespmem:$0x1FEF0];
	v14 =	vadd.f32 v18, v2;
	v22 =	vadd.f32 v22, v26  }
0x145: {  	[tilespmem:s18+$0x630] =	vst v7;
	v7 =	vld [tilespmem:s18+$0x4F0];
	v16 =	vmul.f32 v16, v5;
	v15 =	vadd.f32 v15, v0;
	v11 =	vadd.f32 v23, v11  }
0x146: {  	v18 =	vld [tilespmem:$0x1FF60];
	v10 =	vadd.f32 v43, v10;
	v6 =	vadd.f32 v37, v6;
	v22 =	vmul.f32 v22, v5  }
0x147: {  	v4 =	vmul.f32 v4, v5;
	v11 =	vadd.f32 v17, v11;
	v17 =	vadd.f32 v56, v19;
	v19 =	vld [tilespmem:s18+$0x5460]  }
0x148: {  	[tilespmem:s18+$0x540] =	vst v15;
	v15 =	vbroadcast v8, $0x4;
	v6 =	vadd.f32 v48, v6;
	v56 =	vld [tilespmem:s18+$0x460];
	v22 =	vadd.f32 v22, v2  }
0x149: {  	v23 =	vld [tilespmem:s18+$0x5450];
	v12 =	vmul.f32 v12, v5;
	v10 =	vadd.f32 v47, v10;
	v4 =	vadd.f32 v4, v1  }
0x14a: {  	v9 =	vadd.f32 v9, v1;
	v7 =	vadd.f32 v41, v7;
	[tilespmem:s18+$0x520] =	vst v22;
	v22 =	vmul.f32 v6, v15;
	v6 =	vld [tilespmem:$0x1FF90]  }
0x14b: {  	v13 =	vadd.f32 v18, v13;
	v18 =	vld [tilespmem:s18+$0x450];
	v10 =	vmul.f32 v10, v15;
	[tilespmem:s18+$0x510] =	vst v4;
	v4 =	vadd.f32 v12, v0  }
0x14c: {  	[tilespmem:s18+$0x550] =	vst v9;
	v9 =	vadd.f32 v16, v3;
	v7 =	vadd.f32 v45, v7;
	v5 =	vld [tilespmem:$0x1FF80]  }
0x14d: {  	[tilespmem:s18+$0x500] =	vst v4;
	v4 =	vadd.f32 v10, v2;
	v10 =	vld [tilespmem:$0x1FFC0];
	v16 =	vadd.f32 v19, v56  }
0x14e: {  	v21 =	vadd.f32 v61, v21;
	v19 =	vld [tilespmem:s18+$0x430]  }
0x14f: {  	v7 =	vmul.f32 v7, v15;
	v11 =	vmul.f32 v11, v15;
	v15 =	vadd.f32 v6, v16;
	v6 =	vld [tilespmem:$0x1FFA0]  }
0x150: {  	v20 =	vadd.f32 v53, v20;
	[tilespmem:s18+$0x530] =	vst v9;
	v9 =	vadd.f32 v23, v18;
	v18 =	vld [tilespmem:s18+$0x420]  }
0x151: {  	v59 =	vadd.f32 v46, v58;
	v21 =	vadd.f32 v50, v21;
	[tilespmem:s18+$0x560] =	vst v14  }
0x152: {  	v20 =	vadd.f32 v57, v20;
	v14 =	vadd.f32 v51, v54;
	[tilespmem:s18+$0x4E0] =	vst v4;
	v4 =	vld [tilespmem:$0x1FFE0]  }
0x153: {  	v17 =	vadd.f32 v55, v17;
	v12 =	vadd.f32 v7, v3;
	v7 =	vld [tilespmem:$0x1FFB0];
	v23 =	vbroadcast v8, $0x3  }
0x154: {  	v14 =	vadd.f32 v5, v14;
	v5 =	vld [tilespmem:s18+$0x53E0];
	v16 =	vadd.f32 v6, v19  }
0x155: {  	v19 =	vmul.f32 v21, v23;
	v21 =	vmul.f32 v13, v23;
	v13 =	vadd.f32 v10, v18;
	v10 =	vld [tilespmem:$0x1FFD0]  }
0x156: {  	v25 =	vadd.f32 v52, v3;
	v11 =	vadd.f32 v11, v1;
	[tilespmem:s18+$0x4F0] =	vst v12;
	v12 =	vld [tilespmem:s18+$0x410]  }
0x157: {  	v17 =	vmul.f32 v17, v23;
	v18 =	vbroadcast v8, $0x2;
	v60 =	vadd.f32 v4, v16;
	v4 =	vld [tilespmem:$0x1FFF0]  }
0x158: {  	v63 =	vbroadcast v8, $0x1;
	v22 =	vadd.f32 v22, v0;
	v9 =	vadd.f32 v7, v9;
	v7 =	vld [tilespmem:s18+$0x5400]  }
0x159: {  	v20 =	vmul.f32 v20, v23;
	v17 =	vadd.f32 v17, v2;
	v6 =	vld [tilespmem:s18+$0x53F0];
	v15 =	vmul.f32 v15, v18  }
0x15a: {  	[tilespmem:s18+$0x570] =	vst v25;
	v19 =	vadd.f32 v19, v3;
	v61 =	vmul.f32 v14, v18;
	v16 =	vld [tilespmem:s18+$0x3F0];
	v23 =	vadd.f32 v10, v59  }
0x15b: {  	[tilespmem:s18+$0x4D0] =	vst v11;
	v62 =	vmul.f32 v9, v18;
	v9 =	vadd.f32 v21, v1;
	v14 =	vld [tilespmem:s18+$0x3E0];
	v15 =	vadd.f32 v15, v2  }
0x15c: {  	[tilespmem:s18+$0x4B0] =	vst v19;
	v19 =	vadd.f32 v61, v3;
	v10 =	vld [tilespmem:s18+$0x5410];
	v11 =	vadd.f32 v4, v13;
	v23 =	vmul.f32 v23, v18  }
0x15d: {  	[tilespmem:s18+$0x4A0] =	vst v17;
	v17 =	vadd.f32 v62, v1;
	v13 =	vld [tilespmem:s18+$0x400];
	v4 =	vadd.f32 v20, v0  }
0x15e: {  	s19 =	simm.s32 $0x1;
	[tilespmem:s18+$0x4C0] =	vst v22;
	v20 =	vmul.f32 v60, v63;
	v18 =	vld [tilespmem:s18+$0x3D0];
	v21 =	vmul.f32 v11, v63;
	v11 =	vadd.f32 v23, v0  }
.LBB2_4:
0x15f: {  	_ =	sdelay $0x1  }
0x160: {  	v6 =	vadd.f32 v6, v16;
	v16 =	vld [tilespmem:$0x1FD00];
	_ =	sdelay $0x1  }
0x161: {  	[tilespmem:s18+$0x490] =	vst v9  }
0x162: {  	[tilespmem:s18+$0x480] =	vst v4;
	v10 =	vadd.f32 v10, v12  }
0x163: {  	s20 =	sshll.u32 s19, $0xA;
	[tilespmem:s18+$0x470] =	vst v19  }
0x164: {  	v10 =	vadd.f32 v16, v10;
	v16 =	vld [tilespmem:s20+$0xA3E0]  }
0x165: {  	[tilespmem:s18+$0x460] =	vst v15;
	v15 =	vld [tilespmem:$0x1FCE0];
	_ =	sdelay $0x3  }
0x166: {  	v5 =	vadd.f32 v5, v14;
	v14 =	vld [tilespmem:$0x1FCF0]  }
0x167: {  	v6 =	vadd.f32 v15, v6;
	v15 =	vld [tilespmem:s20+$0xA3F0];
	_ =	sdelay $0x2  }
0x168: {  	v7 =	vadd.f32 v7, v13  }
0x169: {  	[tilespmem:s18+$0x450] =	vst v17  }
0x16a: {  	v7 =	vadd.f32 v14, v7;
	v14 =	vld [tilespmem:$0x1FD20];
	[tilespmem:$0x1FCE0] =	vst v15  }
0x16b: {  	v15 =	vld [tilespmem:s20+$0xA400];
	[tilespmem:s18+$0x440] =	vst v11  }
0x16c: {  	v11 =	vld [tilespmem:s20+$0xA410]  }
0x16d: {  	v9 =	vld [tilespmem:s18+$0xA3D0]  }
0x16e: {  	v12 =	vadd.f32 v20, v3;
	v10 =	vmul.f32 v10, v63  }
0x16f: {  	v17 =	vld [tilespmem:$0x1FCD0]  }
0x170: {  	v14 =	vadd.f32 v14, v18;
	[tilespmem:s18+$0x430] =	vst v12  }
0x171: {  	[tilespmem:$0x1FD00] =	vst v11;
	v11 =	vld [tilespmem:s20+$0xA420]  }
0x172: {  	v9 =	vadd.f32 v9, v14;
	v14 =	vadd.f32 v10, v1;
	v10 =	vmov v16  }
0x173: {  	v8 =	vbroadcast v8, $0x0;
	v13 =	vadd.f32 v21, v2;
	[tilespmem:$0x1FCD0] =	vst v10  }
0x174: {  	v22 =	vld [tilespmem:s18+$0x3C0];
	v7 =	vmul.f32 v7, v63;
	v5 =	vadd.f32 v17, v5;
	[tilespmem:$0x1FCF0] =	vst v15  }
0x175: {  	v6 =	vmul.f32 v6, v8;
	v15 =	vld [tilespmem:$0x1FD10];
	[tilespmem:s18+$0x420] =	vst v13  }
0x176: {  	v4 =	vld [tilespmem:s18+$0xA3C0];
	v7 =	vadd.f32 v7, v0;
	v5 =	vmul.f32 v5, v8;
	[tilespmem:$0x1FCC0] =	vst v11  }
0x177: {  	v6 =	vadd.f32 v6, v3;
	v11 =	vld [tilespmem:s20+$0xA430];
	[tilespmem:s18+$0x410] =	vst v14  }
0x178: {  	v5 =	vadd.f32 v5, v2;
	v10 =	vld [tilespmem:s20+$0xA440];
	[tilespmem:s18+$0x400] =	vst v7  }
0x179: {  	v7 =	vld [tilespmem:s20+$0xA450];
	[tilespmem:s18+$0x3F0] =	vst v6  }
0x17a: {  	v15 =	vadd.f32 v15, v22;
	v6 =	vld [tilespmem:s20+$0xA460];
	[tilespmem:s18+$0x3E0] =	vst v5  }
0x17b: {  	v5 =	vld [tilespmem:s20+$0xA470]  }
0x17c: {  	v4 =	vadd.f32 v4, v15  }
0x17d: {  	v9 =	vmul.f32 v9, v8  }
0x17e: {  	v4 =	vmul.f32 v4, v8  }
0x17f: {  	[tilespmem:$0x1FC80] =	vst v7;
	v7 =	vadd.f32 v9, v1  }
0x180: {  	v4 =	vadd.f32 v4, v0;
	[tilespmem:$0x1FC50] =	vst v5  }
0x181: {  	s21 =	sshll.u32 s19, $0x4;
	[tilespmem:s18+$0x3D0] =	vst v7  }
0x182: {  	s21 =	sand.u32 $0x3FFFFFF0, s21;
	v5 =	vld [tilespmem:s20+$0xA480];
	[tilespmem:s18+$0x3C0] =	vst v4  }
0x183: {  	s18 =	smov.u32 s20;
	v8 =	vld [tilespmem:s21+$0x280]  }
0x184: {  	v4 =	vld [tilespmem:s18+$0xA490]  }
0x185: {  	[tilespmem:$0x1FC60] =	vst v6;
	v6 =	vld [tilespmem:s18+$0xA550]  }
0x186: {  	v42 =	vld [tilespmem:s18+$0xA640]  }
0x187: {  	v34 =	vld [tilespmem:s18+$0xA650]  }
0x188: {  	v16 =	vld [tilespmem:s18+$0xA660]  }
0x189: {  	v18 =	vld [tilespmem:s18+$0xA670]  }
0x18a: {  	v12 =	vld [tilespmem:s18+$0xA680]  }
0x18b: {  	v7 =	vld [tilespmem:s18+$0xA690]  }
0x18c: {  	v9 =	vld [tilespmem:s18+$0xA6A0]  }
0x18d: {  	v19 =	vld [tilespmem:s18+$0xA6B0]  }
0x18e: {  	v25 =	vld [tilespmem:s18+$0xA6C0]  }
0x18f: {  	v27 =	vld [tilespmem:s18+$0xA6D0]  }
0x190: {  	v31 =	vld [tilespmem:s18+$0xA6E0]  }
0x191: {  	[tilespmem:$0x1FCA0] =	vst v10;
	v10 =	vld [tilespmem:s18+$0xA6F0]  }
0x192: {  	[tilespmem:$0x1FCB0] =	vst v11;
	v11 =	vld [tilespmem:s18+$0xA700]  }
0x193: {  	v40 =	vld [tilespmem:s18+$0xA710]  }
0x194: {  	v33 =	vld [tilespmem:s18+$0xA720]  }
0x195: {  	[tilespmem:$0x1FB30] =	vst v6;
	v6 =	vld [tilespmem:s18+$0xA560]  }
0x196: {  	v38 =	vld [tilespmem:s18+$0xA730]  }
0x197: {  	v39 =	vld [tilespmem:s18+$0xA740]  }
0x198: {  	v41 =	vld [tilespmem:s18+$0xA750]  }
0x199: {  	v43 =	vld [tilespmem:s18+$0xA760]  }
0x19a: {  	[tilespmem:$0x1FB20] =	vst v6;
	v6 =	vld [tilespmem:s18+$0xA570]  }
0x19b: {  	v44 =	vld [tilespmem:s18+$0xA770]  }
0x19c: {  	v26 =	vld [tilespmem:s18+$0xA780]  }
0x19d: {  	v29 =	vld [tilespmem:s18+$0xA790]  }
0x19e: {  	v30 =	vld [tilespmem:s18+$0xA7A0]  }
0x19f: {  	[tilespmem:$0x1FB00] =	vst v6;
	v6 =	vld [tilespmem:s18+$0xA580]  }
0x1a0: {  	v32 =	vld [tilespmem:s18+$0xA7B0]  }
0x1a1: {  	v13 =	vld [tilespmem:s18+$0x55A0]  }
0x1a2: {  	v14 =	vld [tilespmem:s18+$0x55B0]  }
0x1a3: {  	v21 =	vld [tilespmem:s18+$0x5600]  }
0x1a4: {  	[tilespmem:$0x1FAE0] =	vst v6;
	v6 =	vld [tilespmem:s18+$0xA590]  }
0x1a5: {  	v22 =	vld [tilespmem:s18+$0x5610]  }
0x1a6: {  	v35 =	vld [tilespmem:s18+$0x5660]  }
0x1a7: {  	v45 =	vld [tilespmem:s18+$0x56C0]  }
0x1a8: {  	v47 =	vld [tilespmem:s18+$0x56D0]  }
0x1a9: {  	[tilespmem:$0x1FAD0] =	vst v6;
	v6 =	vld [tilespmem:s18+$0xA5A0]  }
0x1aa: {  	v48 =	vld [tilespmem:s18+$0x5720]  }
0x1ab: {  	[tilespmem:$0x1FC30] =	vst v4;
	v4 =	vld [tilespmem:s18+$0xA4A0]  }
0x1ac: {  	v49 =	vld [tilespmem:s18+$0x5730]  }
0x1ad: {  	v50 =	vld [tilespmem:s18+$0x5780]  }
0x1ae: {  	[tilespmem:$0x1FAC0] =	vst v6;
	v6 =	vld [tilespmem:s18+$0xA5B0]  }
0x1af: {  	v51 =	vld [tilespmem:s18+$0x5790]  }
0x1b0: {  	[tilespmem:$0x1FC20] =	vst v4;
	v4 =	vld [tilespmem:s18+$0xA4B0]  }
0x1b1: {  	v53 =	vld [tilespmem:s18+$0x57A0]  }
0x1b2: {  	v54 =	vld [tilespmem:s18+$0x57B0]  }
0x1b3: {  	[tilespmem:$0x1FAB0] =	vst v6;
	v6 =	vld [tilespmem:s18+$0xA5C0]  }
0x1b4: {  	v56 =	vld [tilespmem:s18+$0x7B0]  }
0x1b5: {  	[tilespmem:$0x1FC00] =	vst v4;
	v4 =	vld [tilespmem:s18+$0xA4C0]  }
0x1b6: {  	v57 =	vld [tilespmem:s18+$0x7A0]  }
0x1b7: {  	v58 =	vld [tilespmem:s18+$0x790]  }
0x1b8: {  	[tilespmem:$0x1FAA0] =	vst v6;
	v6 =	vld [tilespmem:s18+$0xA5D0]  }
0x1b9: {  	v59 =	vld [tilespmem:s18+$0x780]  }
0x1ba: {  	[tilespmem:$0x1FBE0] =	vst v4;
	v4 =	vld [tilespmem:s18+$0xA4D0]  }
0x1bb: {  	v60 =	vld [tilespmem:s18+$0x5740]  }
0x1bc: {  	v62 =	vld [tilespmem:s18+$0x5750]  }
0x1bd: {  	[tilespmem:$0x1FA90] =	vst v6;
	v6 =	vld [tilespmem:s18+$0xA5E0]  }
0x1be: {  	v54 =	vadd.f32 v54, v56;
	v56 =	vld [tilespmem:s18+$0x5760]  }
0x1bf: {  	[tilespmem:$0x1FBD0] =	vst v4;
	v4 =	vld [tilespmem:s18+$0xA4E0]  }
0x1c0: {  	v53 =	vadd.f32 v53, v57;
	v57 =	vld [tilespmem:s18+$0x5770]  }
0x1c1: {  	v51 =	vadd.f32 v51, v58;
	v58 =	vld [tilespmem:s18+$0x730]  }
0x1c2: {  	[tilespmem:$0x1FA80] =	vst v6;
	v6 =	vld [tilespmem:s18+$0xA5F0]  }
0x1c3: {  	v50 =	vadd.f32 v50, v59;
	v59 =	vld [tilespmem:s18+$0x720]  }
0x1c4: {  	[tilespmem:$0x1FBC0] =	vst v4;
	v4 =	vld [tilespmem:s18+$0xA4F0]  }
0x1c5: {  	v32 =	vadd.f32 v32, v54;
	v54 =	vld [tilespmem:s18+$0x770]  }
0x1c6: {  	v30 =	vadd.f32 v30, v53;
	v53 =	vld [tilespmem:s18+$0x760]  }
0x1c7: {  	[tilespmem:$0x1FA70] =	vst v6;
	v6 =	vld [tilespmem:s18+$0xA600]  }
0x1c8: {  	v29 =	vadd.f32 v29, v51;
	v51 =	vld [tilespmem:s18+$0x750]  }
0x1c9: {  	[tilespmem:$0x1FBB0] =	vst v4;
	v4 =	vld [tilespmem:s18+$0xA500]  }
0x1ca: {  	v26 =	vadd.f32 v26, v50;
	v50 =	vld [tilespmem:s18+$0x740]  }
0x1cb: {  	v59 =	vadd.f32 v48, v59;
	v48 =	vld [tilespmem:s18+$0x700]  }
0x1cc: {  	[tilespmem:$0x1FA60] =	vst v6;
	v6 =	vld [tilespmem:s18+$0xA610]  }
0x1cd: {  	v49 =	vadd.f32 v49, v58;
	v58 =	vld [tilespmem:s18+$0x6E0]  }
0x1ce: {  	[tilespmem:$0x1FBA0] =	vst v4;
	v4 =	vld [tilespmem:s18+$0xA510]  }
0x1cf: {  	v54 =	vadd.f32 v57, v54;
	v57 =	vld [tilespmem:s18+$0x56E0]  }
0x1d0: {  	v53 =	vadd.f32 v56, v53;
	v56 =	vld [tilespmem:s18+$0x56F0]  }
0x1d1: {  	[tilespmem:$0x1FA50] =	vst v6;
	v6 =	vld [tilespmem:s18+$0xA620]  }
0x1d2: {  	v38 =	vadd.f32 v38, v49;
	v49 =	vld [tilespmem:s18+$0x6F0]  }
0x1d3: {  	[tilespmem:$0x1FB80] =	vst v4;
	v4 =	vld [tilespmem:s18+$0xA520]  }
0x1d4: {  	v43 =	vadd.f32 v43, v53;
	v53 =	vld [tilespmem:s18+$0x5710]  }
0x1d5: {  	[tilespmem:$0x1FC40] =	vst v5;
	v5 =	vbroadcast v8, $0xD;
	v44 =	vadd.f32 v44, v54;
	v54 =	vld [tilespmem:s18+$0x710]  }
0x1d6: {  	v24 =	vbroadcast v8, $0xE;
	v50 =	vadd.f32 v60, v50;
	[tilespmem:$0x1FA40] =	vst v6;
	v6 =	vld [tilespmem:s18+$0xA630]  }
0x1d7: {  	v33 =	vadd.f32 v33, v59;
	v59 =	vmul.f32 v38, v5;
	v49 =	vadd.f32 v56, v49;
	v56 =	vld [tilespmem:s18+$0x680]  }
0x1d8: {  	v39 =	vadd.f32 v39, v50;
	v43 =	vmul.f32 v43, v24;
	[tilespmem:$0x1FB60] =	vst v4;
	v4 =	vld [tilespmem:s18+$0xA530]  }
0x1d9: {  	v60 =	vmul.f32 v33, v5;
	v33 =	vadd.f32 v59, v3;
	v59 =	vadd.f32 v57, v58;
	v58 =	vld [tilespmem:s18+$0x670]  }
0x1da: {  	v50 =	vmul.f32 v39, v24;
	v39 =	vadd.f32 v43, v2;
	v43 =	vld [tilespmem:s18+$0x6D0]  }
0x1db: {  	[tilespmem:$0x1FA30] =	vst v6;
	v6 =	vld [tilespmem:s18+$0x53C0]  }
0x1dc: {  	v53 =	vadd.f32 v53, v54;
	v54 =	vld [tilespmem:s18+$0x5680]  }
0x1dd: {  	[tilespmem:$0x1FB50] =	vst v4;
	v4 =	vld [tilespmem:s18+$0xA540]  }
0x1de: {  	v10 =	vadd.f32 v10, v49;
	v49 =	vld [tilespmem:s18+$0x6A0]  }
0x1df: {  	v40 =	vadd.f32 v40, v53;
	v53 =	vld [tilespmem:s18+$0x600]  }
0x1e0: {  	[tilespmem:$0x1FD10] =	vst v6;
	v6 =	vld [tilespmem:s18+$0x53D0]  }
0x1e1: {  	v31 =	vadd.f32 v31, v59;
	v59 =	vld [tilespmem:s18+$0x660];
	v43 =	vadd.f32 v47, v43  }
0x1e2: {  	v47 =	vld [tilespmem:s18+$0x5620];
	[tilespmem:$0x1FB40] =	vst v4;
	v4 =	vbroadcast v8, $0xF  }
0x1e3: {  	v27 =	vadd.f32 v27, v43;
	v43 =	vld [tilespmem:s18+$0x5640]  }
0x1e4: {  	v21 =	vadd.f32 v21, v53;
	v53 =	vld [tilespmem:$0x1FA70];
	v30 =	vmul.f32 v30, v4;
	v32 =	vmul.f32 v32, v4  }
0x1e5: {  	v29 =	vmul.f32 v29, v4;
	v4 =	vmul.f32 v26, v4;
	[tilespmem:$0x1FD20] =	vst v6;
	v6 =	vld [tilespmem:s18+$0x5420]  }
0x1e6: {  	[tilespmem:s18+$0x760] =	vst v39;
	v39 =	vld [tilespmem:s18+$0x54C0]  }
0x1e7: {  	v44 =	vmul.f32 v44, v24;
	v26 =	vadd.f32 v4, v0;
	v4 =	vadd.f32 v62, v51;
	v51 =	vld [tilespmem:s18+$0x5700]  }
0x1e8: {  	v56 =	vadd.f32 v54, v56;
	v62 =	vld [tilespmem:s18+$0x6C0]  }
0x1e9: {  	v4 =	vadd.f32 v41, v4;
	v41 =	vadd.f32 v44, v3;
	v44 =	vld [tilespmem:s18+$0x5690]  }
0x1ea: {  	v32 =	vadd.f32 v32, v3;
	[tilespmem:$0x1FC90] =	vst v6;
	v6 =	vld [tilespmem:s18+$0x5430]  }
0x1eb: {  	v12 =	vadd.f32 v12, v56;
	v30 =	vadd.f32 v30, v2;
	v56 =	vld [tilespmem:$0x1FA50]  }
0x1ec: {  	[tilespmem:s18+$0x7B0] =	vst v32;
	v32 =	vld [tilespmem:s18+$0x5560]  }
0x1ed: {  	[tilespmem:s18+$0x7A0] =	vst v30;
	v30 =	vld [tilespmem:s18+$0x5570]  }
0x1ee: {  	v24 =	vmul.f32 v4, v24;
	v4 =	vadd.f32 v50, v0;
	v50 =	vld [tilespmem:s18+$0x550]  }
0x1ef: {  	[tilespmem:$0x1FC70] =	vst v6;
	v6 =	vld [tilespmem:s18+$0x5480]  }
0x1f0: {  	[tilespmem:s18+$0x770] =	vst v41;
	v41 =	vld [tilespmem:$0x1FB60]  }
0x1f1: {  	v48 =	vadd.f32 v51, v48;
	v51 =	vld [tilespmem:s18+$0x56A0]  }
0x1f2: {  	v38 =	vadd.f32 v24, v1;
	v24 =	vadd.f32 v60, v2;
	v60 =	vld [tilespmem:s18+$0x6B0]  }
0x1f3: {  	[tilespmem:s18+$0x740] =	vst v4;
	v4 =	vld [tilespmem:s18+$0x560];
	v11 =	vadd.f32 v11, v48  }
0x1f4: {  	v15 =	vbroadcast v8, $0xC;
	v45 =	vadd.f32 v45, v62;
	[tilespmem:$0x1FC10] =	vst v6;
	v6 =	vld [tilespmem:s18+$0x5490]  }
0x1f5: {  	v48 =	vld [tilespmem:s18+$0x56B0];
	v11 =	vmul.f32 v11, v5  }
0x1f6: {  	v31 =	vmul.f32 v31, v15;
	v62 =	vadd.f32 v25, v45;
	v45 =	vld [tilespmem:s18+$0x55C0]  }
0x1f7: {  	[tilespmem:s18+$0x750] =	vst v38;
	v38 =	vld [tilespmem:$0x1FB50];
	v25 =	vadd.f32 v11, v0  }
0x1f8: {  	v5 =	vmul.f32 v40, v5;
	v11 =	vadd.f32 v31, v2;
	v31 =	vadd.f32 v35, v59;
	v59 =	vld [tilespmem:s18+$0x640]  }
0x1f9: {  	v57 =	vmul.f32 v27, v15;
	[tilespmem:$0x1FBF0] =	vst v6;
	v6 =	vld [tilespmem:s18+$0x54E0]  }
0x1fa: {  	v40 =	vld [tilespmem:s18+$0x690];
	v27 =	vadd.f32 v5, v1;
	v5 =	vmul.f32 v62, v15;
	v62 =	vadd.f32 v51, v49  }
0x1fb: {  	v10 =	vmul.f32 v10, v15;
	v49 =	vld [tilespmem:s18+$0x5630]  }
0x1fc: {  	v9 =	vadd.f32 v9, v62;
	v62 =	vld [tilespmem:s18+$0x620]  }
0x1fd: {  	v15 =	vadd.f32 v10, v3;
	v10 =	vadd.f32 v57, v1;
	v57 =	vld [tilespmem:s18+$0x5650]  }
0x1fe: {  	v35 =	vadd.f32 v43, v59;
	[tilespmem:$0x1FB90] =	vst v6;
	v6 =	vld [tilespmem:s18+$0x54F0]  }
0x1ff: {  	v51 =	vld [tilespmem:s18+$0x540]  }
0x200: {  	v35 =	vadd.f32 v42, v35;
	v42 =	vld [tilespmem:s18+$0x55F0]  }
0x201: {  	v54 =	vadd.f32 v47, v62;
	v47 =	vld [tilespmem:s18+$0x5F0]  }
0x202: {  	v60 =	vadd.f32 v48, v60;
	v62 =	vld [tilespmem:s18+$0x5A0]  }
0x203: {  	[tilespmem:$0x1FB70] =	vst v6;
	v6 =	vld [tilespmem:s18+$0x5540]  }
0x204: {  	v55 =	vbroadcast v8, $0xA;
	v48 =	vld [tilespmem:s18+$0x570];
	v19 =	vadd.f32 v19, v60;
	v60 =	vadd.f32 v16, v31  }
0x205: {  	v43 =	vld [tilespmem:s18+$0x55D0]  }
0x206: {  	v40 =	vadd.f32 v44, v40;
	v44 =	vmul.f32 v60, v55;
	v60 =	vld [tilespmem:s18+$0x5C0]  }
0x207: {  	v13 =	vadd.f32 v13, v62;
	v62 =	vld [tilespmem:$0x1FAB0]  }
0x208: {  	v42 =	vadd.f32 v42, v47;
	[tilespmem:$0x1FB10] =	vst v6;
	v6 =	vld [tilespmem:s18+$0x5550]  }
0x209: {  	v47 =	vld [tilespmem:s18+$0x4D0]  }
0x20a: {  	v42 =	vadd.f32 v53, v42;
	v53 =	vld [tilespmem:s18+$0x5510]  }
0x20b: {  	v61 =	vbroadcast v8, $0xB;
	[tilespmem:s18+$0x6F0] =	vst v15;
	v15 =	vld [tilespmem:s18+$0x5520]  }
0x20c: {  	[tilespmem:s18+$0x6E0] =	vst v11;
	v11 =	vld [tilespmem:s18+$0x5530]  }
0x20d: {  	v9 =	vmul.f32 v9, v61;
	[tilespmem:$0x1FAF0] =	vst v6;
	v6 =	vld [tilespmem:s18+$0x5670]  }
0x20e: {  	v5 =	vadd.f32 v5, v0;
	v30 =	vadd.f32 v30, v48;
	v48 =	vld [tilespmem:$0x1FB90]  }
0x20f: {  	v12 =	vmul.f32 v12, v61;
	v16 =	vadd.f32 v9, v2;
	[tilespmem:s18+$0x6D0] =	vst v10;
	v10 =	vld [tilespmem:s18+$0x530]  }
0x210: {  	[tilespmem:s18+$0x6C0] =	vst v5;
	v5 =	vld [tilespmem:s18+$0x520]  }
0x211: {  	v9 =	vadd.f32 v12, v0;
	[tilespmem:s18+$0x6A0] =	vst v16;
	v16 =	vld [tilespmem:s18+$0x500]  }
0x212: {  	v6 =	vadd.f32 v6, v58;
	v58 =	vld [tilespmem:s18+$0x650]  }
0x213: {  	v7 =	vadd.f32 v7, v40;
	[tilespmem:s18+$0x680] =	vst v9;
	v9 =	vld [tilespmem:s18+$0x4E0]  }
0x214: {  	v6 =	vadd.f32 v18, v6;
	v18 =	vmul.f32 v19, v61;
	v19 =	vld [tilespmem:s18+$0x630]  }
0x215: {  	v7 =	vmul.f32 v7, v61;
	v61 =	vld [tilespmem:s18+$0x5B0]  }
0x216: {  	v31 =	vadd.f32 v18, v3;
	v18 =	vld [tilespmem:s18+$0x610]  }
0x217: {  	v6 =	vmul.f32 v6, v55;
	v40 =	vadd.f32 v57, v58;
	v57 =	vld [tilespmem:s18+$0x5D0]  }
0x218: {  	v12 =	vadd.f32 v7, v1;
	v58 =	vld [tilespmem:$0x1FA60]  }
0x219: {  	v7 =	vadd.f32 v6, v3;
	v6 =	vadd.f32 v44, v2;
	v44 =	vld [tilespmem:s18+$0x5E0]  }
0x21a: {  	v34 =	vadd.f32 v34, v40;
	v40 =	vld [tilespmem:s18+$0x55E0]  }
0x21b: {  	v14 =	vadd.f32 v14, v61;
	v61 =	vld [tilespmem:s18+$0x580]  }
0x21c: {  	v18 =	vadd.f32 v22, v18;
	v22 =	vld [tilespmem:$0x1FA30]  }
0x21d: {  	v19 =	vadd.f32 v49, v19;
	v49 =	vld [tilespmem:$0x1FAC0]  }
0x21e: {  	v21 =	vadd.f32 v58, v21;
	v58 =	vld [tilespmem:$0x1FA90]  }
0x21f: {  	[tilespmem:s18+$0x670] =	vst v7;
	v7 =	vld [tilespmem:s18+$0x54A0]  }
0x220: {  	v35 =	vmul.f32 v35, v55;
	v34 =	vmul.f32 v34, v55;
	v55 =	vadd.f32 v45, v60;
	v60 =	vld [tilespmem:$0x1FAA0]  }
0x221: {  	v43 =	vadd.f32 v43, v57;
	v19 =	vadd.f32 v22, v19;
	v22 =	vld [tilespmem:$0x1FA40]  }
0x222: {  	v18 =	vadd.f32 v56, v18;
	v56 =	vld [tilespmem:$0x1FA80]  }
0x223: {  	v43 =	vadd.f32 v58, v43;
	v58 =	vld [tilespmem:$0x1FB10]  }
0x224: {  	[tilespmem:s18+$0x660] =	vst v6;
	v6 =	vld [tilespmem:s18+$0x54B0]  }
0x225: {  	v52 =	vbroadcast v8, $0x9;
	v57 =	vld [tilespmem:s18+$0x5590];
	v40 =	vadd.f32 v40, v44  }
0x226: {  	v44 =	vadd.f32 v60, v55;
	v55 =	vld [tilespmem:$0x1FAE0];
	v22 =	vadd.f32 v22, v54  }
0x227: {  	v18 =	vmul.f32 v18, v52;
	v40 =	vadd.f32 v56, v40;
	v56 =	vld [tilespmem:$0x1FAF0]  }
0x228: {  	[tilespmem:s18+$0x720] =	vst v24;
	v19 =	vmul.f32 v19, v52;
	v54 =	vld [tilespmem:s18+$0x5580];
	v24 =	vadd.f32 v58, v51;
	v59 =	vmul.f32 v22, v52  }
0x229: {  	v51 =	vld [tilespmem:$0x1FBC0];
	v22 =	vadd.f32 v35, v0;
	v35 =	vadd.f32 v34, v1;
	v52 =	vmul.f32 v21, v52  }
0x22a: {  	v34 =	vadd.f32 v19, v3;
	v21 =	vadd.f32 v59, v2;
	v59 =	vld [tilespmem:s18+$0x590]  }
0x22b: {  	v19 =	vadd.f32 v18, v1;
	v18 =	vadd.f32 v52, v0;
	v52 =	vld [tilespmem:s18+$0x5500]  }
0x22c: {  	v29 =	vadd.f32 v29, v1;
	[tilespmem:s18+$0x640] =	vst v22;
	v22 =	vld [tilespmem:s18+$0x54D0]  }
0x22d: {  	v10 =	vadd.f32 v11, v10;
	[tilespmem:s18+$0x610] =	vst v19;
	v19 =	vld [tilespmem:s18+$0x4B0]  }
0x22e: {  	[tilespmem:s18+$0x790] =	vst v29;
	v5 =	vadd.f32 v15, v5;
	v29 =	vadd.f32 v54, v61;
	v54 =	vld [tilespmem:$0x1FAD0]  }
0x22f: {  	[tilespmem:s18+$0x600] =	vst v18;
	v18 =	vld [tilespmem:s18+$0x4A0]  }
0x230: {  	v28 =	vbroadcast v8, $0x5;
	v10 =	vadd.f32 v38, v10;
	v5 =	vadd.f32 v41, v5;
	v61 =	vld [tilespmem:s18+$0x510]  }
0x231: {  	v23 =	vbroadcast v8, $0x4;
	v9 =	vadd.f32 v48, v9;
	v14 =	vadd.f32 v62, v14;
	[tilespmem:s18+$0x620] =	vst v21;
	v21 =	vld [tilespmem:s18+$0x4C0]  }
0x232: {  	[tilespmem:s18+$0x780] =	vst v26;
	v10 =	vmul.f32 v10, v28;
	v13 =	vadd.f32 v49, v13;
	v26 =	vadd.f32 v57, v59;
	v57 =	vld [tilespmem:$0x1FB00]  }
0x233: {  	v5 =	vmul.f32 v5, v28;
	v9 =	vadd.f32 v51, v9;
	v29 =	vadd.f32 v55, v29;
	v59 =	vld [tilespmem:$0x1FB20]  }
0x234: {  	v37 =	vbroadcast v8, $0x7;
	v16 =	vadd.f32 v52, v16;
	v7 =	vadd.f32 v7, v18;
	v18 =	vld [tilespmem:$0x1FBE0]  }
0x235: {  	v9 =	vmul.f32 v9, v23;
	v52 =	vadd.f32 v5, v2;
	v5 =	vadd.f32 v10, v3;
	v10 =	vld [tilespmem:s18+$0x490]  }
0x236: {  	v14 =	vmul.f32 v14, v37;
	v6 =	vadd.f32 v6, v19;
	v19 =	vld [tilespmem:$0x1FBF0];
	v26 =	vadd.f32 v54, v26  }
0x237: {  	v13 =	vmul.f32 v13, v37;
	v55 =	vadd.f32 v9, v2;
	v9 =	vld [tilespmem:$0x1FBD0];
	v21 =	vadd.f32 v39, v21  }
0x238: {  	v29 =	vmul.f32 v29, v37;
	v26 =	vmul.f32 v26, v37;
	v37 =	vadd.f32 v53, v61;
	v53 =	vld [tilespmem:s18+$0x480]  }
0x239: {  	v4 =	vadd.f32 v32, v4;
	v18 =	vadd.f32 v18, v21;
	v21 =	vld [tilespmem:$0x1FC10]  }
0x23a: {  	v58 =	vld [tilespmem:$0x1FC40]  }
0x23b: {  	v36 =	vbroadcast v8, $0x6;
	v30 =	vadd.f32 v57, v30;
	v4 =	vadd.f32 v59, v4;
	v57 =	vld [tilespmem:$0x1FC30]  }
0x23c: {  	v60 =	vld [tilespmem:$0x1FB30];
	v22 =	vadd.f32 v22, v47  }
0x23d: {  	v13 =	vadd.f32 v13, v2;
	v10 =	vadd.f32 v19, v10;
	v19 =	vld [tilespmem:$0x1FC00];
	v4 =	vmul.f32 v4, v36  }
0x23e: {  	v9 =	vadd.f32 v9, v22;
	v22 =	vld [tilespmem:$0x1FC20];
	v21 =	vadd.f32 v21, v53  }
0x23f: {  	v32 =	vadd.f32 v56, v50;
	v4 =	vadd.f32 v4, v2  }
0x240: {  	v20 =	vbroadcast v8, $0x3;
	v10 =	vadd.f32 v57, v10;
	v21 =	vadd.f32 v58, v21  }
0x241: {  	v14 =	vadd.f32 v14, v3;
	[tilespmem:s18+$0x5A0] =	vst v13;
	v13 =	vld [tilespmem:s18+$0x5470];
	v32 =	vadd.f32 v60, v32;
	v9 =	vmul.f32 v9, v23  }
0x242: {  	v6 =	vadd.f32 v19, v6;
	v19 =	vld [tilespmem:s18+$0x470];
	[tilespmem:s18+$0x560] =	vst v4;
	v4 =	vmul.f32 v10, v20;
	v10 =	vmul.f32 v21, v20  }
0x243: {  	v60 =	vadd.f32 v9, v1;
	v7 =	vadd.f32 v22, v7  }
0x244: {  	v9 =	vadd.f32 v4, v1;
	v4 =	vadd.f32 v10, v0;
	v10 =	vld [tilespmem:$0x1FC50]  }
0x245: {  	[tilespmem:s18+$0x690] =	vst v12;
	v12 =	vld [tilespmem:s18+$0x4F0];
	v7 =	vmul.f32 v7, v20  }
0x246: {  	[tilespmem:s18+$0x5B0] =	vst v14;
	v14 =	vld [tilespmem:s18+$0x5460]  }
0x247: {  	v22 =	vld [tilespmem:s18+$0x460];
	v61 =	vadd.f32 v7, v2;
	v7 =	vadd.f32 v13, v19  }
0x248: {  	v45 =	vld [tilespmem:$0x1FB70]  }
0x249: {  	v32 =	vmul.f32 v32, v36;
	v19 =	vadd.f32 v10, v7;
	v10 =	vld [tilespmem:$0x1FC60]  }
0x24a: {  	v50 =	vld [tilespmem:$0x1FBB0]  }
0x24b: {  	v11 =	vadd.f32 v32, v1  }
0x24c: {  	v46 =	vbroadcast v8, $0x8;
	v62 =	vld [tilespmem:$0x1FB40];
	v13 =	vadd.f32 v14, v22  }
0x24d: {  	v12 =	vadd.f32 v45, v12;
	[tilespmem:s18+$0x550] =	vst v11;
	v11 =	vld [tilespmem:s18+$0x430]  }
0x24e: {  	v42 =	vmul.f32 v42, v46;
	v22 =	vadd.f32 v10, v13;
	v13 =	vld [tilespmem:$0x1FC70]  }
0x24f: {  	[tilespmem:s18+$0x730] =	vst v33;
	v12 =	vadd.f32 v50, v12  }
0x250: {  	[tilespmem:s18+$0x710] =	vst v27;
	v42 =	vadd.f32 v42, v3;
	v44 =	vmul.f32 v44, v46;
	v43 =	vmul.f32 v43, v46;
	v56 =	vld [tilespmem:s18+$0x5450]  }
0x251: {  	[tilespmem:s18+$0x700] =	vst v25;
	v24 =	vadd.f32 v62, v24;
	v12 =	vmul.f32 v12, v23;
	v18 =	vmul.f32 v18, v23;
	v23 =	vld [tilespmem:s18+$0x450]  }
0x252: {  	[tilespmem:s18+$0x5F0] =	vst v42;
	v40 =	vmul.f32 v40, v46;
	v44 =	vadd.f32 v44, v0  }
0x253: {  	[tilespmem:s18+$0x6B0] =	vst v31;
	v43 =	vadd.f32 v43, v1;
	v24 =	vmul.f32 v24, v36;
	v11 =	vadd.f32 v13, v11;
	v13 =	vld [tilespmem:$0x1FC80]  }
0x254: {  	v49 =	vld [tilespmem:$0x1FBA0];
	v40 =	vadd.f32 v40, v2;
	[tilespmem:s18+$0x5C0] =	vst v44  }
0x255: {  	[tilespmem:s18+$0x5D0] =	vst v43;
	v15 =	vadd.f32 v24, v0  }
0x256: {  	v46 =	vld [tilespmem:$0x1FB80];
	[tilespmem:s18+$0x5E0] =	vst v40;
	v14 =	vadd.f32 v56, v23  }
0x257: {  	[tilespmem:s18+$0x540] =	vst v15;
	v15 =	vld [tilespmem:s18+$0x420]  }
0x258: {  	[tilespmem:s18+$0x650] =	vst v35;
	v14 =	vadd.f32 v13, v14;
	v13 =	vld [tilespmem:$0x1FC90]  }
0x259: {  	[tilespmem:s18+$0x630] =	vst v34;
	v16 =	vadd.f32 v49, v16;
	v54 =	vld [tilespmem:s18+$0x5440]  }
0x25a: {  	v12 =	vadd.f32 v12, v3;
	[tilespmem:s18+$0x530] =	vst v5;
	v5 =	vld [tilespmem:s18+$0x53E0]  }
0x25b: {  	[tilespmem:s18+$0x520] =	vst v52;
	v16 =	vmul.f32 v16, v28;
	v59 =	vld [tilespmem:s18+$0x440]  }
0x25c: {  	v29 =	vadd.f32 v29, v0;
	[tilespmem:s18+$0x4F0] =	vst v12;
	v12 =	vld [tilespmem:s18+$0x410];
	v24 =	vadd.f32 v46, v37  }
0x25d: {  	[tilespmem:s18+$0x4E0] =	vst v55;
	v16 =	vadd.f32 v16, v0;
	v15 =	vadd.f32 v13, v15;
	v13 =	vld [tilespmem:$0x1FCA0]  }
0x25e: {  	[tilespmem:s18+$0x580] =	vst v29;
	v30 =	vmul.f32 v30, v36;
	v18 =	vadd.f32 v18, v0;
	v23 =	vld [tilespmem:$0x1FCC0]  }
0x25f: {  	v26 =	vadd.f32 v26, v1;
	v24 =	vmul.f32 v24, v28;
	[tilespmem:s18+$0x500] =	vst v16;
	v16 =	vld [tilespmem:$0x1FCB0];
	v6 =	vmul.f32 v6, v20  }
0x260: {  	v30 =	vadd.f32 v30, v3;
	[tilespmem:s18+$0x4C0] =	vst v18;
	v18 =	vld [tilespmem:s18+$0x3D0];
	v20 =	vadd.f32 v54, v59  }
0x261: {  	p0 =	sne.s32 s19, $0x13;
	v17 =	vbroadcast v8, $0x2;
	[tilespmem:s18+$0x590] =	vst v26;
	v24 =	vadd.f32 v24, v1;
	v21 =	vadd.f32 v6, v3;
	v6 =	vld [tilespmem:s18+$0x53F0]  }
.Ltmp1:
0x262: {  	v63 =	vbroadcast v8, $0x1;
	[tilespmem:s18+$0x570] =	vst v30;
	v7 =	vld [tilespmem:s18+$0x5400];
	v20 =	vadd.f32 v13, v20;
	(pc) =	sbr.rel @p0 .LBB2_4-.Ltmp1, $4  }
0x263: {  	[tilespmem:s18+$0x510] =	vst v24;
	v19 =	vmul.f32 v19, v17;
	v10 =	vld [tilespmem:s18+$0x5410];
	v22 =	vmul.f32 v22, v17;
	v23 =	vadd.f32 v23, v15  }
0x264: {  	[tilespmem:s18+$0x4D0] =	vst v60;
	v11 =	vadd.f32 v16, v11;
	v16 =	vld [tilespmem:s18+$0x3F0];
	v62 =	vmul.f32 v20, v17;
	v17 =	vmul.f32 v14, v17  }
0x265: {  	[tilespmem:s18+$0x4B0] =	vst v21;
	v19 =	vadd.f32 v19, v3;
	v15 =	vadd.f32 v22, v2;
	v21 =	vmul.f32 v23, v63;
	v13 =	vld [tilespmem:s18+$0x400]  }
0x266: {  	s19 =	sadd.s32 $0x1, s19;
	[tilespmem:s18+$0x4A0] =	vst v61;
	v14 =	vld [tilespmem:s18+$0x3E0];
	v20 =	vmul.f32 v11, v63;
	v11 =	vadd.f32 v62, v0;
	v17 =	vadd.f32 v17, v1  }
0x267: {  	v22 =	vld [tilespmem:s18+$0x3C0]  }
0x268: {  	v51 =	vld [tilespmem:$0x1FD00]  }
0x269: {  	v52 =	vld [tilespmem:$0x1FCF0]  }
0x26a: {  	v53 =	vld [tilespmem:$0x1FD20]  }
0x26b: {  	v54 =	vld [tilespmem:$0x1FCE0]  }
0x26c: {  	v55 =	vld [tilespmem:$0x1FD10]  }
0x26d: {  	[tilespmem:s18+$0x490] =	vst v9;
	v49 =	vadd.f32 v21, v2;
	v56 =	vld [tilespmem:$0x1FCD0];
	v10 =	vadd.f32 v10, v12  }
0x26e: {  	v46 =	vld [tilespmem:s18+$0xA3D0];
	[tilespmem:s18+$0x480] =	vst v4;
	v47 =	vadd.f32 v20, v3;
	v48 =	vadd.f32 v7, v13  }
0x26f: {  	v50 =	vld [tilespmem:s18+$0xA3C0];
	[tilespmem:s18+$0x470] =	vst v19;
	v6 =	vadd.f32 v6, v16;
	v10 =	vadd.f32 v51, v10  }
0x270: {  	v8 =	vbroadcast v8, $0x0;
	[tilespmem:s18+$0x460] =	vst v15;
	v5 =	vadd.f32 v5, v14;
	v4 =	vadd.f32 v52, v48  }
0x271: {  	[tilespmem:s18+$0x450] =	vst v17;
	v14 =	vadd.f32 v53, v18;
	v6 =	vadd.f32 v54, v6;
	v10 =	vmul.f32 v10, v63  }
0x272: {  	[tilespmem:s18+$0x440] =	vst v11;
	v15 =	vadd.f32 v55, v22;
	v5 =	vadd.f32 v56, v5;
	v4 =	vmul.f32 v4, v63  }
0x273: {  	[tilespmem:s18+$0x420] =	vst v49;
	v9 =	vadd.f32 v46, v14;
	v6 =	vmul.f32 v6, v8;
	v10 =	vadd.f32 v10, v1  }
0x274: {  	[tilespmem:s18+$0x430] =	vst v47;
	v57 =	vadd.f32 v50, v15;
	v5 =	vmul.f32 v5, v8;
	v4 =	vadd.f32 v4, v0  }
0x275: {  	v58 =	vmul.f32 v9, v8;
	v59 =	vadd.f32 v6, v3;
	[tilespmem:s18+$0x410] =	vst v10  }
0x276: {  	v60 =	vmul.f32 v57, v8;
	v61 =	vadd.f32 v5, v2;
	[tilespmem:s18+$0x400] =	vst v4  }
0x277: {  	v62 =	vadd.f32 v58, v1;
	[tilespmem:s18+$0x3F0] =	vst v59  }
0x278: {  	s17 =	sadd.s32 $0x1, s17;
	v63 =	vadd.f32 v60, v0;
	[tilespmem:s18+$0x3E0] =	vst v61  }
0x279: {  	p0 =	sne.s32 s17, s10;
	[tilespmem:s18+$0x3D0] =	vst v62  }
.Ltmp2:
0x27a: {  	[tilespmem:s18+$0x3C0] =	vst v63;
	(pc) =	sbr.rel @p0 .LBB2_1-.Ltmp2, $4  }
0x27b: {  	[hbm4b:s9+s3] =	stream.linear.scatter [tilespmem:s13], [sflag:$0x1], $0x5000, $0x38;
	[tilespmem:$0xF400] =	vst v63  }
0x27c: {  	_ =	swait.ge [sflag:s11], $0x5000  }
0x27d: {  	[sflag:s11] =	ssyncset.done $0x0  }
0x27e: {  	[sflag:s11] =	ssyncadd.s32 $0xFFFFB000  }
0x27f: {  	_ =	sfence.sel $0x180000  }
0x280: {  	[bflag:$0x0] =	sbarrier.arrive $0xFFFF  }
0x281: {  	p0 =	sne.s32 s0, $0x0;
	_ =	strace $0x90000050  }
0x282: {  	s0 =	sadd.s32 @!p0 $0x100000, s1;
	[bflag:$0x2] =	sbarrier.arrive $0xFFFF  }
0x283: {  	[sflag:s0] =	ssyncadd.tile.s32 @!p0 $0x1;
	_ =	shalt  }
.Lfunc_end2:
_tile_overlayer_lowered:
.L_overlay_start_2:
0x284: {  	(tag) =	ssettag $0x2  }
0x285: {  	s0 =	rddreg [dreg:$0x0];
	s2 =	stileid.u32  }
0x286: {  	s1 =	rddreg [dreg:$0x1];
	p0 =	sne.s32 s2, $0x0  }
0x287: {  	s3 =	rddreg [dreg:$0x2];
	[bflag:$0x3] =	sbarrier.arrive $0xFFFF;
	s2 =	simm.s32 @!p0 $0x1C01  }
0x288: {  	[timem:s3], [sflag:s2] =	dma.local @!p0 [hbm:s0], s1  }
0x289: {  	s0 =	simm.s32 @!p0 $0x1  }
0x28a: {  	_ =	swait.ge @!p0 [sflag:s0], s1  }
0x28b: {  	s1 =	ssub.s32 @!p0 $0x0, s1;
	[sflag:s0] =	ssyncset.done @!p0 $0x0  }
0x28c: {  	[sflag:s0] =	ssyncadd.s32 @!p0 s1  }
0x28d: {  	[bflag:$0x3] =	sbarrier.arrive $0xFFFF  }
0x28e: {  	_ =	shalt  }

// kernel: kernel.8.cloned.1.call-start
scs
__scs_entry_jumppad:
0x0: {  	(pc) =	sbr.rel $0x88, $3  }
0x1: {  	(tag) =	ssettag $0x0;
	lr =	simm.s32 $0x1  }
0x2: {  	[smem:$0x3F9B] =	sst lr;
	_ =	strace $0xD0000000  }
0x3: {  	_ = 	snop  }
0x4: {  	_ = 	snop  }
0x5: {  	_ = 	snop  }
0x6: {  	_ = 	snop  }
0x7: {  	_ = 	snop  }
__scs_overlays_trampoline_lowered:
0x8: {  	[smem:$0x3FAA] =	sst s0  }
0x9: {  	[smem:$0x3FAB] =	sst s1  }
0xa: {  	[smem:$0x3FAC] =	sst s2  }
0xb: {  	[smem:$0x3FAD] =	sst s3  }
0xc: {  	[smem:$0x3FAE] =	sst s4  }
0xd: {  	[smem:$0x3FAF] =	sst s5  }
0xe: {  	[smem:$0x3FB0] =	sst s6  }
0xf: {  	[smem:$0x3FB1] =	sst s7  }
0x10: {  	[smem:$0x3FB2] =	sst s8  }
0x11: {  	[smem:$0x3FB3] =	sst s9;
	s0 =	simm.s32 @!p0 $0x0  }
0x12: {  	s1 =	sld [smem:$0x3F99];
	s0 =	simm.s32 @p0 $0x1  }
0x13: {  	[smem:$0x3FB4] =	sst s0;
	s0 =	simm.s32 @!p1 $0x0  }
0x14: {  	s2 =	sld [smem:$0x3F98];
	s0 =	simm.s32 @p1 $0x1  }
0x15: {  	[smem:$0x3FB5] =	sst s0;
	s0 =	simm.s32 @!p2 $0x0  }
0x16: {  	s3 =	sld [smem:$0x3FDB];
	s0 =	simm.s32 @p2 $0x1  }
0x17: {  	s4 =	simm.s32 $0x1BF5;
	[smem:$0x3FB7] =	sst s0  }
0x18: {  	s0 =	sld [smem:$0x3F9A];
	_ =	swait.ge [sflag:s4], $0x0  }
0x19: {  	s7 =	sld [smem:$0x3F9B]  }
0x1a: {  	s8 =	sadd.s32 $0xFFFFE003, lr  }
0x1b: {  	s9 =	sadd.s32 $0xFFFFFEF7, lr;
	s5 =	simm.s32 $0xFFFFFFFF;
	p2 =	slt.u32 s8, $0xFFFFF086  }
0x1c: {  	p1 =	slt.u32 s9, $0xF7A;
	s5 =	simm.s32 @!p2 $0x0  }
0x1d: {  	s5 =	simm.s32 @p1 $0x1;
	p0 =	seq.s32 s7, s2  }
0x1e: {  	s7 =	smul.u32 @!p0 $0xF7A, s2;
	p2 =	seq.s32 @!p0 s5, $0x0  }
0x1f: {  	s9 =	smul.u32 $0xF7A, s1;
	s8 =	simm.s32 @!p0 $0x1BF5;
	p2 =	por !p2, p0  }
0x20: {  	[sflag:s8] =	ssyncset.s32 @!p0 $0xFFFFF086;
	s6 =	sadd.s32 @!p0 s3, s7;
	s7 =	simm.s32 @!p0 $0x108  }
0x21: {  	s3 =	sadd.s32 s3, s9;
	s6 =	sadd.s32 @!p0 $0x88, s6;
	s7 =	simm.s32 @p2 $0x1082  }
0x22: {  	[simem:s7], [sflag:s8] =	dma.local @!p0 [hbm:s6], $0xF7A  }
0x23: {  	s9 =	sor.u32 $0xD0000000, s2;
	s6 =	simm.s32 $0x108;
	_ =	swait.ge @!p0 [sflag:s8], $0x0  }
0x24: {  	s3 =	sadd.s32 $0x88, s3;
	s6 =	simm.s32 @!p1 $0x1082;
	[sflag:s4] =	ssyncset.s32 $0xFFFFF086  }
0x25: {  	[simem:s6], [sflag:s4] =	dma.local [hbm:s3], $0xF7A  }
0x26: {  	[smem:$0x3F9B] =	sst s1;
	(tag) =	ssettag s2;
	_ =	strace s9  }
0x27: {  	s1 =	sld [smem:$0x3FAB]  }
0x28: {  	s2 =	sld [smem:$0x3FAC]  }
0x29: {  	s4 =	sld [smem:$0x3FAE]  }
0x2a: {  	p0 =	seq.s32 s5, $0x0;
	s5 =	sld [smem:$0x3FAF]  }
0x2b: {  	s6 =	sld [smem:$0x3FB0]  }
0x2c: {  	s7 =	sld [smem:$0x3FB1]  }
0x2d: {  	s3 =	simm.s32 $0x108;
	s8 =	sld [smem:$0x3FB2]  }
0x2e: {  	s3 =	simm.s32 @!p0 $0x1082;
	s9 =	sld [smem:$0x3FB3]  }
0x2f: {  	lr =	sadd.s32 s0, s3;
	s0 =	sld [smem:$0x3FAA]  }
0x30: {  	s3 =	sld [smem:$0x3FAD]  }
0x31: {  	[smem:$0x3FB6] =	sst s10  }
0x32: {  	s10 =	sld [smem:$0x3FB4];
	_ =	sdelay $0x3  }
0x33: {  	p0 =	seq.s32 s10, $0x1;
	s10 =	sld [smem:$0x3FB6];
	_ =	sdelay $0x3  }
0x34: {  	[smem:$0x3FB6] =	sst s10  }
0x35: {  	s10 =	sld [smem:$0x3FB5];
	_ =	sdelay $0x3  }
0x36: {  	p1 =	seq.s32 s10, $0x1;
	s10 =	sld [smem:$0x3FB6];
	_ =	sdelay $0x3  }
0x37: {  	[smem:$0x3FB6] =	sst s10  }
0x38: {  	s10 =	sld [smem:$0x3FB7]  }
0x39: {  	_ = 	snop;
	(pc) =	sbr.ind lr, $3  }
0x3a: {  	_ = 	snop  }
0x3b: {  	_ = 	snop  }
0x3c: {  	p2 =	seq.s32 s10, $0x1;
	s10 =	sld [smem:$0x3FB6]  }
0x3d: {  	_ =	shalt  }
0x3e: {  	_ =	shalt  }
0x3f: {  	_ =	shalt  }
0x40: {  	_ =	shalt  }
0x41: {  	_ =	shalt  }
0x42: {  	_ =	shalt  }
0x43: {  	_ =	shalt  }
0x44: {  	_ =	shalt  }
0x45: {  	_ =	shalt  }
0x46: {  	_ =	shalt  }
0x47: {  	_ =	shalt  }
0x48: {  	_ =	shalt  }
0x49: {  	_ =	shalt  }
0x4a: {  	_ =	shalt  }
0x4b: {  	_ =	shalt  }
0x4c: {  	_ =	shalt  }
0x4d: {  	_ =	shalt  }
0x4e: {  	_ =	shalt  }
0x4f: {  	_ =	shalt  }
0x50: {  	_ =	shalt  }
0x51: {  	_ =	shalt  }
0x52: {  	_ =	shalt  }
0x53: {  	_ =	shalt  }
0x54: {  	_ =	shalt  }
0x55: {  	_ =	shalt  }
0x56: {  	_ =	shalt  }
0x57: {  	_ =	shalt  }
0x58: {  	_ =	shalt  }
0x59: {  	_ =	shalt  }
0x5a: {  	_ =	shalt  }
0x5b: {  	_ =	shalt  }
0x5c: {  	_ =	shalt  }
0x5d: {  	_ =	shalt  }
0x5e: {  	_ =	shalt  }
0x5f: {  	_ =	shalt  }
0x60: {  	_ =	shalt  }
0x61: {  	_ =	shalt  }
0x62: {  	_ =	shalt  }
0x63: {  	_ =	shalt  }
0x64: {  	_ =	shalt  }
0x65: {  	_ =	shalt  }
0x66: {  	_ =	shalt  }
0x67: {  	_ =	shalt  }
0x68: {  	_ =	shalt  }
0x69: {  	_ =	shalt  }
0x6a: {  	_ =	shalt  }
0x6b: {  	_ =	shalt  }
0x6c: {  	_ =	shalt  }
0x6d: {  	_ =	shalt  }
0x6e: {  	_ =	shalt  }
0x6f: {  	_ =	shalt  }
0x70: {  	_ =	shalt  }
0x71: {  	_ =	shalt  }
0x72: {  	_ =	shalt  }
0x73: {  	_ =	shalt  }
0x74: {  	_ =	shalt  }
0x75: {  	_ =	shalt  }
0x76: {  	_ =	shalt  }
0x77: {  	_ =	shalt  }
0x78: {  	_ =	shalt  }
0x79: {  	_ =	shalt  }
0x7a: {  	_ =	shalt  }
0x7b: {  	_ =	shalt  }
0x7c: {  	_ =	shalt  }
0x7d: {  	_ =	shalt  }
0x7e: {  	_ =	shalt  }
0x7f: {  	_ =	shalt  }
0x80: {  	_ =	shalt  }
0x81: {  	_ =	shalt  }
0x82: {  	_ =	shalt  }
0x83: {  	_ =	shalt  }
0x84: {  	_ =	shalt  }
0x85: {  	_ =	shalt  }
0x86: {  	_ =	shalt  }
0x87: {  	_ =	shalt  }
.Lfunc_end0:
.L_simem_size_0:
called_computation_lowered:
.L_overlay_start_0:
0x88: {  	s2 =	sld [smem:$0x3FD9]  }
0x89: {  	s3 =	sld [smem:$0x3FFE];
	_ =	sdelay $0x1  }
0x8a: {  	s1 =	srdreg.scid  }
0x8b: {  	s0 =	sand.u32 $0x1, s1  }
0x8c: {  	s16 =	sshll.u32 s0, $0xA;
	s2 =	sadd.s32 s3, s2  }
0x8d: {  	s2 =	sadd.s32 s2, s16  }
0x8e: {  	[smem:$0x3FC2] =	sst s2  }
0x8f: {  	_ = 	snop  }
0x90: {  	(tm) =	ssettm $0x1  }
0x91: {  	s17 =	sld [smem:$0x3FFB];
	_ =	sdelay $0x3  }
0x92: {  	_ =	strace s17  }
0x93: {  	s2 =	sld [smem:$0x3FFC];
	_ =	sdelay $0x3  }
0x94: {  	_ =	strace s2  }
0x95: {  	s2 =	sld [smem:$0x3FFD];
	_ =	sdelay $0x3  }
0x96: {  	_ =	strace s2  }
0x97: {  	_ =	strace $0x8FFFFFFF  }
0x98: {  	s18 =	sld [smem:$0x3FDB];
	_ =	sdelay $0x1  }
0x99: {  	s19 =	simm.s32 $_scs_section_size  }
0x9a: {  	s4 =	simm.s32 $_size__tile_overlayer_lowered;
	s5 =	simm.s32 $_tile_overlayer_lowered  }
0x9b: {  	s22 =	simm.s32 $0x1BFF;
	s21 =	sshll.u32 s5, $0x1;
	s2 =	sadd.s32 s19, s18  }
0x9c: {  	s6 =	simm.s32 $0x0;
	s20 =	sshll.u32 s4, $0x1;
	s4 =	sadd.s32 s21, s2  }
0x9d: {  	[timem:s6], [sflag:s22] =	dma.local [hbm:s4], s20  }
0x9e: {  	_ =	swait.ge [sflag:s22], s20  }
0x9f: {  	s3 =	ssub.s32 $0x0, s20;
	[sflag:s22] =	ssyncset.done $0x0  }
0xa0: {  	[sflag:s22] =	ssyncadd.s32 s3;
	_ =	sdelay $0x1  }
0xa1: {  	s23 =	simm.s32 $0x1B8B  }
0xa2: {  	_ =	swait.ge [sflag:s23], $0x1  }
0xa3: {  	[sflag:s23] =	ssyncset.done $0x0  }
0xa4: {  	s25 =	simm.s32 $0x1B8E;
	s24 =	sld [smem:$0x3FFE];
	[sflag:s23] =	ssyncadd.s32 $0xFFFFFFFF  }
0xa5: {  	s26 =	simm.s32 $execute0_lowered;
	[smem:$0x3FD2] =	sst s25  }
0xa6: {  	s4 =	sshll.u32 s26, $0x1;
	_ =	strace $0x80000046;
	[dreg:$0x1] =	wrdreg $0xFFFFFFFF  }
0xa7: {  	s28 =	simm.s32 $_size_execute0_lowered;
	s2 =	sadd.s32 s2, s4;
	[dreg:$0x0] =	wrdreg $0x0  }
0xa8: {  	s4 =	sshll.u32 s28, $0x1;
	[dreg:$0x2] =	wrdreg s2  }
0xa9: {  	[dreg:$0x3] =	wrdreg s4  }
0xaa: {  	[dreg:$0x4] =	wrdreg $0xC0  }
0xab: {  	_ =	task [dreg:s6], $0x5FFFF  }
0xac: {  	[dreg:$0x1] =	wrdreg $0xFFFFFFFF  }
0xad: {  	[dreg:$0x0] =	wrdreg $0x60  }
0xae: {  	[dreg:$0x2] =	wrdreg s24  }
0xaf: {  	[dreg:$0x3] =	wrdreg $0x17000  }
0xb0: {  	[dreg:$0x4] =	wrdreg $0x9  }
0xb1: {  	_ =	task.clear_ibuf [dreg:s6], $0x5FFFF;
	_ =	strace $0x90000046  }
0xb2: {  	s29 =	simm.s32 $0x9;
	_ =	strace $0x80000048  }
0xb3: {  	_ =	swait.ge [sflag:s29], $0x1  }
0xb4: {  	[sflag:s29] =	ssyncadd.s32 $0xFFFFFFFF  }
0xb5: {  	_ =	strace $0x90000048  }
0xb6: {  	_ =	sfence  }
0xb7: {  	s30 =	sld [smem:$0x0];
	_ =	sdelay $0x2  }
0xb8: {  	s31 =	sshll.u32 s1, $0xD;
	s1 =	sshrl.u32 s1, $0x2  }
0xb9: {  	s3 =	sand.u32 $0x4000, s31;
	s1 =	sadd.s32 s1, s30  }
0xba: {  	s0 =	sor.u32 s3, s0;
	s1 =	sshll.u32 s1, $0x11  }
0xbb: {  	s0 =	sor.u32 s1, s0  }
0xbc: {  	s0 =	sadd.s32 $0x8F2B, s0  }
0xbd: {  	[sflag:s0] =	ssyncadd.remote.s32 $0x1  }
0xbe: {  	_ =	sfence.sel $0xFFFF  }
0xbf: {  	[dreg:$0x0] =	wrdreg $0xFFFFFFFF;
	(pc) =	sbr.abs _section_cstart, $3  }
0xc0: {  	[dreg:$0x1] =	wrdreg $0xFFFFFFFF  }
0xc1: {  	_ =	task.clear_ibuf [dreg:s6], $0x2FFFF;
	_ =	strace $0x9FFFFFFF  }
0xc2: {  	(tm) =	ssettm $0x7FFFFFFF  }
0xc3: {  	_ =	shalt  }
tec
execute0_lowered:
.L_overlay_start_1:
0x0: {  	(tag) =	ssettag $0x1  }
0x1: {  	s0 =	srdreg.scid;
	s1 =	rddreg [dreg:$0x0]  }
0x2: {  	s3 =	stileid.u32;
	s2 =	rddreg [dreg:$0x1];
	s8 =	simm.s32 $0x2  }
0x3: {  	s10 =	simm.s32 $0x80;
	s11 =	simm.s32 $0x1400;
	s9 =	simm.s32 $0xB80  }
0x4: {  	s12 =	simm.s32 $0xC00;
	s13 =	simm.s32 $0xC80;
	s14 =	simm.s32 $0xD00  }
0x5: {  	s15 =	simm.s32 $0xD80;
	s16 =	simm.s32 $0xE00;
	s17 =	simm.s32 $0xE80  }
0x6: {  	s18 =	simm.s32 $0xF00;
	s19 =	simm.s32 $0xF80;
	s20 =	simm.s32 $0x1000  }
0x7: {  	s21 =	simm.s32 $0x1080;
	s22 =	simm.s32 $0x1100;
	s23 =	simm.s32 $0x1180  }
0x8: {  	s24 =	simm.s32 $0x1200;
	s25 =	simm.s32 $0x1280;
	s26 =	simm.s32 $0x1300  }
0x9: {  	s28 =	simm.s32 $0x1380;
	s0 =	sand.u32 $0x1, s0;
	s5 =	smul.u32 $0x280, s3  }
0xa: {  	s29 =	simm.s32 $0x1;
	s3 =	simm.s32 $0x0;
	s4 =	smul.u32 $0x2800, s0  }
0xb: {  	s30 =	simm.s32 $0x0;
	[smem:$0x7FF] =	sst s3;
	s0 =	ssub.s32 $0x2, s0  }
0xc: {  	_ =	strace $0x80000047;
	s7 =	sshrl.u32 s0, $0x1;
	s4 =	sadd.s32 s5, s4  }
0xd: {  	s0 =	ssub.s32 s0, s7;
	s5 =	sadd.s32 s5, s2;
	s6 =	sshrl.u32 s4, $0x3  }
0xe: {  	s4 =	sadd.s32 s4, s1;
	s7 =	smax.u32 s0, $0x1;
	s1 =	sadd.s32 s6, s1  }
0xf: {  	v0 =	vimm.f32 $1.000000000e+00;
	v1 =	vimm.f32 $0.0e+00;
	s0 =	simm.s32 $0xB00;
	s4 =	sadd.s32 $0x1A00, s4;
	s6 =	sadd.s32 $0x6A00, s1  }
.LBB2_1:
0x10: {  	[tilespmem:$0x1400] =	vst v0  }
0x11: {  	[tilespmem:$0x1410] =	vst v0  }
0x12: {  	[tilespmem:$0x1420] =	vst v0  }
0x13: {  	[tilespmem:$0x1430] =	vst v0  }
0x14: {  	[tilespmem:$0x1440] =	vst v0  }
0x15: {  	[tilespmem:$0x1450] =	vst v0  }
0x16: {  	[tilespmem:$0x1460] =	vst v0  }
0x17: {  	[tilespmem:$0x1470] =	vst v0  }
0x18: {  	[tilespmem:$0x1480] =	vst v1  }
0x19: {  	[tilespmem:$0x1490] =	vst v1  }
0x1a: {  	[tilespmem:$0x14A0] =	vst v1  }
0x1b: {  	[tilespmem:$0x14B0] =	vst v1  }
0x1c: {  	[tilespmem:$0x14C0] =	vst v1  }
0x1d: {  	[tilespmem:$0x14D0] =	vst v1  }
0x1e: {  	[tilespmem:$0x14E0] =	vst v1  }
0x1f: {  	[tilespmem:$0x14F0] =	vst v1  }
0x20: {  	[tilespmem:$0x1500] =	vst v1  }
0x21: {  	[tilespmem:$0x1510] =	vst v1  }
0x22: {  	[tilespmem:$0x1520] =	vst v1  }
0x23: {  	[tilespmem:$0x1530] =	vst v1  }
0x24: {  	[tilespmem:$0x1540] =	vst v1  }
0x25: {  	[tilespmem:$0x1550] =	vst v1  }
0x26: {  	[tilespmem:$0x1560] =	vst v1  }
0x27: {  	[tilespmem:$0x1570] =	vst v1  }
0x28: {  	[tilespmem:$0x1580] =	vst v1  }
0x29: {  	[tilespmem:$0x1590] =	vst v1  }
0x2a: {  	[tilespmem:$0x15A0] =	vst v1  }
0x2b: {  	[tilespmem:$0x15B0] =	vst v1  }
0x2c: {  	[tilespmem:$0x15C0] =	vst v1  }
0x2d: {  	[tilespmem:$0x15D0] =	vst v1  }
0x2e: {  	[tilespmem:$0x15E0] =	vst v1  }
0x2f: {  	[tilespmem:$0x15F0] =	vst v1  }
0x30: {  	[tilespmem:$0x1600] =	vst v1  }
0x31: {  	[tilespmem:$0x1610] =	vst v1  }
0x32: {  	[tilespmem:$0x1620] =	vst v1  }
0x33: {  	[tilespmem:$0x1630] =	vst v1  }
0x34: {  	[tilespmem:$0x1640] =	vst v1  }
0x35: {  	[tilespmem:$0x1650] =	vst v1  }
0x36: {  	[tilespmem:$0x1660] =	vst v1  }
0x37: {  	[tilespmem:$0x1670] =	vst v1  }
0x38: {  	[tilespmem:$0x1680] =	vst v1  }
0x39: {  	[tilespmem:$0x1690] =	vst v1  }
0x3a: {  	[tilespmem:$0x16A0] =	vst v1  }
0x3b: {  	[tilespmem:$0x16B0] =	vst v1  }
0x3c: {  	[tilespmem:$0x16C0] =	vst v1  }
0x3d: {  	[tilespmem:$0x16D0] =	vst v1  }
0x3e: {  	[tilespmem:$0x16E0] =	vst v1  }
0x3f: {  	[tilespmem:$0x16F0] =	vst v1  }
0x40: {  	[tilespmem:s3], [sflag:$0x2] =	stream.linear.gather [hbm4b:s4+s3], $0x1400, $0x38;
	[tilespmem:$0x1980] =	vst v63  }
0x41: {  	_ =	swait.ge [sflag:s8], $0x1400  }
0x42: {  	[sflag:s8] =	ssyncset.done $0x0  }
0x43: {  	s1 =	simm.s32 $0x1480;
	[sflag:s8] =	ssyncadd.s32 $0xFFFFEC00  }
0x44: {  	[spmem:s5] =	stream.linear.scatter [tilespmem:s1], [sflag:$0x2], $0x280, $0x38;
	[tilespmem:$0x1980] =	vst v63  }
0x45: {  	_ =	swait.ge [sflag:s8], $0x280  }
0x46: {  	[sflag:s8] =	ssyncset.done $0x0  }
0x47: {  	[sflag:s8] =	ssyncadd.s32 $0xFFFFFD80  }
0x48: {  	[bflag:$0x0] =	sbarrier.arrive $0xFFFF  }
0x49: {  	[spmem:s2] =	stream.indirect.scatter.add.f32 [tilespmem:s11], [sflag:$0x1], $0x1, s3, s10, $0xb8;
	[tilespmem:$0x1980] =	vst v63  }
0x4a: {  	_ = 	snop  }
0x4b: {  	[spmem:s2] =	stream.indirect.scatter.add.f32 [tilespmem:s11], [sflag:$0x1], $0x1, s10, s10, $0xb8;
	[tilespmem:$0x1980] =	vst v63  }
0x4c: {  	s1 =	simm.s32 $0x100  }
0x4d: {  	[spmem:s2] =	stream.indirect.scatter.add.f32 [tilespmem:s11], [sflag:$0x1], $0x1, s1, s10, $0xb8;
	[tilespmem:$0x1980] =	vst v63  }
0x4e: {  	s1 =	simm.s32 $0x180  }
0x4f: {  	[spmem:s2] =	stream.indirect.scatter.add.f32 [tilespmem:s11], [sflag:$0x1], $0x1, s1, s10, $0xb8;
	[tilespmem:$0x1980] =	vst v63  }
0x50: {  	s1 =	simm.s32 $0x200  }
0x51: {  	[spmem:s2] =	stream.indirect.scatter.add.f32 [tilespmem:s11], [sflag:$0x1], $0x1, s1, s10, $0xb8;
	[tilespmem:$0x1980] =	vst v63  }
0x52: {  	s1 =	simm.s32 $0x280  }
0x53: {  	[spmem:s2] =	stream.indirect.scatter.add.f32 [tilespmem:s11], [sflag:$0x1], $0x1, s1, s10, $0xb8;
	[tilespmem:$0x1980] =	vst v63  }
0x54: {  	s1 =	simm.s32 $0x300  }
0x55: {  	[spmem:s2] =	stream.indirect.scatter.add.f32 [tilespmem:s11], [sflag:$0x1], $0x1, s1, s10, $0xb8;
	[tilespmem:$0x1980] =	vst v63  }
0x56: {  	s1 =	simm.s32 $0x380  }
0x57: {  	[spmem:s2] =	stream.indirect.scatter.add.f32 [tilespmem:s11], [sflag:$0x1], $0x1, s1, s10, $0xb8;
	[tilespmem:$0x1980] =	vst v63  }
0x58: {  	s1 =	simm.s32 $0x400  }
0x59: {  	[spmem:s2] =	stream.indirect.scatter.add.f32 [tilespmem:s11], [sflag:$0x1], $0x1, s1, s10, $0xb8;
	[tilespmem:$0x1980] =	vst v63  }
0x5a: {  	s1 =	simm.s32 $0x480  }
0x5b: {  	[spmem:s2] =	stream.indirect.scatter.add.f32 [tilespmem:s11], [sflag:$0x1], $0x1, s1, s10, $0xb8;
	[tilespmem:$0x1980] =	vst v63  }
0x5c: {  	s1 =	simm.s32 $0x500  }
0x5d: {  	[spmem:s2] =	stream.indirect.scatter.add.f32 [tilespmem:s11], [sflag:$0x1], $0x1, s1, s10, $0xb8;
	[tilespmem:$0x1980] =	vst v63  }
0x5e: {  	s1 =	simm.s32 $0x580  }
0x5f: {  	[spmem:s2] =	stream.indirect.scatter.add.f32 [tilespmem:s11], [sflag:$0x1], $0x1, s1, s10, $0xb8;
	[tilespmem:$0x1980] =	vst v63  }
0x60: {  	s1 =	simm.s32 $0x600  }
0x61: {  	[spmem:s2] =	stream.indirect.scatter.add.f32 [tilespmem:s11], [sflag:$0x1], $0x1, s1, s10, $0xb8;
	[tilespmem:$0x1980] =	vst v63  }
0x62: {  	s1 =	simm.s32 $0x680  }
0x63: {  	[spmem:s2] =	stream.indirect.scatter.add.f32 [tilespmem:s11], [sflag:$0x1], $0x1, s1, s10, $0xb8;
	[tilespmem:$0x1980] =	vst v63  }
0x64: {  	s1 =	simm.s32 $0x700  }
0x65: {  	[spmem:s2] =	stream.indirect.scatter.add.f32 [tilespmem:s11], [sflag:$0x1], $0x1, s1, s10, $0xb8;
	[tilespmem:$0x1980] =	vst v63  }
0x66: {  	s1 =	simm.s32 $0x780  }
0x67: {  	[spmem:s2] =	stream.indirect.scatter.add.f32 [tilespmem:s11], [sflag:$0x1], $0x1, s1, s10, $0xb8;
	[tilespmem:$0x1980] =	vst v63  }
0x68: {  	s1 =	simm.s32 $0x800  }
0x69: {  	[spmem:s2] =	stream.indirect.scatter.add.f32 [tilespmem:s11], [sflag:$0x1], $0x1, s1, s10, $0xb8;
	[tilespmem:$0x1980] =	vst v63  }
0x6a: {  	s1 =	simm.s32 $0x880  }
0x6b: {  	[spmem:s2] =	stream.indirect.scatter.add.f32 [tilespmem:s11], [sflag:$0x1], $0x1, s1, s10, $0xb8;
	[tilespmem:$0x1980] =	vst v63  }
0x6c: {  	s1 =	simm.s32 $0x900  }
0x6d: {  	[spmem:s2] =	stream.indirect.scatter.add.f32 [tilespmem:s11], [sflag:$0x1], $0x1, s1, s10, $0xb8;
	[tilespmem:$0x1980] =	vst v63  }
0x6e: {  	s1 =	simm.s32 $0x980  }
0x6f: {  	[spmem:s2] =	stream.indirect.scatter.add.f32 [tilespmem:s11], [sflag:$0x1], $0x1, s1, s10, $0xb8;
	[tilespmem:$0x1980] =	vst v63  }
0x70: {  	s1 =	simm.s32 $0xA00  }
0x71: {  	[spmem:s2] =	stream.indirect.scatter.add.f32 [tilespmem:s11], [sflag:$0x1], $0x1, s1, s10, $0xb8;
	[tilespmem:$0x1980] =	vst v63  }
0x72: {  	s1 =	simm.s32 $0xA80  }
0x73: {  	[spmem:s2] =	stream.indirect.scatter.add.f32 [tilespmem:s11], [sflag:$0x1], $0x1, s1, s10, $0xb8;
	[tilespmem:$0x1980] =	vst v63  }
0x74: {  	_ = 	snop  }
0x75: {  	[spmem:s2] =	stream.indirect.scatter.add.f32 [tilespmem:s11], [sflag:$0x1], $0x1, s0, s10, $0xb8;
	[tilespmem:$0x1980] =	vst v63  }
0x76: {  	_ = 	snop  }
0x77: {  	[spmem:s2] =	stream.indirect.scatter.add.f32 [tilespmem:s11], [sflag:$0x1], $0x1, s9, s10, $0xb8;
	[tilespmem:$0x1980] =	vst v63  }
0x78: {  	_ = 	snop  }
0x79: {  	[spmem:s2] =	stream.indirect.scatter.add.f32 [tilespmem:s11], [sflag:$0x1], $0x1, s12, s10, $0xb8;
	[tilespmem:$0x1980] =	vst v63  }
0x7a: {  	_ = 	snop  }
0x7b: {  	[spmem:s2] =	stream.indirect.scatter.add.f32 [tilespmem:s11], [sflag:$0x1], $0x1, s13, s10, $0xb8;
	[tilespmem:$0x1980] =	vst v63  }
0x7c: {  	_ = 	snop  }
0x7d: {  	[spmem:s2] =	stream.indirect.scatter.add.f32 [tilespmem:s11], [sflag:$0x1], $0x1, s14, s10, $0xb8;
	[tilespmem:$0x1980] =	vst v63  }
0x7e: {  	_ = 	snop  }
0x7f: {  	[spmem:s2] =	stream.indirect.scatter.add.f32 [tilespmem:s11], [sflag:$0x1], $0x1, s15, s10, $0xb8;
	[tilespmem:$0x1980] =	vst v63  }
0x80: {  	_ = 	snop  }
0x81: {  	[spmem:s2] =	stream.indirect.scatter.add.f32 [tilespmem:s11], [sflag:$0x1], $0x1, s16, s10, $0xb8;
	[tilespmem:$0x1980] =	vst v63  }
0x82: {  	_ = 	snop  }
0x83: {  	[spmem:s2] =	stream.indirect.scatter.add.f32 [tilespmem:s11], [sflag:$0x1], $0x1, s17, s10, $0xb8;
	[tilespmem:$0x1980] =	vst v63  }
0x84: {  	_ = 	snop  }
0x85: {  	[spmem:s2] =	stream.indirect.scatter.add.f32 [tilespmem:s11], [sflag:$0x1], $0x1, s18, s10, $0xb8;
	[tilespmem:$0x1980] =	vst v63  }
0x86: {  	_ = 	snop  }
0x87: {  	[spmem:s2] =	stream.indirect.scatter.add.f32 [tilespmem:s11], [sflag:$0x1], $0x1, s19, s10, $0xb8;
	[tilespmem:$0x1980] =	vst v63  }
0x88: {  	_ = 	snop  }
0x89: {  	[spmem:s2] =	stream.indirect.scatter.add.f32 [tilespmem:s11], [sflag:$0x1], $0x1, s20, s10, $0xb8;
	[tilespmem:$0x1980] =	vst v63  }
0x8a: {  	_ = 	snop  }
0x8b: {  	[spmem:s2] =	stream.indirect.scatter.add.f32 [tilespmem:s11], [sflag:$0x1], $0x1, s21, s10, $0xb8;
	[tilespmem:$0x1980] =	vst v63  }
0x8c: {  	_ = 	snop  }
0x8d: {  	[spmem:s2] =	stream.indirect.scatter.add.f32 [tilespmem:s11], [sflag:$0x1], $0x1, s22, s10, $0xb8;
	[tilespmem:$0x1980] =	vst v63  }
0x8e: {  	_ = 	snop  }
0x8f: {  	[spmem:s2] =	stream.indirect.scatter.add.f32 [tilespmem:s11], [sflag:$0x1], $0x1, s23, s10, $0xb8;
	[tilespmem:$0x1980] =	vst v63  }
0x90: {  	_ = 	snop  }
0x91: {  	[spmem:s2] =	stream.indirect.scatter.add.f32 [tilespmem:s11], [sflag:$0x1], $0x1, s24, s10, $0xb8;
	[tilespmem:$0x1980] =	vst v63  }
0x92: {  	_ = 	snop  }
0x93: {  	[spmem:s2] =	stream.indirect.scatter.add.f32 [tilespmem:s11], [sflag:$0x1], $0x1, s25, s10, $0xb8;
	[tilespmem:$0x1980] =	vst v63  }
0x94: {  	_ = 	snop  }
0x95: {  	[spmem:s2] =	stream.indirect.scatter.add.f32 [tilespmem:s11], [sflag:$0x1], $0x1, s26, s10, $0xb8;
	[tilespmem:$0x1980] =	vst v63  }
0x96: {  	_ = 	snop  }
0x97: {  	[spmem:s2] =	stream.indirect.scatter.add.f32 [tilespmem:s11], [sflag:$0x1], $0x1, s28, s10, $0xb8;
	[tilespmem:$0x1980] =	vst v63  }
0x98: {  	_ =	swait.ge [sflag:s29], $0x80  }
0x99: {  	s31 =	simm.s32 $0x27;
	[sflag:s29] =	ssyncset.done $0x0  }
.LBB2_2:
0x9a: {  	p0 =	sne.s32 s31, $0x1;
	s31 =	sadd.s32 $0xFFFFFFFF, s31;
	[sflag:s29] =	ssyncadd.s32 $0xFFFFFF80  }
.Ltmp0:
0x9b: {  	(pc) =	sbr.rel @p0 .LBB2_2-.Ltmp0, $3  }
0x9c: {  	_ =	sdelay $0x1  }
0x9d: {  	_ =	swait.ge [sflag:s29], $0x80  }
0x9e: {  	[sflag:s29] =	ssyncset.done $0x0  }
0x9f: {  	[sflag:s29] =	ssyncadd.s32 $0xFFFFFF80;
	s1 =	stileid.u32;
	s30 =	sadd.s32 $0x1, s30  }
0xa0: {  	s31 =	sshll.u32 s1, $0x6;
	[bflag:$0x0] =	sbarrier.arrive $0xFFFF;
	p0 =	sne.s32 s30, s7  }
.Ltmp1:
0xa1: {  	s1 =	sshrl.u32 s5, $0x3;
	s31 =	sor.u32 $0x1C02, s31;
	(pc) =	sbr.rel @p0 .LBB2_1-.Ltmp1, $4  }
0xa2: {  	[hbm:s6], [sflag:s31] =	dma.local [spmem:s1], $0x50  }
0xa3: {  	_ =	swait.ge [sflag:s8], $0x50  }
0xa4: {  	[sflag:s8] =	ssyncset.done $0x0  }
0xa5: {  	[sflag:s8] =	ssyncadd.s32 $0xFFFFFFB0  }
0xa6: {  	_ =	sfence.sel $0x180000  }
0xa7: {  	[bflag:$0x0] =	sbarrier.arrive $0xFFFF  }
0xa8: {  	_ =	strace $0x90000047  }
0xa9: {  	s0 =	stileid.u32;
	[bflag:$0x2] =	sbarrier.arrive $0xFFFF  }
0xaa: {  	p0 =	sne.s32 s0, $0x0;
	s0 =	rddreg [dreg:$0x2]  }
0xab: {  	s0 =	sadd.s32 @!p0 $0x100000, s0  }
0xac: {  	[sflag:s0] =	ssyncadd.tile.s32 @!p0 $0x1;
	_ =	shalt  }
.Lfunc_end2:
_tile_overlayer_lowered:
.L_overlay_start_2:
0xad: {  	(tag) =	ssettag $0x2  }
0xae: {  	s0 =	rddreg [dreg:$0x0];
	s2 =	stileid.u32  }
0xaf: {  	s1 =	rddreg [dreg:$0x1];
	p0 =	sne.s32 s2, $0x0  }
0xb0: {  	s3 =	rddreg [dreg:$0x2];
	[bflag:$0x3] =	sbarrier.arrive $0xFFFF;
	s2 =	simm.s32 @!p0 $0x1C02  }
0xb1: {  	[timem:s3], [sflag:s2] =	dma.local @!p0 [hbm:s0], s1  }
0xb2: {  	s0 =	simm.s32 @!p0 $0x2  }
0xb3: {  	_ =	swait.ge @!p0 [sflag:s0], s1  }
0xb4: {  	s1 =	ssub.s32 @!p0 $0x0, s1;
	[sflag:s0] =	ssyncset.done @!p0 $0x0  }
0xb5: {  	[sflag:s0] =	ssyncadd.s32 @!p0 s1  }
0xb6: {  	[bflag:$0x3] =	sbarrier.arrive $0xFFFF  }
0xb7: {  	_ =	shalt  }

</sc_bundles>
